<compile_context>
chip_gen: v7x
topology: tpu7x:2x2x1
jax: 0.10.2.dev20260603
libtpu: 0.0.44.dev20260713+nightly
codegen_flags: <defaults>
</compile_context>

<pallas_src>
import functools

import jax
import jax.numpy as jnp
from jax import lax
from jax.experimental import pallas as pl
from jax.experimental.pallas import tpu as pltpu
from jax.experimental.pallas import tpu_sc as plsc

NC = 2
NS = 16
NW = NC * NS
LANES = 16
K = 128



def _mm_body(x_ref, w_ref, d_ref, y_ref):
    y = jnp.dot(x_ref[...], w_ref[...], preferred_element_type=jnp.float32)
    y_ref[...] = y * d_ref[...]


def _matmul_scale(X, W, deg):
    n, d_in = X.shape
    d_out = W.shape[1]
    bm = 1000
    grid = (n // bm,)
    return pl.pallas_call(
        _mm_body,
        grid=grid,
        in_specs=[
            pl.BlockSpec((bm, d_in), lambda i: (i, 0)),
            pl.BlockSpec((d_in, d_out), lambda i: (0, 0)),
            pl.BlockSpec((bm, 1), lambda i: (i, 0)),
        ],
        out_specs=pl.BlockSpec((bm, d_out), lambda i: (i, 0)),
        out_shape=jax.ShapeDtypeStruct((n, d_out), jnp.float32),
    )(X, W, deg[:, None])



G = 128


def _sc_aggregate(Y, rp_pad, col_pad, deg_pad, fr_pad, rpw):
    n_pad = NW * rpw
    d = Y.shape[1]
    ng = d // LANES
    nfr = fr_pad.shape[0]

    mesh = plsc.VectorSubcoreMesh(core_axis_name="c", subcore_axis_name="s")

    @functools.partial(
        pl.kernel,
        out_type=jax.ShapeDtypeStruct((n_pad, d), jnp.float32),
        mesh=mesh,
        scratch_types=[
            pltpu.VMEM((rpw + 24,), jnp.int32),
            pltpu.VMEM((rpw + 16,), jnp.float32),
            pltpu.VMEM((nfr,), jnp.int32),
            pltpu.VMEM((G * K,), jnp.int32),
            pltpu.VMEM((K, d), jnp.float32),
            pltpu.VMEM((K, d), jnp.float32),
            pltpu.VMEM((rpw, d), jnp.float32),
            pltpu.SemaphoreType.DMA,
            pltpu.SemaphoreType.DMA,
        ],
    )
    def agg(y_hbm, rp_hbm, colx_hbm, deg_hbm, fr_hbm, out_hbm,
            rp_v, deg_v, fr_v, col_v, rows0_v, rows1_v, out_v, sem0, sem1):
        wid = lax.axis_index("s") * NC + lax.axis_index("c")
        r0 = wid * rpw
        pltpu.sync_copy(rp_hbm.at[pl.ds(r0, rpw + 24)], rp_v)
        pltpu.sync_copy(deg_hbm.at[pl.ds(r0, rpw + 16)], deg_v)
        pltpu.sync_copy(fr_hbm, fr_v)

        def sread(ref, i):
            return ref[pl.ds(i, LANES)][0]

        zeros = jnp.zeros((LANES,), jnp.float32)

        def zero_body(r, c):
            for g in range(ng):
                out_v[r, pl.ds(g * LANES, LANES)] = zeros
            return c

        lax.fori_loop(0, rpw, zero_body, 0)

        e0 = sread(rp_v, 0)
        e1 = sread(rp_v, rpw)
        t0 = e0 // K
        t1 = (e1 + (K - 1)) // K
        tcount = t1 - t0
        nsup = (tcount + (G - 1)) // G

        def gather(li, rows_v, sem):
            return pltpu.make_async_copy(
                y_hbm.at[col_v.at[pl.ds(li * K, K)]], rows_v, sem)

        def accumulate(t, li, rows_v, valid):
            base = t * K
            off = li * K
            rlo = jnp.maximum(sread(fr_v, t) - r0, 0)
            rhi = jnp.minimum(sread(fr_v, t + 1) - r0, rpw - 1)
            rhi = jnp.where(valid, rhi, rlo - 1)

            def row_body(r, c2):
                jlo = jnp.maximum(sread(rp_v, r), base)
                jhi = jnp.minimum(sread(rp_v, r + 1), base + K)

                def edge_body(j, c3):
                    jj = j - base
                    for g in range(ng):
                        sl = pl.ds(g * LANES, LANES)
                        plsc.addupdate(out_v.at[r, sl], rows_v[jj, sl])
                    return c3

                return lax.fori_loop(jlo, jhi, edge_body, c2)

            lax.fori_loop(rlo, rhi + 1, row_body, 0)

        def super_body(s, c):
            ts = t0 + s * G
            nin = jnp.minimum(t1 - ts, G)
            pltpu.sync_copy(colx_hbm.at[pl.ds(ts * K, G * K)], col_v)

            gather(0, rows0_v, sem0).start()

            def pair_body(p, c2):
                u = 2 * p
                v = u + 1
                vc = jnp.minimum(v, nin - 1)
                gather(vc, rows1_v, sem1).start()
                gather(0, rows0_v, sem0).wait()
                accumulate(ts + u, u, rows0_v, u < nin)
                uc = jnp.minimum(u + 2, nin - 1)
                gather(uc, rows0_v, sem0).start()
                gather(0, rows1_v, sem1).wait()
                accumulate(ts + vc, vc, rows1_v, v < nin)
                return c2

            npairs = (nin + 1) // 2
            lax.fori_loop(0, npairs, pair_body, 0)
            gather(0, rows0_v, sem0).wait()
            return c

        lax.fori_loop(0, nsup, super_body, 0)

        def scale_body(r, c):
            dscale = sread(deg_v, r)
            for g in range(ng):
                sl = pl.ds(g * LANES, LANES)
                out_v[r, sl] = out_v[r, sl] * dscale
            return c

        lax.fori_loop(0, rpw, scale_body, 0)

        pltpu.sync_copy(out_v, out_hbm.at[pl.ds(r0, rpw)])

    return agg(Y, rp_pad, col_pad, deg_pad, fr_pad)



def kernel(X, weights, row_pointers, column_index, degrees, partPtr, part2Node,
           threadPerBlock):
    n = X.shape[0]
    e = column_index.shape[0]

    rpw = (-(-n // NW) + 7) // 8 * 8
    n_pad = NW * rpw

    Y = _matmul_scale(X, weights, degrees)

    rp_pad = jnp.concatenate(
        [row_pointers,
         jnp.full((n_pad + 24 - (n + 1),), e, dtype=jnp.int32)])
    col_pad = jnp.concatenate(
        [column_index, jnp.zeros((G * K,), dtype=jnp.int32)])
    deg_pad = jnp.concatenate(
        [degrees, jnp.zeros((n_pad + 16 - n,), dtype=jnp.float32)])

    nt = e // K
    grid = jnp.arange(0, nt + 1, dtype=jnp.int32) * K
    fr = (jnp.searchsorted(row_pointers, grid, side="right") - 1).astype(
        jnp.int32)
    nfr = (nt + 1 + LANES + 7) // 8 * 8
    fr_pad = jnp.concatenate(
        [fr, jnp.full((nfr - (nt + 1),), n - 1, dtype=jnp.int32)])

    out = _sc_aggregate(Y, rp_pad, col_pad, deg_pad, fr_pad, rpw)
    return out[:n]

# --- scband reference (transcript-rebuilt; emitter-appended) ---
"""Pipeline reference for scband-gcnconv-79139067396649 (READ-ONLY COPY).

The authoritative reference and input builder live on the scoring server;
editing this copy changes nothing except your own understanding.
"""

import jax, jax.numpy as jnp
import numpy as np

N = 10000
E = 320000
D_IN = 128
D_OUT = 128
P = 10000

def setup_inputs(seed: int = 0) -> dict:
    key = jax.random.key(seed)
    ks = jax.random.split(key, 8)
    X = jax.random.normal(ks[0], (N, D_IN), dtype=jnp.float32)
    # learned parameter, sized per init_kwargs (input_dim=128, output_dim=128)
    weights = jax.random.normal(ks[1], (D_IN, D_OUT), dtype=jnp.float32)
    # CSR row pointers: sorted, anchored so counts are non-negative and sum to E
    rp = jnp.sort(jax.random.randint(ks[2], (N + 1,), 0, E))
    rp = rp.at[0].set(0).at[-1].set(E)
    row_pointers = rp.astype(jnp.int32)
    column_index = jax.random.randint(ks[3], (E,), 0, N).astype(jnp.int32)
    # degrees holds per-node degree norm factors (GNNAdvisor uses 1/sqrt(deg))
    degrees = jax.random.uniform(ks[4], (N,), dtype=jnp.float32, minval=0.05, maxval=1.0)
    # partition metadata (scheduling hints only; no effect on the math)
    pp = jnp.sort(jax.random.randint(ks[5], (P + 1,), 0, E))
    pp = pp.at[0].set(0).at[-1].set(E)
    partPtr = pp.astype(jnp.int32)
    part2Node = jax.random.randint(ks[6], (P,), 0, N).astype(jnp.int32)
    return {"X": X, "weights": weights, "row_pointers": row_pointers,
            "column_index": column_index, "degrees": degrees,
            "partPtr": partPtr, "part2Node": part2Node, "threadPerBlock": 256}

def reference(X, weights, row_pointers, column_index, degrees, partPtr, part2Node, threadPerBlock):
    # X_prime = X @ W (dense)
    X_prime = jnp.dot(X, weights)
    # GNNA.forward: degree-normalized neighbor aggregation over CSR
    counts = row_pointers[1:] - row_pointers[:-1]
    dst = jnp.repeat(jnp.arange(N, dtype=jnp.int32), counts, total_repeat_length=E)
    msg = jnp.take(X_prime, column_index, axis=0) * jnp.take(degrees, column_index)[:, None]
    agg = jax.ops.segment_sum(msg, dst, num_segments=N)
    out = agg * degrees[:, None]
    return out

if __name__ == "__main__":
    import jax
    _d = setup_inputs()
    print(jax.jit(kernel)(*tuple(_d.values())))

</pallas_src>

<mosaic_0001>
#map = affine_map<(d0, d1) -> (0, 0)>
#map1 = affine_map<(d0, d1) -> (0)>
module attributes {stable_mosaic.version = 14 : i64} {
  func.func @agg(%arg0: i32, %arg1: i32, %arg2: memref<10000x128xf32, #tpu.memory_space<hbm>>, %arg3: memref<10264xi32, #tpu.memory_space<hbm>>, %arg4: memref<336384xi32, #tpu.memory_space<hbm>>, %arg5: memref<10256xf32, #tpu.memory_space<hbm>>, %arg6: memref<2520xi32, #tpu.memory_space<hbm>>, %arg7: memref<10240x128xf32, #tpu.memory_space<hbm>>, %arg8: memref<344xi32, #tpu.memory_space<vmem>>, %arg9: memref<336xf32, #tpu.memory_space<vmem>>, %arg10: memref<2520xi32, #tpu.memory_space<vmem>>, %arg11: memref<16384xi32, #tpu.memory_space<vmem>>, %arg12: memref<128x128xf32, #tpu.memory_space<vmem>>, %arg13: memref<128x128xf32, #tpu.memory_space<vmem>>, %arg14: memref<320x128xf32, #tpu.memory_space<vmem>>, %arg15: memref<!tpu.dma_semaphore, #tpu.memory_space<semaphore_mem>>, %arg16: memref<!tpu.dma_semaphore, #tpu.memory_space<semaphore_mem>>) attributes {dimension_semantics = [#tpu.dimension_semantics<core_parallel>, #tpu.dimension_semantics<subcore_parallel>], iteration_bounds = array<i64: 2, 16>, scalar_prefetch = 0 : i64, scratch_operands = 9 : i64, tpu.core_type = #tpu.core_type<sc_vector_subcore>, window_params = [{transform_indices = #map}, {transform_indices = #map1}, {transform_indices = #map1}, {transform_indices = #map1}, {transform_indices = #map1}, {transform_indices = #map}]} {
    %mul3A = arith.constant 2 : i32
    %mul3A_0 = arith.muli %arg1, %mul3A : i32
    %add3A = arith.addi %mul3A_0, %arg0 : i32
    %mul3A_1 = arith.constant 320 : i32
    %mul3A_2 = arith.muli %add3A, %mul3A_1 : i32
    "tpu.region"() ({
      %run_scoped3A = tpu.sem_alloc : memref<!tpu.dma_semaphore, #tpu.memory_space<semaphore_mem>>
      %dma_start3A = tpu.memref_slice %arg3[%mul3A_2] : memref<10264xi32, #tpu.memory_space<hbm>> -> memref<344xi32, #tpu.memory_space<hbm>>
      %dma_start3A_100 = tpu.memref_slice %arg3[%mul3A_2] : memref<10264xi32, #tpu.memory_space<hbm>> -> memref<344xi32, #tpu.memory_space<hbm>>
      tpu.enqueue_dma source(%dma_start3A_100 : memref<344xi32, #tpu.memory_space<hbm>>) target(%arg8 : memref<344xi32, #tpu.memory_space<vmem>>) target_semaphore(%run_scoped3A : memref<!tpu.dma_semaphore, #tpu.memory_space<semaphore_mem>>)
      %dma_wait3A = tpu.memref_slice %arg3[%mul3A_2] : memref<10264xi32, #tpu.memory_space<hbm>> -> memref<344xi32, #tpu.memory_space<hbm>>
      %dma_wait3A_101 = tpu.memref_slice %arg3[%mul3A_2] : memref<10264xi32, #tpu.memory_space<hbm>> -> memref<344xi32, #tpu.memory_space<hbm>>
      tpu.wait_dma2 semaphore(%run_scoped3A : memref<!tpu.dma_semaphore, #tpu.memory_space<semaphore_mem>>) src(%dma_wait3A_101 : memref<344xi32, #tpu.memory_space<hbm>>) dst(%arg8 : memref<344xi32, #tpu.memory_space<vmem>>)
      tpu.yield
    }) : () -> ()
    "tpu.region"() ({
      %run_scoped3A = tpu.sem_alloc : memref<!tpu.dma_semaphore, #tpu.memory_space<semaphore_mem>>
      %dma_start3A = tpu.memref_slice %arg5[%mul3A_2] : memref<10256xf32, #tpu.memory_space<hbm>> -> memref<336xf32, #tpu.memory_space<hbm>>
      %dma_start3A_100 = tpu.memref_slice %arg5[%mul3A_2] : memref<10256xf32, #tpu.memory_space<hbm>> -> memref<336xf32, #tpu.memory_space<hbm>>
      tpu.enqueue_dma source(%dma_start3A_100 : memref<336xf32, #tpu.memory_space<hbm>>) target(%arg9 : memref<336xf32, #tpu.memory_space<vmem>>) target_semaphore(%run_scoped3A : memref<!tpu.dma_semaphore, #tpu.memory_space<semaphore_mem>>)
      %dma_wait3A = tpu.memref_slice %arg5[%mul3A_2] : memref<10256xf32, #tpu.memory_space<hbm>> -> memref<336xf32, #tpu.memory_space<hbm>>
      %dma_wait3A_101 = tpu.memref_slice %arg5[%mul3A_2] : memref<10256xf32, #tpu.memory_space<hbm>> -> memref<336xf32, #tpu.memory_space<hbm>>
      tpu.wait_dma2 semaphore(%run_scoped3A : memref<!tpu.dma_semaphore, #tpu.memory_space<semaphore_mem>>) src(%dma_wait3A_101 : memref<336xf32, #tpu.memory_space<hbm>>) dst(%arg9 : memref<336xf32, #tpu.memory_space<vmem>>)
      tpu.yield
    }) : () -> ()
    "tpu.region"() ({
      %run_scoped3A = tpu.sem_alloc : memref<!tpu.dma_semaphore, #tpu.memory_space<semaphore_mem>>
      tpu.enqueue_dma source(%arg6 : memref<2520xi32, #tpu.memory_space<hbm>>) target(%arg10 : memref<2520xi32, #tpu.memory_space<vmem>>) target_semaphore(%run_scoped3A : memref<!tpu.dma_semaphore, #tpu.memory_space<semaphore_mem>>)
      tpu.wait_dma2 semaphore(%run_scoped3A : memref<!tpu.dma_semaphore, #tpu.memory_space<semaphore_mem>>) src(%arg6 : memref<2520xi32, #tpu.memory_space<hbm>>) dst(%arg10 : memref<2520xi32, #tpu.memory_space<vmem>>)
      tpu.yield
    }) : () -> ()
    %broadcast_in_dim3A = arith.constant 0.000000e+00 : f32
    %broadcast_in_dim3A_3 = vector.broadcast %broadcast_in_dim3A : f32 to vector<16xf32>
    %scan3A = arith.constant 0 : i32
    %scan3A_4 = arith.constant 0 : i32
    %scan3A_5 = arith.constant 320 : i32
    %scan3A_6 = arith.addi %scan3A_4, %scan3A_5 : i32
    %scan3A_7 = arith.constant 1 : i32
    scf.for %scan3A_100 = %scan3A_4 to %scan3A_6 step %scan3A_7  : i32 {
      %swap3A = arith.index_cast %scan3A_100 : i32 to index
      %swap3A_101 = arith.constant 0 : index
      %swap3A_102 = tpu.vector_load %arg14[%swap3A, %swap3A_101] {strides = array<i32>} : memref<320x128xf32, #tpu.memory_space<vmem>>, vector<1x16xf32>,
      %swap3A_103 = vector.shape_cast %swap3A_102 : vector<1x16xf32> to vector<16xf32>
      %swap3A_104 = vector.shape_cast %broadcast_in_dim3A_3 : vector<16xf32> to vector<1x16xf32>
      tpu.vector_store %arg14[%swap3A, %swap3A_101], %swap3A_104 {strides = array<i32>} : memref<320x128xf32, #tpu.memory_space<vmem>>, vector<1x16xf32>,
      %swap3A_105 = arith.index_cast %scan3A_100 : i32 to index
      %swap3A_106 = arith.constant 16 : index
      %swap3A_107 = tpu.vector_load %arg14[%swap3A_105, %swap3A_106] {strides = array<i32>} : memref<320x128xf32, #tpu.memory_space<vmem>>, vector<1x16xf32>,
      %swap3A_108 = vector.shape_cast %swap3A_107 : vector<1x16xf32> to vector<16xf32>
      %swap3A_109 = vector.shape_cast %broadcast_in_dim3A_3 : vector<16xf32> to vector<1x16xf32>
      tpu.vector_store %arg14[%swap3A_105, %swap3A_106], %swap3A_109 {strides = array<i32>} : memref<320x128xf32, #tpu.memory_space<vmem>>, vector<1x16xf32>,
      %swap3A_110 = arith.index_cast %scan3A_100 : i32 to index
      %swap3A_111 = arith.constant 32 : index
      %swap3A_112 = tpu.vector_load %arg14[%swap3A_110, %swap3A_111] {strides = array<i32>} : memref<320x128xf32, #tpu.memory_space<vmem>>, vector<1x16xf32>,
      %swap3A_113 = vector.shape_cast %swap3A_112 : vector<1x16xf32> to vector<16xf32>
      %swap3A_114 = vector.shape_cast %broadcast_in_dim3A_3 : vector<16xf32> to vector<1x16xf32>
      tpu.vector_store %arg14[%swap3A_110, %swap3A_111], %swap3A_114 {strides = array<i32>} : memref<320x128xf32, #tpu.memory_space<vmem>>, vector<1x16xf32>,
      %swap3A_115 = arith.index_cast %scan3A_100 : i32 to index
      %swap3A_116 = arith.constant 48 : index
      %swap3A_117 = tpu.vector_load %arg14[%swap3A_115, %swap3A_116] {strides = array<i32>} : memref<320x128xf32, #tpu.memory_space<vmem>>, vector<1x16xf32>,
      %swap3A_118 = vector.shape_cast %swap3A_117 : vector<1x16xf32> to vector<16xf32>
      %swap3A_119 = vector.shape_cast %broadcast_in_dim3A_3 : vector<16xf32> to vector<1x16xf32>
      tpu.vector_store %arg14[%swap3A_115, %swap3A_116], %swap3A_119 {strides = array<i32>} : memref<320x128xf32, #tpu.memory_space<vmem>>, vector<1x16xf32>,
      %swap3A_120 = arith.index_cast %scan3A_100 : i32 to index
      %swap3A_121 = arith.constant 64 : index
      %swap3A_122 = tpu.vector_load %arg14[%swap3A_120, %swap3A_121] {strides = array<i32>} : memref<320x128xf32, #tpu.memory_space<vmem>>, vector<1x16xf32>,
      %swap3A_123 = vector.shape_cast %swap3A_122 : vector<1x16xf32> to vector<16xf32>
      %swap3A_124 = vector.shape_cast %broadcast_in_dim3A_3 : vector<16xf32> to vector<1x16xf32>
      tpu.vector_store %arg14[%swap3A_120, %swap3A_121], %swap3A_124 {strides = array<i32>} : memref<320x128xf32, #tpu.memory_space<vmem>>, vector<1x16xf32>,
      %swap3A_125 = arith.index_cast %scan3A_100 : i32 to index
      %swap3A_126 = arith.constant 80 : index
      %swap3A_127 = tpu.vector_load %arg14[%swap3A_125, %swap3A_126] {strides = array<i32>} : memref<320x128xf32, #tpu.memory_space<vmem>>, vector<1x16xf32>,
      %swap3A_128 = vector.shape_cast %swap3A_127 : vector<1x16xf32> to vector<16xf32>
      %swap3A_129 = vector.shape_cast %broadcast_in_dim3A_3 : vector<16xf32> to vector<1x16xf32>
      tpu.vector_store %arg14[%swap3A_125, %swap3A_126], %swap3A_129 {strides = array<i32>} : memref<320x128xf32, #tpu.memory_space<vmem>>, vector<1x16xf32>,
      %swap3A_130 = arith.index_cast %scan3A_100 : i32 to index
      %swap3A_131 = arith.constant 96 : index
      %swap3A_132 = tpu.vector_load %arg14[%swap3A_130, %swap3A_131] {strides = array<i32>} : memref<320x128xf32, #tpu.memory_space<vmem>>, vector<1x16xf32>,
      %swap3A_133 = vector.shape_cast %swap3A_132 : vector<1x16xf32> to vector<16xf32>
      %swap3A_134 = vector.shape_cast %broadcast_in_dim3A_3 : vector<16xf32> to vector<1x16xf32>
      tpu.vector_store %arg14[%swap3A_130, %swap3A_131], %swap3A_134 {strides = array<i32>} : memref<320x128xf32, #tpu.memory_space<vmem>>, vector<1x16xf32>,
      %swap3A_135 = arith.index_cast %scan3A_100 : i32 to index
      %swap3A_136 = arith.constant 112 : index
      %swap3A_137 = tpu.vector_load %arg14[%swap3A_135, %swap3A_136] {strides = array<i32>} : memref<320x128xf32, #tpu.memory_space<vmem>>, vector<1x16xf32>,
      %swap3A_138 = vector.shape_cast %swap3A_137 : vector<1x16xf32> to vector<16xf32>
      %swap3A_139 = vector.shape_cast %broadcast_in_dim3A_3 : vector<16xf32> to vector<1x16xf32>
      tpu.vector_store %arg14[%swap3A_135, %swap3A_136], %swap3A_139 {strides = array<i32>} : memref<320x128xf32, #tpu.memory_space<vmem>>, vector<1x16xf32>,
    }
    %scan3A_8 = arith.constant 320 : i32
    %get3A = arith.constant 0 : index
    %get3A_9 = tpu.vector_load %arg8[%get3A] {strides = array<i32>} : memref<344xi32, #tpu.memory_space<vmem>>, vector<16xi32>,
    %get3A_10 = vector.shape_cast %get3A_9 : vector<16xi32> to vector<16xi32>
    %slice3A = vector.extract_strided_slice %get3A_10 {offsets = [0], sizes = [1], strides = [1]} : vector<16xi32> to vector<1xi32>
    %squeeze3A = vector.extract %slice3A[0] : i32 from vector<1xi32>
    %get3A_11 = arith.constant 320 : index
    %get3A_12 = tpu.vector_load %arg8[%get3A_11] {strides = array<i32>} : memref<344xi32, #tpu.memory_space<vmem>>, vector<16xi32>,
    %get3A_13 = vector.shape_cast %get3A_12 : vector<16xi32> to vector<16xi32>
    %slice3A_14 = vector.extract_strided_slice %get3A_13 {offsets = [0], sizes = [1], strides = [1]} : vector<16xi32> to vector<1xi32>
    %squeeze3A_15 = vector.extract %slice3A_14[0] : i32 from vector<1xi32>
    %jit3A = arith.constant 128 : i32
    %div3A = arith.divsi %squeeze3A, %jit3A : i32
    %sign3A = arith.constant 0 : i32
    %sign3A_16 = arith.cmpi sgt, %squeeze3A, %sign3A : i32
    %sign3A_17 = arith.extui %sign3A_16 : i1 to i32
    %sign3A_18 = arith.constant 0 : i32
    %sign3A_19 = arith.cmpi slt, %squeeze3A, %sign3A_18 : i32
    %sign3A_20 = arith.extui %sign3A_19 : i1 to i32
    %sign3A_21 = arith.subi %sign3A_17, %sign3A_20 : i32
    %sign3A_22 = arith.constant 0 : i32
    %sign3A_23 = arith.cmpi sgt, %jit3A, %sign3A_22 : i32
    %sign3A_24 = arith.extui %sign3A_23 : i1 to i32
    %sign3A_25 = arith.constant 0 : i32
    %sign3A_26 = arith.cmpi slt, %jit3A, %sign3A_25 : i32
    %sign3A_27 = arith.extui %sign3A_26 : i1 to i32
    %sign3A_28 = arith.subi %sign3A_24, %sign3A_27 : i32
    %ne3A = arith.cmpi ne, %sign3A_21, %sign3A_28 : i32
    %rem3A = arith.remsi %squeeze3A, %jit3A : i32
    %ne3A_29 = arith.constant 0 : i32
    %ne3A_30 = arith.cmpi ne, %rem3A, %ne3A_29 : i32
    %and3A = arith.andi %ne3A, %ne3A_30 : i1
    %sub3A = arith.constant 1 : i32
    %sub3A_31 = arith.subi %div3A, %sub3A : i32
    %select_n3A = arith.select %and3A, %sub3A_31, %div3A : i32
    %add3A_32 = arith.constant 127 : i32
    %add3A_33 = arith.addi %squeeze3A_15, %add3A_32 : i32
    %jit3A_34 = arith.constant 128 : i32
    %div3A_35 = arith.divsi %add3A_33, %jit3A_34 : i32
    %sign3A_36 = arith.constant 0 : i32
    %sign3A_37 = arith.cmpi sgt, %add3A_33, %sign3A_36 : i32
    %sign3A_38 = arith.extui %sign3A_37 : i1 to i32
    %sign3A_39 = arith.constant 0 : i32
    %sign3A_40 = arith.cmpi slt, %add3A_33, %sign3A_39 : i32
    %sign3A_41 = arith.extui %sign3A_40 : i1 to i32
    %sign3A_42 = arith.subi %sign3A_38, %sign3A_41 : i32
    %sign3A_43 = arith.constant 0 : i32
    %sign3A_44 = arith.cmpi sgt, %jit3A_34, %sign3A_43 : i32
    %sign3A_45 = arith.extui %sign3A_44 : i1 to i32
    %sign3A_46 = arith.constant 0 : i32
    %sign3A_47 = arith.cmpi slt, %jit3A_34, %sign3A_46 : i32
    %sign3A_48 = arith.extui %sign3A_47 : i1 to i32
    %sign3A_49 = arith.subi %sign3A_45, %sign3A_48 : i32
    %ne3A_50 = arith.cmpi ne, %sign3A_42, %sign3A_49 : i32
    %rem3A_51 = arith.remsi %add3A_33, %jit3A_34 : i32
    %ne3A_52 = arith.constant 0 : i32
    %ne3A_53 = arith.cmpi ne, %rem3A_51, %ne3A_52 : i32
    %and3A_54 = arith.andi %ne3A_50, %ne3A_53 : i1
    %sub3A_55 = arith.constant 1 : i32
    %sub3A_56 = arith.subi %div3A_35, %sub3A_55 : i32
    %select_n3A_57 = arith.select %and3A_54, %sub3A_56, %div3A_35 : i32
    %sub3A_58 = arith.subi %select_n3A_57, %select_n3A : i32
    %add3A_59 = arith.constant 127 : i32
    %add3A_60 = arith.addi %sub3A_58, %add3A_59 : i32
    %jit3A_61 = arith.constant 128 : i32
    %div3A_62 = arith.divsi %add3A_60, %jit3A_61 : i32
    %sign3A_63 = arith.constant 0 : i32
    %sign3A_64 = arith.cmpi sgt, %add3A_60, %sign3A_63 : i32
    %sign3A_65 = arith.extui %sign3A_64 : i1 to i32
    %sign3A_66 = arith.constant 0 : i32
    %sign3A_67 = arith.cmpi slt, %add3A_60, %sign3A_66 : i32
    %sign3A_68 = arith.extui %sign3A_67 : i1 to i32
    %sign3A_69 = arith.subi %sign3A_65, %sign3A_68 : i32
    %sign3A_70 = arith.constant 0 : i32
    %sign3A_71 = arith.cmpi sgt, %jit3A_61, %sign3A_70 : i32
    %sign3A_72 = arith.extui %sign3A_71 : i1 to i32
    %sign3A_73 = arith.constant 0 : i32
    %sign3A_74 = arith.cmpi slt, %jit3A_61, %sign3A_73 : i32
    %sign3A_75 = arith.extui %sign3A_74 : i1 to i32
    %sign3A_76 = arith.subi %sign3A_72, %sign3A_75 : i32
    %ne3A_77 = arith.cmpi ne, %sign3A_69, %sign3A_76 : i32
    %rem3A_78 = arith.remsi %add3A_60, %jit3A_61 : i32
    %ne3A_79 = arith.constant 0 : i32
    %ne3A_80 = arith.cmpi ne, %rem3A_78, %ne3A_79 : i32
    %and3A_81 = arith.andi %ne3A_77, %ne3A_80 : i1
    %sub3A_82 = arith.constant 1 : i32
    %sub3A_83 = arith.subi %div3A_62, %sub3A_82 : i32
    %select_n3A_84 = arith.select %and3A_81, %sub3A_83, %div3A_62 : i32
    %while3A = arith.constant 0 : i32
    %while3A_85 = arith.constant 0 : i32
    %while3A_86 = arith.subi %select_n3A_84, %while3A_85 : i32
    %while3A_87 = arith.addi %while3A_85, %while3A_86 : i32
    %while3A_88 = arith.constant 1 : i32
    %while3A_89 = arith.divsi %while3A_86, %while3A_88 : i32
    %while3A_90 = arith.muli %while3A_89, %while3A_88 : i32
    %while3A_91 = arith.addi %while3A_85, %while3A_90 : i32
    %while3A_92 = arith.constant 1 : i32
    scf.for %while3A_100 = %while3A_85 to %while3A_91 step %while3A_92  : i32 {
      %mul3A_101 = arith.constant 128 : i32
      %mul3A_102 = arith.muli %while3A_100, %mul3A_101 : i32
      %add3A_103 = arith.addi %select_n3A, %mul3A_102 : i32
      %sub3A_104 = arith.subi %select_n3A_57, %add3A_103 : i32
      %min3A = arith.constant 128 : i32
      %min3A_105 = arith.minsi %sub3A_104, %min3A : i32
      %mul3A_106 = arith.constant 128 : i32
      %mul3A_107 = arith.muli %add3A_103, %mul3A_106 : i32
      "tpu.region"() ({
        %run_scoped3A = tpu.sem_alloc : memref<!tpu.dma_semaphore, #tpu.memory_space<semaphore_mem>>
        %dma_start3A_152 = tpu.memref_slice %arg4[%mul3A_107] : memref<336384xi32, #tpu.memory_space<hbm>> -> memref<16384xi32, #tpu.memory_space<hbm>>
        %dma_start3A_153 = tpu.memref_slice %arg4[%mul3A_107] : memref<336384xi32, #tpu.memory_space<hbm>> -> memref<16384xi32, #tpu.memory_space<hbm>>
        tpu.enqueue_dma source(%dma_start3A_153 : memref<16384xi32, #tpu.memory_space<hbm>>) target(%arg11 : memref<16384xi32, #tpu.memory_space<vmem>>) target_semaphore(%run_scoped3A : memref<!tpu.dma_semaphore, #tpu.memory_space<semaphore_mem>>)
        %dma_wait3A_154 = tpu.memref_slice %arg4[%mul3A_107] : memref<336384xi32, #tpu.memory_space<hbm>> -> memref<16384xi32, #tpu.memory_space<hbm>>
        %dma_wait3A_155 = tpu.memref_slice %arg4[%mul3A_107] : memref<336384xi32, #tpu.memory_space<hbm>> -> memref<16384xi32, #tpu.memory_space<hbm>>
        tpu.wait_dma2 semaphore(%run_scoped3A : memref<!tpu.dma_semaphore, #tpu.memory_space<semaphore_mem>>) src(%dma_wait3A_155 : memref<16384xi32, #tpu.memory_space<hbm>>) dst(%arg11 : memref<16384xi32, #tpu.memory_space<vmem>>)
        tpu.yield
      }) : () -> ()
      %dma_start3A = arith.constant 0 : i32
      %dma_start3A_108 = tpu.memref_slice %arg11[%dma_start3A] : memref<16384xi32, #tpu.memory_space<vmem>> -> memref<128xi32, #tpu.memory_space<vmem>>
      %dma_start3A_109 = arith.constant 0 : i32
      %dma_start3A_110 = arith.constant 0 : i32
      %dma_start3A_111 = tpu.memref_slice %arg2[%dma_start3A_109, %dma_start3A_110] : memref<10000x128xf32, #tpu.memory_space<hbm>> -> memref<10000x128xf32, #tpu.memory_space<hbm>>
      tpu.enqueue_indirect_dma source(%dma_start3A_111 : memref<10000x128xf32, #tpu.memory_space<hbm>>) target(%arg12 : memref<128x128xf32, #tpu.memory_space<vmem>>) offsets(%dma_start3A_108 : memref<128xi32, #tpu.memory_space<vmem>>) semaphore(%arg15 : memref<!tpu.dma_semaphore, #tpu.memory_space<semaphore_mem>>)
      %add3A_112 = arith.constant 1 : i32
      %add3A_113 = arith.addi %min3A_105, %add3A_112 : i32
      %jit3A_114 = arith.constant 2 : i32
      %div3A_115 = arith.divsi %add3A_113, %jit3A_114 : i32
      %sign3A_116 = arith.constant 0 : i32
      %sign3A_117 = arith.cmpi sgt, %add3A_113, %sign3A_116 : i32
      %sign3A_118 = arith.extui %sign3A_117 : i1 to i32
      %sign3A_119 = arith.constant 0 : i32
      %sign3A_120 = arith.cmpi slt, %add3A_113, %sign3A_119 : i32
      %sign3A_121 = arith.extui %sign3A_120 : i1 to i32
      %sign3A_122 = arith.subi %sign3A_118, %sign3A_121 : i32
      %sign3A_123 = arith.constant 0 : i32
      %sign3A_124 = arith.cmpi sgt, %jit3A_114, %sign3A_123 : i32
      %sign3A_125 = arith.extui %sign3A_124 : i1 to i32
      %sign3A_126 = arith.constant 0 : i32
      %sign3A_127 = arith.cmpi slt, %jit3A_114, %sign3A_126 : i32
      %sign3A_128 = arith.extui %sign3A_127 : i1 to i32
      %sign3A_129 = arith.subi %sign3A_125, %sign3A_128 : i32
      %ne3A_130 = arith.cmpi ne, %sign3A_122, %sign3A_129 : i32
      %rem3A_131 = arith.remsi %add3A_113, %jit3A_114 : i32
      %ne3A_132 = arith.constant 0 : i32
      %ne3A_133 = arith.cmpi ne, %rem3A_131, %ne3A_132 : i32
      %and3A_134 = arith.andi %ne3A_130, %ne3A_133 : i1
      %sub3A_135 = arith.constant 1 : i32
      %sub3A_136 = arith.subi %div3A_115, %sub3A_135 : i32
      %select_n3A_137 = arith.select %and3A_134, %sub3A_136, %div3A_115 : i32
      %while3A_138 = arith.constant 0 : i32
      %while3A_139 = arith.constant 0 : i32
      %while3A_140 = arith.subi %select_n3A_137, %while3A_139 : i32
      %while3A_141 = arith.addi %while3A_139, %while3A_140 : i32
      %while3A_142 = arith.constant 1 : i32
      %while3A_143 = arith.divsi %while3A_140, %while3A_142 : i32
      %while3A_144 = arith.muli %while3A_143, %while3A_142 : i32
      %while3A_145 = arith.addi %while3A_139, %while3A_144 : i32
      %while3A_146 = arith.constant 1 : i32
      scf.for %while3A_152 = %while3A_139 to %while3A_145 step %while3A_146  : i32 {
        %mul3A_153 = arith.constant 2 : i32
        %mul3A_154 = arith.muli %mul3A_153, %while3A_152 : i32
        %add3A_155 = arith.constant 1 : i32
        %add3A_156 = arith.addi %mul3A_154, %add3A_155 : i32
        %sub3A_157 = arith.constant 1 : i32
        %sub3A_158 = arith.subi %min3A_105, %sub3A_157 : i32
        %min3A_159 = arith.minsi %add3A_156, %sub3A_158 : i32
        %mul3A_160 = arith.constant 128 : i32
        %mul3A_161 = arith.muli %min3A_159, %mul3A_160 : i32
        %dma_start3A_162 = tpu.memref_slice %arg11[%mul3A_161] : memref<16384xi32, #tpu.memory_space<vmem>> -> memref<128xi32, #tpu.memory_space<vmem>>
        %dma_start3A_163 = arith.constant 0 : i32
        %dma_start3A_164 = arith.constant 0 : i32
        %dma_start3A_165 = tpu.memref_slice %arg2[%dma_start3A_163, %dma_start3A_164] : memref<10000x128xf32, #tpu.memory_space<hbm>> -> memref<10000x128xf32, #tpu.memory_space<hbm>>
        tpu.enqueue_indirect_dma source(%dma_start3A_165 : memref<10000x128xf32, #tpu.memory_space<hbm>>) target(%arg13 : memref<128x128xf32, #tpu.memory_space<vmem>>) offsets(%dma_start3A_162 : memref<128xi32, #tpu.memory_space<vmem>>) semaphore(%arg16 : memref<!tpu.dma_semaphore, #tpu.memory_space<semaphore_mem>>)
        %dma_wait3A_166 = arith.constant 0 : i32
        %dma_wait3A_167 = tpu.memref_slice %arg11[%dma_wait3A_166] : memref<16384xi32, #tpu.memory_space<vmem>> -> memref<128xi32, #tpu.memory_space<vmem>>
        %dma_wait3A_168 = arith.constant 0 : i32
        %dma_wait3A_169 = arith.constant 0 : i32
        %dma_wait3A_170 = tpu.memref_slice %arg2[%dma_wait3A_168, %dma_wait3A_169] : memref<10000x128xf32, #tpu.memory_space<hbm>> -> memref<10000x128xf32, #tpu.memory_space<hbm>>
        tpu.wait_indirect_dma semaphore(%arg15 : memref<!tpu.dma_semaphore, #tpu.memory_space<semaphore_mem>>) src(%dma_wait3A_170 : memref<10000x128xf32, #tpu.memory_space<hbm>>) dst(%arg12 : memref<128x128xf32, #tpu.memory_space<vmem>>)
        %add3A_171 = arith.addi %add3A_103, %mul3A_154 : i32
        %lt3A = arith.cmpi slt, %mul3A_154, %min3A_105 : i32
        %mul3A_172 = arith.constant 128 : i32
        %mul3A_173 = arith.muli %add3A_171, %mul3A_172 : i32
        %mul3A_174 = arith.constant 128 : i32
        %mul3A_175 = arith.muli %mul3A_154, %mul3A_174 : i32
        %get3A_176 = arith.index_cast %add3A_171 : i32 to index
        %get3A_177 = tpu.vector_load %arg10[%get3A_176] {strides = array<i32>} : memref<2520xi32, #tpu.memory_space<vmem>>, vector<16xi32>,
        %get3A_178 = vector.shape_cast %get3A_177 : vector<16xi32> to vector<16xi32>
        %slice3A_179 = vector.extract_strided_slice %get3A_178 {offsets = [0], sizes = [1], strides = [1]} : vector<16xi32> to vector<1xi32>
        %squeeze3A_180 = vector.extract %slice3A_179[0] : i32 from vector<1xi32>
        %sub3A_181 = arith.subi %squeeze3A_180, %mul3A_2 : i32
        %max3A = arith.constant 0 : i32
        %max3A_182 = arith.maxsi %sub3A_181, %max3A : i32
        %add3A_183 = arith.constant 1 : i32
        %add3A_184 = arith.addi %add3A_171, %add3A_183 : i32
        %get3A_185 = arith.index_cast %add3A_184 : i32 to index
        %get3A_186 = tpu.vector_load %arg10[%get3A_185] {strides = array<i32>} : memref<2520xi32, #tpu.memory_space<vmem>>, vector<16xi32>,
        %get3A_187 = vector.shape_cast %get3A_186 : vector<16xi32> to vector<16xi32>
        %slice3A_188 = vector.extract_strided_slice %get3A_187 {offsets = [0], sizes = [1], strides = [1]} : vector<16xi32> to vector<1xi32>
        %squeeze3A_189 = vector.extract %slice3A_188[0] : i32 from vector<1xi32>
        %sub3A_190 = arith.subi %squeeze3A_189, %mul3A_2 : i32
        %min3A_191 = arith.constant 319 : i32
        %min3A_192 = arith.minsi %sub3A_190, %min3A_191 : i32
        %sub3A_193 = arith.constant 1 : i32
        %sub3A_194 = arith.subi %max3A_182, %sub3A_193 : i32
        %select_n3A_195 = arith.select %lt3A, %min3A_192, %sub3A_194 : i32
        %add3A_196 = arith.constant 1 : i32
        %add3A_197 = arith.addi %select_n3A_195, %add3A_196 : i32
        %while3A_198 = arith.constant 0 : i32
        %while3A_199 = arith.subi %add3A_197, %max3A_182 : i32
        %while3A_200 = arith.addi %max3A_182, %while3A_199 : i32
        %while3A_201 = arith.constant 1 : i32
        %while3A_202 = arith.divsi %while3A_199, %while3A_201 : i32
        %while3A_203 = arith.muli %while3A_202, %while3A_201 : i32
        %while3A_204 = arith.addi %max3A_182, %while3A_203 : i32
        %while3A_205 = arith.constant 1 : i32
        scf.for %while3A_261 = %max3A_182 to %while3A_204 step %while3A_205  : i32 {
          %get3A_262 = arith.index_cast %while3A_261 : i32 to index
          %get3A_263 = tpu.vector_load %arg8[%get3A_262] {strides = array<i32>} : memref<344xi32, #tpu.memory_space<vmem>>, vector<16xi32>,
          %get3A_264 = vector.shape_cast %get3A_263 : vector<16xi32> to vector<16xi32>
          %slice3A_265 = vector.extract_strided_slice %get3A_264 {offsets = [0], sizes = [1], strides = [1]} : vector<16xi32> to vector<1xi32>
          %squeeze3A_266 = vector.extract %slice3A_265[0] : i32 from vector<1xi32>
          %max3A_267 = arith.maxsi %squeeze3A_266, %mul3A_173 : i32
          %add3A_268 = arith.constant 1 : i32
          %add3A_269 = arith.addi %while3A_261, %add3A_268 : i32
          %get3A_270 = arith.index_cast %add3A_269 : i32 to index
          %get3A_271 = tpu.vector_load %arg8[%get3A_270] {strides = array<i32>} : memref<344xi32, #tpu.memory_space<vmem>>, vector<16xi32>,
          %get3A_272 = vector.shape_cast %get3A_271 : vector<16xi32> to vector<16xi32>
          %slice3A_273 = vector.extract_strided_slice %get3A_272 {offsets = [0], sizes = [1], strides = [1]} : vector<16xi32> to vector<1xi32>
          %squeeze3A_274 = vector.extract %slice3A_273[0] : i32 from vector<1xi32>
          %add3A_275 = arith.constant 128 : i32
          %add3A_276 = arith.addi %mul3A_173, %add3A_275 : i32
          %min3A_277 = arith.minsi %squeeze3A_274, %add3A_276 : i32
          %while3A_278 = arith.subi %min3A_277, %max3A_267 : i32
          %while3A_279 = arith.addi %max3A_267, %while3A_278 : i32
          %while3A_280 = arith.constant 1 : i32
          %while3A_281 = arith.divsi %while3A_278, %while3A_280 : i32
          %while3A_282 = arith.muli %while3A_281, %while3A_280 : i32
          %while3A_283 = arith.addi %max3A_267, %while3A_282 : i32
          %while3A_284 = arith.constant 1 : i32
          scf.for %while3A_286 = %max3A_267 to %while3A_283 step %while3A_284  : i32 {
            %sub3A_287 = arith.subi %while3A_286, %mul3A_173 : i32
            %get3A_288 = arith.index_cast %sub3A_287 : i32 to index
            %get3A_289 = arith.constant 0 : index
            %get3A_290 = tpu.vector_load %arg12[%get3A_288, %get3A_289] {strides = array<i32>} : memref<128x128xf32, #tpu.memory_space<vmem>>, vector<1x16xf32>,
            %get3A_291 = vector.shape_cast %get3A_290 : vector<1x16xf32> to vector<16xf32>
            %swap3A = arith.index_cast %while3A_261 : i32 to index
            %swap3A_292 = arith.constant 0 : index
            %swap3A_293 = tpu.vector_load %arg14[%swap3A, %swap3A_292] {strides = array<i32>} : memref<320x128xf32, #tpu.memory_space<vmem>>, vector<1x16xf32>,
            %swap3A_294 = vector.shape_cast %swap3A_293 : vector<1x16xf32> to vector<16xf32>
            %swap3A_295 = vector.shape_cast %get3A_291 : vector<16xf32> to vector<1x16xf32>
            tpu.vector_store %arg14[%swap3A, %swap3A_292], %swap3A_295 {add = true, strides = array<i32>} : memref<320x128xf32, #tpu.memory_space<vmem>>, vector<1x16xf32>,
            %get3A_296 = arith.index_cast %sub3A_287 : i32 to index
            %get3A_297 = arith.constant 16 : index
            %get3A_298 = tpu.vector_load %arg12[%get3A_296, %get3A_297] {strides = array<i32>} : memref<128x128xf32, #tpu.memory_space<vmem>>, vector<1x16xf32>,
            %get3A_299 = vector.shape_cast %get3A_298 : vector<1x16xf32> to vector<16xf32>
            %swap3A_300 = arith.index_cast %while3A_261 : i32 to index
            %swap3A_301 = arith.constant 16 : index
            %swap3A_302 = tpu.vector_load %arg14[%swap3A_300, %swap3A_301] {strides = array<i32>} : memref<320x128xf32, #tpu.memory_space<vmem>>, vector<1x16xf32>,
            %swap3A_303 = vector.shape_cast %swap3A_302 : vector<1x16xf32> to vector<16xf32>
            %swap3A_304 = vector.shape_cast %get3A_299 : vector<16xf32> to vector<1x16xf32>
            tpu.vector_store %arg14[%swap3A_300, %swap3A_301], %swap3A_304 {add = true, strides = array<i32>} : memref<320x128xf32, #tpu.memory_space<vmem>>, vector<1x16xf32>,
            %get3A_305 = arith.index_cast %sub3A_287 : i32 to index
            %get3A_306 = arith.constant 32 : index
            %get3A_307 = tpu.vector_load %arg12[%get3A_305, %get3A_306] {strides = array<i32>} : memref<128x128xf32, #tpu.memory_space<vmem>>, vector<1x16xf32>,
            %get3A_308 = vector.shape_cast %get3A_307 : vector<1x16xf32> to vector<16xf32>
            %swap3A_309 = arith.index_cast %while3A_261 : i32 to index
            %swap3A_310 = arith.constant 32 : index
            %swap3A_311 = tpu.vector_load %arg14[%swap3A_309, %swap3A_310] {strides = array<i32>} : memref<320x128xf32, #tpu.memory_space<vmem>>, vector<1x16xf32>,
            %swap3A_312 = vector.shape_cast %swap3A_311 : vector<1x16xf32> to vector<16xf32>
            %swap3A_313 = vector.shape_cast %get3A_308 : vector<16xf32> to vector<1x16xf32>
            tpu.vector_store %arg14[%swap3A_309, %swap3A_310], %swap3A_313 {add = true, strides = array<i32>} : memref<320x128xf32, #tpu.memory_space<vmem>>, vector<1x16xf32>,
            %get3A_314 = arith.index_cast %sub3A_287 : i32 to index
            %get3A_315 = arith.constant 48 : index
            %get3A_316 = tpu.vector_load %arg12[%get3A_314, %get3A_315] {strides = array<i32>} : memref<128x128xf32, #tpu.memory_space<vmem>>, vector<1x16xf32>,
            %get3A_317 = vector.shape_cast %get3A_316 : vector<1x16xf32> to vector<16xf32>
            %swap3A_318 = arith.index_cast %while3A_261 : i32 to index
            %swap3A_319 = arith.constant 48 : index
            %swap3A_320 = tpu.vector_load %arg14[%swap3A_318, %swap3A_319] {strides = array<i32>} : memref<320x128xf32, #tpu.memory_space<vmem>>, vector<1x16xf32>,
            %swap3A_321 = vector.shape_cast %swap3A_320 : vector<1x16xf32> to vector<16xf32>
            %swap3A_322 = vector.shape_cast %get3A_317 : vector<16xf32> to vector<1x16xf32>
            tpu.vector_store %arg14[%swap3A_318, %swap3A_319], %swap3A_322 {add = true, strides = array<i32>} : memref<320x128xf32, #tpu.memory_space<vmem>>, vector<1x16xf32>,
            %get3A_323 = arith.index_cast %sub3A_287 : i32 to index
            %get3A_324 = arith.constant 64 : index
            %get3A_325 = tpu.vector_load %arg12[%get3A_323, %get3A_324] {strides = array<i32>} : memref<128x128xf32, #tpu.memory_space<vmem>>, vector<1x16xf32>,
            %get3A_326 = vector.shape_cast %get3A_325 : vector<1x16xf32> to vector<16xf32>
            %swap3A_327 = arith.index_cast %while3A_261 : i32 to index
            %swap3A_328 = arith.constant 64 : index
            %swap3A_329 = tpu.vector_load %arg14[%swap3A_327, %swap3A_328] {strides = array<i32>} : memref<320x128xf32, #tpu.memory_space<vmem>>, vector<1x16xf32>,
            %swap3A_330 = vector.shape_cast %swap3A_329 : vector<1x16xf32> to vector<16xf32>
            %swap3A_331 = vector.shape_cast %get3A_326 : vector<16xf32> to vector<1x16xf32>
            tpu.vector_store %arg14[%swap3A_327, %swap3A_328], %swap3A_331 {add = true, strides = array<i32>} : memref<320x128xf32, #tpu.memory_space<vmem>>, vector<1x16xf32>,
            %get3A_332 = arith.index_cast %sub3A_287 : i32 to index
            %get3A_333 = arith.constant 80 : index
            %get3A_334 = tpu.vector_load %arg12[%get3A_332, %get3A_333] {strides = array<i32>} : memref<128x128xf32, #tpu.memory_space<vmem>>, vector<1x16xf32>,
            %get3A_335 = vector.shape_cast %get3A_334 : vector<1x16xf32> to vector<16xf32>
            %swap3A_336 = arith.index_cast %while3A_261 : i32 to index
            %swap3A_337 = arith.constant 80 : index
            %swap3A_338 = tpu.vector_load %arg14[%swap3A_336, %swap3A_337] {strides = array<i32>} : memref<320x128xf32, #tpu.memory_space<vmem>>, vector<1x16xf32>,
            %swap3A_339 = vector.shape_cast %swap3A_338 : vector<1x16xf32> to vector<16xf32>
            %swap3A_340 = vector.shape_cast %get3A_335 : vector<16xf32> to vector<1x16xf32>
            tpu.vector_store %arg14[%swap3A_336, %swap3A_337], %swap3A_340 {add = true, strides = array<i32>} : memref<320x128xf32, #tpu.memory_space<vmem>>, vector<1x16xf32>,
            %get3A_341 = arith.index_cast %sub3A_287 : i32 to index
            %get3A_342 = arith.constant 96 : index
            %get3A_343 = tpu.vector_load %arg12[%get3A_341, %get3A_342] {strides = array<i32>} : memref<128x128xf32, #tpu.memory_space<vmem>>, vector<1x16xf32>,
            %get3A_344 = vector.shape_cast %get3A_343 : vector<1x16xf32> to vector<16xf32>
            %swap3A_345 = arith.index_cast %while3A_261 : i32 to index
            %swap3A_346 = arith.constant 96 : index
            %swap3A_347 = tpu.vector_load %arg14[%swap3A_345, %swap3A_346] {strides = array<i32>} : memref<320x128xf32, #tpu.memory_space<vmem>>, vector<1x16xf32>,
            %swap3A_348 = vector.shape_cast %swap3A_347 : vector<1x16xf32> to vector<16xf32>
            %swap3A_349 = vector.shape_cast %get3A_344 : vector<16xf32> to vector<1x16xf32>
            tpu.vector_store %arg14[%swap3A_345, %swap3A_346], %swap3A_349 {add = true, strides = array<i32>} : memref<320x128xf32, #tpu.memory_space<vmem>>, vector<1x16xf32>,
            %get3A_350 = arith.index_cast %sub3A_287 : i32 to index
            %get3A_351 = arith.constant 112 : index
            %get3A_352 = tpu.vector_load %arg12[%get3A_350, %get3A_351] {strides = array<i32>} : memref<128x128xf32, #tpu.memory_space<vmem>>, vector<1x16xf32>,
            %get3A_353 = vector.shape_cast %get3A_352 : vector<1x16xf32> to vector<16xf32>
            %swap3A_354 = arith.index_cast %while3A_261 : i32 to index
            %swap3A_355 = arith.constant 112 : index
            %swap3A_356 = tpu.vector_load %arg14[%swap3A_354, %swap3A_355] {strides = array<i32>} : memref<320x128xf32, #tpu.memory_space<vmem>>, vector<1x16xf32>,
            %swap3A_357 = vector.shape_cast %swap3A_356 : vector<1x16xf32> to vector<16xf32>
            %swap3A_358 = vector.shape_cast %get3A_353 : vector<16xf32> to vector<1x16xf32>
            tpu.vector_store %arg14[%swap3A_354, %swap3A_355], %swap3A_358 {add = true, strides = array<i32>} : memref<320x128xf32, #tpu.memory_space<vmem>>, vector<1x16xf32>,
          }
          %while3A_285 = arith.constant 1 : i32
          scf.for %while3A_286 = %while3A_283 to %while3A_279 step %while3A_285  : i32 {
            %sub3A_287 = arith.subi %while3A_286, %mul3A_173 : i32
            %get3A_288 = arith.index_cast %sub3A_287 : i32 to index
            %get3A_289 = arith.constant 0 : index
            %get3A_290 = tpu.vector_load %arg12[%get3A_288, %get3A_289] {strides = array<i32>} : memref<128x128xf32, #tpu.memory_space<vmem>>, vector<1x16xf32>,
            %get3A_291 = vector.shape_cast %get3A_290 : vector<1x16xf32> to vector<16xf32>
            %swap3A = arith.index_cast %while3A_261 : i32 to index
            %swap3A_292 = arith.constant 0 : index
            %swap3A_293 = tpu.vector_load %arg14[%swap3A, %swap3A_292] {strides = array<i32>} : memref<320x128xf32, #tpu.memory_space<vmem>>, vector<1x16xf32>,
            %swap3A_294 = vector.shape_cast %swap3A_293 : vector<1x16xf32> to vector<16xf32>
            %swap3A_295 = vector.shape_cast %get3A_291 : vector<16xf32> to vector<1x16xf32>
            tpu.vector_store %arg14[%swap3A, %swap3A_292], %swap3A_295 {add = true, strides = array<i32>} : memref<320x128xf32, #tpu.memory_space<vmem>>, vector<1x16xf32>,
            %get3A_296 = arith.index_cast %sub3A_287 : i32 to index
            %get3A_297 = arith.constant 16 : index
            %get3A_298 = tpu.vector_load %arg12[%get3A_296, %get3A_297] {strides = array<i32>} : memref<128x128xf32, #tpu.memory_space<vmem>>, vector<1x16xf32>,
            %get3A_299 = vector.shape_cast %get3A_298 : vector<1x16xf32> to vector<16xf32>
            %swap3A_300 = arith.index_cast %while3A_261 : i32 to index
            %swap3A_301 = arith.constant 16 : index
            %swap3A_302 = tpu.vector_load %arg14[%swap3A_300, %swap3A_301] {strides = array<i32>} : memref<320x128xf32, #tpu.memory_space<vmem>>, vector<1x16xf32>,
            %swap3A_303 = vector.shape_cast %swap3A_302 : vector<1x16xf32> to vector<16xf32>
            %swap3A_304 = vector.shape_cast %get3A_299 : vector<16xf32> to vector<1x16xf32>
            tpu.vector_store %arg14[%swap3A_300, %swap3A_301], %swap3A_304 {add = true, strides = array<i32>} : memref<320x128xf32, #tpu.memory_space<vmem>>, vector<1x16xf32>,
            %get3A_305 = arith.index_cast %sub3A_287 : i32 to index
            %get3A_306 = arith.constant 32 : index
            %get3A_307 = tpu.vector_load %arg12[%get3A_305, %get3A_306] {strides = array<i32>} : memref<128x128xf32, #tpu.memory_space<vmem>>, vector<1x16xf32>,
            %get3A_308 = vector.shape_cast %get3A_307 : vector<1x16xf32> to vector<16xf32>
            %swap3A_309 = arith.index_cast %while3A_261 : i32 to index
            %swap3A_310 = arith.constant 32 : index
            %swap3A_311 = tpu.vector_load %arg14[%swap3A_309, %swap3A_310] {strides = array<i32>} : memref<320x128xf32, #tpu.memory_space<vmem>>, vector<1x16xf32>,
            %swap3A_312 = vector.shape_cast %swap3A_311 : vector<1x16xf32> to vector<16xf32>
            %swap3A_313 = vector.shape_cast %get3A_308 : vector<16xf32> to vector<1x16xf32>
            tpu.vector_store %arg14[%swap3A_309, %swap3A_310], %swap3A_313 {add = true, strides = array<i32>} : memref<320x128xf32, #tpu.memory_space<vmem>>, vector<1x16xf32>,
            %get3A_314 = arith.index_cast %sub3A_287 : i32 to index
            %get3A_315 = arith.constant 48 : index
            %get3A_316 = tpu.vector_load %arg12[%get3A_314, %get3A_315] {strides = array<i32>} : memref<128x128xf32, #tpu.memory_space<vmem>>, vector<1x16xf32>,
            %get3A_317 = vector.shape_cast %get3A_316 : vector<1x16xf32> to vector<16xf32>
            %swap3A_318 = arith.index_cast %while3A_261 : i32 to index
            %swap3A_319 = arith.constant 48 : index
            %swap3A_320 = tpu.vector_load %arg14[%swap3A_318, %swap3A_319] {strides = array<i32>} : memref<320x128xf32, #tpu.memory_space<vmem>>, vector<1x16xf32>,
            %swap3A_321 = vector.shape_cast %swap3A_320 : vector<1x16xf32> to vector<16xf32>
            %swap3A_322 = vector.shape_cast %get3A_317 : vector<16xf32> to vector<1x16xf32>
            tpu.vector_store %arg14[%swap3A_318, %swap3A_319], %swap3A_322 {add = true, strides = array<i32>} : memref<320x128xf32, #tpu.memory_space<vmem>>, vector<1x16xf32>,
            %get3A_323 = arith.index_cast %sub3A_287 : i32 to index
            %get3A_324 = arith.constant 64 : index
            %get3A_325 = tpu.vector_load %arg12[%get3A_323, %get3A_324] {strides = array<i32>} : memref<128x128xf32, #tpu.memory_space<vmem>>, vector<1x16xf32>,
            %get3A_326 = vector.shape_cast %get3A_325 : vector<1x16xf32> to vector<16xf32>
            %swap3A_327 = arith.index_cast %while3A_261 : i32 to index
            %swap3A_328 = arith.constant 64 : index
            %swap3A_329 = tpu.vector_load %arg14[%swap3A_327, %swap3A_328] {strides = array<i32>} : memref<320x128xf32, #tpu.memory_space<vmem>>, vector<1x16xf32>,
            %swap3A_330 = vector.shape_cast %swap3A_329 : vector<1x16xf32> to vector<16xf32>
            %swap3A_331 = vector.shape_cast %get3A_326 : vector<16xf32> to vector<1x16xf32>
            tpu.vector_store %arg14[%swap3A_327, %swap3A_328], %swap3A_331 {add = true, strides = array<i32>} : memref<320x128xf32, #tpu.memory_space<vmem>>, vector<1x16xf32>,
            %get3A_332 = arith.index_cast %sub3A_287 : i32 to index
            %get3A_333 = arith.constant 80 : index
            %get3A_334 = tpu.vector_load %arg12[%get3A_332, %get3A_333] {strides = array<i32>} : memref<128x128xf32, #tpu.memory_space<vmem>>, vector<1x16xf32>,
            %get3A_335 = vector.shape_cast %get3A_334 : vector<1x16xf32> to vector<16xf32>
            %swap3A_336 = arith.index_cast %while3A_261 : i32 to index
            %swap3A_337 = arith.constant 80 : index
            %swap3A_338 = tpu.vector_load %arg14[%swap3A_336, %swap3A_337] {strides = array<i32>} : memref<320x128xf32, #tpu.memory_space<vmem>>, vector<1x16xf32>,
            %swap3A_339 = vector.shape_cast %swap3A_338 : vector<1x16xf32> to vector<16xf32>
            %swap3A_340 = vector.shape_cast %get3A_335 : vector<16xf32> to vector<1x16xf32>
            tpu.vector_store %arg14[%swap3A_336, %swap3A_337], %swap3A_340 {add = true, strides = array<i32>} : memref<320x128xf32, #tpu.memory_space<vmem>>, vector<1x16xf32>,
            %get3A_341 = arith.index_cast %sub3A_287 : i32 to index
            %get3A_342 = arith.constant 96 : index
            %get3A_343 = tpu.vector_load %arg12[%get3A_341, %get3A_342] {strides = array<i32>} : memref<128x128xf32, #tpu.memory_space<vmem>>, vector<1x16xf32>,
            %get3A_344 = vector.shape_cast %get3A_343 : vector<1x16xf32> to vector<16xf32>
            %swap3A_345 = arith.index_cast %while3A_261 : i32 to index
            %swap3A_346 = arith.constant 96 : index
            %swap3A_347 = tpu.vector_load %arg14[%swap3A_345, %swap3A_346] {strides = array<i32>} : memref<320x128xf32, #tpu.memory_space<vmem>>, vector<1x16xf32>,
            %swap3A_348 = vector.shape_cast %swap3A_347 : vector<1x16xf32> to vector<16xf32>
            %swap3A_349 = vector.shape_cast %get3A_344 : vector<16xf32> to vector<1x16xf32>
            tpu.vector_store %arg14[%swap3A_345, %swap3A_346], %swap3A_349 {add = true, strides = array<i32>} : memref<320x128xf32, #tpu.memory_space<vmem>>, vector<1x16xf32>,
            %get3A_350 = arith.index_cast %sub3A_287 : i32 to index
            %get3A_351 = arith.constant 112 : index
            %get3A_352 = tpu.vector_load %arg12[%get3A_350, %get3A_351] {strides = array<i32>} : memref<128x128xf32, #tpu.memory_space<vmem>>, vector<1x16xf32>,
            %get3A_353 = vector.shape_cast %get3A_352 : vector<1x16xf32> to vector<16xf32>
            %swap3A_354 = arith.index_cast %while3A_261 : i32 to index
            %swap3A_355 = arith.constant 112 : index
            %swap3A_356 = tpu.vector_load %arg14[%swap3A_354, %swap3A_355] {strides = array<i32>} : memref<320x128xf32, #tpu.memory_space<vmem>>, vector<1x16xf32>,
            %swap3A_357 = vector.shape_cast %swap3A_356 : vector<1x16xf32> to vector<16xf32>
            %swap3A_358 = vector.shape_cast %get3A_353 : vector<16xf32> to vector<1x16xf32>
            tpu.vector_store %arg14[%swap3A_354, %swap3A_355], %swap3A_358 {add = true, strides = array<i32>} : memref<320x128xf32, #tpu.memory_space<vmem>>, vector<1x16xf32>,
          }
        }
        %while3A_206 = arith.constant 1 : i32
        scf.for %while3A_261 = %while3A_204 to %while3A_200 step %while3A_206  : i32 {
          %get3A_262 = arith.index_cast %while3A_261 : i32 to index
          %get3A_263 = tpu.vector_load %arg8[%get3A_262] {strides = array<i32>} : memref<344xi32, #tpu.memory_space<vmem>>, vector<16xi32>,
          %get3A_264 = vector.shape_cast %get3A_263 : vector<16xi32> to vector<16xi32>
          %slice3A_265 = vector.extract_strided_slice %get3A_264 {offsets = [0], sizes = [1], strides = [1]} : vector<16xi32> to vector<1xi32>
          %squeeze3A_266 = vector.extract %slice3A_265[0] : i32 from vector<1xi32>
          %max3A_267 = arith.maxsi %squeeze3A_266, %mul3A_173 : i32
          %add3A_268 = arith.constant 1 : i32
          %add3A_269 = arith.addi %while3A_261, %add3A_268 : i32
          %get3A_270 = arith.index_cast %add3A_269 : i32 to index
          %get3A_271 = tpu.vector_load %arg8[%get3A_270] {strides = array<i32>} : memref<344xi32, #tpu.memory_space<vmem>>, vector<16xi32>,
          %get3A_272 = vector.shape_cast %get3A_271 : vector<16xi32> to vector<16xi32>
          %slice3A_273 = vector.extract_strided_slice %get3A_272 {offsets = [0], sizes = [1], strides = [1]} : vector<16xi32> to vector<1xi32>
          %squeeze3A_274 = vector.extract %slice3A_273[0] : i32 from vector<1xi32>
          %add3A_275 = arith.constant 128 : i32
          %add3A_276 = arith.addi %mul3A_173, %add3A_275 : i32
          %min3A_277 = arith.minsi %squeeze3A_274, %add3A_276 : i32
          %while3A_278 = arith.subi %min3A_277, %max3A_267 : i32
          %while3A_279 = arith.addi %max3A_267, %while3A_278 : i32
          %while3A_280 = arith.constant 1 : i32
          %while3A_281 = arith.divsi %while3A_278, %while3A_280 : i32
          %while3A_282 = arith.muli %while3A_281, %while3A_280 : i32
          %while3A_283 = arith.addi %max3A_267, %while3A_282 : i32
          %while3A_284 = arith.constant 1 : i32
          scf.for %while3A_286 = %max3A_267 to %while3A_283 step %while3A_284  : i32 {
            %sub3A_287 = arith.subi %while3A_286, %mul3A_173 : i32
            %get3A_288 = arith.index_cast %sub3A_287 : i32 to index
            %get3A_289 = arith.constant 0 : index
            %get3A_290 = tpu.vector_load %arg12[%get3A_288, %get3A_289] {strides = array<i32>} : memref<128x128xf32, #tpu.memory_space<vmem>>, vector<1x16xf32>,
            %get3A_291 = vector.shape_cast %get3A_290 : vector<1x16xf32> to vector<16xf32>
            %swap3A = arith.index_cast %while3A_261 : i32 to index
            %swap3A_292 = arith.constant 0 : index
            %swap3A_293 = tpu.vector_load %arg14[%swap3A, %swap3A_292] {strides = array<i32>} : memref<320x128xf32, #tpu.memory_space<vmem>>, vector<1x16xf32>,
            %swap3A_294 = vector.shape_cast %swap3A_293 : vector<1x16xf32> to vector<16xf32>
            %swap3A_295 = vector.shape_cast %get3A_291 : vector<16xf32> to vector<1x16xf32>
            tpu.vector_store %arg14[%swap3A, %swap3A_292], %swap3A_295 {add = true, strides = array<i32>} : memref<320x128xf32, #tpu.memory_space<vmem>>, vector<1x16xf32>,
            %get3A_296 = arith.index_cast %sub3A_287 : i32 to index
            %get3A_297 = arith.constant 16 : index
            %get3A_298 = tpu.vector_load %arg12[%get3A_296, %get3A_297] {strides = array<i32>} : memref<128x128xf32, #tpu.memory_space<vmem>>, vector<1x16xf32>,
            %get3A_299 = vector.shape_cast %get3A_298 : vector<1x16xf32> to vector<16xf32>
            %swap3A_300 = arith.index_cast %while3A_261 : i32 to index
            %swap3A_301 = arith.constant 16 : index
            %swap3A_302 = tpu.vector_load %arg14[%swap3A_300, %swap3A_301] {strides = array<i32>} : memref<320x128xf32, #tpu.memory_space<vmem>>, vector<1x16xf32>,
            %swap3A_303 = vector.shape_cast %swap3A_302 : vector<1x16xf32> to vector<16xf32>
            %swap3A_304 = vector.shape_cast %get3A_299 : vector<16xf32> to vector<1x16xf32>
            tpu.vector_store %arg14[%swap3A_300, %swap3A_301], %swap3A_304 {add = true, strides = array<i32>} : memref<320x128xf32, #tpu.memory_space<vmem>>, vector<1x16xf32>,
            %get3A_305 = arith.index_cast %sub3A_287 : i32 to index
            %get3A_306 = arith.constant 32 : index
            %get3A_307 = tpu.vector_load %arg12[%get3A_305, %get3A_306] {strides = array<i32>} : memref<128x128xf32, #tpu.memory_space<vmem>>, vector<1x16xf32>,
            %get3A_308 = vector.shape_cast %get3A_307 : vector<1x16xf32> to vector<16xf32>
            %swap3A_309 = arith.index_cast %while3A_261 : i32 to index
            %swap3A_310 = arith.constant 32 : index
            %swap3A_311 = tpu.vector_load %arg14[%swap3A_309, %swap3A_310] {strides = array<i32>} : memref<320x128xf32, #tpu.memory_space<vmem>>, vector<1x16xf32>,
            %swap3A_312 = vector.shape_cast %swap3A_311 : vector<1x16xf32> to vector<16xf32>
            %swap3A_313 = vector.shape_cast %get3A_308 : vector<16xf32> to vector<1x16xf32>
            tpu.vector_store %arg14[%swap3A_309, %swap3A_310], %swap3A_313 {add = true, strides = array<i32>} : memref<320x128xf32, #tpu.memory_space<vmem>>, vector<1x16xf32>,
            %get3A_314 = arith.index_cast %sub3A_287 : i32 to index
            %get3A_315 = arith.constant 48 : index
            %get3A_316 = tpu.vector_load %arg12[%get3A_314, %get3A_315] {strides = array<i32>} : memref<128x128xf32, #tpu.memory_space<vmem>>, vector<1x16xf32>,
            %get3A_317 = vector.shape_cast %get3A_316 : vector<1x16xf32> to vector<16xf32>
            %swap3A_318 = arith.index_cast %while3A_261 : i32 to index
            %swap3A_319 = arith.constant 48 : index
            %swap3A_320 = tpu.vector_load %arg14[%swap3A_318, %swap3A_319] {strides = array<i32>} : memref<320x128xf32, #tpu.memory_space<vmem>>, vector<1x16xf32>,
            %swap3A_321 = vector.shape_cast %swap3A_320 : vector<1x16xf32> to vector<16xf32>
            %swap3A_322 = vector.shape_cast %get3A_317 : vector<16xf32> to vector<1x16xf32>
            tpu.vector_store %arg14[%swap3A_318, %swap3A_319], %swap3A_322 {add = true, strides = array<i32>} : memref<320x128xf32, #tpu.memory_space<vmem>>, vector<1x16xf32>,
            %get3A_323 = arith.index_cast %sub3A_287 : i32 to index
            %get3A_324 = arith.constant 64 : index
            %get3A_325 = tpu.vector_load %arg12[%get3A_323, %get3A_324] {strides = array<i32>} : memref<128x128xf32, #tpu.memory_space<vmem>>, vector<1x16xf32>,
            %get3A_326 = vector.shape_cast %get3A_325 : vector<1x16xf32> to vector<16xf32>
            %swap3A_327 = arith.index_cast %while3A_261 : i32 to index
            %swap3A_328 = arith.constant 64 : index
            %swap3A_329 = tpu.vector_load %arg14[%swap3A_327, %swap3A_328] {strides = array<i32>} : memref<320x128xf32, #tpu.memory_space<vmem>>, vector<1x16xf32>,
            %swap3A_330 = vector.shape_cast %swap3A_329 : vector<1x16xf32> to vector<16xf32>
            %swap3A_331 = vector.shape_cast %get3A_326 : vector<16xf32> to vector<1x16xf32>
            tpu.vector_store %arg14[%swap3A_327, %swap3A_328], %swap3A_331 {add = true, strides = array<i32>} : memref<320x128xf32, #tpu.memory_space<vmem>>, vector<1x16xf32>,
            %get3A_332 = arith.index_cast %sub3A_287 : i32 to index
            %get3A_333 = arith.constant 80 : index
            %get3A_334 = tpu.vector_load %arg12[%get3A_332, %get3A_333] {strides = array<i32>} : memref<128x128xf32, #tpu.memory_space<vmem>>, vector<1x16xf32>,
            %get3A_335 = vector.shape_cast %get3A_334 : vector<1x16xf32> to vector<16xf32>
            %swap3A_336 = arith.index_cast %while3A_261 : i32 to index
            %swap3A_337 = arith.constant 80 : index
            %swap3A_338 = tpu.vector_load %arg14[%swap3A_336, %swap3A_337] {strides = array<i32>} : memref<320x128xf32, #tpu.memory_space<vmem>>, vector<1x16xf32>,
            %swap3A_339 = vector.shape_cast %swap3A_338 : vector<1x16xf32> to vector<16xf32>
            %swap3A_340 = vector.shape_cast %get3A_335 : vector<16xf32> to vector<1x16xf32>
            tpu.vector_store %arg14[%swap3A_336, %swap3A_337], %swap3A_340 {add = true, strides = array<i32>} : memref<320x128xf32, #tpu.memory_space<vmem>>, vector<1x16xf32>,
            %get3A_341 = arith.index_cast %sub3A_287 : i32 to index
            %get3A_342 = arith.constant 96 : index
            %get3A_343 = tpu.vector_load %arg12[%get3A_341, %get3A_342] {strides = array<i32>} : memref<128x128xf32, #tpu.memory_space<vmem>>, vector<1x16xf32>,
            %get3A_344 = vector.shape_cast %get3A_343 : vector<1x16xf32> to vector<16xf32>
            %swap3A_345 = arith.index_cast %while3A_261 : i32 to index
            %swap3A_346 = arith.constant 96 : index
            %swap3A_347 = tpu.vector_load %arg14[%swap3A_345, %swap3A_346] {strides = array<i32>} : memref<320x128xf32, #tpu.memory_space<vmem>>, vector<1x16xf32>,
            %swap3A_348 = vector.shape_cast %swap3A_347 : vector<1x16xf32> to vector<16xf32>
            %swap3A_349 = vector.shape_cast %get3A_344 : vector<16xf32> to vector<1x16xf32>
            tpu.vector_store %arg14[%swap3A_345, %swap3A_346], %swap3A_349 {add = true, strides = array<i32>} : memref<320x128xf32, #tpu.memory_space<vmem>>, vector<1x16xf32>,
            %get3A_350 = arith.index_cast %sub3A_287 : i32 to index
            %get3A_351 = arith.constant 112 : index
            %get3A_352 = tpu.vector_load %arg12[%get3A_350, %get3A_351] {strides = array<i32>} : memref<128x128xf32, #tpu.memory_space<vmem>>, vector<1x16xf32>,
            %get3A_353 = vector.shape_cast %get3A_352 : vector<1x16xf32> to vector<16xf32>
            %swap3A_354 = arith.index_cast %while3A_261 : i32 to index
            %swap3A_355 = arith.constant 112 : index
            %swap3A_356 = tpu.vector_load %arg14[%swap3A_354, %swap3A_355] {strides = array<i32>} : memref<320x128xf32, #tpu.memory_space<vmem>>, vector<1x16xf32>,
            %swap3A_357 = vector.shape_cast %swap3A_356 : vector<1x16xf32> to vector<16xf32>
            %swap3A_358 = vector.shape_cast %get3A_353 : vector<16xf32> to vector<1x16xf32>
            tpu.vector_store %arg14[%swap3A_354, %swap3A_355], %swap3A_358 {add = true, strides = array<i32>} : memref<320x128xf32, #tpu.memory_space<vmem>>, vector<1x16xf32>,
          }
          %while3A_285 = arith.constant 1 : i32
          scf.for %while3A_286 = %while3A_283 to %while3A_279 step %while3A_285  : i32 {
            %sub3A_287 = arith.subi %while3A_286, %mul3A_173 : i32
            %get3A_288 = arith.index_cast %sub3A_287 : i32 to index
            %get3A_289 = arith.constant 0 : index
            %get3A_290 = tpu.vector_load %arg12[%get3A_288, %get3A_289] {strides = array<i32>} : memref<128x128xf32, #tpu.memory_space<vmem>>, vector<1x16xf32>,
            %get3A_291 = vector.shape_cast %get3A_290 : vector<1x16xf32> to vector<16xf32>
            %swap3A = arith.index_cast %while3A_261 : i32 to index
            %swap3A_292 = arith.constant 0 : index
            %swap3A_293 = tpu.vector_load %arg14[%swap3A, %swap3A_292] {strides = array<i32>} : memref<320x128xf32, #tpu.memory_space<vmem>>, vector<1x16xf32>,
            %swap3A_294 = vector.shape_cast %swap3A_293 : vector<1x16xf32> to vector<16xf32>
            %swap3A_295 = vector.shape_cast %get3A_291 : vector<16xf32> to vector<1x16xf32>
            tpu.vector_store %arg14[%swap3A, %swap3A_292], %swap3A_295 {add = true, strides = array<i32>} : memref<320x128xf32, #tpu.memory_space<vmem>>, vector<1x16xf32>,
            %get3A_296 = arith.index_cast %sub3A_287 : i32 to index
            %get3A_297 = arith.constant 16 : index
            %get3A_298 = tpu.vector_load %arg12[%get3A_296, %get3A_297] {strides = array<i32>} : memref<128x128xf32, #tpu.memory_space<vmem>>, vector<1x16xf32>,
            %get3A_299 = vector.shape_cast %get3A_298 : vector<1x16xf32> to vector<16xf32>
            %swap3A_300 = arith.index_cast %while3A_261 : i32 to index
            %swap3A_301 = arith.constant 16 : index
            %swap3A_302 = tpu.vector_load %arg14[%swap3A_300, %swap3A_301] {strides = array<i32>} : memref<320x128xf32, #tpu.memory_space<vmem>>, vector<1x16xf32>,
            %swap3A_303 = vector.shape_cast %swap3A_302 : vector<1x16xf32> to vector<16xf32>
            %swap3A_304 = vector.shape_cast %get3A_299 : vector<16xf32> to vector<1x16xf32>
            tpu.vector_store %arg14[%swap3A_300, %swap3A_301], %swap3A_304 {add = true, strides = array<i32>} : memref<320x128xf32, #tpu.memory_space<vmem>>, vector<1x16xf32>,
            %get3A_305 = arith.index_cast %sub3A_287 : i32 to index
            %get3A_306 = arith.constant 32 : index
            %get3A_307 = tpu.vector_load %arg12[%get3A_305, %get3A_306] {strides = array<i32>} : memref<128x128xf32, #tpu.memory_space<vmem>>, vector<1x16xf32>,
            %get3A_308 = vector.shape_cast %get3A_307 : vector<1x16xf32> to vector<16xf32>
            %swap3A_309 = arith.index_cast %while3A_261 : i32 to index
            %swap3A_310 = arith.constant 32 : index
            %swap3A_311 = tpu.vector_load %arg14[%swap3A_309, %swap3A_310] {strides = array<i32>} : memref<320x128xf32, #tpu.memory_space<vmem>>, vector<1x16xf32>,
            %swap3A_312 = vector.shape_cast %swap3A_311 : vector<1x16xf32> to vector<16xf32>
            %swap3A_313 = vector.shape_cast %get3A_308 : vector<16xf32> to vector<1x16xf32>
            tpu.vector_store %arg14[%swap3A_309, %swap3A_310], %swap3A_313 {add = true, strides = array<i32>} : memref<320x128xf32, #tpu.memory_space<vmem>>, vector<1x16xf32>,
            %get3A_314 = arith.index_cast %sub3A_287 : i32 to index
            %get3A_315 = arith.constant 48 : index
            %get3A_316 = tpu.vector_load %arg12[%get3A_314, %get3A_315] {strides = array<i32>} : memref<128x128xf32, #tpu.memory_space<vmem>>, vector<1x16xf32>,
            %get3A_317 = vector.shape_cast %get3A_316 : vector<1x16xf32> to vector<16xf32>
            %swap3A_318 = arith.index_cast %while3A_261 : i32 to index
            %swap3A_319 = arith.constant 48 : index
            %swap3A_320 = tpu.vector_load %arg14[%swap3A_318, %swap3A_319] {strides = array<i32>} : memref<320x128xf32, #tpu.memory_space<vmem>>, vector<1x16xf32>,
            %swap3A_321 = vector.shape_cast %swap3A_320 : vector<1x16xf32> to vector<16xf32>
            %swap3A_322 = vector.shape_cast %get3A_317 : vector<16xf32> to vector<1x16xf32>
            tpu.vector_store %arg14[%swap3A_318, %swap3A_319], %swap3A_322 {add = true, strides = array<i32>} : memref<320x128xf32, #tpu.memory_space<vmem>>, vector<1x16xf32>,
            %get3A_323 = arith.index_cast %sub3A_287 : i32 to index
            %get3A_324 = arith.constant 64 : index
            %get3A_325 = tpu.vector_load %arg12[%get3A_323, %get3A_324] {strides = array<i32>} : memref<128x128xf32, #tpu.memory_space<vmem>>, vector<1x16xf32>,
            %get3A_326 = vector.shape_cast %get3A_325 : vector<1x16xf32> to vector<16xf32>
            %swap3A_327 = arith.index_cast %while3A_261 : i32 to index
            %swap3A_328 = arith.constant 64 : index
            %swap3A_329 = tpu.vector_load %arg14[%swap3A_327, %swap3A_328] {strides = array<i32>} : memref<320x128xf32, #tpu.memory_space<vmem>>, vector<1x16xf32>,
            %swap3A_330 = vector.shape_cast %swap3A_329 : vector<1x16xf32> to vector<16xf32>
            %swap3A_331 = vector.shape_cast %get3A_326 : vector<16xf32> to vector<1x16xf32>
            tpu.vector_store %arg14[%swap3A_327, %swap3A_328], %swap3A_331 {add = true, strides = array<i32>} : memref<320x128xf32, #tpu.memory_space<vmem>>, vector<1x16xf32>,
            %get3A_332 = arith.index_cast %sub3A_287 : i32 to index
            %get3A_333 = arith.constant 80 : index
            %get3A_334 = tpu.vector_load %arg12[%get3A_332, %get3A_333] {strides = array<i32>} : memref<128x128xf32, #tpu.memory_space<vmem>>, vector<1x16xf32>,
            %get3A_335 = vector.shape_cast %get3A_334 : vector<1x16xf32> to vector<16xf32>
            %swap3A_336 = arith.index_cast %while3A_261 : i32 to index
            %swap3A_337 = arith.constant 80 : index
            %swap3A_338 = tpu.vector_load %arg14[%swap3A_336, %swap3A_337] {strides = array<i32>} : memref<320x128xf32, #tpu.memory_space<vmem>>, vector<1x16xf32>,
            %swap3A_339 = vector.shape_cast %swap3A_338 : vector<1x16xf32> to vector<16xf32>
            %swap3A_340 = vector.shape_cast %get3A_335 : vector<16xf32> to vector<1x16xf32>
            tpu.vector_store %arg14[%swap3A_336, %swap3A_337], %swap3A_340 {add = true, strides = array<i32>} : memref<320x128xf32, #tpu.memory_space<vmem>>, vector<1x16xf32>,
            %get3A_341 = arith.index_cast %sub3A_287 : i32 to index
            %get3A_342 = arith.constant 96 : index
            %get3A_343 = tpu.vector_load %arg12[%get3A_341, %get3A_342] {strides = array<i32>} : memref<128x128xf32, #tpu.memory_space<vmem>>, vector<1x16xf32>,
            %get3A_344 = vector.shape_cast %get3A_343 : vector<1x16xf32> to vector<16xf32>
            %swap3A_345 = arith.index_cast %while3A_261 : i32 to index
            %swap3A_346 = arith.constant 96 : index
            %swap3A_347 = tpu.vector_load %arg14[%swap3A_345, %swap3A_346] {strides = array<i32>} : memref<320x128xf32, #tpu.memory_space<vmem>>, vector<1x16xf32>,
            %swap3A_348 = vector.shape_cast %swap3A_347 : vector<1x16xf32> to vector<16xf32>
            %swap3A_349 = vector.shape_cast %get3A_344 : vector<16xf32> to vector<1x16xf32>
            tpu.vector_store %arg14[%swap3A_345, %swap3A_346], %swap3A_349 {add = true, strides = array<i32>} : memref<320x128xf32, #tpu.memory_space<vmem>>, vector<1x16xf32>,
            %get3A_350 = arith.index_cast %sub3A_287 : i32 to index
            %get3A_351 = arith.constant 112 : index
            %get3A_352 = tpu.vector_load %arg12[%get3A_350, %get3A_351] {strides = array<i32>} : memref<128x128xf32, #tpu.memory_space<vmem>>, vector<1x16xf32>,
            %get3A_353 = vector.shape_cast %get3A_352 : vector<1x16xf32> to vector<16xf32>
            %swap3A_354 = arith.index_cast %while3A_261 : i32 to index
            %swap3A_355 = arith.constant 112 : index
            %swap3A_356 = tpu.vector_load %arg14[%swap3A_354, %swap3A_355] {strides = array<i32>} : memref<320x128xf32, #tpu.memory_space<vmem>>, vector<1x16xf32>,
            %swap3A_357 = vector.shape_cast %swap3A_356 : vector<1x16xf32> to vector<16xf32>
            %swap3A_358 = vector.shape_cast %get3A_353 : vector<16xf32> to vector<1x16xf32>
            tpu.vector_store %arg14[%swap3A_354, %swap3A_355], %swap3A_358 {add = true, strides = array<i32>} : memref<320x128xf32, #tpu.memory_space<vmem>>, vector<1x16xf32>,
          }
        }
        %add3A_207 = arith.constant 2 : i32
        %add3A_208 = arith.addi %mul3A_154, %add3A_207 : i32
        %sub3A_209 = arith.constant 1 : i32
        %sub3A_210 = arith.subi %min3A_105, %sub3A_209 : i32
        %min3A_211 = arith.minsi %add3A_208, %sub3A_210 : i32
        %mul3A_212 = arith.constant 128 : i32
        %mul3A_213 = arith.muli %min3A_211, %mul3A_212 : i32
        %dma_start3A_214 = tpu.memref_slice %arg11[%mul3A_213] : memref<16384xi32, #tpu.memory_space<vmem>> -> memref<128xi32, #tpu.memory_space<vmem>>
        %dma_start3A_215 = arith.constant 0 : i32
        %dma_start3A_216 = arith.constant 0 : i32
        %dma_start3A_217 = tpu.memref_slice %arg2[%dma_start3A_215, %dma_start3A_216] : memref<10000x128xf32, #tpu.memory_space<hbm>> -> memref<10000x128xf32, #tpu.memory_space<hbm>>
        tpu.enqueue_indirect_dma source(%dma_start3A_217 : memref<10000x128xf32, #tpu.memory_space<hbm>>) target(%arg12 : memref<128x128xf32, #tpu.memory_space<vmem>>) offsets(%dma_start3A_214 : memref<128xi32, #tpu.memory_space<vmem>>) semaphore(%arg15 : memref<!tpu.dma_semaphore, #tpu.memory_space<semaphore_mem>>)
        %dma_wait3A_218 = arith.constant 0 : i32
        %dma_wait3A_219 = tpu.memref_slice %arg11[%dma_wait3A_218] : memref<16384xi32, #tpu.memory_space<vmem>> -> memref<128xi32, #tpu.memory_space<vmem>>
        %dma_wait3A_220 = arith.constant 0 : i32
        %dma_wait3A_221 = arith.constant 0 : i32
        %dma_wait3A_222 = tpu.memref_slice %arg2[%dma_wait3A_220, %dma_wait3A_221] : memref<10000x128xf32, #tpu.memory_space<hbm>> -> memref<10000x128xf32, #tpu.memory_space<hbm>>
        tpu.wait_indirect_dma semaphore(%arg16 : memref<!tpu.dma_semaphore, #tpu.memory_space<semaphore_mem>>) src(%dma_wait3A_222 : memref<10000x128xf32, #tpu.memory_space<hbm>>) dst(%arg13 : memref<128x128xf32, #tpu.memory_space<vmem>>)
        %add3A_223 = arith.addi %add3A_103, %min3A_159 : i32
        %lt3A_224 = arith.cmpi slt, %add3A_156, %min3A_105 : i32
        %mul3A_225 = arith.constant 128 : i32
        %mul3A_226 = arith.muli %add3A_223, %mul3A_225 : i32
        %mul3A_227 = arith.constant 128 : i32
        %mul3A_228 = arith.muli %min3A_159, %mul3A_227 : i32
        %get3A_229 = arith.index_cast %add3A_223 : i32 to index
        %get3A_230 = tpu.vector_load %arg10[%get3A_229] {strides = array<i32>} : memref<2520xi32, #tpu.memory_space<vmem>>, vector<16xi32>,
        %get3A_231 = vector.shape_cast %get3A_230 : vector<16xi32> to vector<16xi32>
        %slice3A_232 = vector.extract_strided_slice %get3A_231 {offsets = [0], sizes = [1], strides = [1]} : vector<16xi32> to vector<1xi32>
        %squeeze3A_233 = vector.extract %slice3A_232[0] : i32 from vector<1xi32>
        %sub3A_234 = arith.subi %squeeze3A_233, %mul3A_2 : i32
        %max3A_235 = arith.constant 0 : i32
        %max3A_236 = arith.maxsi %sub3A_234, %max3A_235 : i32
        %add3A_237 = arith.constant 1 : i32
        %add3A_238 = arith.addi %add3A_223, %add3A_237 : i32
        %get3A_239 = arith.index_cast %add3A_238 : i32 to index
        %get3A_240 = tpu.vector_load %arg10[%get3A_239] {strides = array<i32>} : memref<2520xi32, #tpu.memory_space<vmem>>, vector<16xi32>,
        %get3A_241 = vector.shape_cast %get3A_240 : vector<16xi32> to vector<16xi32>
        %slice3A_242 = vector.extract_strided_slice %get3A_241 {offsets = [0], sizes = [1], strides = [1]} : vector<16xi32> to vector<1xi32>
        %squeeze3A_243 = vector.extract %slice3A_242[0] : i32 from vector<1xi32>
        %sub3A_244 = arith.subi %squeeze3A_243, %mul3A_2 : i32
        %min3A_245 = arith.constant 319 : i32
        %min3A_246 = arith.minsi %sub3A_244, %min3A_245 : i32
        %sub3A_247 = arith.constant 1 : i32
        %sub3A_248 = arith.subi %max3A_236, %sub3A_247 : i32
        %select_n3A_249 = arith.select %lt3A_224, %min3A_246, %sub3A_248 : i32
        %add3A_250 = arith.constant 1 : i32
        %add3A_251 = arith.addi %select_n3A_249, %add3A_250 : i32
        %while3A_252 = arith.constant 0 : i32
        %while3A_253 = arith.subi %add3A_251, %max3A_236 : i32
        %while3A_254 = arith.addi %max3A_236, %while3A_253 : i32
        %while3A_255 = arith.constant 1 : i32
        %while3A_256 = arith.divsi %while3A_253, %while3A_255 : i32
        %while3A_257 = arith.muli %while3A_256, %while3A_255 : i32
        %while3A_258 = arith.addi %max3A_236, %while3A_257 : i32
        %while3A_259 = arith.constant 1 : i32
        scf.for %while3A_261 = %max3A_236 to %while3A_258 step %while3A_259  : i32 {
          %get3A_262 = arith.index_cast %while3A_261 : i32 to index
          %get3A_263 = tpu.vector_load %arg8[%get3A_262] {strides = array<i32>} : memref<344xi32, #tpu.memory_space<vmem>>, vector<16xi32>,
          %get3A_264 = vector.shape_cast %get3A_263 : vector<16xi32> to vector<16xi32>
          %slice3A_265 = vector.extract_strided_slice %get3A_264 {offsets = [0], sizes = [1], strides = [1]} : vector<16xi32> to vector<1xi32>
          %squeeze3A_266 = vector.extract %slice3A_265[0] : i32 from vector<1xi32>
          %max3A_267 = arith.maxsi %squeeze3A_266, %mul3A_226 : i32
          %add3A_268 = arith.constant 1 : i32
          %add3A_269 = arith.addi %while3A_261, %add3A_268 : i32
          %get3A_270 = arith.index_cast %add3A_269 : i32 to index
          %get3A_271 = tpu.vector_load %arg8[%get3A_270] {strides = array<i32>} : memref<344xi32, #tpu.memory_space<vmem>>, vector<16xi32>,
          %get3A_272 = vector.shape_cast %get3A_271 : vector<16xi32> to vector<16xi32>
          %slice3A_273 = vector.extract_strided_slice %get3A_272 {offsets = [0], sizes = [1], strides = [1]} : vector<16xi32> to vector<1xi32>
          %squeeze3A_274 = vector.extract %slice3A_273[0] : i32 from vector<1xi32>
          %add3A_275 = arith.constant 128 : i32
          %add3A_276 = arith.addi %mul3A_226, %add3A_275 : i32
          %min3A_277 = arith.minsi %squeeze3A_274, %add3A_276 : i32
          %while3A_278 = arith.subi %min3A_277, %max3A_267 : i32
          %while3A_279 = arith.addi %max3A_267, %while3A_278 : i32
          %while3A_280 = arith.constant 1 : i32
          %while3A_281 = arith.divsi %while3A_278, %while3A_280 : i32
          %while3A_282 = arith.muli %while3A_281, %while3A_280 : i32
          %while3A_283 = arith.addi %max3A_267, %while3A_282 : i32
          %while3A_284 = arith.constant 1 : i32
          scf.for %while3A_286 = %max3A_267 to %while3A_283 step %while3A_284  : i32 {
            %sub3A_287 = arith.subi %while3A_286, %mul3A_226 : i32
            %get3A_288 = arith.index_cast %sub3A_287 : i32 to index
            %get3A_289 = arith.constant 0 : index
            %get3A_290 = tpu.vector_load %arg13[%get3A_288, %get3A_289] {strides = array<i32>} : memref<128x128xf32, #tpu.memory_space<vmem>>, vector<1x16xf32>,
            %get3A_291 = vector.shape_cast %get3A_290 : vector<1x16xf32> to vector<16xf32>
            %swap3A = arith.index_cast %while3A_261 : i32 to index
            %swap3A_292 = arith.constant 0 : index
            %swap3A_293 = tpu.vector_load %arg14[%swap3A, %swap3A_292] {strides = array<i32>} : memref<320x128xf32, #tpu.memory_space<vmem>>, vector<1x16xf32>,
            %swap3A_294 = vector.shape_cast %swap3A_293 : vector<1x16xf32> to vector<16xf32>
            %swap3A_295 = vector.shape_cast %get3A_291 : vector<16xf32> to vector<1x16xf32>
            tpu.vector_store %arg14[%swap3A, %swap3A_292], %swap3A_295 {add = true, strides = array<i32>} : memref<320x128xf32, #tpu.memory_space<vmem>>, vector<1x16xf32>,
            %get3A_296 = arith.index_cast %sub3A_287 : i32 to index
            %get3A_297 = arith.constant 16 : index
            %get3A_298 = tpu.vector_load %arg13[%get3A_296, %get3A_297] {strides = array<i32>} : memref<128x128xf32, #tpu.memory_space<vmem>>, vector<1x16xf32>,
            %get3A_299 = vector.shape_cast %get3A_298 : vector<1x16xf32> to vector<16xf32>
            %swap3A_300 = arith.index_cast %while3A_261 : i32 to index
            %swap3A_301 = arith.constant 16 : index
            %swap3A_302 = tpu.vector_load %arg14[%swap3A_300, %swap3A_301] {strides = array<i32>} : memref<320x128xf32, #tpu.memory_space<vmem>>, vector<1x16xf32>,
            %swap3A_303 = vector.shape_cast %swap3A_302 : vector<1x16xf32> to vector<16xf32>
            %swap3A_304 = vector.shape_cast %get3A_299 : vector<16xf32> to vector<1x16xf32>
            tpu.vector_store %arg14[%swap3A_300, %swap3A_301], %swap3A_304 {add = true, strides = array<i32>} : memref<320x128xf32, #tpu.memory_space<vmem>>, vector<1x16xf32>,
            %get3A_305 = arith.index_cast %sub3A_287 : i32 to index
            %get3A_306 = arith.constant 32 : index
            %get3A_307 = tpu.vector_load %arg13[%get3A_305, %get3A_306] {strides = array<i32>} : memref<128x128xf32, #tpu.memory_space<vmem>>, vector<1x16xf32>,
            %get3A_308 = vector.shape_cast %get3A_307 : vector<1x16xf32> to vector<16xf32>
            %swap3A_309 = arith.index_cast %while3A_261 : i32 to index
            %swap3A_310 = arith.constant 32 : index
            %swap3A_311 = tpu.vector_load %arg14[%swap3A_309, %swap3A_310] {strides = array<i32>} : memref<320x128xf32, #tpu.memory_space<vmem>>, vector<1x16xf32>,
            %swap3A_312 = vector.shape_cast %swap3A_311 : vector<1x16xf32> to vector<16xf32>
            %swap3A_313 = vector.shape_cast %get3A_308 : vector<16xf32> to vector<1x16xf32>
            tpu.vector_store %arg14[%swap3A_309, %swap3A_310], %swap3A_313 {add = true, strides = array<i32>} : memref<320x128xf32, #tpu.memory_space<vmem>>, vector<1x16xf32>,
            %get3A_314 = arith.index_cast %sub3A_287 : i32 to index
            %get3A_315 = arith.constant 48 : index
            %get3A_316 = tpu.vector_load %arg13[%get3A_314, %get3A_315] {strides = array<i32>} : memref<128x128xf32, #tpu.memory_space<vmem>>, vector<1x16xf32>,
            %get3A_317 = vector.shape_cast %get3A_316 : vector<1x16xf32> to vector<16xf32>
            %swap3A_318 = arith.index_cast %while3A_261 : i32 to index
            %swap3A_319 = arith.constant 48 : index
            %swap3A_320 = tpu.vector_load %arg14[%swap3A_318, %swap3A_319] {strides = array<i32>} : memref<320x128xf32, #tpu.memory_space<vmem>>, vector<1x16xf32>,
            %swap3A_321 = vector.shape_cast %swap3A_320 : vector<1x16xf32> to vector<16xf32>
            %swap3A_322 = vector.shape_cast %get3A_317 : vector<16xf32> to vector<1x16xf32>
            tpu.vector_store %arg14[%swap3A_318, %swap3A_319], %swap3A_322 {add = true, strides = array<i32>} : memref<320x128xf32, #tpu.memory_space<vmem>>, vector<1x16xf32>,
            %get3A_323 = arith.index_cast %sub3A_287 : i32 to index
            %get3A_324 = arith.constant 64 : index
            %get3A_325 = tpu.vector_load %arg13[%get3A_323, %get3A_324] {strides = array<i32>} : memref<128x128xf32, #tpu.memory_space<vmem>>, vector<1x16xf32>,
            %get3A_326 = vector.shape_cast %get3A_325 : vector<1x16xf32> to vector<16xf32>
            %swap3A_327 = arith.index_cast %while3A_261 : i32 to index
            %swap3A_328 = arith.constant 64 : index
            %swap3A_329 = tpu.vector_load %arg14[%swap3A_327, %swap3A_328] {strides = array<i32>} : memref<320x128xf32, #tpu.memory_space<vmem>>, vector<1x16xf32>,
            %swap3A_330 = vector.shape_cast %swap3A_329 : vector<1x16xf32> to vector<16xf32>
            %swap3A_331 = vector.shape_cast %get3A_326 : vector<16xf32> to vector<1x16xf32>
            tpu.vector_store %arg14[%swap3A_327, %swap3A_328], %swap3A_331 {add = true, strides = array<i32>} : memref<320x128xf32, #tpu.memory_space<vmem>>, vector<1x16xf32>,
            %get3A_332 = arith.index_cast %sub3A_287 : i32 to index
            %get3A_333 = arith.constant 80 : index
            %get3A_334 = tpu.vector_load %arg13[%get3A_332, %get3A_333] {strides = array<i32>} : memref<128x128xf32, #tpu.memory_space<vmem>>, vector<1x16xf32>,
            %get3A_335 = vector.shape_cast %get3A_334 : vector<1x16xf32> to vector<16xf32>
            %swap3A_336 = arith.index_cast %while3A_261 : i32 to index
            %swap3A_337 = arith.constant 80 : index
            %swap3A_338 = tpu.vector_load %arg14[%swap3A_336, %swap3A_337] {strides = array<i32>} : memref<320x128xf32, #tpu.memory_space<vmem>>, vector<1x16xf32>,
            %swap3A_339 = vector.shape_cast %swap3A_338 : vector<1x16xf32> to vector<16xf32>
            %swap3A_340 = vector.shape_cast %get3A_335 : vector<16xf32> to vector<1x16xf32>
            tpu.vector_store %arg14[%swap3A_336, %swap3A_337], %swap3A_340 {add = true, strides = array<i32>} : memref<320x128xf32, #tpu.memory_space<vmem>>, vector<1x16xf32>,
            %get3A_341 = arith.index_cast %sub3A_287 : i32 to index
            %get3A_342 = arith.constant 96 : index
            %get3A_343 = tpu.vector_load %arg13[%get3A_341, %get3A_342] {strides = array<i32>} : memref<128x128xf32, #tpu.memory_space<vmem>>, vector<1x16xf32>,
            %get3A_344 = vector.shape_cast %get3A_343 : vector<1x16xf32> to vector<16xf32>
            %swap3A_345 = arith.index_cast %while3A_261 : i32 to index
            %swap3A_346 = arith.constant 96 : index
            %swap3A_347 = tpu.vector_load %arg14[%swap3A_345, %swap3A_346] {strides = array<i32>} : memref<320x128xf32, #tpu.memory_space<vmem>>, vector<1x16xf32>,
            %swap3A_348 = vector.shape_cast %swap3A_347 : vector<1x16xf32> to vector<16xf32>
            %swap3A_349 = vector.shape_cast %get3A_344 : vector<16xf32> to vector<1x16xf32>
            tpu.vector_store %arg14[%swap3A_345, %swap3A_346], %swap3A_349 {add = true, strides = array<i32>} : memref<320x128xf32, #tpu.memory_space<vmem>>, vector<1x16xf32>,
            %get3A_350 = arith.index_cast %sub3A_287 : i32 to index
            %get3A_351 = arith.constant 112 : index
            %get3A_352 = tpu.vector_load %arg13[%get3A_350, %get3A_351] {strides = array<i32>} : memref<128x128xf32, #tpu.memory_space<vmem>>, vector<1x16xf32>,
            %get3A_353 = vector.shape_cast %get3A_352 : vector<1x16xf32> to vector<16xf32>
            %swap3A_354 = arith.index_cast %while3A_261 : i32 to index
            %swap3A_355 = arith.constant 112 : index
            %swap3A_356 = tpu.vector_load %arg14[%swap3A_354, %swap3A_355] {strides = array<i32>} : memref<320x128xf32, #tpu.memory_space<vmem>>, vector<1x16xf32>,
            %swap3A_357 = vector.shape_cast %swap3A_356 : vector<1x16xf32> to vector<16xf32>
            %swap3A_358 = vector.shape_cast %get3A_353 : vector<16xf32> to vector<1x16xf32>
            tpu.vector_store %arg14[%swap3A_354, %swap3A_355], %swap3A_358 {add = true, strides = array<i32>} : memref<320x128xf32, #tpu.memory_space<vmem>>, vector<1x16xf32>,
          }
          %while3A_285 = arith.constant 1 : i32
          scf.for %while3A_286 = %while3A_283 to %while3A_279 step %while3A_285  : i32 {
            %sub3A_287 = arith.subi %while3A_286, %mul3A_226 : i32
            %get3A_288 = arith.index_cast %sub3A_287 : i32 to index
            %get3A_289 = arith.constant 0 : index
            %get3A_290 = tpu.vector_load %arg13[%get3A_288, %get3A_289] {strides = array<i32>} : memref<128x128xf32, #tpu.memory_space<vmem>>, vector<1x16xf32>,
            %get3A_291 = vector.shape_cast %get3A_290 : vector<1x16xf32> to vector<16xf32>
            %swap3A = arith.index_cast %while3A_261 : i32 to index
            %swap3A_292 = arith.constant 0 : index
            %swap3A_293 = tpu.vector_load %arg14[%swap3A, %swap3A_292] {strides = array<i32>} : memref<320x128xf32, #tpu.memory_space<vmem>>, vector<1x16xf32>,
            %swap3A_294 = vector.shape_cast %swap3A_293 : vector<1x16xf32> to vector<16xf32>
            %swap3A_295 = vector.shape_cast %get3A_291 : vector<16xf32> to vector<1x16xf32>
            tpu.vector_store %arg14[%swap3A, %swap3A_292], %swap3A_295 {add = true, strides = array<i32>} : memref<320x128xf32, #tpu.memory_space<vmem>>, vector<1x16xf32>,
            %get3A_296 = arith.index_cast %sub3A_287 : i32 to index
            %get3A_297 = arith.constant 16 : index
            %get3A_298 = tpu.vector_load %arg13[%get3A_296, %get3A_297] {strides = array<i32>} : memref<128x128xf32, #tpu.memory_space<vmem>>, vector<1x16xf32>,
            %get3A_299 = vector.shape_cast %get3A_298 : vector<1x16xf32> to vector<16xf32>
            %swap3A_300 = arith.index_cast %while3A_261 : i32 to index
            %swap3A_301 = arith.constant 16 : index
            %swap3A_302 = tpu.vector_load %arg14[%swap3A_300, %swap3A_301] {strides = array<i32>} : memref<320x128xf32, #tpu.memory_space<vmem>>, vector<1x16xf32>,
            %swap3A_303 = vector.shape_cast %swap3A_302 : vector<1x16xf32> to vector<16xf32>
            %swap3A_304 = vector.shape_cast %get3A_299 : vector<16xf32> to vector<1x16xf32>
            tpu.vector_store %arg14[%swap3A_300, %swap3A_301], %swap3A_304 {add = true, strides = array<i32>} : memref<320x128xf32, #tpu.memory_space<vmem>>, vector<1x16xf32>,
            %get3A_305 = arith.index_cast %sub3A_287 : i32 to index
            %get3A_306 = arith.constant 32 : index
            %get3A_307 = tpu.vector_load %arg13[%get3A_305, %get3A_306] {strides = array<i32>} : memref<128x128xf32, #tpu.memory_space<vmem>>, vector<1x16xf32>,
            %get3A_308 = vector.shape_cast %get3A_307 : vector<1x16xf32> to vector<16xf32>
            %swap3A_309 = arith.index_cast %while3A_261 : i32 to index
            %swap3A_310 = arith.constant 32 : index
            %swap3A_311 = tpu.vector_load %arg14[%swap3A_309, %swap3A_310] {strides = array<i32>} : memref<320x128xf32, #tpu.memory_space<vmem>>, vector<1x16xf32>,
            %swap3A_312 = vector.shape_cast %swap3A_311 : vector<1x16xf32> to vector<16xf32>
            %swap3A_313 = vector.shape_cast %get3A_308 : vector<16xf32> to vector<1x16xf32>
            tpu.vector_store %arg14[%swap3A_309, %swap3A_310], %swap3A_313 {add = true, strides = array<i32>} : memref<320x128xf32, #tpu.memory_space<vmem>>, vector<1x16xf32>,
            %get3A_314 = arith.index_cast %sub3A_287 : i32 to index
            %get3A_315 = arith.constant 48 : index
            %get3A_316 = tpu.vector_load %arg13[%get3A_314, %get3A_315] {strides = array<i32>} : memref<128x128xf32, #tpu.memory_space<vmem>>, vector<1x16xf32>,
            %get3A_317 = vector.shape_cast %get3A_316 : vector<1x16xf32> to vector<16xf32>
            %swap3A_318 = arith.index_cast %while3A_261 : i32 to index
            %swap3A_319 = arith.constant 48 : index
            %swap3A_320 = tpu.vector_load %arg14[%swap3A_318, %swap3A_319] {strides = array<i32>} : memref<320x128xf32, #tpu.memory_space<vmem>>, vector<1x16xf32>,
            %swap3A_321 = vector.shape_cast %swap3A_320 : vector<1x16xf32> to vector<16xf32>
            %swap3A_322 = vector.shape_cast %get3A_317 : vector<16xf32> to vector<1x16xf32>
            tpu.vector_store %arg14[%swap3A_318, %swap3A_319], %swap3A_322 {add = true, strides = array<i32>} : memref<320x128xf32, #tpu.memory_space<vmem>>, vector<1x16xf32>,
            %get3A_323 = arith.index_cast %sub3A_287 : i32 to index
            %get3A_324 = arith.constant 64 : index
            %get3A_325 = tpu.vector_load %arg13[%get3A_323, %get3A_324] {strides = array<i32>} : memref<128x128xf32, #tpu.memory_space<vmem>>, vector<1x16xf32>,
            %get3A_326 = vector.shape_cast %get3A_325 : vector<1x16xf32> to vector<16xf32>
            %swap3A_327 = arith.index_cast %while3A_261 : i32 to index
            %swap3A_328 = arith.constant 64 : index
            %swap3A_329 = tpu.vector_load %arg14[%swap3A_327, %swap3A_328] {strides = array<i32>} : memref<320x128xf32, #tpu.memory_space<vmem>>, vector<1x16xf32>,
            %swap3A_330 = vector.shape_cast %swap3A_329 : vector<1x16xf32> to vector<16xf32>
            %swap3A_331 = vector.shape_cast %get3A_326 : vector<16xf32> to vector<1x16xf32>
            tpu.vector_store %arg14[%swap3A_327, %swap3A_328], %swap3A_331 {add = true, strides = array<i32>} : memref<320x128xf32, #tpu.memory_space<vmem>>, vector<1x16xf32>,
            %get3A_332 = arith.index_cast %sub3A_287 : i32 to index
            %get3A_333 = arith.constant 80 : index
            %get3A_334 = tpu.vector_load %arg13[%get3A_332, %get3A_333] {strides = array<i32>} : memref<128x128xf32, #tpu.memory_space<vmem>>, vector<1x16xf32>,
            %get3A_335 = vector.shape_cast %get3A_334 : vector<1x16xf32> to vector<16xf32>
            %swap3A_336 = arith.index_cast %while3A_261 : i32 to index
            %swap3A_337 = arith.constant 80 : index
            %swap3A_338 = tpu.vector_load %arg14[%swap3A_336, %swap3A_337] {strides = array<i32>} : memref<320x128xf32, #tpu.memory_space<vmem>>, vector<1x16xf32>,
            %swap3A_339 = vector.shape_cast %swap3A_338 : vector<1x16xf32> to vector<16xf32>
            %swap3A_340 = vector.shape_cast %get3A_335 : vector<16xf32> to vector<1x16xf32>
            tpu.vector_store %arg14[%swap3A_336, %swap3A_337], %swap3A_340 {add = true, strides = array<i32>} : memref<320x128xf32, #tpu.memory_space<vmem>>, vector<1x16xf32>,
            %get3A_341 = arith.index_cast %sub3A_287 : i32 to index
            %get3A_342 = arith.constant 96 : index
            %get3A_343 = tpu.vector_load %arg13[%get3A_341, %get3A_342] {strides = array<i32>} : memref<128x128xf32, #tpu.memory_space<vmem>>, vector<1x16xf32>,
            %get3A_344 = vector.shape_cast %get3A_343 : vector<1x16xf32> to vector<16xf32>
            %swap3A_345 = arith.index_cast %while3A_261 : i32 to index
            %swap3A_346 = arith.constant 96 : index
            %swap3A_347 = tpu.vector_load %arg14[%swap3A_345, %swap3A_346] {strides = array<i32>} : memref<320x128xf32, #tpu.memory_space<vmem>>, vector<1x16xf32>,
            %swap3A_348 = vector.shape_cast %swap3A_347 : vector<1x16xf32> to vector<16xf32>
            %swap3A_349 = vector.shape_cast %get3A_344 : vector<16xf32> to vector<1x16xf32>
            tpu.vector_store %arg14[%swap3A_345, %swap3A_346], %swap3A_349 {add = true, strides = array<i32>} : memref<320x128xf32, #tpu.memory_space<vmem>>, vector<1x16xf32>,
            %get3A_350 = arith.index_cast %sub3A_287 : i32 to index
            %get3A_351 = arith.constant 112 : index
            %get3A_352 = tpu.vector_load %arg13[%get3A_350, %get3A_351] {strides = array<i32>} : memref<128x128xf32, #tpu.memory_space<vmem>>, vector<1x16xf32>,
            %get3A_353 = vector.shape_cast %get3A_352 : vector<1x16xf32> to vector<16xf32>
            %swap3A_354 = arith.index_cast %while3A_261 : i32 to index
            %swap3A_355 = arith.constant 112 : index
            %swap3A_356 = tpu.vector_load %arg14[%swap3A_354, %swap3A_355] {strides = array<i32>} : memref<320x128xf32, #tpu.memory_space<vmem>>, vector<1x16xf32>,
            %swap3A_357 = vector.shape_cast %swap3A_356 : vector<1x16xf32> to vector<16xf32>
            %swap3A_358 = vector.shape_cast %get3A_353 : vector<16xf32> to vector<1x16xf32>
            tpu.vector_store %arg14[%swap3A_354, %swap3A_355], %swap3A_358 {add = true, strides = array<i32>} : memref<320x128xf32, #tpu.memory_space<vmem>>, vector<1x16xf32>,
          }
        }
        %while3A_260 = arith.constant 1 : i32
        scf.for %while3A_261 = %while3A_258 to %while3A_254 step %while3A_260  : i32 {
          %get3A_262 = arith.index_cast %while3A_261 : i32 to index
          %get3A_263 = tpu.vector_load %arg8[%get3A_262] {strides = array<i32>} : memref<344xi32, #tpu.memory_space<vmem>>, vector<16xi32>,
          %get3A_264 = vector.shape_cast %get3A_263 : vector<16xi32> to vector<16xi32>
          %slice3A_265 = vector.extract_strided_slice %get3A_264 {offsets = [0], sizes = [1], strides = [1]} : vector<16xi32> to vector<1xi32>
          %squeeze3A_266 = vector.extract %slice3A_265[0] : i32 from vector<1xi32>
          %max3A_267 = arith.maxsi %squeeze3A_266, %mul3A_226 : i32
          %add3A_268 = arith.constant 1 : i32
          %add3A_269 = arith.addi %while3A_261, %add3A_268 : i32
          %get3A_270 = arith.index_cast %add3A_269 : i32 to index
          %get3A_271 = tpu.vector_load %arg8[%get3A_270] {strides = array<i32>} : memref<344xi32, #tpu.memory_space<vmem>>, vector<16xi32>,
          %get3A_272 = vector.shape_cast %get3A_271 : vector<16xi32> to vector<16xi32>
          %slice3A_273 = vector.extract_strided_slice %get3A_272 {offsets = [0], sizes = [1], strides = [1]} : vector<16xi32> to vector<1xi32>
          %squeeze3A_274 = vector.extract %slice3A_273[0] : i32 from vector<1xi32>
          %add3A_275 = arith.constant 128 : i32
          %add3A_276 = arith.addi %mul3A_226, %add3A_275 : i32
          %min3A_277 = arith.minsi %squeeze3A_274, %add3A_276 : i32
          %while3A_278 = arith.subi %min3A_277, %max3A_267 : i32
          %while3A_279 = arith.addi %max3A_267, %while3A_278 : i32
          %while3A_280 = arith.constant 1 : i32
          %while3A_281 = arith.divsi %while3A_278, %while3A_280 : i32
          %while3A_282 = arith.muli %while3A_281, %while3A_280 : i32
          %while3A_283 = arith.addi %max3A_267, %while3A_282 : i32
          %while3A_284 = arith.constant 1 : i32
          scf.for %while3A_286 = %max3A_267 to %while3A_283 step %while3A_284  : i32 {
            %sub3A_287 = arith.subi %while3A_286, %mul3A_226 : i32
            %get3A_288 = arith.index_cast %sub3A_287 : i32 to index
            %get3A_289 = arith.constant 0 : index
            %get3A_290 = tpu.vector_load %arg13[%get3A_288, %get3A_289] {strides = array<i32>} : memref<128x128xf32, #tpu.memory_space<vmem>>, vector<1x16xf32>,
            %get3A_291 = vector.shape_cast %get3A_290 : vector<1x16xf32> to vector<16xf32>
            %swap3A = arith.index_cast %while3A_261 : i32 to index
            %swap3A_292 = arith.constant 0 : index
            %swap3A_293 = tpu.vector_load %arg14[%swap3A, %swap3A_292] {strides = array<i32>} : memref<320x128xf32, #tpu.memory_space<vmem>>, vector<1x16xf32>,
            %swap3A_294 = vector.shape_cast %swap3A_293 : vector<1x16xf32> to vector<16xf32>
            %swap3A_295 = vector.shape_cast %get3A_291 : vector<16xf32> to vector<1x16xf32>
            tpu.vector_store %arg14[%swap3A, %swap3A_292], %swap3A_295 {add = true, strides = array<i32>} : memref<320x128xf32, #tpu.memory_space<vmem>>, vector<1x16xf32>,
            %get3A_296 = arith.index_cast %sub3A_287 : i32 to index
            %get3A_297 = arith.constant 16 : index
            %get3A_298 = tpu.vector_load %arg13[%get3A_296, %get3A_297] {strides = array<i32>} : memref<128x128xf32, #tpu.memory_space<vmem>>, vector<1x16xf32>,
            %get3A_299 = vector.shape_cast %get3A_298 : vector<1x16xf32> to vector<16xf32>
            %swap3A_300 = arith.index_cast %while3A_261 : i32 to index
            %swap3A_301 = arith.constant 16 : index
            %swap3A_302 = tpu.vector_load %arg14[%swap3A_300, %swap3A_301] {strides = array<i32>} : memref<320x128xf32, #tpu.memory_space<vmem>>, vector<1x16xf32>,
            %swap3A_303 = vector.shape_cast %swap3A_302 : vector<1x16xf32> to vector<16xf32>
            %swap3A_304 = vector.shape_cast %get3A_299 : vector<16xf32> to vector<1x16xf32>
            tpu.vector_store %arg14[%swap3A_300, %swap3A_301], %swap3A_304 {add = true, strides = array<i32>} : memref<320x128xf32, #tpu.memory_space<vmem>>, vector<1x16xf32>,
            %get3A_305 = arith.index_cast %sub3A_287 : i32 to index
            %get3A_306 = arith.constant 32 : index
            %get3A_307 = tpu.vector_load %arg13[%get3A_305, %get3A_306] {strides = array<i32>} : memref<128x128xf32, #tpu.memory_space<vmem>>, vector<1x16xf32>,
            %get3A_308 = vector.shape_cast %get3A_307 : vector<1x16xf32> to vector<16xf32>
            %swap3A_309 = arith.index_cast %while3A_261 : i32 to index
            %swap3A_310 = arith.constant 32 : index
            %swap3A_311 = tpu.vector_load %arg14[%swap3A_309, %swap3A_310] {strides = array<i32>} : memref<320x128xf32, #tpu.memory_space<vmem>>, vector<1x16xf32>,
            %swap3A_312 = vector.shape_cast %swap3A_311 : vector<1x16xf32> to vector<16xf32>
            %swap3A_313 = vector.shape_cast %get3A_308 : vector<16xf32> to vector<1x16xf32>
            tpu.vector_store %arg14[%swap3A_309, %swap3A_310], %swap3A_313 {add = true, strides = array<i32>} : memref<320x128xf32, #tpu.memory_space<vmem>>, vector<1x16xf32>,
            %get3A_314 = arith.index_cast %sub3A_287 : i32 to index
            %get3A_315 = arith.constant 48 : index
            %get3A_316 = tpu.vector_load %arg13[%get3A_314, %get3A_315] {strides = array<i32>} : memref<128x128xf32, #tpu.memory_space<vmem>>, vector<1x16xf32>,
            %get3A_317 = vector.shape_cast %get3A_316 : vector<1x16xf32> to vector<16xf32>
            %swap3A_318 = arith.index_cast %while3A_261 : i32 to index
            %swap3A_319 = arith.constant 48 : index
            %swap3A_320 = tpu.vector_load %arg14[%swap3A_318, %swap3A_319] {strides = array<i32>} : memref<320x128xf32, #tpu.memory_space<vmem>>, vector<1x16xf32>,
            %swap3A_321 = vector.shape_cast %swap3A_320 : vector<1x16xf32> to vector<16xf32>
            %swap3A_322 = vector.shape_cast %get3A_317 : vector<16xf32> to vector<1x16xf32>
            tpu.vector_store %arg14[%swap3A_318, %swap3A_319], %swap3A_322 {add = true, strides = array<i32>} : memref<320x128xf32, #tpu.memory_space<vmem>>, vector<1x16xf32>,
            %get3A_323 = arith.index_cast %sub3A_287 : i32 to index
            %get3A_324 = arith.constant 64 : index
            %get3A_325 = tpu.vector_load %arg13[%get3A_323, %get3A_324] {strides = array<i32>} : memref<128x128xf32, #tpu.memory_space<vmem>>, vector<1x16xf32>,
            %get3A_326 = vector.shape_cast %get3A_325 : vector<1x16xf32> to vector<16xf32>
            %swap3A_327 = arith.index_cast %while3A_261 : i32 to index
            %swap3A_328 = arith.constant 64 : index
            %swap3A_329 = tpu.vector_load %arg14[%swap3A_327, %swap3A_328] {strides = array<i32>} : memref<320x128xf32, #tpu.memory_space<vmem>>, vector<1x16xf32>,
            %swap3A_330 = vector.shape_cast %swap3A_329 : vector<1x16xf32> to vector<16xf32>
            %swap3A_331 = vector.shape_cast %get3A_326 : vector<16xf32> to vector<1x16xf32>
            tpu.vector_store %arg14[%swap3A_327, %swap3A_328], %swap3A_331 {add = true, strides = array<i32>} : memref<320x128xf32, #tpu.memory_space<vmem>>, vector<1x16xf32>,
            %get3A_332 = arith.index_cast %sub3A_287 : i32 to index
            %get3A_333 = arith.constant 80 : index
            %get3A_334 = tpu.vector_load %arg13[%get3A_332, %get3A_333] {strides = array<i32>} : memref<128x128xf32, #tpu.memory_space<vmem>>, vector<1x16xf32>,
            %get3A_335 = vector.shape_cast %get3A_334 : vector<1x16xf32> to vector<16xf32>
            %swap3A_336 = arith.index_cast %while3A_261 : i32 to index
            %swap3A_337 = arith.constant 80 : index
            %swap3A_338 = tpu.vector_load %arg14[%swap3A_336, %swap3A_337] {strides = array<i32>} : memref<320x128xf32, #tpu.memory_space<vmem>>, vector<1x16xf32>,
            %swap3A_339 = vector.shape_cast %swap3A_338 : vector<1x16xf32> to vector<16xf32>
            %swap3A_340 = vector.shape_cast %get3A_335 : vector<16xf32> to vector<1x16xf32>
            tpu.vector_store %arg14[%swap3A_336, %swap3A_337], %swap3A_340 {add = true, strides = array<i32>} : memref<320x128xf32, #tpu.memory_space<vmem>>, vector<1x16xf32>,
            %get3A_341 = arith.index_cast %sub3A_287 : i32 to index
            %get3A_342 = arith.constant 96 : index
            %get3A_343 = tpu.vector_load %arg13[%get3A_341, %get3A_342] {strides = array<i32>} : memref<128x128xf32, #tpu.memory_space<vmem>>, vector<1x16xf32>,
            %get3A_344 = vector.shape_cast %get3A_343 : vector<1x16xf32> to vector<16xf32>
            %swap3A_345 = arith.index_cast %while3A_261 : i32 to index
            %swap3A_346 = arith.constant 96 : index
            %swap3A_347 = tpu.vector_load %arg14[%swap3A_345, %swap3A_346] {strides = array<i32>} : memref<320x128xf32, #tpu.memory_space<vmem>>, vector<1x16xf32>,
            %swap3A_348 = vector.shape_cast %swap3A_347 : vector<1x16xf32> to vector<16xf32>
            %swap3A_349 = vector.shape_cast %get3A_344 : vector<16xf32> to vector<1x16xf32>
            tpu.vector_store %arg14[%swap3A_345, %swap3A_346], %swap3A_349 {add = true, strides = array<i32>} : memref<320x128xf32, #tpu.memory_space<vmem>>, vector<1x16xf32>,
            %get3A_350 = arith.index_cast %sub3A_287 : i32 to index
            %get3A_351 = arith.constant 112 : index
            %get3A_352 = tpu.vector_load %arg13[%get3A_350, %get3A_351] {strides = array<i32>} : memref<128x128xf32, #tpu.memory_space<vmem>>, vector<1x16xf32>,
            %get3A_353 = vector.shape_cast %get3A_352 : vector<1x16xf32> to vector<16xf32>
            %swap3A_354 = arith.index_cast %while3A_261 : i32 to index
            %swap3A_355 = arith.constant 112 : index
            %swap3A_356 = tpu.vector_load %arg14[%swap3A_354, %swap3A_355] {strides = array<i32>} : memref<320x128xf32, #tpu.memory_space<vmem>>, vector<1x16xf32>,
            %swap3A_357 = vector.shape_cast %swap3A_356 : vector<1x16xf32> to vector<16xf32>
            %swap3A_358 = vector.shape_cast %get3A_353 : vector<16xf32> to vector<1x16xf32>
            tpu.vector_store %arg14[%swap3A_354, %swap3A_355], %swap3A_358 {add = true, strides = array<i32>} : memref<320x128xf32, #tpu.memory_space<vmem>>, vector<1x16xf32>,
          }
          %while3A_285 = arith.constant 1 : i32
          scf.for %while3A_286 = %while3A_283 to %while3A_279 step %while3A_285  : i32 {
            %sub3A_287 = arith.subi %while3A_286, %mul3A_226 : i32
            %get3A_288 = arith.index_cast %sub3A_287 : i32 to index
            %get3A_289 = arith.constant 0 : index
            %get3A_290 = tpu.vector_load %arg13[%get3A_288, %get3A_289] {strides = array<i32>} : memref<128x128xf32, #tpu.memory_space<vmem>>, vector<1x16xf32>,
            %get3A_291 = vector.shape_cast %get3A_290 : vector<1x16xf32> to vector<16xf32>
            %swap3A = arith.index_cast %while3A_261 : i32 to index
            %swap3A_292 = arith.constant 0 : index
            %swap3A_293 = tpu.vector_load %arg14[%swap3A, %swap3A_292] {strides = array<i32>} : memref<320x128xf32, #tpu.memory_space<vmem>>, vector<1x16xf32>,
            %swap3A_294 = vector.shape_cast %swap3A_293 : vector<1x16xf32> to vector<16xf32>
            %swap3A_295 = vector.shape_cast %get3A_291 : vector<16xf32> to vector<1x16xf32>
            tpu.vector_store %arg14[%swap3A, %swap3A_292], %swap3A_295 {add = true, strides = array<i32>} : memref<320x128xf32, #tpu.memory_space<vmem>>, vector<1x16xf32>,
            %get3A_296 = arith.index_cast %sub3A_287 : i32 to index
            %get3A_297 = arith.constant 16 : index
            %get3A_298 = tpu.vector_load %arg13[%get3A_296, %get3A_297] {strides = array<i32>} : memref<128x128xf32, #tpu.memory_space<vmem>>, vector<1x16xf32>,
            %get3A_299 = vector.shape_cast %get3A_298 : vector<1x16xf32> to vector<16xf32>
            %swap3A_300 = arith.index_cast %while3A_261 : i32 to index
            %swap3A_301 = arith.constant 16 : index
            %swap3A_302 = tpu.vector_load %arg14[%swap3A_300, %swap3A_301] {strides = array<i32>} : memref<320x128xf32, #tpu.memory_space<vmem>>, vector<1x16xf32>,
            %swap3A_303 = vector.shape_cast %swap3A_302 : vector<1x16xf32> to vector<16xf32>
            %swap3A_304 = vector.shape_cast %get3A_299 : vector<16xf32> to vector<1x16xf32>
            tpu.vector_store %arg14[%swap3A_300, %swap3A_301], %swap3A_304 {add = true, strides = array<i32>} : memref<320x128xf32, #tpu.memory_space<vmem>>, vector<1x16xf32>,
            %get3A_305 = arith.index_cast %sub3A_287 : i32 to index
            %get3A_306 = arith.constant 32 : index
            %get3A_307 = tpu.vector_load %arg13[%get3A_305, %get3A_306] {strides = array<i32>} : memref<128x128xf32, #tpu.memory_space<vmem>>, vector<1x16xf32>,
            %get3A_308 = vector.shape_cast %get3A_307 : vector<1x16xf32> to vector<16xf32>
            %swap3A_309 = arith.index_cast %while3A_261 : i32 to index
            %swap3A_310 = arith.constant 32 : index
            %swap3A_311 = tpu.vector_load %arg14[%swap3A_309, %swap3A_310] {strides = array<i32>} : memref<320x128xf32, #tpu.memory_space<vmem>>, vector<1x16xf32>,
            %swap3A_312 = vector.shape_cast %swap3A_311 : vector<1x16xf32> to vector<16xf32>
            %swap3A_313 = vector.shape_cast %get3A_308 : vector<16xf32> to vector<1x16xf32>
            tpu.vector_store %arg14[%swap3A_309, %swap3A_310], %swap3A_313 {add = true, strides = array<i32>} : memref<320x128xf32, #tpu.memory_space<vmem>>, vector<1x16xf32>,
            %get3A_314 = arith.index_cast %sub3A_287 : i32 to index
            %get3A_315 = arith.constant 48 : index
            %get3A_316 = tpu.vector_load %arg13[%get3A_314, %get3A_315] {strides = array<i32>} : memref<128x128xf32, #tpu.memory_space<vmem>>, vector<1x16xf32>,
            %get3A_317 = vector.shape_cast %get3A_316 : vector<1x16xf32> to vector<16xf32>
            %swap3A_318 = arith.index_cast %while3A_261 : i32 to index
            %swap3A_319 = arith.constant 48 : index
            %swap3A_320 = tpu.vector_load %arg14[%swap3A_318, %swap3A_319] {strides = array<i32>} : memref<320x128xf32, #tpu.memory_space<vmem>>, vector<1x16xf32>,
            %swap3A_321 = vector.shape_cast %swap3A_320 : vector<1x16xf32> to vector<16xf32>
            %swap3A_322 = vector.shape_cast %get3A_317 : vector<16xf32> to vector<1x16xf32>
            tpu.vector_store %arg14[%swap3A_318, %swap3A_319], %swap3A_322 {add = true, strides = array<i32>} : memref<320x128xf32, #tpu.memory_space<vmem>>, vector<1x16xf32>,
            %get3A_323 = arith.index_cast %sub3A_287 : i32 to index
            %get3A_324 = arith.constant 64 : index
            %get3A_325 = tpu.vector_load %arg13[%get3A_323, %get3A_324] {strides = array<i32>} : memref<128x128xf32, #tpu.memory_space<vmem>>, vector<1x16xf32>,
            %get3A_326 = vector.shape_cast %get3A_325 : vector<1x16xf32> to vector<16xf32>
            %swap3A_327 = arith.index_cast %while3A_261 : i32 to index
            %swap3A_328 = arith.constant 64 : index
            %swap3A_329 = tpu.vector_load %arg14[%swap3A_327, %swap3A_328] {strides = array<i32>} : memref<320x128xf32, #tpu.memory_space<vmem>>, vector<1x16xf32>,
            %swap3A_330 = vector.shape_cast %swap3A_329 : vector<1x16xf32> to vector<16xf32>
            %swap3A_331 = vector.shape_cast %get3A_326 : vector<16xf32> to vector<1x16xf32>
            tpu.vector_store %arg14[%swap3A_327, %swap3A_328], %swap3A_331 {add = true, strides = array<i32>} : memref<320x128xf32, #tpu.memory_space<vmem>>, vector<1x16xf32>,
            %get3A_332 = arith.index_cast %sub3A_287 : i32 to index
            %get3A_333 = arith.constant 80 : index
            %get3A_334 = tpu.vector_load %arg13[%get3A_332, %get3A_333] {strides = array<i32>} : memref<128x128xf32, #tpu.memory_space<vmem>>, vector<1x16xf32>,
            %get3A_335 = vector.shape_cast %get3A_334 : vector<1x16xf32> to vector<16xf32>
            %swap3A_336 = arith.index_cast %while3A_261 : i32 to index
            %swap3A_337 = arith.constant 80 : index
            %swap3A_338 = tpu.vector_load %arg14[%swap3A_336, %swap3A_337] {strides = array<i32>} : memref<320x128xf32, #tpu.memory_space<vmem>>, vector<1x16xf32>,
            %swap3A_339 = vector.shape_cast %swap3A_338 : vector<1x16xf32> to vector<16xf32>
            %swap3A_340 = vector.shape_cast %get3A_335 : vector<16xf32> to vector<1x16xf32>
            tpu.vector_store %arg14[%swap3A_336, %swap3A_337], %swap3A_340 {add = true, strides = array<i32>} : memref<320x128xf32, #tpu.memory_space<vmem>>, vector<1x16xf32>,
            %get3A_341 = arith.index_cast %sub3A_287 : i32 to index
            %get3A_342 = arith.constant 96 : index
            %get3A_343 = tpu.vector_load %arg13[%get3A_341, %get3A_342] {strides = array<i32>} : memref<128x128xf32, #tpu.memory_space<vmem>>, vector<1x16xf32>,
            %get3A_344 = vector.shape_cast %get3A_343 : vector<1x16xf32> to vector<16xf32>
            %swap3A_345 = arith.index_cast %while3A_261 : i32 to index
            %swap3A_346 = arith.constant 96 : index
            %swap3A_347 = tpu.vector_load %arg14[%swap3A_345, %swap3A_346] {strides = array<i32>} : memref<320x128xf32, #tpu.memory_space<vmem>>, vector<1x16xf32>,
            %swap3A_348 = vector.shape_cast %swap3A_347 : vector<1x16xf32> to vector<16xf32>
            %swap3A_349 = vector.shape_cast %get3A_344 : vector<16xf32> to vector<1x16xf32>
            tpu.vector_store %arg14[%swap3A_345, %swap3A_346], %swap3A_349 {add = true, strides = array<i32>} : memref<320x128xf32, #tpu.memory_space<vmem>>, vector<1x16xf32>,
            %get3A_350 = arith.index_cast %sub3A_287 : i32 to index
            %get3A_351 = arith.constant 112 : index
            %get3A_352 = tpu.vector_load %arg13[%get3A_350, %get3A_351] {strides = array<i32>} : memref<128x128xf32, #tpu.memory_space<vmem>>, vector<1x16xf32>,
            %get3A_353 = vector.shape_cast %get3A_352 : vector<1x16xf32> to vector<16xf32>
            %swap3A_354 = arith.index_cast %while3A_261 : i32 to index
            %swap3A_355 = arith.constant 112 : index
            %swap3A_356 = tpu.vector_load %arg14[%swap3A_354, %swap3A_355] {strides = array<i32>} : memref<320x128xf32, #tpu.memory_space<vmem>>, vector<1x16xf32>,
            %swap3A_357 = vector.shape_cast %swap3A_356 : vector<1x16xf32> to vector<16xf32>
            %swap3A_358 = vector.shape_cast %get3A_353 : vector<16xf32> to vector<1x16xf32>
            tpu.vector_store %arg14[%swap3A_354, %swap3A_355], %swap3A_358 {add = true, strides = array<i32>} : memref<320x128xf32, #tpu.memory_space<vmem>>, vector<1x16xf32>,
          }
        }
      }
      %while3A_147 = arith.constant 1 : i32
      scf.for %while3A_152 = %while3A_145 to %while3A_141 step %while3A_147  : i32 {
        %mul3A_153 = arith.constant 2 : i32
        %mul3A_154 = arith.muli %mul3A_153, %while3A_152 : i32
        %add3A_155 = arith.constant 1 : i32
        %add3A_156 = arith.addi %mul3A_154, %add3A_155 : i32
        %sub3A_157 = arith.constant 1 : i32
        %sub3A_158 = arith.subi %min3A_105, %sub3A_157 : i32
        %min3A_159 = arith.minsi %add3A_156, %sub3A_158 : i32
        %mul3A_160 = arith.constant 128 : i32
        %mul3A_161 = arith.muli %min3A_159, %mul3A_160 : i32
        %dma_start3A_162 = tpu.memref_slice %arg11[%mul3A_161] : memref<16384xi32, #tpu.memory_space<vmem>> -> memref<128xi32, #tpu.memory_space<vmem>>
        %dma_start3A_163 = arith.constant 0 : i32
        %dma_start3A_164 = arith.constant 0 : i32
        %dma_start3A_165 = tpu.memref_slice %arg2[%dma_start3A_163, %dma_start3A_164] : memref<10000x128xf32, #tpu.memory_space<hbm>> -> memref<10000x128xf32, #tpu.memory_space<hbm>>
        tpu.enqueue_indirect_dma source(%dma_start3A_165 : memref<10000x128xf32, #tpu.memory_space<hbm>>) target(%arg13 : memref<128x128xf32, #tpu.memory_space<vmem>>) offsets(%dma_start3A_162 : memref<128xi32, #tpu.memory_space<vmem>>) semaphore(%arg16 : memref<!tpu.dma_semaphore, #tpu.memory_space<semaphore_mem>>)
        %dma_wait3A_166 = arith.constant 0 : i32
        %dma_wait3A_167 = tpu.memref_slice %arg11[%dma_wait3A_166] : memref<16384xi32, #tpu.memory_space<vmem>> -> memref<128xi32, #tpu.memory_space<vmem>>
        %dma_wait3A_168 = arith.constant 0 : i32
        %dma_wait3A_169 = arith.constant 0 : i32
        %dma_wait3A_170 = tpu.memref_slice %arg2[%dma_wait3A_168, %dma_wait3A_169] : memref<10000x128xf32, #tpu.memory_space<hbm>> -> memref<10000x128xf32, #tpu.memory_space<hbm>>
        tpu.wait_indirect_dma semaphore(%arg15 : memref<!tpu.dma_semaphore, #tpu.memory_space<semaphore_mem>>) src(%dma_wait3A_170 : memref<10000x128xf32, #tpu.memory_space<hbm>>) dst(%arg12 : memref<128x128xf32, #tpu.memory_space<vmem>>)
        %add3A_171 = arith.addi %add3A_103, %mul3A_154 : i32
        %lt3A = arith.cmpi slt, %mul3A_154, %min3A_105 : i32
        %mul3A_172 = arith.constant 128 : i32
        %mul3A_173 = arith.muli %add3A_171, %mul3A_172 : i32
        %mul3A_174 = arith.constant 128 : i32
        %mul3A_175 = arith.muli %mul3A_154, %mul3A_174 : i32
        %get3A_176 = arith.index_cast %add3A_171 : i32 to index
        %get3A_177 = tpu.vector_load %arg10[%get3A_176] {strides = array<i32>} : memref<2520xi32, #tpu.memory_space<vmem>>, vector<16xi32>,
        %get3A_178 = vector.shape_cast %get3A_177 : vector<16xi32> to vector<16xi32>
        %slice3A_179 = vector.extract_strided_slice %get3A_178 {offsets = [0], sizes = [1], strides = [1]} : vector<16xi32> to vector<1xi32>
        %squeeze3A_180 = vector.extract %slice3A_179[0] : i32 from vector<1xi32>
        %sub3A_181 = arith.subi %squeeze3A_180, %mul3A_2 : i32
        %max3A = arith.constant 0 : i32
        %max3A_182 = arith.maxsi %sub3A_181, %max3A : i32
        %add3A_183 = arith.constant 1 : i32
        %add3A_184 = arith.addi %add3A_171, %add3A_183 : i32
        %get3A_185 = arith.index_cast %add3A_184 : i32 to index
        %get3A_186 = tpu.vector_load %arg10[%get3A_185] {strides = array<i32>} : memref<2520xi32, #tpu.memory_space<vmem>>, vector<16xi32>,
        %get3A_187 = vector.shape_cast %get3A_186 : vector<16xi32> to vector<16xi32>
        %slice3A_188 = vector.extract_strided_slice %get3A_187 {offsets = [0], sizes = [1], strides = [1]} : vector<16xi32> to vector<1xi32>
        %squeeze3A_189 = vector.extract %slice3A_188[0] : i32 from vector<1xi32>
        %sub3A_190 = arith.subi %squeeze3A_189, %mul3A_2 : i32
        %min3A_191 = arith.constant 319 : i32
        %min3A_192 = arith.minsi %sub3A_190, %min3A_191 : i32
        %sub3A_193 = arith.constant 1 : i32
        %sub3A_194 = arith.subi %max3A_182, %sub3A_193 : i32
        %select_n3A_195 = arith.select %lt3A, %min3A_192, %sub3A_194 : i32
        %add3A_196 = arith.constant 1 : i32
        %add3A_197 = arith.addi %select_n3A_195, %add3A_196 : i32
        %while3A_198 = arith.constant 0 : i32
        %while3A_199 = arith.subi %add3A_197, %max3A_182 : i32
        %while3A_200 = arith.addi %max3A_182, %while3A_199 : i32
        %while3A_201 = arith.constant 1 : i32
        %while3A_202 = arith.divsi %while3A_199, %while3A_201 : i32
        %while3A_203 = arith.muli %while3A_202, %while3A_201 : i32
        %while3A_204 = arith.addi %max3A_182, %while3A_203 : i32
        %while3A_205 = arith.constant 1 : i32
        scf.for %while3A_261 = %max3A_182 to %while3A_204 step %while3A_205  : i32 {
          %get3A_262 = arith.index_cast %while3A_261 : i32 to index
          %get3A_263 = tpu.vector_load %arg8[%get3A_262] {strides = array<i32>} : memref<344xi32, #tpu.memory_space<vmem>>, vector<16xi32>,
          %get3A_264 = vector.shape_cast %get3A_263 : vector<16xi32> to vector<16xi32>
          %slice3A_265 = vector.extract_strided_slice %get3A_264 {offsets = [0], sizes = [1], strides = [1]} : vector<16xi32> to vector<1xi32>
          %squeeze3A_266 = vector.extract %slice3A_265[0] : i32 from vector<1xi32>
          %max3A_267 = arith.maxsi %squeeze3A_266, %mul3A_173 : i32
          %add3A_268 = arith.constant 1 : i32
          %add3A_269 = arith.addi %while3A_261, %add3A_268 : i32
          %get3A_270 = arith.index_cast %add3A_269 : i32 to index
          %get3A_271 = tpu.vector_load %arg8[%get3A_270] {strides = array<i32>} : memref<344xi32, #tpu.memory_space<vmem>>, vector<16xi32>,
          %get3A_272 = vector.shape_cast %get3A_271 : vector<16xi32> to vector<16xi32>
          %slice3A_273 = vector.extract_strided_slice %get3A_272 {offsets = [0], sizes = [1], strides = [1]} : vector<16xi32> to vector<1xi32>
          %squeeze3A_274 = vector.extract %slice3A_273[0] : i32 from vector<1xi32>
          %add3A_275 = arith.constant 128 : i32
          %add3A_276 = arith.addi %mul3A_173, %add3A_275 : i32
          %min3A_277 = arith.minsi %squeeze3A_274, %add3A_276 : i32
          %while3A_278 = arith.subi %min3A_277, %max3A_267 : i32
          %while3A_279 = arith.addi %max3A_267, %while3A_278 : i32
          %while3A_280 = arith.constant 1 : i32
          %while3A_281 = arith.divsi %while3A_278, %while3A_280 : i32
          %while3A_282 = arith.muli %while3A_281, %while3A_280 : i32
          %while3A_283 = arith.addi %max3A_267, %while3A_282 : i32
          %while3A_284 = arith.constant 1 : i32
          scf.for %while3A_286 = %max3A_267 to %while3A_283 step %while3A_284  : i32 {
            %sub3A_287 = arith.subi %while3A_286, %mul3A_173 : i32
            %get3A_288 = arith.index_cast %sub3A_287 : i32 to index
            %get3A_289 = arith.constant 0 : index
            %get3A_290 = tpu.vector_load %arg12[%get3A_288, %get3A_289] {strides = array<i32>} : memref<128x128xf32, #tpu.memory_space<vmem>>, vector<1x16xf32>,
            %get3A_291 = vector.shape_cast %get3A_290 : vector<1x16xf32> to vector<16xf32>
            %swap3A = arith.index_cast %while3A_261 : i32 to index
            %swap3A_292 = arith.constant 0 : index
            %swap3A_293 = tpu.vector_load %arg14[%swap3A, %swap3A_292] {strides = array<i32>} : memref<320x128xf32, #tpu.memory_space<vmem>>, vector<1x16xf32>,
            %swap3A_294 = vector.shape_cast %swap3A_293 : vector<1x16xf32> to vector<16xf32>
            %swap3A_295 = vector.shape_cast %get3A_291 : vector<16xf32> to vector<1x16xf32>
            tpu.vector_store %arg14[%swap3A, %swap3A_292], %swap3A_295 {add = true, strides = array<i32>} : memref<320x128xf32, #tpu.memory_space<vmem>>, vector<1x16xf32>,
            %get3A_296 = arith.index_cast %sub3A_287 : i32 to index
            %get3A_297 = arith.constant 16 : index
            %get3A_298 = tpu.vector_load %arg12[%get3A_296, %get3A_297] {strides = array<i32>} : memref<128x128xf32, #tpu.memory_space<vmem>>, vector<1x16xf32>,
            %get3A_299 = vector.shape_cast %get3A_298 : vector<1x16xf32> to vector<16xf32>
            %swap3A_300 = arith.index_cast %while3A_261 : i32 to index
            %swap3A_301 = arith.constant 16 : index
            %swap3A_302 = tpu.vector_load %arg14[%swap3A_300, %swap3A_301] {strides = array<i32>} : memref<320x128xf32, #tpu.memory_space<vmem>>, vector<1x16xf32>,
            %swap3A_303 = vector.shape_cast %swap3A_302 : vector<1x16xf32> to vector<16xf32>
            %swap3A_304 = vector.shape_cast %get3A_299 : vector<16xf32> to vector<1x16xf32>
            tpu.vector_store %arg14[%swap3A_300, %swap3A_301], %swap3A_304 {add = true, strides = array<i32>} : memref<320x128xf32, #tpu.memory_space<vmem>>, vector<1x16xf32>,
            %get3A_305 = arith.index_cast %sub3A_287 : i32 to index
            %get3A_306 = arith.constant 32 : index
            %get3A_307 = tpu.vector_load %arg12[%get3A_305, %get3A_306] {strides = array<i32>} : memref<128x128xf32, #tpu.memory_space<vmem>>, vector<1x16xf32>,
            %get3A_308 = vector.shape_cast %get3A_307 : vector<1x16xf32> to vector<16xf32>
            %swap3A_309 = arith.index_cast %while3A_261 : i32 to index
            %swap3A_310 = arith.constant 32 : index
            %swap3A_311 = tpu.vector_load %arg14[%swap3A_309, %swap3A_310] {strides = array<i32>} : memref<320x128xf32, #tpu.memory_space<vmem>>, vector<1x16xf32>,
            %swap3A_312 = vector.shape_cast %swap3A_311 : vector<1x16xf32> to vector<16xf32>
            %swap3A_313 = vector.shape_cast %get3A_308 : vector<16xf32> to vector<1x16xf32>
            tpu.vector_store %arg14[%swap3A_309, %swap3A_310], %swap3A_313 {add = true, strides = array<i32>} : memref<320x128xf32, #tpu.memory_space<vmem>>, vector<1x16xf32>,
            %get3A_314 = arith.index_cast %sub3A_287 : i32 to index
            %get3A_315 = arith.constant 48 : index
            %get3A_316 = tpu.vector_load %arg12[%get3A_314, %get3A_315] {strides = array<i32>} : memref<128x128xf32, #tpu.memory_space<vmem>>, vector<1x16xf32>,
            %get3A_317 = vector.shape_cast %get3A_316 : vector<1x16xf32> to vector<16xf32>
            %swap3A_318 = arith.index_cast %while3A_261 : i32 to index
            %swap3A_319 = arith.constant 48 : index
            %swap3A_320 = tpu.vector_load %arg14[%swap3A_318, %swap3A_319] {strides = array<i32>} : memref<320x128xf32, #tpu.memory_space<vmem>>, vector<1x16xf32>,
            %swap3A_321 = vector.shape_cast %swap3A_320 : vector<1x16xf32> to vector<16xf32>
            %swap3A_322 = vector.shape_cast %get3A_317 : vector<16xf32> to vector<1x16xf32>
            tpu.vector_store %arg14[%swap3A_318, %swap3A_319], %swap3A_322 {add = true, strides = array<i32>} : memref<320x128xf32, #tpu.memory_space<vmem>>, vector<1x16xf32>,
            %get3A_323 = arith.index_cast %sub3A_287 : i32 to index
            %get3A_324 = arith.constant 64 : index
            %get3A_325 = tpu.vector_load %arg12[%get3A_323, %get3A_324] {strides = array<i32>} : memref<128x128xf32, #tpu.memory_space<vmem>>, vector<1x16xf32>,
            %get3A_326 = vector.shape_cast %get3A_325 : vector<1x16xf32> to vector<16xf32>
            %swap3A_327 = arith.index_cast %while3A_261 : i32 to index
            %swap3A_328 = arith.constant 64 : index
            %swap3A_329 = tpu.vector_load %arg14[%swap3A_327, %swap3A_328] {strides = array<i32>} : memref<320x128xf32, #tpu.memory_space<vmem>>, vector<1x16xf32>,
            %swap3A_330 = vector.shape_cast %swap3A_329 : vector<1x16xf32> to vector<16xf32>
            %swap3A_331 = vector.shape_cast %get3A_326 : vector<16xf32> to vector<1x16xf32>
            tpu.vector_store %arg14[%swap3A_327, %swap3A_328], %swap3A_331 {add = true, strides = array<i32>} : memref<320x128xf32, #tpu.memory_space<vmem>>, vector<1x16xf32>,
            %get3A_332 = arith.index_cast %sub3A_287 : i32 to index
            %get3A_333 = arith.constant 80 : index
            %get3A_334 = tpu.vector_load %arg12[%get3A_332, %get3A_333] {strides = array<i32>} : memref<128x128xf32, #tpu.memory_space<vmem>>, vector<1x16xf32>,
            %get3A_335 = vector.shape_cast %get3A_334 : vector<1x16xf32> to vector<16xf32>
            %swap3A_336 = arith.index_cast %while3A_261 : i32 to index
            %swap3A_337 = arith.constant 80 : index
            %swap3A_338 = tpu.vector_load %arg14[%swap3A_336, %swap3A_337] {strides = array<i32>} : memref<320x128xf32, #tpu.memory_space<vmem>>, vector<1x16xf32>,
            %swap3A_339 = vector.shape_cast %swap3A_338 : vector<1x16xf32> to vector<16xf32>
            %swap3A_340 = vector.shape_cast %get3A_335 : vector<16xf32> to vector<1x16xf32>
            tpu.vector_store %arg14[%swap3A_336, %swap3A_337], %swap3A_340 {add = true, strides = array<i32>} : memref<320x128xf32, #tpu.memory_space<vmem>>, vector<1x16xf32>,
            %get3A_341 = arith.index_cast %sub3A_287 : i32 to index
            %get3A_342 = arith.constant 96 : index
            %get3A_343 = tpu.vector_load %arg12[%get3A_341, %get3A_342] {strides = array<i32>} : memref<128x128xf32, #tpu.memory_space<vmem>>, vector<1x16xf32>,
            %get3A_344 = vector.shape_cast %get3A_343 : vector<1x16xf32> to vector<16xf32>
            %swap3A_345 = arith.index_cast %while3A_261 : i32 to index
            %swap3A_346 = arith.constant 96 : index
            %swap3A_347 = tpu.vector_load %arg14[%swap3A_345, %swap3A_346] {strides = array<i32>} : memref<320x128xf32, #tpu.memory_space<vmem>>, vector<1x16xf32>,
            %swap3A_348 = vector.shape_cast %swap3A_347 : vector<1x16xf32> to vector<16xf32>
            %swap3A_349 = vector.shape_cast %get3A_344 : vector<16xf32> to vector<1x16xf32>
            tpu.vector_store %arg14[%swap3A_345, %swap3A_346], %swap3A_349 {add = true, strides = array<i32>} : memref<320x128xf32, #tpu.memory_space<vmem>>, vector<1x16xf32>,
            %get3A_350 = arith.index_cast %sub3A_287 : i32 to index
            %get3A_351 = arith.constant 112 : index
            %get3A_352 = tpu.vector_load %arg12[%get3A_350, %get3A_351] {strides = array<i32>} : memref<128x128xf32, #tpu.memory_space<vmem>>, vector<1x16xf32>,
            %get3A_353 = vector.shape_cast %get3A_352 : vector<1x16xf32> to vector<16xf32>
            %swap3A_354 = arith.index_cast %while3A_261 : i32 to index
            %swap3A_355 = arith.constant 112 : index
            %swap3A_356 = tpu.vector_load %arg14[%swap3A_354, %swap3A_355] {strides = array<i32>} : memref<320x128xf32, #tpu.memory_space<vmem>>, vector<1x16xf32>,
            %swap3A_357 = vector.shape_cast %swap3A_356 : vector<1x16xf32> to vector<16xf32>
            %swap3A_358 = vector.shape_cast %get3A_353 : vector<16xf32> to vector<1x16xf32>
            tpu.vector_store %arg14[%swap3A_354, %swap3A_355], %swap3A_358 {add = true, strides = array<i32>} : memref<320x128xf32, #tpu.memory_space<vmem>>, vector<1x16xf32>,
          }
          %while3A_285 = arith.constant 1 : i32
          scf.for %while3A_286 = %while3A_283 to %while3A_279 step %while3A_285  : i32 {
            %sub3A_287 = arith.subi %while3A_286, %mul3A_173 : i32
            %get3A_288 = arith.index_cast %sub3A_287 : i32 to index
            %get3A_289 = arith.constant 0 : index
            %get3A_290 = tpu.vector_load %arg12[%get3A_288, %get3A_289] {strides = array<i32>} : memref<128x128xf32, #tpu.memory_space<vmem>>, vector<1x16xf32>,
            %get3A_291 = vector.shape_cast %get3A_290 : vector<1x16xf32> to vector<16xf32>
            %swap3A = arith.index_cast %while3A_261 : i32 to index
            %swap3A_292 = arith.constant 0 : index
            %swap3A_293 = tpu.vector_load %arg14[%swap3A, %swap3A_292] {strides = array<i32>} : memref<320x128xf32, #tpu.memory_space<vmem>>, vector<1x16xf32>,
            %swap3A_294 = vector.shape_cast %swap3A_293 : vector<1x16xf32> to vector<16xf32>
            %swap3A_295 = vector.shape_cast %get3A_291 : vector<16xf32> to vector<1x16xf32>
            tpu.vector_store %arg14[%swap3A, %swap3A_292], %swap3A_295 {add = true, strides = array<i32>} : memref<320x128xf32, #tpu.memory_space<vmem>>, vector<1x16xf32>,
            %get3A_296 = arith.index_cast %sub3A_287 : i32 to index
            %get3A_297 = arith.constant 16 : index
            %get3A_298 = tpu.vector_load %arg12[%get3A_296, %get3A_297] {strides = array<i32>} : memref<128x128xf32, #tpu.memory_space<vmem>>, vector<1x16xf32>,
            %get3A_299 = vector.shape_cast %get3A_298 : vector<1x16xf32> to vector<16xf32>
            %swap3A_300 = arith.index_cast %while3A_261 : i32 to index
            %swap3A_301 = arith.constant 16 : index
            %swap3A_302 = tpu.vector_load %arg14[%swap3A_300, %swap3A_301] {strides = array<i32>} : memref<320x128xf32, #tpu.memory_space<vmem>>, vector<1x16xf32>,
            %swap3A_303 = vector.shape_cast %swap3A_302 : vector<1x16xf32> to vector<16xf32>
            %swap3A_304 = vector.shape_cast %get3A_299 : vector<16xf32> to vector<1x16xf32>
            tpu.vector_store %arg14[%swap3A_300, %swap3A_301], %swap3A_304 {add = true, strides = array<i32>} : memref<320x128xf32, #tpu.memory_space<vmem>>, vector<1x16xf32>,
            %get3A_305 = arith.index_cast %sub3A_287 : i32 to index
            %get3A_306 = arith.constant 32 : index
            %get3A_307 = tpu.vector_load %arg12[%get3A_305, %get3A_306] {strides = array<i32>} : memref<128x128xf32, #tpu.memory_space<vmem>>, vector<1x16xf32>,
            %get3A_308 = vector.shape_cast %get3A_307 : vector<1x16xf32> to vector<16xf32>
            %swap3A_309 = arith.index_cast %while3A_261 : i32 to index
            %swap3A_310 = arith.constant 32 : index
            %swap3A_311 = tpu.vector_load %arg14[%swap3A_309, %swap3A_310] {strides = array<i32>} : memref<320x128xf32, #tpu.memory_space<vmem>>, vector<1x16xf32>,
            %swap3A_312 = vector.shape_cast %swap3A_311 : vector<1x16xf32> to vector<16xf32>
            %swap3A_313 = vector.shape_cast %get3A_308 : vector<16xf32> to vector<1x16xf32>
            tpu.vector_store %arg14[%swap3A_309, %swap3A_310], %swap3A_313 {add = true, strides = array<i32>} : memref<320x128xf32, #tpu.memory_space<vmem>>, vector<1x16xf32>,
            %get3A_314 = arith.index_cast %sub3A_287 : i32 to index
            %get3A_315 = arith.constant 48 : index
            %get3A_316 = tpu.vector_load %arg12[%get3A_314, %get3A_315] {strides = array<i32>} : memref<128x128xf32, #tpu.memory_space<vmem>>, vector<1x16xf32>,
            %get3A_317 = vector.shape_cast %get3A_316 : vector<1x16xf32> to vector<16xf32>
            %swap3A_318 = arith.index_cast %while3A_261 : i32 to index
            %swap3A_319 = arith.constant 48 : index
            %swap3A_320 = tpu.vector_load %arg14[%swap3A_318, %swap3A_319] {strides = array<i32>} : memref<320x128xf32, #tpu.memory_space<vmem>>, vector<1x16xf32>,
            %swap3A_321 = vector.shape_cast %swap3A_320 : vector<1x16xf32> to vector<16xf32>
            %swap3A_322 = vector.shape_cast %get3A_317 : vector<16xf32> to vector<1x16xf32>
            tpu.vector_store %arg14[%swap3A_318, %swap3A_319], %swap3A_322 {add = true, strides = array<i32>} : memref<320x128xf32, #tpu.memory_space<vmem>>, vector<1x16xf32>,
            %get3A_323 = arith.index_cast %sub3A_287 : i32 to index
            %get3A_324 = arith.constant 64 : index
            %get3A_325 = tpu.vector_load %arg12[%get3A_323, %get3A_324] {strides = array<i32>} : memref<128x128xf32, #tpu.memory_space<vmem>>, vector<1x16xf32>,
            %get3A_326 = vector.shape_cast %get3A_325 : vector<1x16xf32> to vector<16xf32>
            %swap3A_327 = arith.index_cast %while3A_261 : i32 to index
            %swap3A_328 = arith.constant 64 : index
            %swap3A_329 = tpu.vector_load %arg14[%swap3A_327, %swap3A_328] {strides = array<i32>} : memref<320x128xf32, #tpu.memory_space<vmem>>, vector<1x16xf32>,
            %swap3A_330 = vector.shape_cast %swap3A_329 : vector<1x16xf32> to vector<16xf32>
            %swap3A_331 = vector.shape_cast %get3A_326 : vector<16xf32> to vector<1x16xf32>
            tpu.vector_store %arg14[%swap3A_327, %swap3A_328], %swap3A_331 {add = true, strides = array<i32>} : memref<320x128xf32, #tpu.memory_space<vmem>>, vector<1x16xf32>,
            %get3A_332 = arith.index_cast %sub3A_287 : i32 to index
            %get3A_333 = arith.constant 80 : index
            %get3A_334 = tpu.vector_load %arg12[%get3A_332, %get3A_333] {strides = array<i32>} : memref<128x128xf32, #tpu.memory_space<vmem>>, vector<1x16xf32>,
            %get3A_335 = vector.shape_cast %get3A_334 : vector<1x16xf32> to vector<16xf32>
            %swap3A_336 = arith.index_cast %while3A_261 : i32 to index
            %swap3A_337 = arith.constant 80 : index
            %swap3A_338 = tpu.vector_load %arg14[%swap3A_336, %swap3A_337] {strides = array<i32>} : memref<320x128xf32, #tpu.memory_space<vmem>>, vector<1x16xf32>,
            %swap3A_339 = vector.shape_cast %swap3A_338 : vector<1x16xf32> to vector<16xf32>
            %swap3A_340 = vector.shape_cast %get3A_335 : vector<16xf32> to vector<1x16xf32>
            tpu.vector_store %arg14[%swap3A_336, %swap3A_337], %swap3A_340 {add = true, strides = array<i32>} : memref<320x128xf32, #tpu.memory_space<vmem>>, vector<1x16xf32>,
            %get3A_341 = arith.index_cast %sub3A_287 : i32 to index
            %get3A_342 = arith.constant 96 : index
            %get3A_343 = tpu.vector_load %arg12[%get3A_341, %get3A_342] {strides = array<i32>} : memref<128x128xf32, #tpu.memory_space<vmem>>, vector<1x16xf32>,
            %get3A_344 = vector.shape_cast %get3A_343 : vector<1x16xf32> to vector<16xf32>
            %swap3A_345 = arith.index_cast %while3A_261 : i32 to index
            %swap3A_346 = arith.constant 96 : index
            %swap3A_347 = tpu.vector_load %arg14[%swap3A_345, %swap3A_346] {strides = array<i32>} : memref<320x128xf32, #tpu.memory_space<vmem>>, vector<1x16xf32>,
            %swap3A_348 = vector.shape_cast %swap3A_347 : vector<1x16xf32> to vector<16xf32>
            %swap3A_349 = vector.shape_cast %get3A_344 : vector<16xf32> to vector<1x16xf32>
            tpu.vector_store %arg14[%swap3A_345, %swap3A_346], %swap3A_349 {add = true, strides = array<i32>} : memref<320x128xf32, #tpu.memory_space<vmem>>, vector<1x16xf32>,
            %get3A_350 = arith.index_cast %sub3A_287 : i32 to index
            %get3A_351 = arith.constant 112 : index
            %get3A_352 = tpu.vector_load %arg12[%get3A_350, %get3A_351] {strides = array<i32>} : memref<128x128xf32, #tpu.memory_space<vmem>>, vector<1x16xf32>,
            %get3A_353 = vector.shape_cast %get3A_352 : vector<1x16xf32> to vector<16xf32>
            %swap3A_354 = arith.index_cast %while3A_261 : i32 to index
            %swap3A_355 = arith.constant 112 : index
            %swap3A_356 = tpu.vector_load %arg14[%swap3A_354, %swap3A_355] {strides = array<i32>} : memref<320x128xf32, #tpu.memory_space<vmem>>, vector<1x16xf32>,
            %swap3A_357 = vector.shape_cast %swap3A_356 : vector<1x16xf32> to vector<16xf32>
            %swap3A_358 = vector.shape_cast %get3A_353 : vector<16xf32> to vector<1x16xf32>
            tpu.vector_store %arg14[%swap3A_354, %swap3A_355], %swap3A_358 {add = true, strides = array<i32>} : memref<320x128xf32, #tpu.memory_space<vmem>>, vector<1x16xf32>,
          }
        }
        %while3A_206 = arith.constant 1 : i32
        scf.for %while3A_261 = %while3A_204 to %while3A_200 step %while3A_206  : i32 {
          %get3A_262 = arith.index_cast %while3A_261 : i32 to index
          %get3A_263 = tpu.vector_load %arg8[%get3A_262] {strides = array<i32>} : memref<344xi32, #tpu.memory_space<vmem>>, vector<16xi32>,
          %get3A_264 = vector.shape_cast %get3A_263 : vector<16xi32> to vector<16xi32>
          %slice3A_265 = vector.extract_strided_slice %get3A_264 {offsets = [0], sizes = [1], strides = [1]} : vector<16xi32> to vector<1xi32>
          %squeeze3A_266 = vector.extract %slice3A_265[0] : i32 from vector<1xi32>
          %max3A_267 = arith.maxsi %squeeze3A_266, %mul3A_173 : i32
          %add3A_268 = arith.constant 1 : i32
          %add3A_269 = arith.addi %while3A_261, %add3A_268 : i32
          %get3A_270 = arith.index_cast %add3A_269 : i32 to index
          %get3A_271 = tpu.vector_load %arg8[%get3A_270] {strides = array<i32>} : memref<344xi32, #tpu.memory_space<vmem>>, vector<16xi32>,
          %get3A_272 = vector.shape_cast %get3A_271 : vector<16xi32> to vector<16xi32>
          %slice3A_273 = vector.extract_strided_slice %get3A_272 {offsets = [0], sizes = [1], strides = [1]} : vector<16xi32> to vector<1xi32>
          %squeeze3A_274 = vector.extract %slice3A_273[0] : i32 from vector<1xi32>
          %add3A_275 = arith.constant 128 : i32
          %add3A_276 = arith.addi %mul3A_173, %add3A_275 : i32
          %min3A_277 = arith.minsi %squeeze3A_274, %add3A_276 : i32
          %while3A_278 = arith.subi %min3A_277, %max3A_267 : i32
          %while3A_279 = arith.addi %max3A_267, %while3A_278 : i32
          %while3A_280 = arith.constant 1 : i32
          %while3A_281 = arith.divsi %while3A_278, %while3A_280 : i32
          %while3A_282 = arith.muli %while3A_281, %while3A_280 : i32
          %while3A_283 = arith.addi %max3A_267, %while3A_282 : i32
          %while3A_284 = arith.constant 1 : i32
          scf.for %while3A_286 = %max3A_267 to %while3A_283 step %while3A_284  : i32 {
            %sub3A_287 = arith.subi %while3A_286, %mul3A_173 : i32
            %get3A_288 = arith.index_cast %sub3A_287 : i32 to index
            %get3A_289 = arith.constant 0 : index
            %get3A_290 = tpu.vector_load %arg12[%get3A_288, %get3A_289] {strides = array<i32>} : memref<128x128xf32, #tpu.memory_space<vmem>>, vector<1x16xf32>,
            %get3A_291 = vector.shape_cast %get3A_290 : vector<1x16xf32> to vector<16xf32>
            %swap3A = arith.index_cast %while3A_261 : i32 to index
            %swap3A_292 = arith.constant 0 : index
            %swap3A_293 = tpu.vector_load %arg14[%swap3A, %swap3A_292] {strides = array<i32>} : memref<320x128xf32, #tpu.memory_space<vmem>>, vector<1x16xf32>,
            %swap3A_294 = vector.shape_cast %swap3A_293 : vector<1x16xf32> to vector<16xf32>
            %swap3A_295 = vector.shape_cast %get3A_291 : vector<16xf32> to vector<1x16xf32>
            tpu.vector_store %arg14[%swap3A, %swap3A_292], %swap3A_295 {add = true, strides = array<i32>} : memref<320x128xf32, #tpu.memory_space<vmem>>, vector<1x16xf32>,
            %get3A_296 = arith.index_cast %sub3A_287 : i32 to index
            %get3A_297 = arith.constant 16 : index
            %get3A_298 = tpu.vector_load %arg12[%get3A_296, %get3A_297] {strides = array<i32>} : memref<128x128xf32, #tpu.memory_space<vmem>>, vector<1x16xf32>,
            %get3A_299 = vector.shape_cast %get3A_298 : vector<1x16xf32> to vector<16xf32>
            %swap3A_300 = arith.index_cast %while3A_261 : i32 to index
            %swap3A_301 = arith.constant 16 : index
            %swap3A_302 = tpu.vector_load %arg14[%swap3A_300, %swap3A_301] {strides = array<i32>} : memref<320x128xf32, #tpu.memory_space<vmem>>, vector<1x16xf32>,
            %swap3A_303 = vector.shape_cast %swap3A_302 : vector<1x16xf32> to vector<16xf32>
            %swap3A_304 = vector.shape_cast %get3A_299 : vector<16xf32> to vector<1x16xf32>
            tpu.vector_store %arg14[%swap3A_300, %swap3A_301], %swap3A_304 {add = true, strides = array<i32>} : memref<320x128xf32, #tpu.memory_space<vmem>>, vector<1x16xf32>,
            %get3A_305 = arith.index_cast %sub3A_287 : i32 to index
            %get3A_306 = arith.constant 32 : index
            %get3A_307 = tpu.vector_load %arg12[%get3A_305, %get3A_306] {strides = array<i32>} : memref<128x128xf32, #tpu.memory_space<vmem>>, vector<1x16xf32>,
            %get3A_308 = vector.shape_cast %get3A_307 : vector<1x16xf32> to vector<16xf32>
            %swap3A_309 = arith.index_cast %while3A_261 : i32 to index
            %swap3A_310 = arith.constant 32 : index
            %swap3A_311 = tpu.vector_load %arg14[%swap3A_309, %swap3A_310] {strides = array<i32>} : memref<320x128xf32, #tpu.memory_space<vmem>>, vector<1x16xf32>,
            %swap3A_312 = vector.shape_cast %swap3A_311 : vector<1x16xf32> to vector<16xf32>
            %swap3A_313 = vector.shape_cast %get3A_308 : vector<16xf32> to vector<1x16xf32>
            tpu.vector_store %arg14[%swap3A_309, %swap3A_310], %swap3A_313 {add = true, strides = array<i32>} : memref<320x128xf32, #tpu.memory_space<vmem>>, vector<1x16xf32>,
            %get3A_314 = arith.index_cast %sub3A_287 : i32 to index
            %get3A_315 = arith.constant 48 : index
            %get3A_316 = tpu.vector_load %arg12[%get3A_314, %get3A_315] {strides = array<i32>} : memref<128x128xf32, #tpu.memory_space<vmem>>, vector<1x16xf32>,
            %get3A_317 = vector.shape_cast %get3A_316 : vector<1x16xf32> to vector<16xf32>
            %swap3A_318 = arith.index_cast %while3A_261 : i32 to index
            %swap3A_319 = arith.constant 48 : index
            %swap3A_320 = tpu.vector_load %arg14[%swap3A_318, %swap3A_319] {strides = array<i32>} : memref<320x128xf32, #tpu.memory_space<vmem>>, vector<1x16xf32>,
            %swap3A_321 = vector.shape_cast %swap3A_320 : vector<1x16xf32> to vector<16xf32>
            %swap3A_322 = vector.shape_cast %get3A_317 : vector<16xf32> to vector<1x16xf32>
            tpu.vector_store %arg14[%swap3A_318, %swap3A_319], %swap3A_322 {add = true, strides = array<i32>} : memref<320x128xf32, #tpu.memory_space<vmem>>, vector<1x16xf32>,
            %get3A_323 = arith.index_cast %sub3A_287 : i32 to index
            %get3A_324 = arith.constant 64 : index
            %get3A_325 = tpu.vector_load %arg12[%get3A_323, %get3A_324] {strides = array<i32>} : memref<128x128xf32, #tpu.memory_space<vmem>>, vector<1x16xf32>,
            %get3A_326 = vector.shape_cast %get3A_325 : vector<1x16xf32> to vector<16xf32>
            %swap3A_327 = arith.index_cast %while3A_261 : i32 to index
            %swap3A_328 = arith.constant 64 : index
            %swap3A_329 = tpu.vector_load %arg14[%swap3A_327, %swap3A_328] {strides = array<i32>} : memref<320x128xf32, #tpu.memory_space<vmem>>, vector<1x16xf32>,
            %swap3A_330 = vector.shape_cast %swap3A_329 : vector<1x16xf32> to vector<16xf32>
            %swap3A_331 = vector.shape_cast %get3A_326 : vector<16xf32> to vector<1x16xf32>
            tpu.vector_store %arg14[%swap3A_327, %swap3A_328], %swap3A_331 {add = true, strides = array<i32>} : memref<320x128xf32, #tpu.memory_space<vmem>>, vector<1x16xf32>,
            %get3A_332 = arith.index_cast %sub3A_287 : i32 to index
            %get3A_333 = arith.constant 80 : index
            %get3A_334 = tpu.vector_load %arg12[%get3A_332, %get3A_333] {strides = array<i32>} : memref<128x128xf32, #tpu.memory_space<vmem>>, vector<1x16xf32>,
            %get3A_335 = vector.shape_cast %get3A_334 : vector<1x16xf32> to vector<16xf32>
            %swap3A_336 = arith.index_cast %while3A_261 : i32 to index
            %swap3A_337 = arith.constant 80 : index
            %swap3A_338 = tpu.vector_load %arg14[%swap3A_336, %swap3A_337] {strides = array<i32>} : memref<320x128xf32, #tpu.memory_space<vmem>>, vector<1x16xf32>,
            %swap3A_339 = vector.shape_cast %swap3A_338 : vector<1x16xf32> to vector<16xf32>
            %swap3A_340 = vector.shape_cast %get3A_335 : vector<16xf32> to vector<1x16xf32>
            tpu.vector_store %arg14[%swap3A_336, %swap3A_337], %swap3A_340 {add = true, strides = array<i32>} : memref<320x128xf32, #tpu.memory_space<vmem>>, vector<1x16xf32>,
            %get3A_341 = arith.index_cast %sub3A_287 : i32 to index
            %get3A_342 = arith.constant 96 : index
            %get3A_343 = tpu.vector_load %arg12[%get3A_341, %get3A_342] {strides = array<i32>} : memref<128x128xf32, #tpu.memory_space<vmem>>, vector<1x16xf32>,
            %get3A_344 = vector.shape_cast %get3A_343 : vector<1x16xf32> to vector<16xf32>
            %swap3A_345 = arith.index_cast %while3A_261 : i32 to index
            %swap3A_346 = arith.constant 96 : index
            %swap3A_347 = tpu.vector_load %arg14[%swap3A_345, %swap3A_346] {strides = array<i32>} : memref<320x128xf32, #tpu.memory_space<vmem>>, vector<1x16xf32>,
            %swap3A_348 = vector.shape_cast %swap3A_347 : vector<1x16xf32> to vector<16xf32>
            %swap3A_349 = vector.shape_cast %get3A_344 : vector<16xf32> to vector<1x16xf32>
            tpu.vector_store %arg14[%swap3A_345, %swap3A_346], %swap3A_349 {add = true, strides = array<i32>} : memref<320x128xf32, #tpu.memory_space<vmem>>, vector<1x16xf32>,
            %get3A_350 = arith.index_cast %sub3A_287 : i32 to index
            %get3A_351 = arith.constant 112 : index
            %get3A_352 = tpu.vector_load %arg12[%get3A_350, %get3A_351] {strides = array<i32>} : memref<128x128xf32, #tpu.memory_space<vmem>>, vector<1x16xf32>,
            %get3A_353 = vector.shape_cast %get3A_352 : vector<1x16xf32> to vector<16xf32>
            %swap3A_354 = arith.index_cast %while3A_261 : i32 to index
            %swap3A_355 = arith.constant 112 : index
            %swap3A_356 = tpu.vector_load %arg14[%swap3A_354, %swap3A_355] {strides = array<i32>} : memref<320x128xf32, #tpu.memory_space<vmem>>, vector<1x16xf32>,
            %swap3A_357 = vector.shape_cast %swap3A_356 : vector<1x16xf32> to vector<16xf32>
            %swap3A_358 = vector.shape_cast %get3A_353 : vector<16xf32> to vector<1x16xf32>
            tpu.vector_store %arg14[%swap3A_354, %swap3A_355], %swap3A_358 {add = true, strides = array<i32>} : memref<320x128xf32, #tpu.memory_space<vmem>>, vector<1x16xf32>,
          }
          %while3A_285 = arith.constant 1 : i32
          scf.for %while3A_286 = %while3A_283 to %while3A_279 step %while3A_285  : i32 {
            %sub3A_287 = arith.subi %while3A_286, %mul3A_173 : i32
            %get3A_288 = arith.index_cast %sub3A_287 : i32 to index
            %get3A_289 = arith.constant 0 : index
            %get3A_290 = tpu.vector_load %arg12[%get3A_288, %get3A_289] {strides = array<i32>} : memref<128x128xf32, #tpu.memory_space<vmem>>, vector<1x16xf32>,
            %get3A_291 = vector.shape_cast %get3A_290 : vector<1x16xf32> to vector<16xf32>
            %swap3A = arith.index_cast %while3A_261 : i32 to index
            %swap3A_292 = arith.constant 0 : index
            %swap3A_293 = tpu.vector_load %arg14[%swap3A, %swap3A_292] {strides = array<i32>} : memref<320x128xf32, #tpu.memory_space<vmem>>, vector<1x16xf32>,
            %swap3A_294 = vector.shape_cast %swap3A_293 : vector<1x16xf32> to vector<16xf32>
            %swap3A_295 = vector.shape_cast %get3A_291 : vector<16xf32> to vector<1x16xf32>
            tpu.vector_store %arg14[%swap3A, %swap3A_292], %swap3A_295 {add = true, strides = array<i32>} : memref<320x128xf32, #tpu.memory_space<vmem>>, vector<1x16xf32>,
            %get3A_296 = arith.index_cast %sub3A_287 : i32 to index
            %get3A_297 = arith.constant 16 : index
            %get3A_298 = tpu.vector_load %arg12[%get3A_296, %get3A_297] {strides = array<i32>} : memref<128x128xf32, #tpu.memory_space<vmem>>, vector<1x16xf32>,
            %get3A_299 = vector.shape_cast %get3A_298 : vector<1x16xf32> to vector<16xf32>
            %swap3A_300 = arith.index_cast %while3A_261 : i32 to index
            %swap3A_301 = arith.constant 16 : index
            %swap3A_302 = tpu.vector_load %arg14[%swap3A_300, %swap3A_301] {strides = array<i32>} : memref<320x128xf32, #tpu.memory_space<vmem>>, vector<1x16xf32>,
            %swap3A_303 = vector.shape_cast %swap3A_302 : vector<1x16xf32> to vector<16xf32>
            %swap3A_304 = vector.shape_cast %get3A_299 : vector<16xf32> to vector<1x16xf32>
            tpu.vector_store %arg14[%swap3A_300, %swap3A_301], %swap3A_304 {add = true, strides = array<i32>} : memref<320x128xf32, #tpu.memory_space<vmem>>, vector<1x16xf32>,
            %get3A_305 = arith.index_cast %sub3A_287 : i32 to index
            %get3A_306 = arith.constant 32 : index
            %get3A_307 = tpu.vector_load %arg12[%get3A_305, %get3A_306] {strides = array<i32>} : memref<128x128xf32, #tpu.memory_space<vmem>>, vector<1x16xf32>,
            %get3A_308 = vector.shape_cast %get3A_307 : vector<1x16xf32> to vector<16xf32>
            %swap3A_309 = arith.index_cast %while3A_261 : i32 to index
            %swap3A_310 = arith.constant 32 : index
            %swap3A_311 = tpu.vector_load %arg14[%swap3A_309, %swap3A_310] {strides = array<i32>} : memref<320x128xf32, #tpu.memory_space<vmem>>, vector<1x16xf32>,
            %swap3A_312 = vector.shape_cast %swap3A_311 : vector<1x16xf32> to vector<16xf32>
            %swap3A_313 = vector.shape_cast %get3A_308 : vector<16xf32> to vector<1x16xf32>
            tpu.vector_store %arg14[%swap3A_309, %swap3A_310], %swap3A_313 {add = true, strides = array<i32>} : memref<320x128xf32, #tpu.memory_space<vmem>>, vector<1x16xf32>,
            %get3A_314 = arith.index_cast %sub3A_287 : i32 to index
            %get3A_315 = arith.constant 48 : index
            %get3A_316 = tpu.vector_load %arg12[%get3A_314, %get3A_315] {strides = array<i32>} : memref<128x128xf32, #tpu.memory_space<vmem>>, vector<1x16xf32>,
            %get3A_317 = vector.shape_cast %get3A_316 : vector<1x16xf32> to vector<16xf32>
            %swap3A_318 = arith.index_cast %while3A_261 : i32 to index
            %swap3A_319 = arith.constant 48 : index
            %swap3A_320 = tpu.vector_load %arg14[%swap3A_318, %swap3A_319] {strides = array<i32>} : memref<320x128xf32, #tpu.memory_space<vmem>>, vector<1x16xf32>,
            %swap3A_321 = vector.shape_cast %swap3A_320 : vector<1x16xf32> to vector<16xf32>
            %swap3A_322 = vector.shape_cast %get3A_317 : vector<16xf32> to vector<1x16xf32>
            tpu.vector_store %arg14[%swap3A_318, %swap3A_319], %swap3A_322 {add = true, strides = array<i32>} : memref<320x128xf32, #tpu.memory_space<vmem>>, vector<1x16xf32>,
            %get3A_323 = arith.index_cast %sub3A_287 : i32 to index
            %get3A_324 = arith.constant 64 : index
            %get3A_325 = tpu.vector_load %arg12[%get3A_323, %get3A_324] {strides = array<i32>} : memref<128x128xf32, #tpu.memory_space<vmem>>, vector<1x16xf32>,
            %get3A_326 = vector.shape_cast %get3A_325 : vector<1x16xf32> to vector<16xf32>
            %swap3A_327 = arith.index_cast %while3A_261 : i32 to index
            %swap3A_328 = arith.constant 64 : index
            %swap3A_329 = tpu.vector_load %arg14[%swap3A_327, %swap3A_328] {strides = array<i32>} : memref<320x128xf32, #tpu.memory_space<vmem>>, vector<1x16xf32>,
            %swap3A_330 = vector.shape_cast %swap3A_329 : vector<1x16xf32> to vector<16xf32>
            %swap3A_331 = vector.shape_cast %get3A_326 : vector<16xf32> to vector<1x16xf32>
            tpu.vector_store %arg14[%swap3A_327, %swap3A_328], %swap3A_331 {add = true, strides = array<i32>} : memref<320x128xf32, #tpu.memory_space<vmem>>, vector<1x16xf32>,
            %get3A_332 = arith.index_cast %sub3A_287 : i32 to index
            %get3A_333 = arith.constant 80 : index
            %get3A_334 = tpu.vector_load %arg12[%get3A_332, %get3A_333] {strides = array<i32>} : memref<128x128xf32, #tpu.memory_space<vmem>>, vector<1x16xf32>,
            %get3A_335 = vector.shape_cast %get3A_334 : vector<1x16xf32> to vector<16xf32>
            %swap3A_336 = arith.index_cast %while3A_261 : i32 to index
            %swap3A_337 = arith.constant 80 : index
            %swap3A_338 = tpu.vector_load %arg14[%swap3A_336, %swap3A_337] {strides = array<i32>} : memref<320x128xf32, #tpu.memory_space<vmem>>, vector<1x16xf32>,
            %swap3A_339 = vector.shape_cast %swap3A_338 : vector<1x16xf32> to vector<16xf32>
            %swap3A_340 = vector.shape_cast %get3A_335 : vector<16xf32> to vector<1x16xf32>
            tpu.vector_store %arg14[%swap3A_336, %swap3A_337], %swap3A_340 {add = true, strides = array<i32>} : memref<320x128xf32, #tpu.memory_space<vmem>>, vector<1x16xf32>,
            %get3A_341 = arith.index_cast %sub3A_287 : i32 to index
            %get3A_342 = arith.constant 96 : index
            %get3A_343 = tpu.vector_load %arg12[%get3A_341, %get3A_342] {strides = array<i32>} : memref<128x128xf32, #tpu.memory_space<vmem>>, vector<1x16xf32>,
            %get3A_344 = vector.shape_cast %get3A_343 : vector<1x16xf32> to vector<16xf32>
            %swap3A_345 = arith.index_cast %while3A_261 : i32 to index
            %swap3A_346 = arith.constant 96 : index
            %swap3A_347 = tpu.vector_load %arg14[%swap3A_345, %swap3A_346] {strides = array<i32>} : memref<320x128xf32, #tpu.memory_space<vmem>>, vector<1x16xf32>,
            %swap3A_348 = vector.shape_cast %swap3A_347 : vector<1x16xf32> to vector<16xf32>
            %swap3A_349 = vector.shape_cast %get3A_344 : vector<16xf32> to vector<1x16xf32>
            tpu.vector_store %arg14[%swap3A_345, %swap3A_346], %swap3A_349 {add = true, strides = array<i32>} : memref<320x128xf32, #tpu.memory_space<vmem>>, vector<1x16xf32>,
            %get3A_350 = arith.index_cast %sub3A_287 : i32 to index
            %get3A_351 = arith.constant 112 : index
            %get3A_352 = tpu.vector_load %arg12[%get3A_350, %get3A_351] {strides = array<i32>} : memref<128x128xf32, #tpu.memory_space<vmem>>, vector<1x16xf32>,
            %get3A_353 = vector.shape_cast %get3A_352 : vector<1x16xf32> to vector<16xf32>
            %swap3A_354 = arith.index_cast %while3A_261 : i32 to index
            %swap3A_355 = arith.constant 112 : index
            %swap3A_356 = tpu.vector_load %arg14[%swap3A_354, %swap3A_355] {strides = array<i32>} : memref<320x128xf32, #tpu.memory_space<vmem>>, vector<1x16xf32>,
            %swap3A_357 = vector.shape_cast %swap3A_356 : vector<1x16xf32> to vector<16xf32>
            %swap3A_358 = vector.shape_cast %get3A_353 : vector<16xf32> to vector<1x16xf32>
            tpu.vector_store %arg14[%swap3A_354, %swap3A_355], %swap3A_358 {add = true, strides = array<i32>} : memref<320x128xf32, #tpu.memory_space<vmem>>, vector<1x16xf32>,
          }
        }
        %add3A_207 = arith.constant 2 : i32
        %add3A_208 = arith.addi %mul3A_154, %add3A_207 : i32
        %sub3A_209 = arith.constant 1 : i32
        %sub3A_210 = arith.subi %min3A_105, %sub3A_209 : i32
        %min3A_211 = arith.minsi %add3A_208, %sub3A_210 : i32
        %mul3A_212 = arith.constant 128 : i32
        %mul3A_213 = arith.muli %min3A_211, %mul3A_212 : i32
        %dma_start3A_214 = tpu.memref_slice %arg11[%mul3A_213] : memref<16384xi32, #tpu.memory_space<vmem>> -> memref<128xi32, #tpu.memory_space<vmem>>
        %dma_start3A_215 = arith.constant 0 : i32
        %dma_start3A_216 = arith.constant 0 : i32
        %dma_start3A_217 = tpu.memref_slice %arg2[%dma_start3A_215, %dma_start3A_216] : memref<10000x128xf32, #tpu.memory_space<hbm>> -> memref<10000x128xf32, #tpu.memory_space<hbm>>
        tpu.enqueue_indirect_dma source(%dma_start3A_217 : memref<10000x128xf32, #tpu.memory_space<hbm>>) target(%arg12 : memref<128x128xf32, #tpu.memory_space<vmem>>) offsets(%dma_start3A_214 : memref<128xi32, #tpu.memory_space<vmem>>) semaphore(%arg15 : memref<!tpu.dma_semaphore, #tpu.memory_space<semaphore_mem>>)
        %dma_wait3A_218 = arith.constant 0 : i32
        %dma_wait3A_219 = tpu.memref_slice %arg11[%dma_wait3A_218] : memref<16384xi32, #tpu.memory_space<vmem>> -> memref<128xi32, #tpu.memory_space<vmem>>
        %dma_wait3A_220 = arith.constant 0 : i32
        %dma_wait3A_221 = arith.constant 0 : i32
        %dma_wait3A_222 = tpu.memref_slice %arg2[%dma_wait3A_220, %dma_wait3A_221] : memref<10000x128xf32, #tpu.memory_space<hbm>> -> memref<10000x128xf32, #tpu.memory_space<hbm>>
        tpu.wait_indirect_dma semaphore(%arg16 : memref<!tpu.dma_semaphore, #tpu.memory_space<semaphore_mem>>) src(%dma_wait3A_222 : memref<10000x128xf32, #tpu.memory_space<hbm>>) dst(%arg13 : memref<128x128xf32, #tpu.memory_space<vmem>>)
        %add3A_223 = arith.addi %add3A_103, %min3A_159 : i32
        %lt3A_224 = arith.cmpi slt, %add3A_156, %min3A_105 : i32
        %mul3A_225 = arith.constant 128 : i32
        %mul3A_226 = arith.muli %add3A_223, %mul3A_225 : i32
        %mul3A_227 = arith.constant 128 : i32
        %mul3A_228 = arith.muli %min3A_159, %mul3A_227 : i32
        %get3A_229 = arith.index_cast %add3A_223 : i32 to index
        %get3A_230 = tpu.vector_load %arg10[%get3A_229] {strides = array<i32>} : memref<2520xi32, #tpu.memory_space<vmem>>, vector<16xi32>,
        %get3A_231 = vector.shape_cast %get3A_230 : vector<16xi32> to vector<16xi32>
        %slice3A_232 = vector.extract_strided_slice %get3A_231 {offsets = [0], sizes = [1], strides = [1]} : vector<16xi32> to vector<1xi32>
        %squeeze3A_233 = vector.extract %slice3A_232[0] : i32 from vector<1xi32>
        %sub3A_234 = arith.subi %squeeze3A_233, %mul3A_2 : i32
        %max3A_235 = arith.constant 0 : i32
        %max3A_236 = arith.maxsi %sub3A_234, %max3A_235 : i32
        %add3A_237 = arith.constant 1 : i32
        %add3A_238 = arith.addi %add3A_223, %add3A_237 : i32
        %get3A_239 = arith.index_cast %add3A_238 : i32 to index
        %get3A_240 = tpu.vector_load %arg10[%get3A_239] {strides = array<i32>} : memref<2520xi32, #tpu.memory_space<vmem>>, vector<16xi32>,
        %get3A_241 = vector.shape_cast %get3A_240 : vector<16xi32> to vector<16xi32>
        %slice3A_242 = vector.extract_strided_slice %get3A_241 {offsets = [0], sizes = [1], strides = [1]} : vector<16xi32> to vector<1xi32>
        %squeeze3A_243 = vector.extract %slice3A_242[0] : i32 from vector<1xi32>
        %sub3A_244 = arith.subi %squeeze3A_243, %mul3A_2 : i32
        %min3A_245 = arith.constant 319 : i32
        %min3A_246 = arith.minsi %sub3A_244, %min3A_245 : i32
        %sub3A_247 = arith.constant 1 : i32
        %sub3A_248 = arith.subi %max3A_236, %sub3A_247 : i32
        %select_n3A_249 = arith.select %lt3A_224, %min3A_246, %sub3A_248 : i32
        %add3A_250 = arith.constant 1 : i32
        %add3A_251 = arith.addi %select_n3A_249, %add3A_250 : i32
        %while3A_252 = arith.constant 0 : i32
        %while3A_253 = arith.subi %add3A_251, %max3A_236 : i32
        %while3A_254 = arith.addi %max3A_236, %while3A_253 : i32
        %while3A_255 = arith.constant 1 : i32
        %while3A_256 = arith.divsi %while3A_253, %while3A_255 : i32
        %while3A_257 = arith.muli %while3A_256, %while3A_255 : i32
        %while3A_258 = arith.addi %max3A_236, %while3A_257 : i32
        %while3A_259 = arith.constant 1 : i32
        scf.for %while3A_261 = %max3A_236 to %while3A_258 step %while3A_259  : i32 {
          %get3A_262 = arith.index_cast %while3A_261 : i32 to index
          %get3A_263 = tpu.vector_load %arg8[%get3A_262] {strides = array<i32>} : memref<344xi32, #tpu.memory_space<vmem>>, vector<16xi32>,
          %get3A_264 = vector.shape_cast %get3A_263 : vector<16xi32> to vector<16xi32>
          %slice3A_265 = vector.extract_strided_slice %get3A_264 {offsets = [0], sizes = [1], strides = [1]} : vector<16xi32> to vector<1xi32>
          %squeeze3A_266 = vector.extract %slice3A_265[0] : i32 from vector<1xi32>
          %max3A_267 = arith.maxsi %squeeze3A_266, %mul3A_226 : i32
          %add3A_268 = arith.constant 1 : i32
          %add3A_269 = arith.addi %while3A_261, %add3A_268 : i32
          %get3A_270 = arith.index_cast %add3A_269 : i32 to index
          %get3A_271 = tpu.vector_load %arg8[%get3A_270] {strides = array<i32>} : memref<344xi32, #tpu.memory_space<vmem>>, vector<16xi32>,
          %get3A_272 = vector.shape_cast %get3A_271 : vector<16xi32> to vector<16xi32>
          %slice3A_273 = vector.extract_strided_slice %get3A_272 {offsets = [0], sizes = [1], strides = [1]} : vector<16xi32> to vector<1xi32>
          %squeeze3A_274 = vector.extract %slice3A_273[0] : i32 from vector<1xi32>
          %add3A_275 = arith.constant 128 : i32
          %add3A_276 = arith.addi %mul3A_226, %add3A_275 : i32
          %min3A_277 = arith.minsi %squeeze3A_274, %add3A_276 : i32
          %while3A_278 = arith.subi %min3A_277, %max3A_267 : i32
          %while3A_279 = arith.addi %max3A_267, %while3A_278 : i32
          %while3A_280 = arith.constant 1 : i32
          %while3A_281 = arith.divsi %while3A_278, %while3A_280 : i32
          %while3A_282 = arith.muli %while3A_281, %while3A_280 : i32
          %while3A_283 = arith.addi %max3A_267, %while3A_282 : i32
          %while3A_284 = arith.constant 1 : i32
          scf.for %while3A_286 = %max3A_267 to %while3A_283 step %while3A_284  : i32 {
            %sub3A_287 = arith.subi %while3A_286, %mul3A_226 : i32
            %get3A_288 = arith.index_cast %sub3A_287 : i32 to index
            %get3A_289 = arith.constant 0 : index
            %get3A_290 = tpu.vector_load %arg13[%get3A_288, %get3A_289] {strides = array<i32>} : memref<128x128xf32, #tpu.memory_space<vmem>>, vector<1x16xf32>,
            %get3A_291 = vector.shape_cast %get3A_290 : vector<1x16xf32> to vector<16xf32>
            %swap3A = arith.index_cast %while3A_261 : i32 to index
            %swap3A_292 = arith.constant 0 : index
            %swap3A_293 = tpu.vector_load %arg14[%swap3A, %swap3A_292] {strides = array<i32>} : memref<320x128xf32, #tpu.memory_space<vmem>>, vector<1x16xf32>,
            %swap3A_294 = vector.shape_cast %swap3A_293 : vector<1x16xf32> to vector<16xf32>
            %swap3A_295 = vector.shape_cast %get3A_291 : vector<16xf32> to vector<1x16xf32>
            tpu.vector_store %arg14[%swap3A, %swap3A_292], %swap3A_295 {add = true, strides = array<i32>} : memref<320x128xf32, #tpu.memory_space<vmem>>, vector<1x16xf32>,
            %get3A_296 = arith.index_cast %sub3A_287 : i32 to index
            %get3A_297 = arith.constant 16 : index
            %get3A_298 = tpu.vector_load %arg13[%get3A_296, %get3A_297] {strides = array<i32>} : memref<128x128xf32, #tpu.memory_space<vmem>>, vector<1x16xf32>,
            %get3A_299 = vector.shape_cast %get3A_298 : vector<1x16xf32> to vector<16xf32>
            %swap3A_300 = arith.index_cast %while3A_261 : i32 to index
            %swap3A_301 = arith.constant 16 : index
            %swap3A_302 = tpu.vector_load %arg14[%swap3A_300, %swap3A_301] {strides = array<i32>} : memref<320x128xf32, #tpu.memory_space<vmem>>, vector<1x16xf32>,
            %swap3A_303 = vector.shape_cast %swap3A_302 : vector<1x16xf32> to vector<16xf32>
            %swap3A_304 = vector.shape_cast %get3A_299 : vector<16xf32> to vector<1x16xf32>
            tpu.vector_store %arg14[%swap3A_300, %swap3A_301], %swap3A_304 {add = true, strides = array<i32>} : memref<320x128xf32, #tpu.memory_space<vmem>>, vector<1x16xf32>,
            %get3A_305 = arith.index_cast %sub3A_287 : i32 to index
            %get3A_306 = arith.constant 32 : index
            %get3A_307 = tpu.vector_load %arg13[%get3A_305, %get3A_306] {strides = array<i32>} : memref<128x128xf32, #tpu.memory_space<vmem>>, vector<1x16xf32>,
            %get3A_308 = vector.shape_cast %get3A_307 : vector<1x16xf32> to vector<16xf32>
            %swap3A_309 = arith.index_cast %while3A_261 : i32 to index
            %swap3A_310 = arith.constant 32 : index
            %swap3A_311 = tpu.vector_load %arg14[%swap3A_309, %swap3A_310] {strides = array<i32>} : memref<320x128xf32, #tpu.memory_space<vmem>>, vector<1x16xf32>,
            %swap3A_312 = vector.shape_cast %swap3A_311 : vector<1x16xf32> to vector<16xf32>
            %swap3A_313 = vector.shape_cast %get3A_308 : vector<16xf32> to vector<1x16xf32>
            tpu.vector_store %arg14[%swap3A_309, %swap3A_310], %swap3A_313 {add = true, strides = array<i32>} : memref<320x128xf32, #tpu.memory_space<vmem>>, vector<1x16xf32>,
            %get3A_314 = arith.index_cast %sub3A_287 : i32 to index
            %get3A_315 = arith.constant 48 : index
            %get3A_316 = tpu.vector_load %arg13[%get3A_314, %get3A_315] {strides = array<i32>} : memref<128x128xf32, #tpu.memory_space<vmem>>, vector<1x16xf32>,
            %get3A_317 = vector.shape_cast %get3A_316 : vector<1x16xf32> to vector<16xf32>
            %swap3A_318 = arith.index_cast %while3A_261 : i32 to index
            %swap3A_319 = arith.constant 48 : index
            %swap3A_320 = tpu.vector_load %arg14[%swap3A_318, %swap3A_319] {strides = array<i32>} : memref<320x128xf32, #tpu.memory_space<vmem>>, vector<1x16xf32>,
            %swap3A_321 = vector.shape_cast %swap3A_320 : vector<1x16xf32> to vector<16xf32>
            %swap3A_322 = vector.shape_cast %get3A_317 : vector<16xf32> to vector<1x16xf32>
            tpu.vector_store %arg14[%swap3A_318, %swap3A_319], %swap3A_322 {add = true, strides = array<i32>} : memref<320x128xf32, #tpu.memory_space<vmem>>, vector<1x16xf32>,
            %get3A_323 = arith.index_cast %sub3A_287 : i32 to index
            %get3A_324 = arith.constant 64 : index
            %get3A_325 = tpu.vector_load %arg13[%get3A_323, %get3A_324] {strides = array<i32>} : memref<128x128xf32, #tpu.memory_space<vmem>>, vector<1x16xf32>,
            %get3A_326 = vector.shape_cast %get3A_325 : vector<1x16xf32> to vector<16xf32>
            %swap3A_327 = arith.index_cast %while3A_261 : i32 to index
            %swap3A_328 = arith.constant 64 : index
            %swap3A_329 = tpu.vector_load %arg14[%swap3A_327, %swap3A_328] {strides = array<i32>} : memref<320x128xf32, #tpu.memory_space<vmem>>, vector<1x16xf32>,
            %swap3A_330 = vector.shape_cast %swap3A_329 : vector<1x16xf32> to vector<16xf32>
            %swap3A_331 = vector.shape_cast %get3A_326 : vector<16xf32> to vector<1x16xf32>
            tpu.vector_store %arg14[%swap3A_327, %swap3A_328], %swap3A_331 {add = true, strides = array<i32>} : memref<320x128xf32, #tpu.memory_space<vmem>>, vector<1x16xf32>,
            %get3A_332 = arith.index_cast %sub3A_287 : i32 to index
            %get3A_333 = arith.constant 80 : index
            %get3A_334 = tpu.vector_load %arg13[%get3A_332, %get3A_333] {strides = array<i32>} : memref<128x128xf32, #tpu.memory_space<vmem>>, vector<1x16xf32>,
            %get3A_335 = vector.shape_cast %get3A_334 : vector<1x16xf32> to vector<16xf32>
            %swap3A_336 = arith.index_cast %while3A_261 : i32 to index
            %swap3A_337 = arith.constant 80 : index
            %swap3A_338 = tpu.vector_load %arg14[%swap3A_336, %swap3A_337] {strides = array<i32>} : memref<320x128xf32, #tpu.memory_space<vmem>>, vector<1x16xf32>,
            %swap3A_339 = vector.shape_cast %swap3A_338 : vector<1x16xf32> to vector<16xf32>
            %swap3A_340 = vector.shape_cast %get3A_335 : vector<16xf32> to vector<1x16xf32>
            tpu.vector_store %arg14[%swap3A_336, %swap3A_337], %swap3A_340 {add = true, strides = array<i32>} : memref<320x128xf32, #tpu.memory_space<vmem>>, vector<1x16xf32>,
            %get3A_341 = arith.index_cast %sub3A_287 : i32 to index
            %get3A_342 = arith.constant 96 : index
            %get3A_343 = tpu.vector_load %arg13[%get3A_341, %get3A_342] {strides = array<i32>} : memref<128x128xf32, #tpu.memory_space<vmem>>, vector<1x16xf32>,
            %get3A_344 = vector.shape_cast %get3A_343 : vector<1x16xf32> to vector<16xf32>
            %swap3A_345 = arith.index_cast %while3A_261 : i32 to index
            %swap3A_346 = arith.constant 96 : index
            %swap3A_347 = tpu.vector_load %arg14[%swap3A_345, %swap3A_346] {strides = array<i32>} : memref<320x128xf32, #tpu.memory_space<vmem>>, vector<1x16xf32>,
            %swap3A_348 = vector.shape_cast %swap3A_347 : vector<1x16xf32> to vector<16xf32>
            %swap3A_349 = vector.shape_cast %get3A_344 : vector<16xf32> to vector<1x16xf32>
            tpu.vector_store %arg14[%swap3A_345, %swap3A_346], %swap3A_349 {add = true, strides = array<i32>} : memref<320x128xf32, #tpu.memory_space<vmem>>, vector<1x16xf32>,
            %get3A_350 = arith.index_cast %sub3A_287 : i32 to index
            %get3A_351 = arith.constant 112 : index
            %get3A_352 = tpu.vector_load %arg13[%get3A_350, %get3A_351] {strides = array<i32>} : memref<128x128xf32, #tpu.memory_space<vmem>>, vector<1x16xf32>,
            %get3A_353 = vector.shape_cast %get3A_352 : vector<1x16xf32> to vector<16xf32>
            %swap3A_354 = arith.index_cast %while3A_261 : i32 to index
            %swap3A_355 = arith.constant 112 : index
            %swap3A_356 = tpu.vector_load %arg14[%swap3A_354, %swap3A_355] {strides = array<i32>} : memref<320x128xf32, #tpu.memory_space<vmem>>, vector<1x16xf32>,
            %swap3A_357 = vector.shape_cast %swap3A_356 : vector<1x16xf32> to vector<16xf32>
            %swap3A_358 = vector.shape_cast %get3A_353 : vector<16xf32> to vector<1x16xf32>
            tpu.vector_store %arg14[%swap3A_354, %swap3A_355], %swap3A_358 {add = true, strides = array<i32>} : memref<320x128xf32, #tpu.memory_space<vmem>>, vector<1x16xf32>,
          }
          %while3A_285 = arith.constant 1 : i32
          scf.for %while3A_286 = %while3A_283 to %while3A_279 step %while3A_285  : i32 {
            %sub3A_287 = arith.subi %while3A_286, %mul3A_226 : i32
            %get3A_288 = arith.index_cast %sub3A_287 : i32 to index
            %get3A_289 = arith.constant 0 : index
            %get3A_290 = tpu.vector_load %arg13[%get3A_288, %get3A_289] {strides = array<i32>} : memref<128x128xf32, #tpu.memory_space<vmem>>, vector<1x16xf32>,
            %get3A_291 = vector.shape_cast %get3A_290 : vector<1x16xf32> to vector<16xf32>
            %swap3A = arith.index_cast %while3A_261 : i32 to index
            %swap3A_292 = arith.constant 0 : index
            %swap3A_293 = tpu.vector_load %arg14[%swap3A, %swap3A_292] {strides = array<i32>} : memref<320x128xf32, #tpu.memory_space<vmem>>, vector<1x16xf32>,
            %swap3A_294 = vector.shape_cast %swap3A_293 : vector<1x16xf32> to vector<16xf32>
            %swap3A_295 = vector.shape_cast %get3A_291 : vector<16xf32> to vector<1x16xf32>
            tpu.vector_store %arg14[%swap3A, %swap3A_292], %swap3A_295 {add = true, strides = array<i32>} : memref<320x128xf32, #tpu.memory_space<vmem>>, vector<1x16xf32>,
            %get3A_296 = arith.index_cast %sub3A_287 : i32 to index
            %get3A_297 = arith.constant 16 : index
            %get3A_298 = tpu.vector_load %arg13[%get3A_296, %get3A_297] {strides = array<i32>} : memref<128x128xf32, #tpu.memory_space<vmem>>, vector<1x16xf32>,
            %get3A_299 = vector.shape_cast %get3A_298 : vector<1x16xf32> to vector<16xf32>
            %swap3A_300 = arith.index_cast %while3A_261 : i32 to index
            %swap3A_301 = arith.constant 16 : index
            %swap3A_302 = tpu.vector_load %arg14[%swap3A_300, %swap3A_301] {strides = array<i32>} : memref<320x128xf32, #tpu.memory_space<vmem>>, vector<1x16xf32>,
            %swap3A_303 = vector.shape_cast %swap3A_302 : vector<1x16xf32> to vector<16xf32>
            %swap3A_304 = vector.shape_cast %get3A_299 : vector<16xf32> to vector<1x16xf32>
            tpu.vector_store %arg14[%swap3A_300, %swap3A_301], %swap3A_304 {add = true, strides = array<i32>} : memref<320x128xf32, #tpu.memory_space<vmem>>, vector<1x16xf32>,
            %get3A_305 = arith.index_cast %sub3A_287 : i32 to index
            %get3A_306 = arith.constant 32 : index
            %get3A_307 = tpu.vector_load %arg13[%get3A_305, %get3A_306] {strides = array<i32>} : memref<128x128xf32, #tpu.memory_space<vmem>>, vector<1x16xf32>,
            %get3A_308 = vector.shape_cast %get3A_307 : vector<1x16xf32> to vector<16xf32>
            %swap3A_309 = arith.index_cast %while3A_261 : i32 to index
            %swap3A_310 = arith.constant 32 : index
            %swap3A_311 = tpu.vector_load %arg14[%swap3A_309, %swap3A_310] {strides = array<i32>} : memref<320x128xf32, #tpu.memory_space<vmem>>, vector<1x16xf32>,
            %swap3A_312 = vector.shape_cast %swap3A_311 : vector<1x16xf32> to vector<16xf32>
            %swap3A_313 = vector.shape_cast %get3A_308 : vector<16xf32> to vector<1x16xf32>
            tpu.vector_store %arg14[%swap3A_309, %swap3A_310], %swap3A_313 {add = true, strides = array<i32>} : memref<320x128xf32, #tpu.memory_space<vmem>>, vector<1x16xf32>,
            %get3A_314 = arith.index_cast %sub3A_287 : i32 to index
            %get3A_315 = arith.constant 48 : index
            %get3A_316 = tpu.vector_load %arg13[%get3A_314, %get3A_315] {strides = array<i32>} : memref<128x128xf32, #tpu.memory_space<vmem>>, vector<1x16xf32>,
            %get3A_317 = vector.shape_cast %get3A_316 : vector<1x16xf32> to vector<16xf32>
            %swap3A_318 = arith.index_cast %while3A_261 : i32 to index
            %swap3A_319 = arith.constant 48 : index
            %swap3A_320 = tpu.vector_load %arg14[%swap3A_318, %swap3A_319] {strides = array<i32>} : memref<320x128xf32, #tpu.memory_space<vmem>>, vector<1x16xf32>,
            %swap3A_321 = vector.shape_cast %swap3A_320 : vector<1x16xf32> to vector<16xf32>
            %swap3A_322 = vector.shape_cast %get3A_317 : vector<16xf32> to vector<1x16xf32>
            tpu.vector_store %arg14[%swap3A_318, %swap3A_319], %swap3A_322 {add = true, strides = array<i32>} : memref<320x128xf32, #tpu.memory_space<vmem>>, vector<1x16xf32>,
            %get3A_323 = arith.index_cast %sub3A_287 : i32 to index
            %get3A_324 = arith.constant 64 : index
            %get3A_325 = tpu.vector_load %arg13[%get3A_323, %get3A_324] {strides = array<i32>} : memref<128x128xf32, #tpu.memory_space<vmem>>, vector<1x16xf32>,
            %get3A_326 = vector.shape_cast %get3A_325 : vector<1x16xf32> to vector<16xf32>
            %swap3A_327 = arith.index_cast %while3A_261 : i32 to index
            %swap3A_328 = arith.constant 64 : index
            %swap3A_329 = tpu.vector_load %arg14[%swap3A_327, %swap3A_328] {strides = array<i32>} : memref<320x128xf32, #tpu.memory_space<vmem>>, vector<1x16xf32>,
            %swap3A_330 = vector.shape_cast %swap3A_329 : vector<1x16xf32> to vector<16xf32>
            %swap3A_331 = vector.shape_cast %get3A_326 : vector<16xf32> to vector<1x16xf32>
            tpu.vector_store %arg14[%swap3A_327, %swap3A_328], %swap3A_331 {add = true, strides = array<i32>} : memref<320x128xf32, #tpu.memory_space<vmem>>, vector<1x16xf32>,
            %get3A_332 = arith.index_cast %sub3A_287 : i32 to index
            %get3A_333 = arith.constant 80 : index
            %get3A_334 = tpu.vector_load %arg13[%get3A_332, %get3A_333] {strides = array<i32>} : memref<128x128xf32, #tpu.memory_space<vmem>>, vector<1x16xf32>,
            %get3A_335 = vector.shape_cast %get3A_334 : vector<1x16xf32> to vector<16xf32>
            %swap3A_336 = arith.index_cast %while3A_261 : i32 to index
            %swap3A_337 = arith.constant 80 : index
            %swap3A_338 = tpu.vector_load %arg14[%swap3A_336, %swap3A_337] {strides = array<i32>} : memref<320x128xf32, #tpu.memory_space<vmem>>, vector<1x16xf32>,
            %swap3A_339 = vector.shape_cast %swap3A_338 : vector<1x16xf32> to vector<16xf32>
            %swap3A_340 = vector.shape_cast %get3A_335 : vector<16xf32> to vector<1x16xf32>
            tpu.vector_store %arg14[%swap3A_336, %swap3A_337], %swap3A_340 {add = true, strides = array<i32>} : memref<320x128xf32, #tpu.memory_space<vmem>>, vector<1x16xf32>,
            %get3A_341 = arith.index_cast %sub3A_287 : i32 to index
            %get3A_342 = arith.constant 96 : index
            %get3A_343 = tpu.vector_load %arg13[%get3A_341, %get3A_342] {strides = array<i32>} : memref<128x128xf32, #tpu.memory_space<vmem>>, vector<1x16xf32>,
            %get3A_344 = vector.shape_cast %get3A_343 : vector<1x16xf32> to vector<16xf32>
            %swap3A_345 = arith.index_cast %while3A_261 : i32 to index
            %swap3A_346 = arith.constant 96 : index
            %swap3A_347 = tpu.vector_load %arg14[%swap3A_345, %swap3A_346] {strides = array<i32>} : memref<320x128xf32, #tpu.memory_space<vmem>>, vector<1x16xf32>,
            %swap3A_348 = vector.shape_cast %swap3A_347 : vector<1x16xf32> to vector<16xf32>
            %swap3A_349 = vector.shape_cast %get3A_344 : vector<16xf32> to vector<1x16xf32>
            tpu.vector_store %arg14[%swap3A_345, %swap3A_346], %swap3A_349 {add = true, strides = array<i32>} : memref<320x128xf32, #tpu.memory_space<vmem>>, vector<1x16xf32>,
            %get3A_350 = arith.index_cast %sub3A_287 : i32 to index
            %get3A_351 = arith.constant 112 : index
            %get3A_352 = tpu.vector_load %arg13[%get3A_350, %get3A_351] {strides = array<i32>} : memref<128x128xf32, #tpu.memory_space<vmem>>, vector<1x16xf32>,
            %get3A_353 = vector.shape_cast %get3A_352 : vector<1x16xf32> to vector<16xf32>
            %swap3A_354 = arith.index_cast %while3A_261 : i32 to index
            %swap3A_355 = arith.constant 112 : index
            %swap3A_356 = tpu.vector_load %arg14[%swap3A_354, %swap3A_355] {strides = array<i32>} : memref<320x128xf32, #tpu.memory_space<vmem>>, vector<1x16xf32>,
            %swap3A_357 = vector.shape_cast %swap3A_356 : vector<1x16xf32> to vector<16xf32>
            %swap3A_358 = vector.shape_cast %get3A_353 : vector<16xf32> to vector<1x16xf32>
            tpu.vector_store %arg14[%swap3A_354, %swap3A_355], %swap3A_358 {add = true, strides = array<i32>} : memref<320x128xf32, #tpu.memory_space<vmem>>, vector<1x16xf32>,
          }
        }
        %while3A_260 = arith.constant 1 : i32
        scf.for %while3A_261 = %while3A_258 to %while3A_254 step %while3A_260  : i32 {
          %get3A_262 = arith.index_cast %while3A_261 : i32 to index
          %get3A_263 = tpu.vector_load %arg8[%get3A_262] {strides = array<i32>} : memref<344xi32, #tpu.memory_space<vmem>>, vector<16xi32>,
          %get3A_264 = vector.shape_cast %get3A_263 : vector<16xi32> to vector<16xi32>
          %slice3A_265 = vector.extract_strided_slice %get3A_264 {offsets = [0], sizes = [1], strides = [1]} : vector<16xi32> to vector<1xi32>
          %squeeze3A_266 = vector.extract %slice3A_265[0] : i32 from vector<1xi32>
          %max3A_267 = arith.maxsi %squeeze3A_266, %mul3A_226 : i32
          %add3A_268 = arith.constant 1 : i32
          %add3A_269 = arith.addi %while3A_261, %add3A_268 : i32
          %get3A_270 = arith.index_cast %add3A_269 : i32 to index
          %get3A_271 = tpu.vector_load %arg8[%get3A_270] {strides = array<i32>} : memref<344xi32, #tpu.memory_space<vmem>>, vector<16xi32>,
          %get3A_272 = vector.shape_cast %get3A_271 : vector<16xi32> to vector<16xi32>
          %slice3A_273 = vector.extract_strided_slice %get3A_272 {offsets = [0], sizes = [1], strides = [1]} : vector<16xi32> to vector<1xi32>
          %squeeze3A_274 = vector.extract %slice3A_273[0] : i32 from vector<1xi32>
          %add3A_275 = arith.constant 128 : i32
          %add3A_276 = arith.addi %mul3A_226, %add3A_275 : i32
          %min3A_277 = arith.minsi %squeeze3A_274, %add3A_276 : i32
          %while3A_278 = arith.subi %min3A_277, %max3A_267 : i32
          %while3A_279 = arith.addi %max3A_267, %while3A_278 : i32
          %while3A_280 = arith.constant 1 : i32
          %while3A_281 = arith.divsi %while3A_278, %while3A_280 : i32
          %while3A_282 = arith.muli %while3A_281, %while3A_280 : i32
          %while3A_283 = arith.addi %max3A_267, %while3A_282 : i32
          %while3A_284 = arith.constant 1 : i32
          scf.for %while3A_286 = %max3A_267 to %while3A_283 step %while3A_284  : i32 {
            %sub3A_287 = arith.subi %while3A_286, %mul3A_226 : i32
            %get3A_288 = arith.index_cast %sub3A_287 : i32 to index
            %get3A_289 = arith.constant 0 : index
            %get3A_290 = tpu.vector_load %arg13[%get3A_288, %get3A_289] {strides = array<i32>} : memref<128x128xf32, #tpu.memory_space<vmem>>, vector<1x16xf32>,
            %get3A_291 = vector.shape_cast %get3A_290 : vector<1x16xf32> to vector<16xf32>
            %swap3A = arith.index_cast %while3A_261 : i32 to index
            %swap3A_292 = arith.constant 0 : index
            %swap3A_293 = tpu.vector_load %arg14[%swap3A, %swap3A_292] {strides = array<i32>} : memref<320x128xf32, #tpu.memory_space<vmem>>, vector<1x16xf32>,
            %swap3A_294 = vector.shape_cast %swap3A_293 : vector<1x16xf32> to vector<16xf32>
            %swap3A_295 = vector.shape_cast %get3A_291 : vector<16xf32> to vector<1x16xf32>
            tpu.vector_store %arg14[%swap3A, %swap3A_292], %swap3A_295 {add = true, strides = array<i32>} : memref<320x128xf32, #tpu.memory_space<vmem>>, vector<1x16xf32>,
            %get3A_296 = arith.index_cast %sub3A_287 : i32 to index
            %get3A_297 = arith.constant 16 : index
            %get3A_298 = tpu.vector_load %arg13[%get3A_296, %get3A_297] {strides = array<i32>} : memref<128x128xf32, #tpu.memory_space<vmem>>, vector<1x16xf32>,
            %get3A_299 = vector.shape_cast %get3A_298 : vector<1x16xf32> to vector<16xf32>
            %swap3A_300 = arith.index_cast %while3A_261 : i32 to index
            %swap3A_301 = arith.constant 16 : index
            %swap3A_302 = tpu.vector_load %arg14[%swap3A_300, %swap3A_301] {strides = array<i32>} : memref<320x128xf32, #tpu.memory_space<vmem>>, vector<1x16xf32>,
            %swap3A_303 = vector.shape_cast %swap3A_302 : vector<1x16xf32> to vector<16xf32>
            %swap3A_304 = vector.shape_cast %get3A_299 : vector<16xf32> to vector<1x16xf32>
            tpu.vector_store %arg14[%swap3A_300, %swap3A_301], %swap3A_304 {add = true, strides = array<i32>} : memref<320x128xf32, #tpu.memory_space<vmem>>, vector<1x16xf32>,
            %get3A_305 = arith.index_cast %sub3A_287 : i32 to index
            %get3A_306 = arith.constant 32 : index
            %get3A_307 = tpu.vector_load %arg13[%get3A_305, %get3A_306] {strides = array<i32>} : memref<128x128xf32, #tpu.memory_space<vmem>>, vector<1x16xf32>,
            %get3A_308 = vector.shape_cast %get3A_307 : vector<1x16xf32> to vector<16xf32>
            %swap3A_309 = arith.index_cast %while3A_261 : i32 to index
            %swap3A_310 = arith.constant 32 : index
            %swap3A_311 = tpu.vector_load %arg14[%swap3A_309, %swap3A_310] {strides = array<i32>} : memref<320x128xf32, #tpu.memory_space<vmem>>, vector<1x16xf32>,
            %swap3A_312 = vector.shape_cast %swap3A_311 : vector<1x16xf32> to vector<16xf32>
            %swap3A_313 = vector.shape_cast %get3A_308 : vector<16xf32> to vector<1x16xf32>
            tpu.vector_store %arg14[%swap3A_309, %swap3A_310], %swap3A_313 {add = true, strides = array<i32>} : memref<320x128xf32, #tpu.memory_space<vmem>>, vector<1x16xf32>,
            %get3A_314 = arith.index_cast %sub3A_287 : i32 to index
            %get3A_315 = arith.constant 48 : index
            %get3A_316 = tpu.vector_load %arg13[%get3A_314, %get3A_315] {strides = array<i32>} : memref<128x128xf32, #tpu.memory_space<vmem>>, vector<1x16xf32>,
            %get3A_317 = vector.shape_cast %get3A_316 : vector<1x16xf32> to vector<16xf32>
            %swap3A_318 = arith.index_cast %while3A_261 : i32 to index
            %swap3A_319 = arith.constant 48 : index
            %swap3A_320 = tpu.vector_load %arg14[%swap3A_318, %swap3A_319] {strides = array<i32>} : memref<320x128xf32, #tpu.memory_space<vmem>>, vector<1x16xf32>,
            %swap3A_321 = vector.shape_cast %swap3A_320 : vector<1x16xf32> to vector<16xf32>
            %swap3A_322 = vector.shape_cast %get3A_317 : vector<16xf32> to vector<1x16xf32>
            tpu.vector_store %arg14[%swap3A_318, %swap3A_319], %swap3A_322 {add = true, strides = array<i32>} : memref<320x128xf32, #tpu.memory_space<vmem>>, vector<1x16xf32>,
            %get3A_323 = arith.index_cast %sub3A_287 : i32 to index
            %get3A_324 = arith.constant 64 : index
            %get3A_325 = tpu.vector_load %arg13[%get3A_323, %get3A_324] {strides = array<i32>} : memref<128x128xf32, #tpu.memory_space<vmem>>, vector<1x16xf32>,
            %get3A_326 = vector.shape_cast %get3A_325 : vector<1x16xf32> to vector<16xf32>
            %swap3A_327 = arith.index_cast %while3A_261 : i32 to index
            %swap3A_328 = arith.constant 64 : index
            %swap3A_329 = tpu.vector_load %arg14[%swap3A_327, %swap3A_328] {strides = array<i32>} : memref<320x128xf32, #tpu.memory_space<vmem>>, vector<1x16xf32>,
            %swap3A_330 = vector.shape_cast %swap3A_329 : vector<1x16xf32> to vector<16xf32>
            %swap3A_331 = vector.shape_cast %get3A_326 : vector<16xf32> to vector<1x16xf32>
            tpu.vector_store %arg14[%swap3A_327, %swap3A_328], %swap3A_331 {add = true, strides = array<i32>} : memref<320x128xf32, #tpu.memory_space<vmem>>, vector<1x16xf32>,
            %get3A_332 = arith.index_cast %sub3A_287 : i32 to index
            %get3A_333 = arith.constant 80 : index
            %get3A_334 = tpu.vector_load %arg13[%get3A_332, %get3A_333] {strides = array<i32>} : memref<128x128xf32, #tpu.memory_space<vmem>>, vector<1x16xf32>,
            %get3A_335 = vector.shape_cast %get3A_334 : vector<1x16xf32> to vector<16xf32>
            %swap3A_336 = arith.index_cast %while3A_261 : i32 to index
            %swap3A_337 = arith.constant 80 : index
            %swap3A_338 = tpu.vector_load %arg14[%swap3A_336, %swap3A_337] {strides = array<i32>} : memref<320x128xf32, #tpu.memory_space<vmem>>, vector<1x16xf32>,
            %swap3A_339 = vector.shape_cast %swap3A_338 : vector<1x16xf32> to vector<16xf32>
            %swap3A_340 = vector.shape_cast %get3A_335 : vector<16xf32> to vector<1x16xf32>
            tpu.vector_store %arg14[%swap3A_336, %swap3A_337], %swap3A_340 {add = true, strides = array<i32>} : memref<320x128xf32, #tpu.memory_space<vmem>>, vector<1x16xf32>,
            %get3A_341 = arith.index_cast %sub3A_287 : i32 to index
            %get3A_342 = arith.constant 96 : index
            %get3A_343 = tpu.vector_load %arg13[%get3A_341, %get3A_342] {strides = array<i32>} : memref<128x128xf32, #tpu.memory_space<vmem>>, vector<1x16xf32>,
            %get3A_344 = vector.shape_cast %get3A_343 : vector<1x16xf32> to vector<16xf32>
            %swap3A_345 = arith.index_cast %while3A_261 : i32 to index
            %swap3A_346 = arith.constant 96 : index
            %swap3A_347 = tpu.vector_load %arg14[%swap3A_345, %swap3A_346] {strides = array<i32>} : memref<320x128xf32, #tpu.memory_space<vmem>>, vector<1x16xf32>,
            %swap3A_348 = vector.shape_cast %swap3A_347 : vector<1x16xf32> to vector<16xf32>
            %swap3A_349 = vector.shape_cast %get3A_344 : vector<16xf32> to vector<1x16xf32>
            tpu.vector_store %arg14[%swap3A_345, %swap3A_346], %swap3A_349 {add = true, strides = array<i32>} : memref<320x128xf32, #tpu.memory_space<vmem>>, vector<1x16xf32>,
            %get3A_350 = arith.index_cast %sub3A_287 : i32 to index
            %get3A_351 = arith.constant 112 : index
            %get3A_352 = tpu.vector_load %arg13[%get3A_350, %get3A_351] {strides = array<i32>} : memref<128x128xf32, #tpu.memory_space<vmem>>, vector<1x16xf32>,
            %get3A_353 = vector.shape_cast %get3A_352 : vector<1x16xf32> to vector<16xf32>
            %swap3A_354 = arith.index_cast %while3A_261 : i32 to index
            %swap3A_355 = arith.constant 112 : index
            %swap3A_356 = tpu.vector_load %arg14[%swap3A_354, %swap3A_355] {strides = array<i32>} : memref<320x128xf32, #tpu.memory_space<vmem>>, vector<1x16xf32>,
            %swap3A_357 = vector.shape_cast %swap3A_356 : vector<1x16xf32> to vector<16xf32>
            %swap3A_358 = vector.shape_cast %get3A_353 : vector<16xf32> to vector<1x16xf32>
            tpu.vector_store %arg14[%swap3A_354, %swap3A_355], %swap3A_358 {add = true, strides = array<i32>} : memref<320x128xf32, #tpu.memory_space<vmem>>, vector<1x16xf32>,
          }
          %while3A_285 = arith.constant 1 : i32
          scf.for %while3A_286 = %while3A_283 to %while3A_279 step %while3A_285  : i32 {
            %sub3A_287 = arith.subi %while3A_286, %mul3A_226 : i32
            %get3A_288 = arith.index_cast %sub3A_287 : i32 to index
            %get3A_289 = arith.constant 0 : index
            %get3A_290 = tpu.vector_load %arg13[%get3A_288, %get3A_289] {strides = array<i32>} : memref<128x128xf32, #tpu.memory_space<vmem>>, vector<1x16xf32>,
            %get3A_291 = vector.shape_cast %get3A_290 : vector<1x16xf32> to vector<16xf32>
            %swap3A = arith.index_cast %while3A_261 : i32 to index
            %swap3A_292 = arith.constant 0 : index
            %swap3A_293 = tpu.vector_load %arg14[%swap3A, %swap3A_292] {strides = array<i32>} : memref<320x128xf32, #tpu.memory_space<vmem>>, vector<1x16xf32>,
            %swap3A_294 = vector.shape_cast %swap3A_293 : vector<1x16xf32> to vector<16xf32>
            %swap3A_295 = vector.shape_cast %get3A_291 : vector<16xf32> to vector<1x16xf32>
            tpu.vector_store %arg14[%swap3A, %swap3A_292], %swap3A_295 {add = true, strides = array<i32>} : memref<320x128xf32, #tpu.memory_space<vmem>>, vector<1x16xf32>,
            %get3A_296 = arith.index_cast %sub3A_287 : i32 to index
            %get3A_297 = arith.constant 16 : index
            %get3A_298 = tpu.vector_load %arg13[%get3A_296, %get3A_297] {strides = array<i32>} : memref<128x128xf32, #tpu.memory_space<vmem>>, vector<1x16xf32>,
            %get3A_299 = vector.shape_cast %get3A_298 : vector<1x16xf32> to vector<16xf32>
            %swap3A_300 = arith.index_cast %while3A_261 : i32 to index
            %swap3A_301 = arith.constant 16 : index
            %swap3A_302 = tpu.vector_load %arg14[%swap3A_300, %swap3A_301] {strides = array<i32>} : memref<320x128xf32, #tpu.memory_space<vmem>>, vector<1x16xf32>,
            %swap3A_303 = vector.shape_cast %swap3A_302 : vector<1x16xf32> to vector<16xf32>
            %swap3A_304 = vector.shape_cast %get3A_299 : vector<16xf32> to vector<1x16xf32>
            tpu.vector_store %arg14[%swap3A_300, %swap3A_301], %swap3A_304 {add = true, strides = array<i32>} : memref<320x128xf32, #tpu.memory_space<vmem>>, vector<1x16xf32>,
            %get3A_305 = arith.index_cast %sub3A_287 : i32 to index
            %get3A_306 = arith.constant 32 : index
            %get3A_307 = tpu.vector_load %arg13[%get3A_305, %get3A_306] {strides = array<i32>} : memref<128x128xf32, #tpu.memory_space<vmem>>, vector<1x16xf32>,
            %get3A_308 = vector.shape_cast %get3A_307 : vector<1x16xf32> to vector<16xf32>
            %swap3A_309 = arith.index_cast %while3A_261 : i32 to index
            %swap3A_310 = arith.constant 32 : index
            %swap3A_311 = tpu.vector_load %arg14[%swap3A_309, %swap3A_310] {strides = array<i32>} : memref<320x128xf32, #tpu.memory_space<vmem>>, vector<1x16xf32>,
            %swap3A_312 = vector.shape_cast %swap3A_311 : vector<1x16xf32> to vector<16xf32>
            %swap3A_313 = vector.shape_cast %get3A_308 : vector<16xf32> to vector<1x16xf32>
            tpu.vector_store %arg14[%swap3A_309, %swap3A_310], %swap3A_313 {add = true, strides = array<i32>} : memref<320x128xf32, #tpu.memory_space<vmem>>, vector<1x16xf32>,
            %get3A_314 = arith.index_cast %sub3A_287 : i32 to index
            %get3A_315 = arith.constant 48 : index
            %get3A_316 = tpu.vector_load %arg13[%get3A_314, %get3A_315] {strides = array<i32>} : memref<128x128xf32, #tpu.memory_space<vmem>>, vector<1x16xf32>,
            %get3A_317 = vector.shape_cast %get3A_316 : vector<1x16xf32> to vector<16xf32>
            %swap3A_318 = arith.index_cast %while3A_261 : i32 to index
            %swap3A_319 = arith.constant 48 : index
            %swap3A_320 = tpu.vector_load %arg14[%swap3A_318, %swap3A_319] {strides = array<i32>} : memref<320x128xf32, #tpu.memory_space<vmem>>, vector<1x16xf32>,
            %swap3A_321 = vector.shape_cast %swap3A_320 : vector<1x16xf32> to vector<16xf32>
            %swap3A_322 = vector.shape_cast %get3A_317 : vector<16xf32> to vector<1x16xf32>
            tpu.vector_store %arg14[%swap3A_318, %swap3A_319], %swap3A_322 {add = true, strides = array<i32>} : memref<320x128xf32, #tpu.memory_space<vmem>>, vector<1x16xf32>,
            %get3A_323 = arith.index_cast %sub3A_287 : i32 to index
            %get3A_324 = arith.constant 64 : index
            %get3A_325 = tpu.vector_load %arg13[%get3A_323, %get3A_324] {strides = array<i32>} : memref<128x128xf32, #tpu.memory_space<vmem>>, vector<1x16xf32>,
            %get3A_326 = vector.shape_cast %get3A_325 : vector<1x16xf32> to vector<16xf32>
            %swap3A_327 = arith.index_cast %while3A_261 : i32 to index
            %swap3A_328 = arith.constant 64 : index
            %swap3A_329 = tpu.vector_load %arg14[%swap3A_327, %swap3A_328] {strides = array<i32>} : memref<320x128xf32, #tpu.memory_space<vmem>>, vector<1x16xf32>,
            %swap3A_330 = vector.shape_cast %swap3A_329 : vector<1x16xf32> to vector<16xf32>
            %swap3A_331 = vector.shape_cast %get3A_326 : vector<16xf32> to vector<1x16xf32>
            tpu.vector_store %arg14[%swap3A_327, %swap3A_328], %swap3A_331 {add = true, strides = array<i32>} : memref<320x128xf32, #tpu.memory_space<vmem>>, vector<1x16xf32>,
            %get3A_332 = arith.index_cast %sub3A_287 : i32 to index
            %get3A_333 = arith.constant 80 : index
            %get3A_334 = tpu.vector_load %arg13[%get3A_332, %get3A_333] {strides = array<i32>} : memref<128x128xf32, #tpu.memory_space<vmem>>, vector<1x16xf32>,
            %get3A_335 = vector.shape_cast %get3A_334 : vector<1x16xf32> to vector<16xf32>
            %swap3A_336 = arith.index_cast %while3A_261 : i32 to index
            %swap3A_337 = arith.constant 80 : index
            %swap3A_338 = tpu.vector_load %arg14[%swap3A_336, %swap3A_337] {strides = array<i32>} : memref<320x128xf32, #tpu.memory_space<vmem>>, vector<1x16xf32>,
            %swap3A_339 = vector.shape_cast %swap3A_338 : vector<1x16xf32> to vector<16xf32>
            %swap3A_340 = vector.shape_cast %get3A_335 : vector<16xf32> to vector<1x16xf32>
            tpu.vector_store %arg14[%swap3A_336, %swap3A_337], %swap3A_340 {add = true, strides = array<i32>} : memref<320x128xf32, #tpu.memory_space<vmem>>, vector<1x16xf32>,
            %get3A_341 = arith.index_cast %sub3A_287 : i32 to index
            %get3A_342 = arith.constant 96 : index
            %get3A_343 = tpu.vector_load %arg13[%get3A_341, %get3A_342] {strides = array<i32>} : memref<128x128xf32, #tpu.memory_space<vmem>>, vector<1x16xf32>,
            %get3A_344 = vector.shape_cast %get3A_343 : vector<1x16xf32> to vector<16xf32>
            %swap3A_345 = arith.index_cast %while3A_261 : i32 to index
            %swap3A_346 = arith.constant 96 : index
            %swap3A_347 = tpu.vector_load %arg14[%swap3A_345, %swap3A_346] {strides = array<i32>} : memref<320x128xf32, #tpu.memory_space<vmem>>, vector<1x16xf32>,
            %swap3A_348 = vector.shape_cast %swap3A_347 : vector<1x16xf32> to vector<16xf32>
            %swap3A_349 = vector.shape_cast %get3A_344 : vector<16xf32> to vector<1x16xf32>
            tpu.vector_store %arg14[%swap3A_345, %swap3A_346], %swap3A_349 {add = true, strides = array<i32>} : memref<320x128xf32, #tpu.memory_space<vmem>>, vector<1x16xf32>,
            %get3A_350 = arith.index_cast %sub3A_287 : i32 to index
            %get3A_351 = arith.constant 112 : index
            %get3A_352 = tpu.vector_load %arg13[%get3A_350, %get3A_351] {strides = array<i32>} : memref<128x128xf32, #tpu.memory_space<vmem>>, vector<1x16xf32>,
            %get3A_353 = vector.shape_cast %get3A_352 : vector<1x16xf32> to vector<16xf32>
            %swap3A_354 = arith.index_cast %while3A_261 : i32 to index
            %swap3A_355 = arith.constant 112 : index
            %swap3A_356 = tpu.vector_load %arg14[%swap3A_354, %swap3A_355] {strides = array<i32>} : memref<320x128xf32, #tpu.memory_space<vmem>>, vector<1x16xf32>,
            %swap3A_357 = vector.shape_cast %swap3A_356 : vector<1x16xf32> to vector<16xf32>
            %swap3A_358 = vector.shape_cast %get3A_353 : vector<16xf32> to vector<1x16xf32>
            tpu.vector_store %arg14[%swap3A_354, %swap3A_355], %swap3A_358 {add = true, strides = array<i32>} : memref<320x128xf32, #tpu.memory_space<vmem>>, vector<1x16xf32>,
          }
        }
      }
      %dma_wait3A = arith.constant 0 : i32
      %dma_wait3A_148 = tpu.memref_slice %arg11[%dma_wait3A] : memref<16384xi32, #tpu.memory_space<vmem>> -> memref<128xi32, #tpu.memory_space<vmem>>
      %dma_wait3A_149 = arith.constant 0 : i32
      %dma_wait3A_150 = arith.constant 0 : i32
      %dma_wait3A_151 = tpu.memref_slice %arg2[%dma_wait3A_149, %dma_wait3A_150] : memref<10000x128xf32, #tpu.memory_space<hbm>> -> memref<10000x128xf32, #tpu.memory_space<hbm>>
      tpu.wait_indirect_dma semaphore(%arg15 : memref<!tpu.dma_semaphore, #tpu.memory_space<semaphore_mem>>) src(%dma_wait3A_151 : memref<10000x128xf32, #tpu.memory_space<hbm>>) dst(%arg12 : memref<128x128xf32, #tpu.memory_space<vmem>>)
    }
    %while3A_93 = arith.constant 1 : i32
    scf.for %while3A_100 = %while3A_91 to %while3A_87 step %while3A_93  : i32 {
      %mul3A_101 = arith.constant 128 : i32
      %mul3A_102 = arith.muli %while3A_100, %mul3A_101 : i32
      %add3A_103 = arith.addi %select_n3A, %mul3A_102 : i32
      %sub3A_104 = arith.subi %select_n3A_57, %add3A_103 : i32
      %min3A = arith.constant 128 : i32
      %min3A_105 = arith.minsi %sub3A_104, %min3A : i32
      %mul3A_106 = arith.constant 128 : i32
      %mul3A_107 = arith.muli %add3A_103, %mul3A_106 : i32
      "tpu.region"() ({
        %run_scoped3A = tpu.sem_alloc : memref<!tpu.dma_semaphore, #tpu.memory_space<semaphore_mem>>
        %dma_start3A_152 = tpu.memref_slice %arg4[%mul3A_107] : memref<336384xi32, #tpu.memory_space<hbm>> -> memref<16384xi32, #tpu.memory_space<hbm>>
        %dma_start3A_153 = tpu.memref_slice %arg4[%mul3A_107] : memref<336384xi32, #tpu.memory_space<hbm>> -> memref<16384xi32, #tpu.memory_space<hbm>>
        tpu.enqueue_dma source(%dma_start3A_153 : memref<16384xi32, #tpu.memory_space<hbm>>) target(%arg11 : memref<16384xi32, #tpu.memory_space<vmem>>) target_semaphore(%run_scoped3A : memref<!tpu.dma_semaphore, #tpu.memory_space<semaphore_mem>>)
        %dma_wait3A_154 = tpu.memref_slice %arg4[%mul3A_107] : memref<336384xi32, #tpu.memory_space<hbm>> -> memref<16384xi32, #tpu.memory_space<hbm>>
        %dma_wait3A_155 = tpu.memref_slice %arg4[%mul3A_107] : memref<336384xi32, #tpu.memory_space<hbm>> -> memref<16384xi32, #tpu.memory_space<hbm>>
        tpu.wait_dma2 semaphore(%run_scoped3A : memref<!tpu.dma_semaphore, #tpu.memory_space<semaphore_mem>>) src(%dma_wait3A_155 : memref<16384xi32, #tpu.memory_space<hbm>>) dst(%arg11 : memref<16384xi32, #tpu.memory_space<vmem>>)
        tpu.yield
      }) : () -> ()
      %dma_start3A = arith.constant 0 : i32
      %dma_start3A_108 = tpu.memref_slice %arg11[%dma_start3A] : memref<16384xi32, #tpu.memory_space<vmem>> -> memref<128xi32, #tpu.memory_space<vmem>>
      %dma_start3A_109 = arith.constant 0 : i32
      %dma_start3A_110 = arith.constant 0 : i32
      %dma_start3A_111 = tpu.memref_slice %arg2[%dma_start3A_109, %dma_start3A_110] : memref<10000x128xf32, #tpu.memory_space<hbm>> -> memref<10000x128xf32, #tpu.memory_space<hbm>>
      tpu.enqueue_indirect_dma source(%dma_start3A_111 : memref<10000x128xf32, #tpu.memory_space<hbm>>) target(%arg12 : memref<128x128xf32, #tpu.memory_space<vmem>>) offsets(%dma_start3A_108 : memref<128xi32, #tpu.memory_space<vmem>>) semaphore(%arg15 : memref<!tpu.dma_semaphore, #tpu.memory_space<semaphore_mem>>)
      %add3A_112 = arith.constant 1 : i32
      %add3A_113 = arith.addi %min3A_105, %add3A_112 : i32
      %jit3A_114 = arith.constant 2 : i32
      %div3A_115 = arith.divsi %add3A_113, %jit3A_114 : i32
      %sign3A_116 = arith.constant 0 : i32
      %sign3A_117 = arith.cmpi sgt, %add3A_113, %sign3A_116 : i32
      %sign3A_118 = arith.extui %sign3A_117 : i1 to i32
      %sign3A_119 = arith.constant 0 : i32
      %sign3A_120 = arith.cmpi slt, %add3A_113, %sign3A_119 : i32
      %sign3A_121 = arith.extui %sign3A_120 : i1 to i32
      %sign3A_122 = arith.subi %sign3A_118, %sign3A_121 : i32
      %sign3A_123 = arith.constant 0 : i32
      %sign3A_124 = arith.cmpi sgt, %jit3A_114, %sign3A_123 : i32
      %sign3A_125 = arith.extui %sign3A_124 : i1 to i32
      %sign3A_126 = arith.constant 0 : i32
      %sign3A_127 = arith.cmpi slt, %jit3A_114, %sign3A_126 : i32
      %sign3A_128 = arith.extui %sign3A_127 : i1 to i32
      %sign3A_129 = arith.subi %sign3A_125, %sign3A_128 : i32
      %ne3A_130 = arith.cmpi ne, %sign3A_122, %sign3A_129 : i32
      %rem3A_131 = arith.remsi %add3A_113, %jit3A_114 : i32
      %ne3A_132 = arith.constant 0 : i32
      %ne3A_133 = arith.cmpi ne, %rem3A_131, %ne3A_132 : i32
      %and3A_134 = arith.andi %ne3A_130, %ne3A_133 : i1
      %sub3A_135 = arith.constant 1 : i32
      %sub3A_136 = arith.subi %div3A_115, %sub3A_135 : i32
      %select_n3A_137 = arith.select %and3A_134, %sub3A_136, %div3A_115 : i32
      %while3A_138 = arith.constant 0 : i32
      %while3A_139 = arith.constant 0 : i32
      %while3A_140 = arith.subi %select_n3A_137, %while3A_139 : i32
      %while3A_141 = arith.addi %while3A_139, %while3A_140 : i32
      %while3A_142 = arith.constant 1 : i32
      %while3A_143 = arith.divsi %while3A_140, %while3A_142 : i32
      %while3A_144 = arith.muli %while3A_143, %while3A_142 : i32
      %while3A_145 = arith.addi %while3A_139, %while3A_144 : i32
      %while3A_146 = arith.constant 1 : i32
      scf.for %while3A_152 = %while3A_139 to %while3A_145 step %while3A_146  : i32 {
        %mul3A_153 = arith.constant 2 : i32
        %mul3A_154 = arith.muli %mul3A_153, %while3A_152 : i32
        %add3A_155 = arith.constant 1 : i32
        %add3A_156 = arith.addi %mul3A_154, %add3A_155 : i32
        %sub3A_157 = arith.constant 1 : i32
        %sub3A_158 = arith.subi %min3A_105, %sub3A_157 : i32
        %min3A_159 = arith.minsi %add3A_156, %sub3A_158 : i32
        %mul3A_160 = arith.constant 128 : i32
        %mul3A_161 = arith.muli %min3A_159, %mul3A_160 : i32
        %dma_start3A_162 = tpu.memref_slice %arg11[%mul3A_161] : memref<16384xi32, #tpu.memory_space<vmem>> -> memref<128xi32, #tpu.memory_space<vmem>>
        %dma_start3A_163 = arith.constant 0 : i32
        %dma_start3A_164 = arith.constant 0 : i32
        %dma_start3A_165 = tpu.memref_slice %arg2[%dma_start3A_163, %dma_start3A_164] : memref<10000x128xf32, #tpu.memory_space<hbm>> -> memref<10000x128xf32, #tpu.memory_space<hbm>>
        tpu.enqueue_indirect_dma source(%dma_start3A_165 : memref<10000x128xf32, #tpu.memory_space<hbm>>) target(%arg13 : memref<128x128xf32, #tpu.memory_space<vmem>>) offsets(%dma_start3A_162 : memref<128xi32, #tpu.memory_space<vmem>>) semaphore(%arg16 : memref<!tpu.dma_semaphore, #tpu.memory_space<semaphore_mem>>)
        %dma_wait3A_166 = arith.constant 0 : i32
        %dma_wait3A_167 = tpu.memref_slice %arg11[%dma_wait3A_166] : memref<16384xi32, #tpu.memory_space<vmem>> -> memref<128xi32, #tpu.memory_space<vmem>>
        %dma_wait3A_168 = arith.constant 0 : i32
        %dma_wait3A_169 = arith.constant 0 : i32
        %dma_wait3A_170 = tpu.memref_slice %arg2[%dma_wait3A_168, %dma_wait3A_169] : memref<10000x128xf32, #tpu.memory_space<hbm>> -> memref<10000x128xf32, #tpu.memory_space<hbm>>
        tpu.wait_indirect_dma semaphore(%arg15 : memref<!tpu.dma_semaphore, #tpu.memory_space<semaphore_mem>>) src(%dma_wait3A_170 : memref<10000x128xf32, #tpu.memory_space<hbm>>) dst(%arg12 : memref<128x128xf32, #tpu.memory_space<vmem>>)
        %add3A_171 = arith.addi %add3A_103, %mul3A_154 : i32
        %lt3A = arith.cmpi slt, %mul3A_154, %min3A_105 : i32
        %mul3A_172 = arith.constant 128 : i32
        %mul3A_173 = arith.muli %add3A_171, %mul3A_172 : i32
        %mul3A_174 = arith.constant 128 : i32
        %mul3A_175 = arith.muli %mul3A_154, %mul3A_174 : i32
        %get3A_176 = arith.index_cast %add3A_171 : i32 to index
        %get3A_177 = tpu.vector_load %arg10[%get3A_176] {strides = array<i32>} : memref<2520xi32, #tpu.memory_space<vmem>>, vector<16xi32>,
        %get3A_178 = vector.shape_cast %get3A_177 : vector<16xi32> to vector<16xi32>
        %slice3A_179 = vector.extract_strided_slice %get3A_178 {offsets = [0], sizes = [1], strides = [1]} : vector<16xi32> to vector<1xi32>
        %squeeze3A_180 = vector.extract %slice3A_179[0] : i32 from vector<1xi32>
        %sub3A_181 = arith.subi %squeeze3A_180, %mul3A_2 : i32
        %max3A = arith.constant 0 : i32
        %max3A_182 = arith.maxsi %sub3A_181, %max3A : i32
        %add3A_183 = arith.constant 1 : i32
        %add3A_184 = arith.addi %add3A_171, %add3A_183 : i32
        %get3A_185 = arith.index_cast %add3A_184 : i32 to index
        %get3A_186 = tpu.vector_load %arg10[%get3A_185] {strides = array<i32>} : memref<2520xi32, #tpu.memory_space<vmem>>, vector<16xi32>,
        %get3A_187 = vector.shape_cast %get3A_186 : vector<16xi32> to vector<16xi32>
        %slice3A_188 = vector.extract_strided_slice %get3A_187 {offsets = [0], sizes = [1], strides = [1]} : vector<16xi32> to vector<1xi32>
        %squeeze3A_189 = vector.extract %slice3A_188[0] : i32 from vector<1xi32>
        %sub3A_190 = arith.subi %squeeze3A_189, %mul3A_2 : i32
        %min3A_191 = arith.constant 319 : i32
        %min3A_192 = arith.minsi %sub3A_190, %min3A_191 : i32
        %sub3A_193 = arith.constant 1 : i32
        %sub3A_194 = arith.subi %max3A_182, %sub3A_193 : i32
        %select_n3A_195 = arith.select %lt3A, %min3A_192, %sub3A_194 : i32
        %add3A_196 = arith.constant 1 : i32
        %add3A_197 = arith.addi %select_n3A_195, %add3A_196 : i32
        %while3A_198 = arith.constant 0 : i32
        %while3A_199 = arith.subi %add3A_197, %max3A_182 : i32
        %while3A_200 = arith.addi %max3A_182, %while3A_199 : i32
        %while3A_201 = arith.constant 1 : i32
        %while3A_202 = arith.divsi %while3A_199, %while3A_201 : i32
        %while3A_203 = arith.muli %while3A_202, %while3A_201 : i32
        %while3A_204 = arith.addi %max3A_182, %while3A_203 : i32
        %while3A_205 = arith.constant 1 : i32
        scf.for %while3A_261 = %max3A_182 to %while3A_204 step %while3A_205  : i32 {
          %get3A_262 = arith.index_cast %while3A_261 : i32 to index
          %get3A_263 = tpu.vector_load %arg8[%get3A_262] {strides = array<i32>} : memref<344xi32, #tpu.memory_space<vmem>>, vector<16xi32>,
          %get3A_264 = vector.shape_cast %get3A_263 : vector<16xi32> to vector<16xi32>
          %slice3A_265 = vector.extract_strided_slice %get3A_264 {offsets = [0], sizes = [1], strides = [1]} : vector<16xi32> to vector<1xi32>
          %squeeze3A_266 = vector.extract %slice3A_265[0] : i32 from vector<1xi32>
          %max3A_267 = arith.maxsi %squeeze3A_266, %mul3A_173 : i32
          %add3A_268 = arith.constant 1 : i32
          %add3A_269 = arith.addi %while3A_261, %add3A_268 : i32
          %get3A_270 = arith.index_cast %add3A_269 : i32 to index
          %get3A_271 = tpu.vector_load %arg8[%get3A_270] {strides = array<i32>} : memref<344xi32, #tpu.memory_space<vmem>>, vector<16xi32>,
          %get3A_272 = vector.shape_cast %get3A_271 : vector<16xi32> to vector<16xi32>
          %slice3A_273 = vector.extract_strided_slice %get3A_272 {offsets = [0], sizes = [1], strides = [1]} : vector<16xi32> to vector<1xi32>
          %squeeze3A_274 = vector.extract %slice3A_273[0] : i32 from vector<1xi32>
          %add3A_275 = arith.constant 128 : i32
          %add3A_276 = arith.addi %mul3A_173, %add3A_275 : i32
          %min3A_277 = arith.minsi %squeeze3A_274, %add3A_276 : i32
          %while3A_278 = arith.subi %min3A_277, %max3A_267 : i32
          %while3A_279 = arith.addi %max3A_267, %while3A_278 : i32
          %while3A_280 = arith.constant 1 : i32
          %while3A_281 = arith.divsi %while3A_278, %while3A_280 : i32
          %while3A_282 = arith.muli %while3A_281, %while3A_280 : i32
          %while3A_283 = arith.addi %max3A_267, %while3A_282 : i32
          %while3A_284 = arith.constant 1 : i32
          scf.for %while3A_286 = %max3A_267 to %while3A_283 step %while3A_284  : i32 {
            %sub3A_287 = arith.subi %while3A_286, %mul3A_173 : i32
            %get3A_288 = arith.index_cast %sub3A_287 : i32 to index
            %get3A_289 = arith.constant 0 : index
            %get3A_290 = tpu.vector_load %arg12[%get3A_288, %get3A_289] {strides = array<i32>} : memref<128x128xf32, #tpu.memory_space<vmem>>, vector<1x16xf32>,
            %get3A_291 = vector.shape_cast %get3A_290 : vector<1x16xf32> to vector<16xf32>
            %swap3A = arith.index_cast %while3A_261 : i32 to index
            %swap3A_292 = arith.constant 0 : index
            %swap3A_293 = tpu.vector_load %arg14[%swap3A, %swap3A_292] {strides = array<i32>} : memref<320x128xf32, #tpu.memory_space<vmem>>, vector<1x16xf32>,
            %swap3A_294 = vector.shape_cast %swap3A_293 : vector<1x16xf32> to vector<16xf32>
            %swap3A_295 = vector.shape_cast %get3A_291 : vector<16xf32> to vector<1x16xf32>
            tpu.vector_store %arg14[%swap3A, %swap3A_292], %swap3A_295 {add = true, strides = array<i32>} : memref<320x128xf32, #tpu.memory_space<vmem>>, vector<1x16xf32>,
            %get3A_296 = arith.index_cast %sub3A_287 : i32 to index
            %get3A_297 = arith.constant 16 : index
            %get3A_298 = tpu.vector_load %arg12[%get3A_296, %get3A_297] {strides = array<i32>} : memref<128x128xf32, #tpu.memory_space<vmem>>, vector<1x16xf32>,
            %get3A_299 = vector.shape_cast %get3A_298 : vector<1x16xf32> to vector<16xf32>
            %swap3A_300 = arith.index_cast %while3A_261 : i32 to index
            %swap3A_301 = arith.constant 16 : index
            %swap3A_302 = tpu.vector_load %arg14[%swap3A_300, %swap3A_301] {strides = array<i32>} : memref<320x128xf32, #tpu.memory_space<vmem>>, vector<1x16xf32>,
            %swap3A_303 = vector.shape_cast %swap3A_302 : vector<1x16xf32> to vector<16xf32>
            %swap3A_304 = vector.shape_cast %get3A_299 : vector<16xf32> to vector<1x16xf32>
            tpu.vector_store %arg14[%swap3A_300, %swap3A_301], %swap3A_304 {add = true, strides = array<i32>} : memref<320x128xf32, #tpu.memory_space<vmem>>, vector<1x16xf32>,
            %get3A_305 = arith.index_cast %sub3A_287 : i32 to index
            %get3A_306 = arith.constant 32 : index
            %get3A_307 = tpu.vector_load %arg12[%get3A_305, %get3A_306] {strides = array<i32>} : memref<128x128xf32, #tpu.memory_space<vmem>>, vector<1x16xf32>,
            %get3A_308 = vector.shape_cast %get3A_307 : vector<1x16xf32> to vector<16xf32>
            %swap3A_309 = arith.index_cast %while3A_261 : i32 to index
            %swap3A_310 = arith.constant 32 : index
            %swap3A_311 = tpu.vector_load %arg14[%swap3A_309, %swap3A_310] {strides = array<i32>} : memref<320x128xf32, #tpu.memory_space<vmem>>, vector<1x16xf32>,
            %swap3A_312 = vector.shape_cast %swap3A_311 : vector<1x16xf32> to vector<16xf32>
            %swap3A_313 = vector.shape_cast %get3A_308 : vector<16xf32> to vector<1x16xf32>
            tpu.vector_store %arg14[%swap3A_309, %swap3A_310], %swap3A_313 {add = true, strides = array<i32>} : memref<320x128xf32, #tpu.memory_space<vmem>>, vector<1x16xf32>,
            %get3A_314 = arith.index_cast %sub3A_287 : i32 to index
            %get3A_315 = arith.constant 48 : index
            %get3A_316 = tpu.vector_load %arg12[%get3A_314, %get3A_315] {strides = array<i32>} : memref<128x128xf32, #tpu.memory_space<vmem>>, vector<1x16xf32>,
            %get3A_317 = vector.shape_cast %get3A_316 : vector<1x16xf32> to vector<16xf32>
            %swap3A_318 = arith.index_cast %while3A_261 : i32 to index
            %swap3A_319 = arith.constant 48 : index
            %swap3A_320 = tpu.vector_load %arg14[%swap3A_318, %swap3A_319] {strides = array<i32>} : memref<320x128xf32, #tpu.memory_space<vmem>>, vector<1x16xf32>,
            %swap3A_321 = vector.shape_cast %swap3A_320 : vector<1x16xf32> to vector<16xf32>
            %swap3A_322 = vector.shape_cast %get3A_317 : vector<16xf32> to vector<1x16xf32>
            tpu.vector_store %arg14[%swap3A_318, %swap3A_319], %swap3A_322 {add = true, strides = array<i32>} : memref<320x128xf32, #tpu.memory_space<vmem>>, vector<1x16xf32>,
            %get3A_323 = arith.index_cast %sub3A_287 : i32 to index
            %get3A_324 = arith.constant 64 : index
            %get3A_325 = tpu.vector_load %arg12[%get3A_323, %get3A_324] {strides = array<i32>} : memref<128x128xf32, #tpu.memory_space<vmem>>, vector<1x16xf32>,
            %get3A_326 = vector.shape_cast %get3A_325 : vector<1x16xf32> to vector<16xf32>
            %swap3A_327 = arith.index_cast %while3A_261 : i32 to index
            %swap3A_328 = arith.constant 64 : index
            %swap3A_329 = tpu.vector_load %arg14[%swap3A_327, %swap3A_328] {strides = array<i32>} : memref<320x128xf32, #tpu.memory_space<vmem>>, vector<1x16xf32>,
            %swap3A_330 = vector.shape_cast %swap3A_329 : vector<1x16xf32> to vector<16xf32>
            %swap3A_331 = vector.shape_cast %get3A_326 : vector<16xf32> to vector<1x16xf32>
            tpu.vector_store %arg14[%swap3A_327, %swap3A_328], %swap3A_331 {add = true, strides = array<i32>} : memref<320x128xf32, #tpu.memory_space<vmem>>, vector<1x16xf32>,
            %get3A_332 = arith.index_cast %sub3A_287 : i32 to index
            %get3A_333 = arith.constant 80 : index
            %get3A_334 = tpu.vector_load %arg12[%get3A_332, %get3A_333] {strides = array<i32>} : memref<128x128xf32, #tpu.memory_space<vmem>>, vector<1x16xf32>,
            %get3A_335 = vector.shape_cast %get3A_334 : vector<1x16xf32> to vector<16xf32>
            %swap3A_336 = arith.index_cast %while3A_261 : i32 to index
            %swap3A_337 = arith.constant 80 : index
            %swap3A_338 = tpu.vector_load %arg14[%swap3A_336, %swap3A_337] {strides = array<i32>} : memref<320x128xf32, #tpu.memory_space<vmem>>, vector<1x16xf32>,
            %swap3A_339 = vector.shape_cast %swap3A_338 : vector<1x16xf32> to vector<16xf32>
            %swap3A_340 = vector.shape_cast %get3A_335 : vector<16xf32> to vector<1x16xf32>
            tpu.vector_store %arg14[%swap3A_336, %swap3A_337], %swap3A_340 {add = true, strides = array<i32>} : memref<320x128xf32, #tpu.memory_space<vmem>>, vector<1x16xf32>,
            %get3A_341 = arith.index_cast %sub3A_287 : i32 to index
            %get3A_342 = arith.constant 96 : index
            %get3A_343 = tpu.vector_load %arg12[%get3A_341, %get3A_342] {strides = array<i32>} : memref<128x128xf32, #tpu.memory_space<vmem>>, vector<1x16xf32>,
            %get3A_344 = vector.shape_cast %get3A_343 : vector<1x16xf32> to vector<16xf32>
            %swap3A_345 = arith.index_cast %while3A_261 : i32 to index
            %swap3A_346 = arith.constant 96 : index
            %swap3A_347 = tpu.vector_load %arg14[%swap3A_345, %swap3A_346] {strides = array<i32>} : memref<320x128xf32, #tpu.memory_space<vmem>>, vector<1x16xf32>,
            %swap3A_348 = vector.shape_cast %swap3A_347 : vector<1x16xf32> to vector<16xf32>
            %swap3A_349 = vector.shape_cast %get3A_344 : vector<16xf32> to vector<1x16xf32>
            tpu.vector_store %arg14[%swap3A_345, %swap3A_346], %swap3A_349 {add = true, strides = array<i32>} : memref<320x128xf32, #tpu.memory_space<vmem>>, vector<1x16xf32>,
            %get3A_350 = arith.index_cast %sub3A_287 : i32 to index
            %get3A_351 = arith.constant 112 : index
            %get3A_352 = tpu.vector_load %arg12[%get3A_350, %get3A_351] {strides = array<i32>} : memref<128x128xf32, #tpu.memory_space<vmem>>, vector<1x16xf32>,
            %get3A_353 = vector.shape_cast %get3A_352 : vector<1x16xf32> to vector<16xf32>
            %swap3A_354 = arith.index_cast %while3A_261 : i32 to index
            %swap3A_355 = arith.constant 112 : index
            %swap3A_356 = tpu.vector_load %arg14[%swap3A_354, %swap3A_355] {strides = array<i32>} : memref<320x128xf32, #tpu.memory_space<vmem>>, vector<1x16xf32>,
            %swap3A_357 = vector.shape_cast %swap3A_356 : vector<1x16xf32> to vector<16xf32>
            %swap3A_358 = vector.shape_cast %get3A_353 : vector<16xf32> to vector<1x16xf32>
            tpu.vector_store %arg14[%swap3A_354, %swap3A_355], %swap3A_358 {add = true, strides = array<i32>} : memref<320x128xf32, #tpu.memory_space<vmem>>, vector<1x16xf32>,
          }
          %while3A_285 = arith.constant 1 : i32
          scf.for %while3A_286 = %while3A_283 to %while3A_279 step %while3A_285  : i32 {
            %sub3A_287 = arith.subi %while3A_286, %mul3A_173 : i32
            %get3A_288 = arith.index_cast %sub3A_287 : i32 to index
            %get3A_289 = arith.constant 0 : index
            %get3A_290 = tpu.vector_load %arg12[%get3A_288, %get3A_289] {strides = array<i32>} : memref<128x128xf32, #tpu.memory_space<vmem>>, vector<1x16xf32>,
            %get3A_291 = vector.shape_cast %get3A_290 : vector<1x16xf32> to vector<16xf32>
            %swap3A = arith.index_cast %while3A_261 : i32 to index
            %swap3A_292 = arith.constant 0 : index
            %swap3A_293 = tpu.vector_load %arg14[%swap3A, %swap3A_292] {strides = array<i32>} : memref<320x128xf32, #tpu.memory_space<vmem>>, vector<1x16xf32>,
            %swap3A_294 = vector.shape_cast %swap3A_293 : vector<1x16xf32> to vector<16xf32>
            %swap3A_295 = vector.shape_cast %get3A_291 : vector<16xf32> to vector<1x16xf32>
            tpu.vector_store %arg14[%swap3A, %swap3A_292], %swap3A_295 {add = true, strides = array<i32>} : memref<320x128xf32, #tpu.memory_space<vmem>>, vector<1x16xf32>,
            %get3A_296 = arith.index_cast %sub3A_287 : i32 to index
            %get3A_297 = arith.constant 16 : index
            %get3A_298 = tpu.vector_load %arg12[%get3A_296, %get3A_297] {strides = array<i32>} : memref<128x128xf32, #tpu.memory_space<vmem>>, vector<1x16xf32>,
            %get3A_299 = vector.shape_cast %get3A_298 : vector<1x16xf32> to vector<16xf32>
            %swap3A_300 = arith.index_cast %while3A_261 : i32 to index
            %swap3A_301 = arith.constant 16 : index
            %swap3A_302 = tpu.vector_load %arg14[%swap3A_300, %swap3A_301] {strides = array<i32>} : memref<320x128xf32, #tpu.memory_space<vmem>>, vector<1x16xf32>,
            %swap3A_303 = vector.shape_cast %swap3A_302 : vector<1x16xf32> to vector<16xf32>
            %swap3A_304 = vector.shape_cast %get3A_299 : vector<16xf32> to vector<1x16xf32>
            tpu.vector_store %arg14[%swap3A_300, %swap3A_301], %swap3A_304 {add = true, strides = array<i32>} : memref<320x128xf32, #tpu.memory_space<vmem>>, vector<1x16xf32>,
            %get3A_305 = arith.index_cast %sub3A_287 : i32 to index
            %get3A_306 = arith.constant 32 : index
            %get3A_307 = tpu.vector_load %arg12[%get3A_305, %get3A_306] {strides = array<i32>} : memref<128x128xf32, #tpu.memory_space<vmem>>, vector<1x16xf32>,
            %get3A_308 = vector.shape_cast %get3A_307 : vector<1x16xf32> to vector<16xf32>
            %swap3A_309 = arith.index_cast %while3A_261 : i32 to index
            %swap3A_310 = arith.constant 32 : index
            %swap3A_311 = tpu.vector_load %arg14[%swap3A_309, %swap3A_310] {strides = array<i32>} : memref<320x128xf32, #tpu.memory_space<vmem>>, vector<1x16xf32>,
            %swap3A_312 = vector.shape_cast %swap3A_311 : vector<1x16xf32> to vector<16xf32>
            %swap3A_313 = vector.shape_cast %get3A_308 : vector<16xf32> to vector<1x16xf32>
            tpu.vector_store %arg14[%swap3A_309, %swap3A_310], %swap3A_313 {add = true, strides = array<i32>} : memref<320x128xf32, #tpu.memory_space<vmem>>, vector<1x16xf32>,
            %get3A_314 = arith.index_cast %sub3A_287 : i32 to index
            %get3A_315 = arith.constant 48 : index
            %get3A_316 = tpu.vector_load %arg12[%get3A_314, %get3A_315] {strides = array<i32>} : memref<128x128xf32, #tpu.memory_space<vmem>>, vector<1x16xf32>,
            %get3A_317 = vector.shape_cast %get3A_316 : vector<1x16xf32> to vector<16xf32>
            %swap3A_318 = arith.index_cast %while3A_261 : i32 to index
            %swap3A_319 = arith.constant 48 : index
            %swap3A_320 = tpu.vector_load %arg14[%swap3A_318, %swap3A_319] {strides = array<i32>} : memref<320x128xf32, #tpu.memory_space<vmem>>, vector<1x16xf32>,
            %swap3A_321 = vector.shape_cast %swap3A_320 : vector<1x16xf32> to vector<16xf32>
            %swap3A_322 = vector.shape_cast %get3A_317 : vector<16xf32> to vector<1x16xf32>
            tpu.vector_store %arg14[%swap3A_318, %swap3A_319], %swap3A_322 {add = true, strides = array<i32>} : memref<320x128xf32, #tpu.memory_space<vmem>>, vector<1x16xf32>,
            %get3A_323 = arith.index_cast %sub3A_287 : i32 to index
            %get3A_324 = arith.constant 64 : index
            %get3A_325 = tpu.vector_load %arg12[%get3A_323, %get3A_324] {strides = array<i32>} : memref<128x128xf32, #tpu.memory_space<vmem>>, vector<1x16xf32>,
            %get3A_326 = vector.shape_cast %get3A_325 : vector<1x16xf32> to vector<16xf32>
            %swap3A_327 = arith.index_cast %while3A_261 : i32 to index
            %swap3A_328 = arith.constant 64 : index
            %swap3A_329 = tpu.vector_load %arg14[%swap3A_327, %swap3A_328] {strides = array<i32>} : memref<320x128xf32, #tpu.memory_space<vmem>>, vector<1x16xf32>,
            %swap3A_330 = vector.shape_cast %swap3A_329 : vector<1x16xf32> to vector<16xf32>
            %swap3A_331 = vector.shape_cast %get3A_326 : vector<16xf32> to vector<1x16xf32>
            tpu.vector_store %arg14[%swap3A_327, %swap3A_328], %swap3A_331 {add = true, strides = array<i32>} : memref<320x128xf32, #tpu.memory_space<vmem>>, vector<1x16xf32>,
            %get3A_332 = arith.index_cast %sub3A_287 : i32 to index
            %get3A_333 = arith.constant 80 : index
            %get3A_334 = tpu.vector_load %arg12[%get3A_332, %get3A_333] {strides = array<i32>} : memref<128x128xf32, #tpu.memory_space<vmem>>, vector<1x16xf32>,
            %get3A_335 = vector.shape_cast %get3A_334 : vector<1x16xf32> to vector<16xf32>
            %swap3A_336 = arith.index_cast %while3A_261 : i32 to index
            %swap3A_337 = arith.constant 80 : index
            %swap3A_338 = tpu.vector_load %arg14[%swap3A_336, %swap3A_337] {strides = array<i32>} : memref<320x128xf32, #tpu.memory_space<vmem>>, vector<1x16xf32>,
            %swap3A_339 = vector.shape_cast %swap3A_338 : vector<1x16xf32> to vector<16xf32>
            %swap3A_340 = vector.shape_cast %get3A_335 : vector<16xf32> to vector<1x16xf32>
            tpu.vector_store %arg14[%swap3A_336, %swap3A_337], %swap3A_340 {add = true, strides = array<i32>} : memref<320x128xf32, #tpu.memory_space<vmem>>, vector<1x16xf32>,
            %get3A_341 = arith.index_cast %sub3A_287 : i32 to index
            %get3A_342 = arith.constant 96 : index
            %get3A_343 = tpu.vector_load %arg12[%get3A_341, %get3A_342] {strides = array<i32>} : memref<128x128xf32, #tpu.memory_space<vmem>>, vector<1x16xf32>,
            %get3A_344 = vector.shape_cast %get3A_343 : vector<1x16xf32> to vector<16xf32>
            %swap3A_345 = arith.index_cast %while3A_261 : i32 to index
            %swap3A_346 = arith.constant 96 : index
            %swap3A_347 = tpu.vector_load %arg14[%swap3A_345, %swap3A_346] {strides = array<i32>} : memref<320x128xf32, #tpu.memory_space<vmem>>, vector<1x16xf32>,
            %swap3A_348 = vector.shape_cast %swap3A_347 : vector<1x16xf32> to vector<16xf32>
            %swap3A_349 = vector.shape_cast %get3A_344 : vector<16xf32> to vector<1x16xf32>
            tpu.vector_store %arg14[%swap3A_345, %swap3A_346], %swap3A_349 {add = true, strides = array<i32>} : memref<320x128xf32, #tpu.memory_space<vmem>>, vector<1x16xf32>,
            %get3A_350 = arith.index_cast %sub3A_287 : i32 to index
            %get3A_351 = arith.constant 112 : index
            %get3A_352 = tpu.vector_load %arg12[%get3A_350, %get3A_351] {strides = array<i32>} : memref<128x128xf32, #tpu.memory_space<vmem>>, vector<1x16xf32>,
            %get3A_353 = vector.shape_cast %get3A_352 : vector<1x16xf32> to vector<16xf32>
            %swap3A_354 = arith.index_cast %while3A_261 : i32 to index
            %swap3A_355 = arith.constant 112 : index
            %swap3A_356 = tpu.vector_load %arg14[%swap3A_354, %swap3A_355] {strides = array<i32>} : memref<320x128xf32, #tpu.memory_space<vmem>>, vector<1x16xf32>,
            %swap3A_357 = vector.shape_cast %swap3A_356 : vector<1x16xf32> to vector<16xf32>
            %swap3A_358 = vector.shape_cast %get3A_353 : vector<16xf32> to vector<1x16xf32>
            tpu.vector_store %arg14[%swap3A_354, %swap3A_355], %swap3A_358 {add = true, strides = array<i32>} : memref<320x128xf32, #tpu.memory_space<vmem>>, vector<1x16xf32>,
          }
        }
        %while3A_206 = arith.constant 1 : i32
        scf.for %while3A_261 = %while3A_204 to %while3A_200 step %while3A_206  : i32 {
          %get3A_262 = arith.index_cast %while3A_261 : i32 to index
          %get3A_263 = tpu.vector_load %arg8[%get3A_262] {strides = array<i32>} : memref<344xi32, #tpu.memory_space<vmem>>, vector<16xi32>,
          %get3A_264 = vector.shape_cast %get3A_263 : vector<16xi32> to vector<16xi32>
          %slice3A_265 = vector.extract_strided_slice %get3A_264 {offsets = [0], sizes = [1], strides = [1]} : vector<16xi32> to vector<1xi32>
          %squeeze3A_266 = vector.extract %slice3A_265[0] : i32 from vector<1xi32>
          %max3A_267 = arith.maxsi %squeeze3A_266, %mul3A_173 : i32
          %add3A_268 = arith.constant 1 : i32
          %add3A_269 = arith.addi %while3A_261, %add3A_268 : i32
          %get3A_270 = arith.index_cast %add3A_269 : i32 to index
          %get3A_271 = tpu.vector_load %arg8[%get3A_270] {strides = array<i32>} : memref<344xi32, #tpu.memory_space<vmem>>, vector<16xi32>,
          %get3A_272 = vector.shape_cast %get3A_271 : vector<16xi32> to vector<16xi32>
          %slice3A_273 = vector.extract_strided_slice %get3A_272 {offsets = [0], sizes = [1], strides = [1]} : vector<16xi32> to vector<1xi32>
          %squeeze3A_274 = vector.extract %slice3A_273[0] : i32 from vector<1xi32>
          %add3A_275 = arith.constant 128 : i32
          %add3A_276 = arith.addi %mul3A_173, %add3A_275 : i32
          %min3A_277 = arith.minsi %squeeze3A_274, %add3A_276 : i32
          %while3A_278 = arith.subi %min3A_277, %max3A_267 : i32
          %while3A_279 = arith.addi %max3A_267, %while3A_278 : i32
          %while3A_280 = arith.constant 1 : i32
          %while3A_281 = arith.divsi %while3A_278, %while3A_280 : i32
          %while3A_282 = arith.muli %while3A_281, %while3A_280 : i32
          %while3A_283 = arith.addi %max3A_267, %while3A_282 : i32
          %while3A_284 = arith.constant 1 : i32
          scf.for %while3A_286 = %max3A_267 to %while3A_283 step %while3A_284  : i32 {
            %sub3A_287 = arith.subi %while3A_286, %mul3A_173 : i32
            %get3A_288 = arith.index_cast %sub3A_287 : i32 to index
            %get3A_289 = arith.constant 0 : index
            %get3A_290 = tpu.vector_load %arg12[%get3A_288, %get3A_289] {strides = array<i32>} : memref<128x128xf32, #tpu.memory_space<vmem>>, vector<1x16xf32>,
            %get3A_291 = vector.shape_cast %get3A_290 : vector<1x16xf32> to vector<16xf32>
            %swap3A = arith.index_cast %while3A_261 : i32 to index
            %swap3A_292 = arith.constant 0 : index
            %swap3A_293 = tpu.vector_load %arg14[%swap3A, %swap3A_292] {strides = array<i32>} : memref<320x128xf32, #tpu.memory_space<vmem>>, vector<1x16xf32>,
            %swap3A_294 = vector.shape_cast %swap3A_293 : vector<1x16xf32> to vector<16xf32>
            %swap3A_295 = vector.shape_cast %get3A_291 : vector<16xf32> to vector<1x16xf32>
            tpu.vector_store %arg14[%swap3A, %swap3A_292], %swap3A_295 {add = true, strides = array<i32>} : memref<320x128xf32, #tpu.memory_space<vmem>>, vector<1x16xf32>,
            %get3A_296 = arith.index_cast %sub3A_287 : i32 to index
            %get3A_297 = arith.constant 16 : index
            %get3A_298 = tpu.vector_load %arg12[%get3A_296, %get3A_297] {strides = array<i32>} : memref<128x128xf32, #tpu.memory_space<vmem>>, vector<1x16xf32>,
            %get3A_299 = vector.shape_cast %get3A_298 : vector<1x16xf32> to vector<16xf32>
            %swap3A_300 = arith.index_cast %while3A_261 : i32 to index
            %swap3A_301 = arith.constant 16 : index
            %swap3A_302 = tpu.vector_load %arg14[%swap3A_300, %swap3A_301] {strides = array<i32>} : memref<320x128xf32, #tpu.memory_space<vmem>>, vector<1x16xf32>,
            %swap3A_303 = vector.shape_cast %swap3A_302 : vector<1x16xf32> to vector<16xf32>
            %swap3A_304 = vector.shape_cast %get3A_299 : vector<16xf32> to vector<1x16xf32>
            tpu.vector_store %arg14[%swap3A_300, %swap3A_301], %swap3A_304 {add = true, strides = array<i32>} : memref<320x128xf32, #tpu.memory_space<vmem>>, vector<1x16xf32>,
            %get3A_305 = arith.index_cast %sub3A_287 : i32 to index
            %get3A_306 = arith.constant 32 : index
            %get3A_307 = tpu.vector_load %arg12[%get3A_305, %get3A_306] {strides = array<i32>} : memref<128x128xf32, #tpu.memory_space<vmem>>, vector<1x16xf32>,
            %get3A_308 = vector.shape_cast %get3A_307 : vector<1x16xf32> to vector<16xf32>
            %swap3A_309 = arith.index_cast %while3A_261 : i32 to index
            %swap3A_310 = arith.constant 32 : index
            %swap3A_311 = tpu.vector_load %arg14[%swap3A_309, %swap3A_310] {strides = array<i32>} : memref<320x128xf32, #tpu.memory_space<vmem>>, vector<1x16xf32>,
            %swap3A_312 = vector.shape_cast %swap3A_311 : vector<1x16xf32> to vector<16xf32>
            %swap3A_313 = vector.shape_cast %get3A_308 : vector<16xf32> to vector<1x16xf32>
            tpu.vector_store %arg14[%swap3A_309, %swap3A_310], %swap3A_313 {add = true, strides = array<i32>} : memref<320x128xf32, #tpu.memory_space<vmem>>, vector<1x16xf32>,
            %get3A_314 = arith.index_cast %sub3A_287 : i32 to index
            %get3A_315 = arith.constant 48 : index
            %get3A_316 = tpu.vector_load %arg12[%get3A_314, %get3A_315] {strides = array<i32>} : memref<128x128xf32, #tpu.memory_space<vmem>>, vector<1x16xf32>,
            %get3A_317 = vector.shape_cast %get3A_316 : vector<1x16xf32> to vector<16xf32>
            %swap3A_318 = arith.index_cast %while3A_261 : i32 to index
            %swap3A_319 = arith.constant 48 : index
            %swap3A_320 = tpu.vector_load %arg14[%swap3A_318, %swap3A_319] {strides = array<i32>} : memref<320x128xf32, #tpu.memory_space<vmem>>, vector<1x16xf32>,
            %swap3A_321 = vector.shape_cast %swap3A_320 : vector<1x16xf32> to vector<16xf32>
            %swap3A_322 = vector.shape_cast %get3A_317 : vector<16xf32> to vector<1x16xf32>
            tpu.vector_store %arg14[%swap3A_318, %swap3A_319], %swap3A_322 {add = true, strides = array<i32>} : memref<320x128xf32, #tpu.memory_space<vmem>>, vector<1x16xf32>,
            %get3A_323 = arith.index_cast %sub3A_287 : i32 to index
            %get3A_324 = arith.constant 64 : index
            %get3A_325 = tpu.vector_load %arg12[%get3A_323, %get3A_324] {strides = array<i32>} : memref<128x128xf32, #tpu.memory_space<vmem>>, vector<1x16xf32>,
            %get3A_326 = vector.shape_cast %get3A_325 : vector<1x16xf32> to vector<16xf32>
            %swap3A_327 = arith.index_cast %while3A_261 : i32 to index
            %swap3A_328 = arith.constant 64 : index
            %swap3A_329 = tpu.vector_load %arg14[%swap3A_327, %swap3A_328] {strides = array<i32>} : memref<320x128xf32, #tpu.memory_space<vmem>>, vector<1x16xf32>,
            %swap3A_330 = vector.shape_cast %swap3A_329 : vector<1x16xf32> to vector<16xf32>
            %swap3A_331 = vector.shape_cast %get3A_326 : vector<16xf32> to vector<1x16xf32>
            tpu.vector_store %arg14[%swap3A_327, %swap3A_328], %swap3A_331 {add = true, strides = array<i32>} : memref<320x128xf32, #tpu.memory_space<vmem>>, vector<1x16xf32>,
            %get3A_332 = arith.index_cast %sub3A_287 : i32 to index
            %get3A_333 = arith.constant 80 : index
            %get3A_334 = tpu.vector_load %arg12[%get3A_332, %get3A_333] {strides = array<i32>} : memref<128x128xf32, #tpu.memory_space<vmem>>, vector<1x16xf32>,
            %get3A_335 = vector.shape_cast %get3A_334 : vector<1x16xf32> to vector<16xf32>
            %swap3A_336 = arith.index_cast %while3A_261 : i32 to index
            %swap3A_337 = arith.constant 80 : index
            %swap3A_338 = tpu.vector_load %arg14[%swap3A_336, %swap3A_337] {strides = array<i32>} : memref<320x128xf32, #tpu.memory_space<vmem>>, vector<1x16xf32>,
            %swap3A_339 = vector.shape_cast %swap3A_338 : vector<1x16xf32> to vector<16xf32>
            %swap3A_340 = vector.shape_cast %get3A_335 : vector<16xf32> to vector<1x16xf32>
            tpu.vector_store %arg14[%swap3A_336, %swap3A_337], %swap3A_340 {add = true, strides = array<i32>} : memref<320x128xf32, #tpu.memory_space<vmem>>, vector<1x16xf32>,
            %get3A_341 = arith.index_cast %sub3A_287 : i32 to index
            %get3A_342 = arith.constant 96 : index
            %get3A_343 = tpu.vector_load %arg12[%get3A_341, %get3A_342] {strides = array<i32>} : memref<128x128xf32, #tpu.memory_space<vmem>>, vector<1x16xf32>,
            %get3A_344 = vector.shape_cast %get3A_343 : vector<1x16xf32> to vector<16xf32>
            %swap3A_345 = arith.index_cast %while3A_261 : i32 to index
            %swap3A_346 = arith.constant 96 : index
            %swap3A_347 = tpu.vector_load %arg14[%swap3A_345, %swap3A_346] {strides = array<i32>} : memref<320x128xf32, #tpu.memory_space<vmem>>, vector<1x16xf32>,
            %swap3A_348 = vector.shape_cast %swap3A_347 : vector<1x16xf32> to vector<16xf32>
            %swap3A_349 = vector.shape_cast %get3A_344 : vector<16xf32> to vector<1x16xf32>
            tpu.vector_store %arg14[%swap3A_345, %swap3A_346], %swap3A_349 {add = true, strides = array<i32>} : memref<320x128xf32, #tpu.memory_space<vmem>>, vector<1x16xf32>,
            %get3A_350 = arith.index_cast %sub3A_287 : i32 to index
            %get3A_351 = arith.constant 112 : index
            %get3A_352 = tpu.vector_load %arg12[%get3A_350, %get3A_351] {strides = array<i32>} : memref<128x128xf32, #tpu.memory_space<vmem>>, vector<1x16xf32>,
            %get3A_353 = vector.shape_cast %get3A_352 : vector<1x16xf32> to vector<16xf32>
            %swap3A_354 = arith.index_cast %while3A_261 : i32 to index
            %swap3A_355 = arith.constant 112 : index
            %swap3A_356 = tpu.vector_load %arg14[%swap3A_354, %swap3A_355] {strides = array<i32>} : memref<320x128xf32, #tpu.memory_space<vmem>>, vector<1x16xf32>,
            %swap3A_357 = vector.shape_cast %swap3A_356 : vector<1x16xf32> to vector<16xf32>
            %swap3A_358 = vector.shape_cast %get3A_353 : vector<16xf32> to vector<1x16xf32>
            tpu.vector_store %arg14[%swap3A_354, %swap3A_355], %swap3A_358 {add = true, strides = array<i32>} : memref<320x128xf32, #tpu.memory_space<vmem>>, vector<1x16xf32>,
          }
          %while3A_285 = arith.constant 1 : i32
          scf.for %while3A_286 = %while3A_283 to %while3A_279 step %while3A_285  : i32 {
            %sub3A_287 = arith.subi %while3A_286, %mul3A_173 : i32
            %get3A_288 = arith.index_cast %sub3A_287 : i32 to index
            %get3A_289 = arith.constant 0 : index
            %get3A_290 = tpu.vector_load %arg12[%get3A_288, %get3A_289] {strides = array<i32>} : memref<128x128xf32, #tpu.memory_space<vmem>>, vector<1x16xf32>,
            %get3A_291 = vector.shape_cast %get3A_290 : vector<1x16xf32> to vector<16xf32>
            %swap3A = arith.index_cast %while3A_261 : i32 to index
            %swap3A_292 = arith.constant 0 : index
            %swap3A_293 = tpu.vector_load %arg14[%swap3A, %swap3A_292] {strides = array<i32>} : memref<320x128xf32, #tpu.memory_space<vmem>>, vector<1x16xf32>,
            %swap3A_294 = vector.shape_cast %swap3A_293 : vector<1x16xf32> to vector<16xf32>
            %swap3A_295 = vector.shape_cast %get3A_291 : vector<16xf32> to vector<1x16xf32>
            tpu.vector_store %arg14[%swap3A, %swap3A_292], %swap3A_295 {add = true, strides = array<i32>} : memref<320x128xf32, #tpu.memory_space<vmem>>, vector<1x16xf32>,
            %get3A_296 = arith.index_cast %sub3A_287 : i32 to index
            %get3A_297 = arith.constant 16 : index
            %get3A_298 = tpu.vector_load %arg12[%get3A_296, %get3A_297] {strides = array<i32>} : memref<128x128xf32, #tpu.memory_space<vmem>>, vector<1x16xf32>,
            %get3A_299 = vector.shape_cast %get3A_298 : vector<1x16xf32> to vector<16xf32>
            %swap3A_300 = arith.index_cast %while3A_261 : i32 to index
            %swap3A_301 = arith.constant 16 : index
            %swap3A_302 = tpu.vector_load %arg14[%swap3A_300, %swap3A_301] {strides = array<i32>} : memref<320x128xf32, #tpu.memory_space<vmem>>, vector<1x16xf32>,
            %swap3A_303 = vector.shape_cast %swap3A_302 : vector<1x16xf32> to vector<16xf32>
            %swap3A_304 = vector.shape_cast %get3A_299 : vector<16xf32> to vector<1x16xf32>
            tpu.vector_store %arg14[%swap3A_300, %swap3A_301], %swap3A_304 {add = true, strides = array<i32>} : memref<320x128xf32, #tpu.memory_space<vmem>>, vector<1x16xf32>,
            %get3A_305 = arith.index_cast %sub3A_287 : i32 to index
            %get3A_306 = arith.constant 32 : index
            %get3A_307 = tpu.vector_load %arg12[%get3A_305, %get3A_306] {strides = array<i32>} : memref<128x128xf32, #tpu.memory_space<vmem>>, vector<1x16xf32>,
            %get3A_308 = vector.shape_cast %get3A_307 : vector<1x16xf32> to vector<16xf32>
            %swap3A_309 = arith.index_cast %while3A_261 : i32 to index
            %swap3A_310 = arith.constant 32 : index
            %swap3A_311 = tpu.vector_load %arg14[%swap3A_309, %swap3A_310] {strides = array<i32>} : memref<320x128xf32, #tpu.memory_space<vmem>>, vector<1x16xf32>,
            %swap3A_312 = vector.shape_cast %swap3A_311 : vector<1x16xf32> to vector<16xf32>
            %swap3A_313 = vector.shape_cast %get3A_308 : vector<16xf32> to vector<1x16xf32>
            tpu.vector_store %arg14[%swap3A_309, %swap3A_310], %swap3A_313 {add = true, strides = array<i32>} : memref<320x128xf32, #tpu.memory_space<vmem>>, vector<1x16xf32>,
            %get3A_314 = arith.index_cast %sub3A_287 : i32 to index
            %get3A_315 = arith.constant 48 : index
            %get3A_316 = tpu.vector_load %arg12[%get3A_314, %get3A_315] {strides = array<i32>} : memref<128x128xf32, #tpu.memory_space<vmem>>, vector<1x16xf32>,
            %get3A_317 = vector.shape_cast %get3A_316 : vector<1x16xf32> to vector<16xf32>
            %swap3A_318 = arith.index_cast %while3A_261 : i32 to index
            %swap3A_319 = arith.constant 48 : index
            %swap3A_320 = tpu.vector_load %arg14[%swap3A_318, %swap3A_319] {strides = array<i32>} : memref<320x128xf32, #tpu.memory_space<vmem>>, vector<1x16xf32>,
            %swap3A_321 = vector.shape_cast %swap3A_320 : vector<1x16xf32> to vector<16xf32>
            %swap3A_322 = vector.shape_cast %get3A_317 : vector<16xf32> to vector<1x16xf32>
            tpu.vector_store %arg14[%swap3A_318, %swap3A_319], %swap3A_322 {add = true, strides = array<i32>} : memref<320x128xf32, #tpu.memory_space<vmem>>, vector<1x16xf32>,
            %get3A_323 = arith.index_cast %sub3A_287 : i32 to index
            %get3A_324 = arith.constant 64 : index
            %get3A_325 = tpu.vector_load %arg12[%get3A_323, %get3A_324] {strides = array<i32>} : memref<128x128xf32, #tpu.memory_space<vmem>>, vector<1x16xf32>,
            %get3A_326 = vector.shape_cast %get3A_325 : vector<1x16xf32> to vector<16xf32>
            %swap3A_327 = arith.index_cast %while3A_261 : i32 to index
            %swap3A_328 = arith.constant 64 : index
            %swap3A_329 = tpu.vector_load %arg14[%swap3A_327, %swap3A_328] {strides = array<i32>} : memref<320x128xf32, #tpu.memory_space<vmem>>, vector<1x16xf32>,
            %swap3A_330 = vector.shape_cast %swap3A_329 : vector<1x16xf32> to vector<16xf32>
            %swap3A_331 = vector.shape_cast %get3A_326 : vector<16xf32> to vector<1x16xf32>
            tpu.vector_store %arg14[%swap3A_327, %swap3A_328], %swap3A_331 {add = true, strides = array<i32>} : memref<320x128xf32, #tpu.memory_space<vmem>>, vector<1x16xf32>,
            %get3A_332 = arith.index_cast %sub3A_287 : i32 to index
            %get3A_333 = arith.constant 80 : index
            %get3A_334 = tpu.vector_load %arg12[%get3A_332, %get3A_333] {strides = array<i32>} : memref<128x128xf32, #tpu.memory_space<vmem>>, vector<1x16xf32>,
            %get3A_335 = vector.shape_cast %get3A_334 : vector<1x16xf32> to vector<16xf32>
            %swap3A_336 = arith.index_cast %while3A_261 : i32 to index
            %swap3A_337 = arith.constant 80 : index
            %swap3A_338 = tpu.vector_load %arg14[%swap3A_336, %swap3A_337] {strides = array<i32>} : memref<320x128xf32, #tpu.memory_space<vmem>>, vector<1x16xf32>,
            %swap3A_339 = vector.shape_cast %swap3A_338 : vector<1x16xf32> to vector<16xf32>
            %swap3A_340 = vector.shape_cast %get3A_335 : vector<16xf32> to vector<1x16xf32>
            tpu.vector_store %arg14[%swap3A_336, %swap3A_337], %swap3A_340 {add = true, strides = array<i32>} : memref<320x128xf32, #tpu.memory_space<vmem>>, vector<1x16xf32>,
            %get3A_341 = arith.index_cast %sub3A_287 : i32 to index
            %get3A_342 = arith.constant 96 : index
            %get3A_343 = tpu.vector_load %arg12[%get3A_341, %get3A_342] {strides = array<i32>} : memref<128x128xf32, #tpu.memory_space<vmem>>, vector<1x16xf32>,
            %get3A_344 = vector.shape_cast %get3A_343 : vector<1x16xf32> to vector<16xf32>
            %swap3A_345 = arith.index_cast %while3A_261 : i32 to index
            %swap3A_346 = arith.constant 96 : index
            %swap3A_347 = tpu.vector_load %arg14[%swap3A_345, %swap3A_346] {strides = array<i32>} : memref<320x128xf32, #tpu.memory_space<vmem>>, vector<1x16xf32>,
            %swap3A_348 = vector.shape_cast %swap3A_347 : vector<1x16xf32> to vector<16xf32>
            %swap3A_349 = vector.shape_cast %get3A_344 : vector<16xf32> to vector<1x16xf32>
            tpu.vector_store %arg14[%swap3A_345, %swap3A_346], %swap3A_349 {add = true, strides = array<i32>} : memref<320x128xf32, #tpu.memory_space<vmem>>, vector<1x16xf32>,
            %get3A_350 = arith.index_cast %sub3A_287 : i32 to index
            %get3A_351 = arith.constant 112 : index
            %get3A_352 = tpu.vector_load %arg12[%get3A_350, %get3A_351] {strides = array<i32>} : memref<128x128xf32, #tpu.memory_space<vmem>>, vector<1x16xf32>,
            %get3A_353 = vector.shape_cast %get3A_352 : vector<1x16xf32> to vector<16xf32>
            %swap3A_354 = arith.index_cast %while3A_261 : i32 to index
            %swap3A_355 = arith.constant 112 : index
            %swap3A_356 = tpu.vector_load %arg14[%swap3A_354, %swap3A_355] {strides = array<i32>} : memref<320x128xf32, #tpu.memory_space<vmem>>, vector<1x16xf32>,
            %swap3A_357 = vector.shape_cast %swap3A_356 : vector<1x16xf32> to vector<16xf32>
            %swap3A_358 = vector.shape_cast %get3A_353 : vector<16xf32> to vector<1x16xf32>
            tpu.vector_store %arg14[%swap3A_354, %swap3A_355], %swap3A_358 {add = true, strides = array<i32>} : memref<320x128xf32, #tpu.memory_space<vmem>>, vector<1x16xf32>,
          }
        }
        %add3A_207 = arith.constant 2 : i32
        %add3A_208 = arith.addi %mul3A_154, %add3A_207 : i32
        %sub3A_209 = arith.constant 1 : i32
        %sub3A_210 = arith.subi %min3A_105, %sub3A_209 : i32
        %min3A_211 = arith.minsi %add3A_208, %sub3A_210 : i32
        %mul3A_212 = arith.constant 128 : i32
        %mul3A_213 = arith.muli %min3A_211, %mul3A_212 : i32
        %dma_start3A_214 = tpu.memref_slice %arg11[%mul3A_213] : memref<16384xi32, #tpu.memory_space<vmem>> -> memref<128xi32, #tpu.memory_space<vmem>>
        %dma_start3A_215 = arith.constant 0 : i32
        %dma_start3A_216 = arith.constant 0 : i32
        %dma_start3A_217 = tpu.memref_slice %arg2[%dma_start3A_215, %dma_start3A_216] : memref<10000x128xf32, #tpu.memory_space<hbm>> -> memref<10000x128xf32, #tpu.memory_space<hbm>>
        tpu.enqueue_indirect_dma source(%dma_start3A_217 : memref<10000x128xf32, #tpu.memory_space<hbm>>) target(%arg12 : memref<128x128xf32, #tpu.memory_space<vmem>>) offsets(%dma_start3A_214 : memref<128xi32, #tpu.memory_space<vmem>>) semaphore(%arg15 : memref<!tpu.dma_semaphore, #tpu.memory_space<semaphore_mem>>)
        %dma_wait3A_218 = arith.constant 0 : i32
        %dma_wait3A_219 = tpu.memref_slice %arg11[%dma_wait3A_218] : memref<16384xi32, #tpu.memory_space<vmem>> -> memref<128xi32, #tpu.memory_space<vmem>>
        %dma_wait3A_220 = arith.constant 0 : i32
        %dma_wait3A_221 = arith.constant 0 : i32
        %dma_wait3A_222 = tpu.memref_slice %arg2[%dma_wait3A_220, %dma_wait3A_221] : memref<10000x128xf32, #tpu.memory_space<hbm>> -> memref<10000x128xf32, #tpu.memory_space<hbm>>
        tpu.wait_indirect_dma semaphore(%arg16 : memref<!tpu.dma_semaphore, #tpu.memory_space<semaphore_mem>>) src(%dma_wait3A_222 : memref<10000x128xf32, #tpu.memory_space<hbm>>) dst(%arg13 : memref<128x128xf32, #tpu.memory_space<vmem>>)
        %add3A_223 = arith.addi %add3A_103, %min3A_159 : i32
        %lt3A_224 = arith.cmpi slt, %add3A_156, %min3A_105 : i32
        %mul3A_225 = arith.constant 128 : i32
        %mul3A_226 = arith.muli %add3A_223, %mul3A_225 : i32
        %mul3A_227 = arith.constant 128 : i32
        %mul3A_228 = arith.muli %min3A_159, %mul3A_227 : i32
        %get3A_229 = arith.index_cast %add3A_223 : i32 to index
        %get3A_230 = tpu.vector_load %arg10[%get3A_229] {strides = array<i32>} : memref<2520xi32, #tpu.memory_space<vmem>>, vector<16xi32>,
        %get3A_231 = vector.shape_cast %get3A_230 : vector<16xi32> to vector<16xi32>
        %slice3A_232 = vector.extract_strided_slice %get3A_231 {offsets = [0], sizes = [1], strides = [1]} : vector<16xi32> to vector<1xi32>
        %squeeze3A_233 = vector.extract %slice3A_232[0] : i32 from vector<1xi32>
        %sub3A_234 = arith.subi %squeeze3A_233, %mul3A_2 : i32
        %max3A_235 = arith.constant 0 : i32
        %max3A_236 = arith.maxsi %sub3A_234, %max3A_235 : i32
        %add3A_237 = arith.constant 1 : i32
        %add3A_238 = arith.addi %add3A_223, %add3A_237 : i32
        %get3A_239 = arith.index_cast %add3A_238 : i32 to index
        %get3A_240 = tpu.vector_load %arg10[%get3A_239] {strides = array<i32>} : memref<2520xi32, #tpu.memory_space<vmem>>, vector<16xi32>,
        %get3A_241 = vector.shape_cast %get3A_240 : vector<16xi32> to vector<16xi32>
        %slice3A_242 = vector.extract_strided_slice %get3A_241 {offsets = [0], sizes = [1], strides = [1]} : vector<16xi32> to vector<1xi32>
        %squeeze3A_243 = vector.extract %slice3A_242[0] : i32 from vector<1xi32>
        %sub3A_244 = arith.subi %squeeze3A_243, %mul3A_2 : i32
        %min3A_245 = arith.constant 319 : i32
        %min3A_246 = arith.minsi %sub3A_244, %min3A_245 : i32
        %sub3A_247 = arith.constant 1 : i32
        %sub3A_248 = arith.subi %max3A_236, %sub3A_247 : i32
        %select_n3A_249 = arith.select %lt3A_224, %min3A_246, %sub3A_248 : i32
        %add3A_250 = arith.constant 1 : i32
        %add3A_251 = arith.addi %select_n3A_249, %add3A_250 : i32
        %while3A_252 = arith.constant 0 : i32
        %while3A_253 = arith.subi %add3A_251, %max3A_236 : i32
        %while3A_254 = arith.addi %max3A_236, %while3A_253 : i32
        %while3A_255 = arith.constant 1 : i32
        %while3A_256 = arith.divsi %while3A_253, %while3A_255 : i32
        %while3A_257 = arith.muli %while3A_256, %while3A_255 : i32
        %while3A_258 = arith.addi %max3A_236, %while3A_257 : i32
        %while3A_259 = arith.constant 1 : i32
        scf.for %while3A_261 = %max3A_236 to %while3A_258 step %while3A_259  : i32 {
          %get3A_262 = arith.index_cast %while3A_261 : i32 to index
          %get3A_263 = tpu.vector_load %arg8[%get3A_262] {strides = array<i32>} : memref<344xi32, #tpu.memory_space<vmem>>, vector<16xi32>,
          %get3A_264 = vector.shape_cast %get3A_263 : vector<16xi32> to vector<16xi32>
          %slice3A_265 = vector.extract_strided_slice %get3A_264 {offsets = [0], sizes = [1], strides = [1]} : vector<16xi32> to vector<1xi32>
          %squeeze3A_266 = vector.extract %slice3A_265[0] : i32 from vector<1xi32>
          %max3A_267 = arith.maxsi %squeeze3A_266, %mul3A_226 : i32
          %add3A_268 = arith.constant 1 : i32
          %add3A_269 = arith.addi %while3A_261, %add3A_268 : i32
          %get3A_270 = arith.index_cast %add3A_269 : i32 to index
          %get3A_271 = tpu.vector_load %arg8[%get3A_270] {strides = array<i32>} : memref<344xi32, #tpu.memory_space<vmem>>, vector<16xi32>,
          %get3A_272 = vector.shape_cast %get3A_271 : vector<16xi32> to vector<16xi32>
          %slice3A_273 = vector.extract_strided_slice %get3A_272 {offsets = [0], sizes = [1], strides = [1]} : vector<16xi32> to vector<1xi32>
          %squeeze3A_274 = vector.extract %slice3A_273[0] : i32 from vector<1xi32>
          %add3A_275 = arith.constant 128 : i32
          %add3A_276 = arith.addi %mul3A_226, %add3A_275 : i32
          %min3A_277 = arith.minsi %squeeze3A_274, %add3A_276 : i32
          %while3A_278 = arith.subi %min3A_277, %max3A_267 : i32
          %while3A_279 = arith.addi %max3A_267, %while3A_278 : i32
          %while3A_280 = arith.constant 1 : i32
          %while3A_281 = arith.divsi %while3A_278, %while3A_280 : i32
          %while3A_282 = arith.muli %while3A_281, %while3A_280 : i32
          %while3A_283 = arith.addi %max3A_267, %while3A_282 : i32
          %while3A_284 = arith.constant 1 : i32
          scf.for %while3A_286 = %max3A_267 to %while3A_283 step %while3A_284  : i32 {
            %sub3A_287 = arith.subi %while3A_286, %mul3A_226 : i32
            %get3A_288 = arith.index_cast %sub3A_287 : i32 to index
            %get3A_289 = arith.constant 0 : index
            %get3A_290 = tpu.vector_load %arg13[%get3A_288, %get3A_289] {strides = array<i32>} : memref<128x128xf32, #tpu.memory_space<vmem>>, vector<1x16xf32>,
            %get3A_291 = vector.shape_cast %get3A_290 : vector<1x16xf32> to vector<16xf32>
            %swap3A = arith.index_cast %while3A_261 : i32 to index
            %swap3A_292 = arith.constant 0 : index
            %swap3A_293 = tpu.vector_load %arg14[%swap3A, %swap3A_292] {strides = array<i32>} : memref<320x128xf32, #tpu.memory_space<vmem>>, vector<1x16xf32>,
            %swap3A_294 = vector.shape_cast %swap3A_293 : vector<1x16xf32> to vector<16xf32>
            %swap3A_295 = vector.shape_cast %get3A_291 : vector<16xf32> to vector<1x16xf32>
            tpu.vector_store %arg14[%swap3A, %swap3A_292], %swap3A_295 {add = true, strides = array<i32>} : memref<320x128xf32, #tpu.memory_space<vmem>>, vector<1x16xf32>,
            %get3A_296 = arith.index_cast %sub3A_287 : i32 to index
            %get3A_297 = arith.constant 16 : index
            %get3A_298 = tpu.vector_load %arg13[%get3A_296, %get3A_297] {strides = array<i32>} : memref<128x128xf32, #tpu.memory_space<vmem>>, vector<1x16xf32>,
            %get3A_299 = vector.shape_cast %get3A_298 : vector<1x16xf32> to vector<16xf32>
            %swap3A_300 = arith.index_cast %while3A_261 : i32 to index
            %swap3A_301 = arith.constant 16 : index
            %swap3A_302 = tpu.vector_load %arg14[%swap3A_300, %swap3A_301] {strides = array<i32>} : memref<320x128xf32, #tpu.memory_space<vmem>>, vector<1x16xf32>,
            %swap3A_303 = vector.shape_cast %swap3A_302 : vector<1x16xf32> to vector<16xf32>
            %swap3A_304 = vector.shape_cast %get3A_299 : vector<16xf32> to vector<1x16xf32>
            tpu.vector_store %arg14[%swap3A_300, %swap3A_301], %swap3A_304 {add = true, strides = array<i32>} : memref<320x128xf32, #tpu.memory_space<vmem>>, vector<1x16xf32>,
            %get3A_305 = arith.index_cast %sub3A_287 : i32 to index
            %get3A_306 = arith.constant 32 : index
            %get3A_307 = tpu.vector_load %arg13[%get3A_305, %get3A_306] {strides = array<i32>} : memref<128x128xf32, #tpu.memory_space<vmem>>, vector<1x16xf32>,
            %get3A_308 = vector.shape_cast %get3A_307 : vector<1x16xf32> to vector<16xf32>
            %swap3A_309 = arith.index_cast %while3A_261 : i32 to index
            %swap3A_310 = arith.constant 32 : index
            %swap3A_311 = tpu.vector_load %arg14[%swap3A_309, %swap3A_310] {strides = array<i32>} : memref<320x128xf32, #tpu.memory_space<vmem>>, vector<1x16xf32>,
            %swap3A_312 = vector.shape_cast %swap3A_311 : vector<1x16xf32> to vector<16xf32>
            %swap3A_313 = vector.shape_cast %get3A_308 : vector<16xf32> to vector<1x16xf32>
            tpu.vector_store %arg14[%swap3A_309, %swap3A_310], %swap3A_313 {add = true, strides = array<i32>} : memref<320x128xf32, #tpu.memory_space<vmem>>, vector<1x16xf32>,
            %get3A_314 = arith.index_cast %sub3A_287 : i32 to index
            %get3A_315 = arith.constant 48 : index
            %get3A_316 = tpu.vector_load %arg13[%get3A_314, %get3A_315] {strides = array<i32>} : memref<128x128xf32, #tpu.memory_space<vmem>>, vector<1x16xf32>,
            %get3A_317 = vector.shape_cast %get3A_316 : vector<1x16xf32> to vector<16xf32>
            %swap3A_318 = arith.index_cast %while3A_261 : i32 to index
            %swap3A_319 = arith.constant 48 : index
            %swap3A_320 = tpu.vector_load %arg14[%swap3A_318, %swap3A_319] {strides = array<i32>} : memref<320x128xf32, #tpu.memory_space<vmem>>, vector<1x16xf32>,
            %swap3A_321 = vector.shape_cast %swap3A_320 : vector<1x16xf32> to vector<16xf32>
            %swap3A_322 = vector.shape_cast %get3A_317 : vector<16xf32> to vector<1x16xf32>
            tpu.vector_store %arg14[%swap3A_318, %swap3A_319], %swap3A_322 {add = true, strides = array<i32>} : memref<320x128xf32, #tpu.memory_space<vmem>>, vector<1x16xf32>,
            %get3A_323 = arith.index_cast %sub3A_287 : i32 to index
            %get3A_324 = arith.constant 64 : index
            %get3A_325 = tpu.vector_load %arg13[%get3A_323, %get3A_324] {strides = array<i32>} : memref<128x128xf32, #tpu.memory_space<vmem>>, vector<1x16xf32>,
            %get3A_326 = vector.shape_cast %get3A_325 : vector<1x16xf32> to vector<16xf32>
            %swap3A_327 = arith.index_cast %while3A_261 : i32 to index
            %swap3A_328 = arith.constant 64 : index
            %swap3A_329 = tpu.vector_load %arg14[%swap3A_327, %swap3A_328] {strides = array<i32>} : memref<320x128xf32, #tpu.memory_space<vmem>>, vector<1x16xf32>,
            %swap3A_330 = vector.shape_cast %swap3A_329 : vector<1x16xf32> to vector<16xf32>
            %swap3A_331 = vector.shape_cast %get3A_326 : vector<16xf32> to vector<1x16xf32>
            tpu.vector_store %arg14[%swap3A_327, %swap3A_328], %swap3A_331 {add = true, strides = array<i32>} : memref<320x128xf32, #tpu.memory_space<vmem>>, vector<1x16xf32>,
            %get3A_332 = arith.index_cast %sub3A_287 : i32 to index
            %get3A_333 = arith.constant 80 : index
            %get3A_334 = tpu.vector_load %arg13[%get3A_332, %get3A_333] {strides = array<i32>} : memref<128x128xf32, #tpu.memory_space<vmem>>, vector<1x16xf32>,
            %get3A_335 = vector.shape_cast %get3A_334 : vector<1x16xf32> to vector<16xf32>
            %swap3A_336 = arith.index_cast %while3A_261 : i32 to index
            %swap3A_337 = arith.constant 80 : index
            %swap3A_338 = tpu.vector_load %arg14[%swap3A_336, %swap3A_337] {strides = array<i32>} : memref<320x128xf32, #tpu.memory_space<vmem>>, vector<1x16xf32>,
            %swap3A_339 = vector.shape_cast %swap3A_338 : vector<1x16xf32> to vector<16xf32>
            %swap3A_340 = vector.shape_cast %get3A_335 : vector<16xf32> to vector<1x16xf32>
            tpu.vector_store %arg14[%swap3A_336, %swap3A_337], %swap3A_340 {add = true, strides = array<i32>} : memref<320x128xf32, #tpu.memory_space<vmem>>, vector<1x16xf32>,
            %get3A_341 = arith.index_cast %sub3A_287 : i32 to index
            %get3A_342 = arith.constant 96 : index
            %get3A_343 = tpu.vector_load %arg13[%get3A_341, %get3A_342] {strides = array<i32>} : memref<128x128xf32, #tpu.memory_space<vmem>>, vector<1x16xf32>,
            %get3A_344 = vector.shape_cast %get3A_343 : vector<1x16xf32> to vector<16xf32>
            %swap3A_345 = arith.index_cast %while3A_261 : i32 to index
            %swap3A_346 = arith.constant 96 : index
            %swap3A_347 = tpu.vector_load %arg14[%swap3A_345, %swap3A_346] {strides = array<i32>} : memref<320x128xf32, #tpu.memory_space<vmem>>, vector<1x16xf32>,
            %swap3A_348 = vector.shape_cast %swap3A_347 : vector<1x16xf32> to vector<16xf32>
            %swap3A_349 = vector.shape_cast %get3A_344 : vector<16xf32> to vector<1x16xf32>
            tpu.vector_store %arg14[%swap3A_345, %swap3A_346], %swap3A_349 {add = true, strides = array<i32>} : memref<320x128xf32, #tpu.memory_space<vmem>>, vector<1x16xf32>,
            %get3A_350 = arith.index_cast %sub3A_287 : i32 to index
            %get3A_351 = arith.constant 112 : index
            %get3A_352 = tpu.vector_load %arg13[%get3A_350, %get3A_351] {strides = array<i32>} : memref<128x128xf32, #tpu.memory_space<vmem>>, vector<1x16xf32>,
            %get3A_353 = vector.shape_cast %get3A_352 : vector<1x16xf32> to vector<16xf32>
            %swap3A_354 = arith.index_cast %while3A_261 : i32 to index
            %swap3A_355 = arith.constant 112 : index
            %swap3A_356 = tpu.vector_load %arg14[%swap3A_354, %swap3A_355] {strides = array<i32>} : memref<320x128xf32, #tpu.memory_space<vmem>>, vector<1x16xf32>,
            %swap3A_357 = vector.shape_cast %swap3A_356 : vector<1x16xf32> to vector<16xf32>
            %swap3A_358 = vector.shape_cast %get3A_353 : vector<16xf32> to vector<1x16xf32>
            tpu.vector_store %arg14[%swap3A_354, %swap3A_355], %swap3A_358 {add = true, strides = array<i32>} : memref<320x128xf32, #tpu.memory_space<vmem>>, vector<1x16xf32>,
          }
          %while3A_285 = arith.constant 1 : i32
          scf.for %while3A_286 = %while3A_283 to %while3A_279 step %while3A_285  : i32 {
            %sub3A_287 = arith.subi %while3A_286, %mul3A_226 : i32
            %get3A_288 = arith.index_cast %sub3A_287 : i32 to index
            %get3A_289 = arith.constant 0 : index
            %get3A_290 = tpu.vector_load %arg13[%get3A_288, %get3A_289] {strides = array<i32>} : memref<128x128xf32, #tpu.memory_space<vmem>>, vector<1x16xf32>,
            %get3A_291 = vector.shape_cast %get3A_290 : vector<1x16xf32> to vector<16xf32>
            %swap3A = arith.index_cast %while3A_261 : i32 to index
            %swap3A_292 = arith.constant 0 : index
            %swap3A_293 = tpu.vector_load %arg14[%swap3A, %swap3A_292] {strides = array<i32>} : memref<320x128xf32, #tpu.memory_space<vmem>>, vector<1x16xf32>,
            %swap3A_294 = vector.shape_cast %swap3A_293 : vector<1x16xf32> to vector<16xf32>
            %swap3A_295 = vector.shape_cast %get3A_291 : vector<16xf32> to vector<1x16xf32>
            tpu.vector_store %arg14[%swap3A, %swap3A_292], %swap3A_295 {add = true, strides = array<i32>} : memref<320x128xf32, #tpu.memory_space<vmem>>, vector<1x16xf32>,
            %get3A_296 = arith.index_cast %sub3A_287 : i32 to index
            %get3A_297 = arith.constant 16 : index
            %get3A_298 = tpu.vector_load %arg13[%get3A_296, %get3A_297] {strides = array<i32>} : memref<128x128xf32, #tpu.memory_space<vmem>>, vector<1x16xf32>,
            %get3A_299 = vector.shape_cast %get3A_298 : vector<1x16xf32> to vector<16xf32>
            %swap3A_300 = arith.index_cast %while3A_261 : i32 to index
            %swap3A_301 = arith.constant 16 : index
            %swap3A_302 = tpu.vector_load %arg14[%swap3A_300, %swap3A_301] {strides = array<i32>} : memref<320x128xf32, #tpu.memory_space<vmem>>, vector<1x16xf32>,
            %swap3A_303 = vector.shape_cast %swap3A_302 : vector<1x16xf32> to vector<16xf32>
            %swap3A_304 = vector.shape_cast %get3A_299 : vector<16xf32> to vector<1x16xf32>
            tpu.vector_store %arg14[%swap3A_300, %swap3A_301], %swap3A_304 {add = true, strides = array<i32>} : memref<320x128xf32, #tpu.memory_space<vmem>>, vector<1x16xf32>,
            %get3A_305 = arith.index_cast %sub3A_287 : i32 to index
            %get3A_306 = arith.constant 32 : index
            %get3A_307 = tpu.vector_load %arg13[%get3A_305, %get3A_306] {strides = array<i32>} : memref<128x128xf32, #tpu.memory_space<vmem>>, vector<1x16xf32>,
            %get3A_308 = vector.shape_cast %get3A_307 : vector<1x16xf32> to vector<16xf32>
            %swap3A_309 = arith.index_cast %while3A_261 : i32 to index
            %swap3A_310 = arith.constant 32 : index
            %swap3A_311 = tpu.vector_load %arg14[%swap3A_309, %swap3A_310] {strides = array<i32>} : memref<320x128xf32, #tpu.memory_space<vmem>>, vector<1x16xf32>,
            %swap3A_312 = vector.shape_cast %swap3A_311 : vector<1x16xf32> to vector<16xf32>
            %swap3A_313 = vector.shape_cast %get3A_308 : vector<16xf32> to vector<1x16xf32>
            tpu.vector_store %arg14[%swap3A_309, %swap3A_310], %swap3A_313 {add = true, strides = array<i32>} : memref<320x128xf32, #tpu.memory_space<vmem>>, vector<1x16xf32>,
            %get3A_314 = arith.index_cast %sub3A_287 : i32 to index
            %get3A_315 = arith.constant 48 : index
            %get3A_316 = tpu.vector_load %arg13[%get3A_314, %get3A_315] {strides = array<i32>} : memref<128x128xf32, #tpu.memory_space<vmem>>, vector<1x16xf32>,
            %get3A_317 = vector.shape_cast %get3A_316 : vector<1x16xf32> to vector<16xf32>
            %swap3A_318 = arith.index_cast %while3A_261 : i32 to index
            %swap3A_319 = arith.constant 48 : index
            %swap3A_320 = tpu.vector_load %arg14[%swap3A_318, %swap3A_319] {strides = array<i32>} : memref<320x128xf32, #tpu.memory_space<vmem>>, vector<1x16xf32>,
            %swap3A_321 = vector.shape_cast %swap3A_320 : vector<1x16xf32> to vector<16xf32>
            %swap3A_322 = vector.shape_cast %get3A_317 : vector<16xf32> to vector<1x16xf32>
            tpu.vector_store %arg14[%swap3A_318, %swap3A_319], %swap3A_322 {add = true, strides = array<i32>} : memref<320x128xf32, #tpu.memory_space<vmem>>, vector<1x16xf32>,
            %get3A_323 = arith.index_cast %sub3A_287 : i32 to index
            %get3A_324 = arith.constant 64 : index
            %get3A_325 = tpu.vector_load %arg13[%get3A_323, %get3A_324] {strides = array<i32>} : memref<128x128xf32, #tpu.memory_space<vmem>>, vector<1x16xf32>,
            %get3A_326 = vector.shape_cast %get3A_325 : vector<1x16xf32> to vector<16xf32>
            %swap3A_327 = arith.index_cast %while3A_261 : i32 to index
            %swap3A_328 = arith.constant 64 : index
            %swap3A_329 = tpu.vector_load %arg14[%swap3A_327, %swap3A_328] {strides = array<i32>} : memref<320x128xf32, #tpu.memory_space<vmem>>, vector<1x16xf32>,
            %swap3A_330 = vector.shape_cast %swap3A_329 : vector<1x16xf32> to vector<16xf32>
            %swap3A_331 = vector.shape_cast %get3A_326 : vector<16xf32> to vector<1x16xf32>
            tpu.vector_store %arg14[%swap3A_327, %swap3A_328], %swap3A_331 {add = true, strides = array<i32>} : memref<320x128xf32, #tpu.memory_space<vmem>>, vector<1x16xf32>,
            %get3A_332 = arith.index_cast %sub3A_287 : i32 to index
            %get3A_333 = arith.constant 80 : index
            %get3A_334 = tpu.vector_load %arg13[%get3A_332, %get3A_333] {strides = array<i32>} : memref<128x128xf32, #tpu.memory_space<vmem>>, vector<1x16xf32>,
            %get3A_335 = vector.shape_cast %get3A_334 : vector<1x16xf32> to vector<16xf32>
            %swap3A_336 = arith.index_cast %while3A_261 : i32 to index
            %swap3A_337 = arith.constant 80 : index
            %swap3A_338 = tpu.vector_load %arg14[%swap3A_336, %swap3A_337] {strides = array<i32>} : memref<320x128xf32, #tpu.memory_space<vmem>>, vector<1x16xf32>,
            %swap3A_339 = vector.shape_cast %swap3A_338 : vector<1x16xf32> to vector<16xf32>
            %swap3A_340 = vector.shape_cast %get3A_335 : vector<16xf32> to vector<1x16xf32>
            tpu.vector_store %arg14[%swap3A_336, %swap3A_337], %swap3A_340 {add = true, strides = array<i32>} : memref<320x128xf32, #tpu.memory_space<vmem>>, vector<1x16xf32>,
            %get3A_341 = arith.index_cast %sub3A_287 : i32 to index
            %get3A_342 = arith.constant 96 : index
            %get3A_343 = tpu.vector_load %arg13[%get3A_341, %get3A_342] {strides = array<i32>} : memref<128x128xf32, #tpu.memory_space<vmem>>, vector<1x16xf32>,
            %get3A_344 = vector.shape_cast %get3A_343 : vector<1x16xf32> to vector<16xf32>
            %swap3A_345 = arith.index_cast %while3A_261 : i32 to index
            %swap3A_346 = arith.constant 96 : index
            %swap3A_347 = tpu.vector_load %arg14[%swap3A_345, %swap3A_346] {strides = array<i32>} : memref<320x128xf32, #tpu.memory_space<vmem>>, vector<1x16xf32>,
            %swap3A_348 = vector.shape_cast %swap3A_347 : vector<1x16xf32> to vector<16xf32>
            %swap3A_349 = vector.shape_cast %get3A_344 : vector<16xf32> to vector<1x16xf32>
            tpu.vector_store %arg14[%swap3A_345, %swap3A_346], %swap3A_349 {add = true, strides = array<i32>} : memref<320x128xf32, #tpu.memory_space<vmem>>, vector<1x16xf32>,
            %get3A_350 = arith.index_cast %sub3A_287 : i32 to index
            %get3A_351 = arith.constant 112 : index
            %get3A_352 = tpu.vector_load %arg13[%get3A_350, %get3A_351] {strides = array<i32>} : memref<128x128xf32, #tpu.memory_space<vmem>>, vector<1x16xf32>,
            %get3A_353 = vector.shape_cast %get3A_352 : vector<1x16xf32> to vector<16xf32>
            %swap3A_354 = arith.index_cast %while3A_261 : i32 to index
            %swap3A_355 = arith.constant 112 : index
            %swap3A_356 = tpu.vector_load %arg14[%swap3A_354, %swap3A_355] {strides = array<i32>} : memref<320x128xf32, #tpu.memory_space<vmem>>, vector<1x16xf32>,
            %swap3A_357 = vector.shape_cast %swap3A_356 : vector<1x16xf32> to vector<16xf32>
            %swap3A_358 = vector.shape_cast %get3A_353 : vector<16xf32> to vector<1x16xf32>
            tpu.vector_store %arg14[%swap3A_354, %swap3A_355], %swap3A_358 {add = true, strides = array<i32>} : memref<320x128xf32, #tpu.memory_space<vmem>>, vector<1x16xf32>,
          }
        }
        %while3A_260 = arith.constant 1 : i32
        scf.for %while3A_261 = %while3A_258 to %while3A_254 step %while3A_260  : i32 {
          %get3A_262 = arith.index_cast %while3A_261 : i32 to index
          %get3A_263 = tpu.vector_load %arg8[%get3A_262] {strides = array<i32>} : memref<344xi32, #tpu.memory_space<vmem>>, vector<16xi32>,
          %get3A_264 = vector.shape_cast %get3A_263 : vector<16xi32> to vector<16xi32>
          %slice3A_265 = vector.extract_strided_slice %get3A_264 {offsets = [0], sizes = [1], strides = [1]} : vector<16xi32> to vector<1xi32>
          %squeeze3A_266 = vector.extract %slice3A_265[0] : i32 from vector<1xi32>
          %max3A_267 = arith.maxsi %squeeze3A_266, %mul3A_226 : i32
          %add3A_268 = arith.constant 1 : i32
          %add3A_269 = arith.addi %while3A_261, %add3A_268 : i32
          %get3A_270 = arith.index_cast %add3A_269 : i32 to index
          %get3A_271 = tpu.vector_load %arg8[%get3A_270] {strides = array<i32>} : memref<344xi32, #tpu.memory_space<vmem>>, vector<16xi32>,
          %get3A_272 = vector.shape_cast %get3A_271 : vector<16xi32> to vector<16xi32>
          %slice3A_273 = vector.extract_strided_slice %get3A_272 {offsets = [0], sizes = [1], strides = [1]} : vector<16xi32> to vector<1xi32>
          %squeeze3A_274 = vector.extract %slice3A_273[0] : i32 from vector<1xi32>
          %add3A_275 = arith.constant 128 : i32
          %add3A_276 = arith.addi %mul3A_226, %add3A_275 : i32
          %min3A_277 = arith.minsi %squeeze3A_274, %add3A_276 : i32
          %while3A_278 = arith.subi %min3A_277, %max3A_267 : i32
          %while3A_279 = arith.addi %max3A_267, %while3A_278 : i32
          %while3A_280 = arith.constant 1 : i32
          %while3A_281 = arith.divsi %while3A_278, %while3A_280 : i32
          %while3A_282 = arith.muli %while3A_281, %while3A_280 : i32
          %while3A_283 = arith.addi %max3A_267, %while3A_282 : i32
          %while3A_284 = arith.constant 1 : i32
          scf.for %while3A_286 = %max3A_267 to %while3A_283 step %while3A_284  : i32 {
            %sub3A_287 = arith.subi %while3A_286, %mul3A_226 : i32
            %get3A_288 = arith.index_cast %sub3A_287 : i32 to index
            %get3A_289 = arith.constant 0 : index
            %get3A_290 = tpu.vector_load %arg13[%get3A_288, %get3A_289] {strides = array<i32>} : memref<128x128xf32, #tpu.memory_space<vmem>>, vector<1x16xf32>,
            %get3A_291 = vector.shape_cast %get3A_290 : vector<1x16xf32> to vector<16xf32>
            %swap3A = arith.index_cast %while3A_261 : i32 to index
            %swap3A_292 = arith.constant 0 : index
            %swap3A_293 = tpu.vector_load %arg14[%swap3A, %swap3A_292] {strides = array<i32>} : memref<320x128xf32, #tpu.memory_space<vmem>>, vector<1x16xf32>,
            %swap3A_294 = vector.shape_cast %swap3A_293 : vector<1x16xf32> to vector<16xf32>
            %swap3A_295 = vector.shape_cast %get3A_291 : vector<16xf32> to vector<1x16xf32>
            tpu.vector_store %arg14[%swap3A, %swap3A_292], %swap3A_295 {add = true, strides = array<i32>} : memref<320x128xf32, #tpu.memory_space<vmem>>, vector<1x16xf32>,
            %get3A_296 = arith.index_cast %sub3A_287 : i32 to index
            %get3A_297 = arith.constant 16 : index
            %get3A_298 = tpu.vector_load %arg13[%get3A_296, %get3A_297] {strides = array<i32>} : memref<128x128xf32, #tpu.memory_space<vmem>>, vector<1x16xf32>,
            %get3A_299 = vector.shape_cast %get3A_298 : vector<1x16xf32> to vector<16xf32>
            %swap3A_300 = arith.index_cast %while3A_261 : i32 to index
            %swap3A_301 = arith.constant 16 : index
            %swap3A_302 = tpu.vector_load %arg14[%swap3A_300, %swap3A_301] {strides = array<i32>} : memref<320x128xf32, #tpu.memory_space<vmem>>, vector<1x16xf32>,
            %swap3A_303 = vector.shape_cast %swap3A_302 : vector<1x16xf32> to vector<16xf32>
            %swap3A_304 = vector.shape_cast %get3A_299 : vector<16xf32> to vector<1x16xf32>
            tpu.vector_store %arg14[%swap3A_300, %swap3A_301], %swap3A_304 {add = true, strides = array<i32>} : memref<320x128xf32, #tpu.memory_space<vmem>>, vector<1x16xf32>,
            %get3A_305 = arith.index_cast %sub3A_287 : i32 to index
            %get3A_306 = arith.constant 32 : index
            %get3A_307 = tpu.vector_load %arg13[%get3A_305, %get3A_306] {strides = array<i32>} : memref<128x128xf32, #tpu.memory_space<vmem>>, vector<1x16xf32>,
            %get3A_308 = vector.shape_cast %get3A_307 : vector<1x16xf32> to vector<16xf32>
            %swap3A_309 = arith.index_cast %while3A_261 : i32 to index
            %swap3A_310 = arith.constant 32 : index
            %swap3A_311 = tpu.vector_load %arg14[%swap3A_309, %swap3A_310] {strides = array<i32>} : memref<320x128xf32, #tpu.memory_space<vmem>>, vector<1x16xf32>,
            %swap3A_312 = vector.shape_cast %swap3A_311 : vector<1x16xf32> to vector<16xf32>
            %swap3A_313 = vector.shape_cast %get3A_308 : vector<16xf32> to vector<1x16xf32>
            tpu.vector_store %arg14[%swap3A_309, %swap3A_310], %swap3A_313 {add = true, strides = array<i32>} : memref<320x128xf32, #tpu.memory_space<vmem>>, vector<1x16xf32>,
            %get3A_314 = arith.index_cast %sub3A_287 : i32 to index
            %get3A_315 = arith.constant 48 : index
            %get3A_316 = tpu.vector_load %arg13[%get3A_314, %get3A_315] {strides = array<i32>} : memref<128x128xf32, #tpu.memory_space<vmem>>, vector<1x16xf32>,
            %get3A_317 = vector.shape_cast %get3A_316 : vector<1x16xf32> to vector<16xf32>
            %swap3A_318 = arith.index_cast %while3A_261 : i32 to index
            %swap3A_319 = arith.constant 48 : index
            %swap3A_320 = tpu.vector_load %arg14[%swap3A_318, %swap3A_319] {strides = array<i32>} : memref<320x128xf32, #tpu.memory_space<vmem>>, vector<1x16xf32>,
            %swap3A_321 = vector.shape_cast %swap3A_320 : vector<1x16xf32> to vector<16xf32>
            %swap3A_322 = vector.shape_cast %get3A_317 : vector<16xf32> to vector<1x16xf32>
            tpu.vector_store %arg14[%swap3A_318, %swap3A_319], %swap3A_322 {add = true, strides = array<i32>} : memref<320x128xf32, #tpu.memory_space<vmem>>, vector<1x16xf32>,
            %get3A_323 = arith.index_cast %sub3A_287 : i32 to index
            %get3A_324 = arith.constant 64 : index
            %get3A_325 = tpu.vector_load %arg13[%get3A_323, %get3A_324] {strides = array<i32>} : memref<128x128xf32, #tpu.memory_space<vmem>>, vector<1x16xf32>,
            %get3A_326 = vector.shape_cast %get3A_325 : vector<1x16xf32> to vector<16xf32>
            %swap3A_327 = arith.index_cast %while3A_261 : i32 to index
            %swap3A_328 = arith.constant 64 : index
            %swap3A_329 = tpu.vector_load %arg14[%swap3A_327, %swap3A_328] {strides = array<i32>} : memref<320x128xf32, #tpu.memory_space<vmem>>, vector<1x16xf32>,
            %swap3A_330 = vector.shape_cast %swap3A_329 : vector<1x16xf32> to vector<16xf32>
            %swap3A_331 = vector.shape_cast %get3A_326 : vector<16xf32> to vector<1x16xf32>
            tpu.vector_store %arg14[%swap3A_327, %swap3A_328], %swap3A_331 {add = true, strides = array<i32>} : memref<320x128xf32, #tpu.memory_space<vmem>>, vector<1x16xf32>,
            %get3A_332 = arith.index_cast %sub3A_287 : i32 to index
            %get3A_333 = arith.constant 80 : index
            %get3A_334 = tpu.vector_load %arg13[%get3A_332, %get3A_333] {strides = array<i32>} : memref<128x128xf32, #tpu.memory_space<vmem>>, vector<1x16xf32>,
            %get3A_335 = vector.shape_cast %get3A_334 : vector<1x16xf32> to vector<16xf32>
            %swap3A_336 = arith.index_cast %while3A_261 : i32 to index
            %swap3A_337 = arith.constant 80 : index
            %swap3A_338 = tpu.vector_load %arg14[%swap3A_336, %swap3A_337] {strides = array<i32>} : memref<320x128xf32, #tpu.memory_space<vmem>>, vector<1x16xf32>,
            %swap3A_339 = vector.shape_cast %swap3A_338 : vector<1x16xf32> to vector<16xf32>
            %swap3A_340 = vector.shape_cast %get3A_335 : vector<16xf32> to vector<1x16xf32>
            tpu.vector_store %arg14[%swap3A_336, %swap3A_337], %swap3A_340 {add = true, strides = array<i32>} : memref<320x128xf32, #tpu.memory_space<vmem>>, vector<1x16xf32>,
            %get3A_341 = arith.index_cast %sub3A_287 : i32 to index
            %get3A_342 = arith.constant 96 : index
            %get3A_343 = tpu.vector_load %arg13[%get3A_341, %get3A_342] {strides = array<i32>} : memref<128x128xf32, #tpu.memory_space<vmem>>, vector<1x16xf32>,
            %get3A_344 = vector.shape_cast %get3A_343 : vector<1x16xf32> to vector<16xf32>
            %swap3A_345 = arith.index_cast %while3A_261 : i32 to index
            %swap3A_346 = arith.constant 96 : index
            %swap3A_347 = tpu.vector_load %arg14[%swap3A_345, %swap3A_346] {strides = array<i32>} : memref<320x128xf32, #tpu.memory_space<vmem>>, vector<1x16xf32>,
            %swap3A_348 = vector.shape_cast %swap3A_347 : vector<1x16xf32> to vector<16xf32>
            %swap3A_349 = vector.shape_cast %get3A_344 : vector<16xf32> to vector<1x16xf32>
            tpu.vector_store %arg14[%swap3A_345, %swap3A_346], %swap3A_349 {add = true, strides = array<i32>} : memref<320x128xf32, #tpu.memory_space<vmem>>, vector<1x16xf32>,
            %get3A_350 = arith.index_cast %sub3A_287 : i32 to index
            %get3A_351 = arith.constant 112 : index
            %get3A_352 = tpu.vector_load %arg13[%get3A_350, %get3A_351] {strides = array<i32>} : memref<128x128xf32, #tpu.memory_space<vmem>>, vector<1x16xf32>,
            %get3A_353 = vector.shape_cast %get3A_352 : vector<1x16xf32> to vector<16xf32>
            %swap3A_354 = arith.index_cast %while3A_261 : i32 to index
            %swap3A_355 = arith.constant 112 : index
            %swap3A_356 = tpu.vector_load %arg14[%swap3A_354, %swap3A_355] {strides = array<i32>} : memref<320x128xf32, #tpu.memory_space<vmem>>, vector<1x16xf32>,
            %swap3A_357 = vector.shape_cast %swap3A_356 : vector<1x16xf32> to vector<16xf32>
            %swap3A_358 = vector.shape_cast %get3A_353 : vector<16xf32> to vector<1x16xf32>
            tpu.vector_store %arg14[%swap3A_354, %swap3A_355], %swap3A_358 {add = true, strides = array<i32>} : memref<320x128xf32, #tpu.memory_space<vmem>>, vector<1x16xf32>,
          }
          %while3A_285 = arith.constant 1 : i32
          scf.for %while3A_286 = %while3A_283 to %while3A_279 step %while3A_285  : i32 {
            %sub3A_287 = arith.subi %while3A_286, %mul3A_226 : i32
            %get3A_288 = arith.index_cast %sub3A_287 : i32 to index
            %get3A_289 = arith.constant 0 : index
            %get3A_290 = tpu.vector_load %arg13[%get3A_288, %get3A_289] {strides = array<i32>} : memref<128x128xf32, #tpu.memory_space<vmem>>, vector<1x16xf32>,
            %get3A_291 = vector.shape_cast %get3A_290 : vector<1x16xf32> to vector<16xf32>
            %swap3A = arith.index_cast %while3A_261 : i32 to index
            %swap3A_292 = arith.constant 0 : index
            %swap3A_293 = tpu.vector_load %arg14[%swap3A, %swap3A_292] {strides = array<i32>} : memref<320x128xf32, #tpu.memory_space<vmem>>, vector<1x16xf32>,
            %swap3A_294 = vector.shape_cast %swap3A_293 : vector<1x16xf32> to vector<16xf32>
            %swap3A_295 = vector.shape_cast %get3A_291 : vector<16xf32> to vector<1x16xf32>
            tpu.vector_store %arg14[%swap3A, %swap3A_292], %swap3A_295 {add = true, strides = array<i32>} : memref<320x128xf32, #tpu.memory_space<vmem>>, vector<1x16xf32>,
            %get3A_296 = arith.index_cast %sub3A_287 : i32 to index
            %get3A_297 = arith.constant 16 : index
            %get3A_298 = tpu.vector_load %arg13[%get3A_296, %get3A_297] {strides = array<i32>} : memref<128x128xf32, #tpu.memory_space<vmem>>, vector<1x16xf32>,
            %get3A_299 = vector.shape_cast %get3A_298 : vector<1x16xf32> to vector<16xf32>
            %swap3A_300 = arith.index_cast %while3A_261 : i32 to index
            %swap3A_301 = arith.constant 16 : index
            %swap3A_302 = tpu.vector_load %arg14[%swap3A_300, %swap3A_301] {strides = array<i32>} : memref<320x128xf32, #tpu.memory_space<vmem>>, vector<1x16xf32>,
            %swap3A_303 = vector.shape_cast %swap3A_302 : vector<1x16xf32> to vector<16xf32>
            %swap3A_304 = vector.shape_cast %get3A_299 : vector<16xf32> to vector<1x16xf32>
            tpu.vector_store %arg14[%swap3A_300, %swap3A_301], %swap3A_304 {add = true, strides = array<i32>} : memref<320x128xf32, #tpu.memory_space<vmem>>, vector<1x16xf32>,
            %get3A_305 = arith.index_cast %sub3A_287 : i32 to index
            %get3A_306 = arith.constant 32 : index
            %get3A_307 = tpu.vector_load %arg13[%get3A_305, %get3A_306] {strides = array<i32>} : memref<128x128xf32, #tpu.memory_space<vmem>>, vector<1x16xf32>,
            %get3A_308 = vector.shape_cast %get3A_307 : vector<1x16xf32> to vector<16xf32>
            %swap3A_309 = arith.index_cast %while3A_261 : i32 to index
            %swap3A_310 = arith.constant 32 : index
            %swap3A_311 = tpu.vector_load %arg14[%swap3A_309, %swap3A_310] {strides = array<i32>} : memref<320x128xf32, #tpu.memory_space<vmem>>, vector<1x16xf32>,
            %swap3A_312 = vector.shape_cast %swap3A_311 : vector<1x16xf32> to vector<16xf32>
            %swap3A_313 = vector.shape_cast %get3A_308 : vector<16xf32> to vector<1x16xf32>
            tpu.vector_store %arg14[%swap3A_309, %swap3A_310], %swap3A_313 {add = true, strides = array<i32>} : memref<320x128xf32, #tpu.memory_space<vmem>>, vector<1x16xf32>,
            %get3A_314 = arith.index_cast %sub3A_287 : i32 to index
            %get3A_315 = arith.constant 48 : index
            %get3A_316 = tpu.vector_load %arg13[%get3A_314, %get3A_315] {strides = array<i32>} : memref<128x128xf32, #tpu.memory_space<vmem>>, vector<1x16xf32>,
            %get3A_317 = vector.shape_cast %get3A_316 : vector<1x16xf32> to vector<16xf32>
            %swap3A_318 = arith.index_cast %while3A_261 : i32 to index
            %swap3A_319 = arith.constant 48 : index
            %swap3A_320 = tpu.vector_load %arg14[%swap3A_318, %swap3A_319] {strides = array<i32>} : memref<320x128xf32, #tpu.memory_space<vmem>>, vector<1x16xf32>,
            %swap3A_321 = vector.shape_cast %swap3A_320 : vector<1x16xf32> to vector<16xf32>
            %swap3A_322 = vector.shape_cast %get3A_317 : vector<16xf32> to vector<1x16xf32>
            tpu.vector_store %arg14[%swap3A_318, %swap3A_319], %swap3A_322 {add = true, strides = array<i32>} : memref<320x128xf32, #tpu.memory_space<vmem>>, vector<1x16xf32>,
            %get3A_323 = arith.index_cast %sub3A_287 : i32 to index
            %get3A_324 = arith.constant 64 : index
            %get3A_325 = tpu.vector_load %arg13[%get3A_323, %get3A_324] {strides = array<i32>} : memref<128x128xf32, #tpu.memory_space<vmem>>, vector<1x16xf32>,
            %get3A_326 = vector.shape_cast %get3A_325 : vector<1x16xf32> to vector<16xf32>
            %swap3A_327 = arith.index_cast %while3A_261 : i32 to index
            %swap3A_328 = arith.constant 64 : index
            %swap3A_329 = tpu.vector_load %arg14[%swap3A_327, %swap3A_328] {strides = array<i32>} : memref<320x128xf32, #tpu.memory_space<vmem>>, vector<1x16xf32>,
            %swap3A_330 = vector.shape_cast %swap3A_329 : vector<1x16xf32> to vector<16xf32>
            %swap3A_331 = vector.shape_cast %get3A_326 : vector<16xf32> to vector<1x16xf32>
            tpu.vector_store %arg14[%swap3A_327, %swap3A_328], %swap3A_331 {add = true, strides = array<i32>} : memref<320x128xf32, #tpu.memory_space<vmem>>, vector<1x16xf32>,
            %get3A_332 = arith.index_cast %sub3A_287 : i32 to index
            %get3A_333 = arith.constant 80 : index
            %get3A_334 = tpu.vector_load %arg13[%get3A_332, %get3A_333] {strides = array<i32>} : memref<128x128xf32, #tpu.memory_space<vmem>>, vector<1x16xf32>,
            %get3A_335 = vector.shape_cast %get3A_334 : vector<1x16xf32> to vector<16xf32>
            %swap3A_336 = arith.index_cast %while3A_261 : i32 to index
            %swap3A_337 = arith.constant 80 : index
            %swap3A_338 = tpu.vector_load %arg14[%swap3A_336, %swap3A_337] {strides = array<i32>} : memref<320x128xf32, #tpu.memory_space<vmem>>, vector<1x16xf32>,
            %swap3A_339 = vector.shape_cast %swap3A_338 : vector<1x16xf32> to vector<16xf32>
            %swap3A_340 = vector.shape_cast %get3A_335 : vector<16xf32> to vector<1x16xf32>
            tpu.vector_store %arg14[%swap3A_336, %swap3A_337], %swap3A_340 {add = true, strides = array<i32>} : memref<320x128xf32, #tpu.memory_space<vmem>>, vector<1x16xf32>,
            %get3A_341 = arith.index_cast %sub3A_287 : i32 to index
            %get3A_342 = arith.constant 96 : index
            %get3A_343 = tpu.vector_load %arg13[%get3A_341, %get3A_342] {strides = array<i32>} : memref<128x128xf32, #tpu.memory_space<vmem>>, vector<1x16xf32>,
            %get3A_344 = vector.shape_cast %get3A_343 : vector<1x16xf32> to vector<16xf32>
            %swap3A_345 = arith.index_cast %while3A_261 : i32 to index
            %swap3A_346 = arith.constant 96 : index
            %swap3A_347 = tpu.vector_load %arg14[%swap3A_345, %swap3A_346] {strides = array<i32>} : memref<320x128xf32, #tpu.memory_space<vmem>>, vector<1x16xf32>,
            %swap3A_348 = vector.shape_cast %swap3A_347 : vector<1x16xf32> to vector<16xf32>
            %swap3A_349 = vector.shape_cast %get3A_344 : vector<16xf32> to vector<1x16xf32>
            tpu.vector_store %arg14[%swap3A_345, %swap3A_346], %swap3A_349 {add = true, strides = array<i32>} : memref<320x128xf32, #tpu.memory_space<vmem>>, vector<1x16xf32>,
            %get3A_350 = arith.index_cast %sub3A_287 : i32 to index
            %get3A_351 = arith.constant 112 : index
            %get3A_352 = tpu.vector_load %arg13[%get3A_350, %get3A_351] {strides = array<i32>} : memref<128x128xf32, #tpu.memory_space<vmem>>, vector<1x16xf32>,
            %get3A_353 = vector.shape_cast %get3A_352 : vector<1x16xf32> to vector<16xf32>
            %swap3A_354 = arith.index_cast %while3A_261 : i32 to index
            %swap3A_355 = arith.constant 112 : index
            %swap3A_356 = tpu.vector_load %arg14[%swap3A_354, %swap3A_355] {strides = array<i32>} : memref<320x128xf32, #tpu.memory_space<vmem>>, vector<1x16xf32>,
            %swap3A_357 = vector.shape_cast %swap3A_356 : vector<1x16xf32> to vector<16xf32>
            %swap3A_358 = vector.shape_cast %get3A_353 : vector<16xf32> to vector<1x16xf32>
            tpu.vector_store %arg14[%swap3A_354, %swap3A_355], %swap3A_358 {add = true, strides = array<i32>} : memref<320x128xf32, #tpu.memory_space<vmem>>, vector<1x16xf32>,
          }
        }
      }
      %while3A_147 = arith.constant 1 : i32
      scf.for %while3A_152 = %while3A_145 to %while3A_141 step %while3A_147  : i32 {
        %mul3A_153 = arith.constant 2 : i32
        %mul3A_154 = arith.muli %mul3A_153, %while3A_152 : i32
        %add3A_155 = arith.constant 1 : i32
        %add3A_156 = arith.addi %mul3A_154, %add3A_155 : i32
        %sub3A_157 = arith.constant 1 : i32
        %sub3A_158 = arith.subi %min3A_105, %sub3A_157 : i32
        %min3A_159 = arith.minsi %add3A_156, %sub3A_158 : i32
        %mul3A_160 = arith.constant 128 : i32
        %mul3A_161 = arith.muli %min3A_159, %mul3A_160 : i32
        %dma_start3A_162 = tpu.memref_slice %arg11[%mul3A_161] : memref<16384xi32, #tpu.memory_space<vmem>> -> memref<128xi32, #tpu.memory_space<vmem>>
        %dma_start3A_163 = arith.constant 0 : i32
        %dma_start3A_164 = arith.constant 0 : i32
        %dma_start3A_165 = tpu.memref_slice %arg2[%dma_start3A_163, %dma_start3A_164] : memref<10000x128xf32, #tpu.memory_space<hbm>> -> memref<10000x128xf32, #tpu.memory_space<hbm>>
        tpu.enqueue_indirect_dma source(%dma_start3A_165 : memref<10000x128xf32, #tpu.memory_space<hbm>>) target(%arg13 : memref<128x128xf32, #tpu.memory_space<vmem>>) offsets(%dma_start3A_162 : memref<128xi32, #tpu.memory_space<vmem>>) semaphore(%arg16 : memref<!tpu.dma_semaphore, #tpu.memory_space<semaphore_mem>>)
        %dma_wait3A_166 = arith.constant 0 : i32
        %dma_wait3A_167 = tpu.memref_slice %arg11[%dma_wait3A_166] : memref<16384xi32, #tpu.memory_space<vmem>> -> memref<128xi32, #tpu.memory_space<vmem>>
        %dma_wait3A_168 = arith.constant 0 : i32
        %dma_wait3A_169 = arith.constant 0 : i32
        %dma_wait3A_170 = tpu.memref_slice %arg2[%dma_wait3A_168, %dma_wait3A_169] : memref<10000x128xf32, #tpu.memory_space<hbm>> -> memref<10000x128xf32, #tpu.memory_space<hbm>>
        tpu.wait_indirect_dma semaphore(%arg15 : memref<!tpu.dma_semaphore, #tpu.memory_space<semaphore_mem>>) src(%dma_wait3A_170 : memref<10000x128xf32, #tpu.memory_space<hbm>>) dst(%arg12 : memref<128x128xf32, #tpu.memory_space<vmem>>)
        %add3A_171 = arith.addi %add3A_103, %mul3A_154 : i32
        %lt3A = arith.cmpi slt, %mul3A_154, %min3A_105 : i32
        %mul3A_172 = arith.constant 128 : i32
        %mul3A_173 = arith.muli %add3A_171, %mul3A_172 : i32
        %mul3A_174 = arith.constant 128 : i32
        %mul3A_175 = arith.muli %mul3A_154, %mul3A_174 : i32
        %get3A_176 = arith.index_cast %add3A_171 : i32 to index
        %get3A_177 = tpu.vector_load %arg10[%get3A_176] {strides = array<i32>} : memref<2520xi32, #tpu.memory_space<vmem>>, vector<16xi32>,
        %get3A_178 = vector.shape_cast %get3A_177 : vector<16xi32> to vector<16xi32>
        %slice3A_179 = vector.extract_strided_slice %get3A_178 {offsets = [0], sizes = [1], strides = [1]} : vector<16xi32> to vector<1xi32>
        %squeeze3A_180 = vector.extract %slice3A_179[0] : i32 from vector<1xi32>
        %sub3A_181 = arith.subi %squeeze3A_180, %mul3A_2 : i32
        %max3A = arith.constant 0 : i32
        %max3A_182 = arith.maxsi %sub3A_181, %max3A : i32
        %add3A_183 = arith.constant 1 : i32
        %add3A_184 = arith.addi %add3A_171, %add3A_183 : i32
        %get3A_185 = arith.index_cast %add3A_184 : i32 to index
        %get3A_186 = tpu.vector_load %arg10[%get3A_185] {strides = array<i32>} : memref<2520xi32, #tpu.memory_space<vmem>>, vector<16xi32>,
        %get3A_187 = vector.shape_cast %get3A_186 : vector<16xi32> to vector<16xi32>
        %slice3A_188 = vector.extract_strided_slice %get3A_187 {offsets = [0], sizes = [1], strides = [1]} : vector<16xi32> to vector<1xi32>
        %squeeze3A_189 = vector.extract %slice3A_188[0] : i32 from vector<1xi32>
        %sub3A_190 = arith.subi %squeeze3A_189, %mul3A_2 : i32
        %min3A_191 = arith.constant 319 : i32
        %min3A_192 = arith.minsi %sub3A_190, %min3A_191 : i32
        %sub3A_193 = arith.constant 1 : i32
        %sub3A_194 = arith.subi %max3A_182, %sub3A_193 : i32
        %select_n3A_195 = arith.select %lt3A, %min3A_192, %sub3A_194 : i32
        %add3A_196 = arith.constant 1 : i32
        %add3A_197 = arith.addi %select_n3A_195, %add3A_196 : i32
        %while3A_198 = arith.constant 0 : i32
        %while3A_199 = arith.subi %add3A_197, %max3A_182 : i32
        %while3A_200 = arith.addi %max3A_182, %while3A_199 : i32
        %while3A_201 = arith.constant 1 : i32
        %while3A_202 = arith.divsi %while3A_199, %while3A_201 : i32
        %while3A_203 = arith.muli %while3A_202, %while3A_201 : i32
        %while3A_204 = arith.addi %max3A_182, %while3A_203 : i32
        %while3A_205 = arith.constant 1 : i32
        scf.for %while3A_261 = %max3A_182 to %while3A_204 step %while3A_205  : i32 {
          %get3A_262 = arith.index_cast %while3A_261 : i32 to index
          %get3A_263 = tpu.vector_load %arg8[%get3A_262] {strides = array<i32>} : memref<344xi32, #tpu.memory_space<vmem>>, vector<16xi32>,
          %get3A_264 = vector.shape_cast %get3A_263 : vector<16xi32> to vector<16xi32>
          %slice3A_265 = vector.extract_strided_slice %get3A_264 {offsets = [0], sizes = [1], strides = [1]} : vector<16xi32> to vector<1xi32>
          %squeeze3A_266 = vector.extract %slice3A_265[0] : i32 from vector<1xi32>
          %max3A_267 = arith.maxsi %squeeze3A_266, %mul3A_173 : i32
          %add3A_268 = arith.constant 1 : i32
          %add3A_269 = arith.addi %while3A_261, %add3A_268 : i32
          %get3A_270 = arith.index_cast %add3A_269 : i32 to index
          %get3A_271 = tpu.vector_load %arg8[%get3A_270] {strides = array<i32>} : memref<344xi32, #tpu.memory_space<vmem>>, vector<16xi32>,
          %get3A_272 = vector.shape_cast %get3A_271 : vector<16xi32> to vector<16xi32>
          %slice3A_273 = vector.extract_strided_slice %get3A_272 {offsets = [0], sizes = [1], strides = [1]} : vector<16xi32> to vector<1xi32>
          %squeeze3A_274 = vector.extract %slice3A_273[0] : i32 from vector<1xi32>
          %add3A_275 = arith.constant 128 : i32
          %add3A_276 = arith.addi %mul3A_173, %add3A_275 : i32
          %min3A_277 = arith.minsi %squeeze3A_274, %add3A_276 : i32
          %while3A_278 = arith.subi %min3A_277, %max3A_267 : i32
          %while3A_279 = arith.addi %max3A_267, %while3A_278 : i32
          %while3A_280 = arith.constant 1 : i32
          %while3A_281 = arith.divsi %while3A_278, %while3A_280 : i32
          %while3A_282 = arith.muli %while3A_281, %while3A_280 : i32
          %while3A_283 = arith.addi %max3A_267, %while3A_282 : i32
          %while3A_284 = arith.constant 1 : i32
          scf.for %while3A_286 = %max3A_267 to %while3A_283 step %while3A_284  : i32 {
            %sub3A_287 = arith.subi %while3A_286, %mul3A_173 : i32
            %get3A_288 = arith.index_cast %sub3A_287 : i32 to index
            %get3A_289 = arith.constant 0 : index
            %get3A_290 = tpu.vector_load %arg12[%get3A_288, %get3A_289] {strides = array<i32>} : memref<128x128xf32, #tpu.memory_space<vmem>>, vector<1x16xf32>,
            %get3A_291 = vector.shape_cast %get3A_290 : vector<1x16xf32> to vector<16xf32>
            %swap3A = arith.index_cast %while3A_261 : i32 to index
            %swap3A_292 = arith.constant 0 : index
            %swap3A_293 = tpu.vector_load %arg14[%swap3A, %swap3A_292] {strides = array<i32>} : memref<320x128xf32, #tpu.memory_space<vmem>>, vector<1x16xf32>,
            %swap3A_294 = vector.shape_cast %swap3A_293 : vector<1x16xf32> to vector<16xf32>
            %swap3A_295 = vector.shape_cast %get3A_291 : vector<16xf32> to vector<1x16xf32>
            tpu.vector_store %arg14[%swap3A, %swap3A_292], %swap3A_295 {add = true, strides = array<i32>} : memref<320x128xf32, #tpu.memory_space<vmem>>, vector<1x16xf32>,
            %get3A_296 = arith.index_cast %sub3A_287 : i32 to index
            %get3A_297 = arith.constant 16 : index
            %get3A_298 = tpu.vector_load %arg12[%get3A_296, %get3A_297] {strides = array<i32>} : memref<128x128xf32, #tpu.memory_space<vmem>>, vector<1x16xf32>,
            %get3A_299 = vector.shape_cast %get3A_298 : vector<1x16xf32> to vector<16xf32>
            %swap3A_300 = arith.index_cast %while3A_261 : i32 to index
            %swap3A_301 = arith.constant 16 : index
            %swap3A_302 = tpu.vector_load %arg14[%swap3A_300, %swap3A_301] {strides = array<i32>} : memref<320x128xf32, #tpu.memory_space<vmem>>, vector<1x16xf32>,
            %swap3A_303 = vector.shape_cast %swap3A_302 : vector<1x16xf32> to vector<16xf32>
            %swap3A_304 = vector.shape_cast %get3A_299 : vector<16xf32> to vector<1x16xf32>
            tpu.vector_store %arg14[%swap3A_300, %swap3A_301], %swap3A_304 {add = true, strides = array<i32>} : memref<320x128xf32, #tpu.memory_space<vmem>>, vector<1x16xf32>,
            %get3A_305 = arith.index_cast %sub3A_287 : i32 to index
            %get3A_306 = arith.constant 32 : index
            %get3A_307 = tpu.vector_load %arg12[%get3A_305, %get3A_306] {strides = array<i32>} : memref<128x128xf32, #tpu.memory_space<vmem>>, vector<1x16xf32>,
            %get3A_308 = vector.shape_cast %get3A_307 : vector<1x16xf32> to vector<16xf32>
            %swap3A_309 = arith.index_cast %while3A_261 : i32 to index
            %swap3A_310 = arith.constant 32 : index
            %swap3A_311 = tpu.vector_load %arg14[%swap3A_309, %swap3A_310] {strides = array<i32>} : memref<320x128xf32, #tpu.memory_space<vmem>>, vector<1x16xf32>,
            %swap3A_312 = vector.shape_cast %swap3A_311 : vector<1x16xf32> to vector<16xf32>
            %swap3A_313 = vector.shape_cast %get3A_308 : vector<16xf32> to vector<1x16xf32>
            tpu.vector_store %arg14[%swap3A_309, %swap3A_310], %swap3A_313 {add = true, strides = array<i32>} : memref<320x128xf32, #tpu.memory_space<vmem>>, vector<1x16xf32>,
            %get3A_314 = arith.index_cast %sub3A_287 : i32 to index
            %get3A_315 = arith.constant 48 : index
            %get3A_316 = tpu.vector_load %arg12[%get3A_314, %get3A_315] {strides = array<i32>} : memref<128x128xf32, #tpu.memory_space<vmem>>, vector<1x16xf32>,
            %get3A_317 = vector.shape_cast %get3A_316 : vector<1x16xf32> to vector<16xf32>
            %swap3A_318 = arith.index_cast %while3A_261 : i32 to index
            %swap3A_319 = arith.constant 48 : index
            %swap3A_320 = tpu.vector_load %arg14[%swap3A_318, %swap3A_319] {strides = array<i32>} : memref<320x128xf32, #tpu.memory_space<vmem>>, vector<1x16xf32>,
            %swap3A_321 = vector.shape_cast %swap3A_320 : vector<1x16xf32> to vector<16xf32>
            %swap3A_322 = vector.shape_cast %get3A_317 : vector<16xf32> to vector<1x16xf32>
            tpu.vector_store %arg14[%swap3A_318, %swap3A_319], %swap3A_322 {add = true, strides = array<i32>} : memref<320x128xf32, #tpu.memory_space<vmem>>, vector<1x16xf32>,
            %get3A_323 = arith.index_cast %sub3A_287 : i32 to index
            %get3A_324 = arith.constant 64 : index
            %get3A_325 = tpu.vector_load %arg12[%get3A_323, %get3A_324] {strides = array<i32>} : memref<128x128xf32, #tpu.memory_space<vmem>>, vector<1x16xf32>,
            %get3A_326 = vector.shape_cast %get3A_325 : vector<1x16xf32> to vector<16xf32>
            %swap3A_327 = arith.index_cast %while3A_261 : i32 to index
            %swap3A_328 = arith.constant 64 : index
            %swap3A_329 = tpu.vector_load %arg14[%swap3A_327, %swap3A_328] {strides = array<i32>} : memref<320x128xf32, #tpu.memory_space<vmem>>, vector<1x16xf32>,
            %swap3A_330 = vector.shape_cast %swap3A_329 : vector<1x16xf32> to vector<16xf32>
            %swap3A_331 = vector.shape_cast %get3A_326 : vector<16xf32> to vector<1x16xf32>
            tpu.vector_store %arg14[%swap3A_327, %swap3A_328], %swap3A_331 {add = true, strides = array<i32>} : memref<320x128xf32, #tpu.memory_space<vmem>>, vector<1x16xf32>,
            %get3A_332 = arith.index_cast %sub3A_287 : i32 to index
            %get3A_333 = arith.constant 80 : index
            %get3A_334 = tpu.vector_load %arg12[%get3A_332, %get3A_333] {strides = array<i32>} : memref<128x128xf32, #tpu.memory_space<vmem>>, vector<1x16xf32>,
            %get3A_335 = vector.shape_cast %get3A_334 : vector<1x16xf32> to vector<16xf32>
            %swap3A_336 = arith.index_cast %while3A_261 : i32 to index
            %swap3A_337 = arith.constant 80 : index
            %swap3A_338 = tpu.vector_load %arg14[%swap3A_336, %swap3A_337] {strides = array<i32>} : memref<320x128xf32, #tpu.memory_space<vmem>>, vector<1x16xf32>,
            %swap3A_339 = vector.shape_cast %swap3A_338 : vector<1x16xf32> to vector<16xf32>
            %swap3A_340 = vector.shape_cast %get3A_335 : vector<16xf32> to vector<1x16xf32>
            tpu.vector_store %arg14[%swap3A_336, %swap3A_337], %swap3A_340 {add = true, strides = array<i32>} : memref<320x128xf32, #tpu.memory_space<vmem>>, vector<1x16xf32>,
            %get3A_341 = arith.index_cast %sub3A_287 : i32 to index
            %get3A_342 = arith.constant 96 : index
            %get3A_343 = tpu.vector_load %arg12[%get3A_341, %get3A_342] {strides = array<i32>} : memref<128x128xf32, #tpu.memory_space<vmem>>, vector<1x16xf32>,
            %get3A_344 = vector.shape_cast %get3A_343 : vector<1x16xf32> to vector<16xf32>
            %swap3A_345 = arith.index_cast %while3A_261 : i32 to index
            %swap3A_346 = arith.constant 96 : index
            %swap3A_347 = tpu.vector_load %arg14[%swap3A_345, %swap3A_346] {strides = array<i32>} : memref<320x128xf32, #tpu.memory_space<vmem>>, vector<1x16xf32>,
            %swap3A_348 = vector.shape_cast %swap3A_347 : vector<1x16xf32> to vector<16xf32>
            %swap3A_349 = vector.shape_cast %get3A_344 : vector<16xf32> to vector<1x16xf32>
            tpu.vector_store %arg14[%swap3A_345, %swap3A_346], %swap3A_349 {add = true, strides = array<i32>} : memref<320x128xf32, #tpu.memory_space<vmem>>, vector<1x16xf32>,
            %get3A_350 = arith.index_cast %sub3A_287 : i32 to index
            %get3A_351 = arith.constant 112 : index
            %get3A_352 = tpu.vector_load %arg12[%get3A_350, %get3A_351] {strides = array<i32>} : memref<128x128xf32, #tpu.memory_space<vmem>>, vector<1x16xf32>,
            %get3A_353 = vector.shape_cast %get3A_352 : vector<1x16xf32> to vector<16xf32>
            %swap3A_354 = arith.index_cast %while3A_261 : i32 to index
            %swap3A_355 = arith.constant 112 : index
            %swap3A_356 = tpu.vector_load %arg14[%swap3A_354, %swap3A_355] {strides = array<i32>} : memref<320x128xf32, #tpu.memory_space<vmem>>, vector<1x16xf32>,
            %swap3A_357 = vector.shape_cast %swap3A_356 : vector<1x16xf32> to vector<16xf32>
            %swap3A_358 = vector.shape_cast %get3A_353 : vector<16xf32> to vector<1x16xf32>
            tpu.vector_store %arg14[%swap3A_354, %swap3A_355], %swap3A_358 {add = true, strides = array<i32>} : memref<320x128xf32, #tpu.memory_space<vmem>>, vector<1x16xf32>,
          }
          %while3A_285 = arith.constant 1 : i32
          scf.for %while3A_286 = %while3A_283 to %while3A_279 step %while3A_285  : i32 {
            %sub3A_287 = arith.subi %while3A_286, %mul3A_173 : i32
            %get3A_288 = arith.index_cast %sub3A_287 : i32 to index
            %get3A_289 = arith.constant 0 : index
            %get3A_290 = tpu.vector_load %arg12[%get3A_288, %get3A_289] {strides = array<i32>} : memref<128x128xf32, #tpu.memory_space<vmem>>, vector<1x16xf32>,
            %get3A_291 = vector.shape_cast %get3A_290 : vector<1x16xf32> to vector<16xf32>
            %swap3A = arith.index_cast %while3A_261 : i32 to index
            %swap3A_292 = arith.constant 0 : index
            %swap3A_293 = tpu.vector_load %arg14[%swap3A, %swap3A_292] {strides = array<i32>} : memref<320x128xf32, #tpu.memory_space<vmem>>, vector<1x16xf32>,
            %swap3A_294 = vector.shape_cast %swap3A_293 : vector<1x16xf32> to vector<16xf32>
            %swap3A_295 = vector.shape_cast %get3A_291 : vector<16xf32> to vector<1x16xf32>
            tpu.vector_store %arg14[%swap3A, %swap3A_292], %swap3A_295 {add = true, strides = array<i32>} : memref<320x128xf32, #tpu.memory_space<vmem>>, vector<1x16xf32>,
            %get3A_296 = arith.index_cast %sub3A_287 : i32 to index
            %get3A_297 = arith.constant 16 : index
            %get3A_298 = tpu.vector_load %arg12[%get3A_296, %get3A_297] {strides = array<i32>} : memref<128x128xf32, #tpu.memory_space<vmem>>, vector<1x16xf32>,
            %get3A_299 = vector.shape_cast %get3A_298 : vector<1x16xf32> to vector<16xf32>
            %swap3A_300 = arith.index_cast %while3A_261 : i32 to index
            %swap3A_301 = arith.constant 16 : index
            %swap3A_302 = tpu.vector_load %arg14[%swap3A_300, %swap3A_301] {strides = array<i32>} : memref<320x128xf32, #tpu.memory_space<vmem>>, vector<1x16xf32>,
            %swap3A_303 = vector.shape_cast %swap3A_302 : vector<1x16xf32> to vector<16xf32>
            %swap3A_304 = vector.shape_cast %get3A_299 : vector<16xf32> to vector<1x16xf32>
            tpu.vector_store %arg14[%swap3A_300, %swap3A_301], %swap3A_304 {add = true, strides = array<i32>} : memref<320x128xf32, #tpu.memory_space<vmem>>, vector<1x16xf32>,
            %get3A_305 = arith.index_cast %sub3A_287 : i32 to index
            %get3A_306 = arith.constant 32 : index
            %get3A_307 = tpu.vector_load %arg12[%get3A_305, %get3A_306] {strides = array<i32>} : memref<128x128xf32, #tpu.memory_space<vmem>>, vector<1x16xf32>,
            %get3A_308 = vector.shape_cast %get3A_307 : vector<1x16xf32> to vector<16xf32>
            %swap3A_309 = arith.index_cast %while3A_261 : i32 to index
            %swap3A_310 = arith.constant 32 : index
            %swap3A_311 = tpu.vector_load %arg14[%swap3A_309, %swap3A_310] {strides = array<i32>} : memref<320x128xf32, #tpu.memory_space<vmem>>, vector<1x16xf32>,
            %swap3A_312 = vector.shape_cast %swap3A_311 : vector<1x16xf32> to vector<16xf32>
            %swap3A_313 = vector.shape_cast %get3A_308 : vector<16xf32> to vector<1x16xf32>
            tpu.vector_store %arg14[%swap3A_309, %swap3A_310], %swap3A_313 {add = true, strides = array<i32>} : memref<320x128xf32, #tpu.memory_space<vmem>>, vector<1x16xf32>,
            %get3A_314 = arith.index_cast %sub3A_287 : i32 to index
            %get3A_315 = arith.constant 48 : index
            %get3A_316 = tpu.vector_load %arg12[%get3A_314, %get3A_315] {strides = array<i32>} : memref<128x128xf32, #tpu.memory_space<vmem>>, vector<1x16xf32>,
            %get3A_317 = vector.shape_cast %get3A_316 : vector<1x16xf32> to vector<16xf32>
            %swap3A_318 = arith.index_cast %while3A_261 : i32 to index
            %swap3A_319 = arith.constant 48 : index
            %swap3A_320 = tpu.vector_load %arg14[%swap3A_318, %swap3A_319] {strides = array<i32>} : memref<320x128xf32, #tpu.memory_space<vmem>>, vector<1x16xf32>,
            %swap3A_321 = vector.shape_cast %swap3A_320 : vector<1x16xf32> to vector<16xf32>
            %swap3A_322 = vector.shape_cast %get3A_317 : vector<16xf32> to vector<1x16xf32>
            tpu.vector_store %arg14[%swap3A_318, %swap3A_319], %swap3A_322 {add = true, strides = array<i32>} : memref<320x128xf32, #tpu.memory_space<vmem>>, vector<1x16xf32>,
            %get3A_323 = arith.index_cast %sub3A_287 : i32 to index
            %get3A_324 = arith.constant 64 : index
            %get3A_325 = tpu.vector_load %arg12[%get3A_323, %get3A_324] {strides = array<i32>} : memref<128x128xf32, #tpu.memory_space<vmem>>, vector<1x16xf32>,
            %get3A_326 = vector.shape_cast %get3A_325 : vector<1x16xf32> to vector<16xf32>
            %swap3A_327 = arith.index_cast %while3A_261 : i32 to index
            %swap3A_328 = arith.constant 64 : index
            %swap3A_329 = tpu.vector_load %arg14[%swap3A_327, %swap3A_328] {strides = array<i32>} : memref<320x128xf32, #tpu.memory_space<vmem>>, vector<1x16xf32>,
            %swap3A_330 = vector.shape_cast %swap3A_329 : vector<1x16xf32> to vector<16xf32>
            %swap3A_331 = vector.shape_cast %get3A_326 : vector<16xf32> to vector<1x16xf32>
            tpu.vector_store %arg14[%swap3A_327, %swap3A_328], %swap3A_331 {add = true, strides = array<i32>} : memref<320x128xf32, #tpu.memory_space<vmem>>, vector<1x16xf32>,
            %get3A_332 = arith.index_cast %sub3A_287 : i32 to index
            %get3A_333 = arith.constant 80 : index
            %get3A_334 = tpu.vector_load %arg12[%get3A_332, %get3A_333] {strides = array<i32>} : memref<128x128xf32, #tpu.memory_space<vmem>>, vector<1x16xf32>,
            %get3A_335 = vector.shape_cast %get3A_334 : vector<1x16xf32> to vector<16xf32>
            %swap3A_336 = arith.index_cast %while3A_261 : i32 to index
            %swap3A_337 = arith.constant 80 : index
            %swap3A_338 = tpu.vector_load %arg14[%swap3A_336, %swap3A_337] {strides = array<i32>} : memref<320x128xf32, #tpu.memory_space<vmem>>, vector<1x16xf32>,
            %swap3A_339 = vector.shape_cast %swap3A_338 : vector<1x16xf32> to vector<16xf32>
            %swap3A_340 = vector.shape_cast %get3A_335 : vector<16xf32> to vector<1x16xf32>
            tpu.vector_store %arg14[%swap3A_336, %swap3A_337], %swap3A_340 {add = true, strides = array<i32>} : memref<320x128xf32, #tpu.memory_space<vmem>>, vector<1x16xf32>,
            %get3A_341 = arith.index_cast %sub3A_287 : i32 to index
            %get3A_342 = arith.constant 96 : index
            %get3A_343 = tpu.vector_load %arg12[%get3A_341, %get3A_342] {strides = array<i32>} : memref<128x128xf32, #tpu.memory_space<vmem>>, vector<1x16xf32>,
            %get3A_344 = vector.shape_cast %get3A_343 : vector<1x16xf32> to vector<16xf32>
            %swap3A_345 = arith.index_cast %while3A_261 : i32 to index
            %swap3A_346 = arith.constant 96 : index
            %swap3A_347 = tpu.vector_load %arg14[%swap3A_345, %swap3A_346] {strides = array<i32>} : memref<320x128xf32, #tpu.memory_space<vmem>>, vector<1x16xf32>,
            %swap3A_348 = vector.shape_cast %swap3A_347 : vector<1x16xf32> to vector<16xf32>
            %swap3A_349 = vector.shape_cast %get3A_344 : vector<16xf32> to vector<1x16xf32>
            tpu.vector_store %arg14[%swap3A_345, %swap3A_346], %swap3A_349 {add = true, strides = array<i32>} : memref<320x128xf32, #tpu.memory_space<vmem>>, vector<1x16xf32>,
            %get3A_350 = arith.index_cast %sub3A_287 : i32 to index
            %get3A_351 = arith.constant 112 : index
            %get3A_352 = tpu.vector_load %arg12[%get3A_350, %get3A_351] {strides = array<i32>} : memref<128x128xf32, #tpu.memory_space<vmem>>, vector<1x16xf32>,
            %get3A_353 = vector.shape_cast %get3A_352 : vector<1x16xf32> to vector<16xf32>
            %swap3A_354 = arith.index_cast %while3A_261 : i32 to index
            %swap3A_355 = arith.constant 112 : index
            %swap3A_356 = tpu.vector_load %arg14[%swap3A_354, %swap3A_355] {strides = array<i32>} : memref<320x128xf32, #tpu.memory_space<vmem>>, vector<1x16xf32>,
            %swap3A_357 = vector.shape_cast %swap3A_356 : vector<1x16xf32> to vector<16xf32>
            %swap3A_358 = vector.shape_cast %get3A_353 : vector<16xf32> to vector<1x16xf32>
            tpu.vector_store %arg14[%swap3A_354, %swap3A_355], %swap3A_358 {add = true, strides = array<i32>} : memref<320x128xf32, #tpu.memory_space<vmem>>, vector<1x16xf32>,
          }
        }
        %while3A_206 = arith.constant 1 : i32
        scf.for %while3A_261 = %while3A_204 to %while3A_200 step %while3A_206  : i32 {
          %get3A_262 = arith.index_cast %while3A_261 : i32 to index
          %get3A_263 = tpu.vector_load %arg8[%get3A_262] {strides = array<i32>} : memref<344xi32, #tpu.memory_space<vmem>>, vector<16xi32>,
          %get3A_264 = vector.shape_cast %get3A_263 : vector<16xi32> to vector<16xi32>
          %slice3A_265 = vector.extract_strided_slice %get3A_264 {offsets = [0], sizes = [1], strides = [1]} : vector<16xi32> to vector<1xi32>
          %squeeze3A_266 = vector.extract %slice3A_265[0] : i32 from vector<1xi32>
          %max3A_267 = arith.maxsi %squeeze3A_266, %mul3A_173 : i32
          %add3A_268 = arith.constant 1 : i32
          %add3A_269 = arith.addi %while3A_261, %add3A_268 : i32
          %get3A_270 = arith.index_cast %add3A_269 : i32 to index
          %get3A_271 = tpu.vector_load %arg8[%get3A_270] {strides = array<i32>} : memref<344xi32, #tpu.memory_space<vmem>>, vector<16xi32>,
          %get3A_272 = vector.shape_cast %get3A_271 : vector<16xi32> to vector<16xi32>
          %slice3A_273 = vector.extract_strided_slice %get3A_272 {offsets = [0], sizes = [1], strides = [1]} : vector<16xi32> to vector<1xi32>
          %squeeze3A_274 = vector.extract %slice3A_273[0] : i32 from vector<1xi32>
          %add3A_275 = arith.constant 128 : i32
          %add3A_276 = arith.addi %mul3A_173, %add3A_275 : i32
          %min3A_277 = arith.minsi %squeeze3A_274, %add3A_276 : i32
          %while3A_278 = arith.subi %min3A_277, %max3A_267 : i32
          %while3A_279 = arith.addi %max3A_267, %while3A_278 : i32
          %while3A_280 = arith.constant 1 : i32
          %while3A_281 = arith.divsi %while3A_278, %while3A_280 : i32
          %while3A_282 = arith.muli %while3A_281, %while3A_280 : i32
          %while3A_283 = arith.addi %max3A_267, %while3A_282 : i32
          %while3A_284 = arith.constant 1 : i32
          scf.for %while3A_286 = %max3A_267 to %while3A_283 step %while3A_284  : i32 {
            %sub3A_287 = arith.subi %while3A_286, %mul3A_173 : i32
            %get3A_288 = arith.index_cast %sub3A_287 : i32 to index
            %get3A_289 = arith.constant 0 : index
            %get3A_290 = tpu.vector_load %arg12[%get3A_288, %get3A_289] {strides = array<i32>} : memref<128x128xf32, #tpu.memory_space<vmem>>, vector<1x16xf32>,
            %get3A_291 = vector.shape_cast %get3A_290 : vector<1x16xf32> to vector<16xf32>
            %swap3A = arith.index_cast %while3A_261 : i32 to index
            %swap3A_292 = arith.constant 0 : index
            %swap3A_293 = tpu.vector_load %arg14[%swap3A, %swap3A_292] {strides = array<i32>} : memref<320x128xf32, #tpu.memory_space<vmem>>, vector<1x16xf32>,
            %swap3A_294 = vector.shape_cast %swap3A_293 : vector<1x16xf32> to vector<16xf32>
            %swap3A_295 = vector.shape_cast %get3A_291 : vector<16xf32> to vector<1x16xf32>
            tpu.vector_store %arg14[%swap3A, %swap3A_292], %swap3A_295 {add = true, strides = array<i32>} : memref<320x128xf32, #tpu.memory_space<vmem>>, vector<1x16xf32>,
            %get3A_296 = arith.index_cast %sub3A_287 : i32 to index
            %get3A_297 = arith.constant 16 : index
            %get3A_298 = tpu.vector_load %arg12[%get3A_296, %get3A_297] {strides = array<i32>} : memref<128x128xf32, #tpu.memory_space<vmem>>, vector<1x16xf32>,
            %get3A_299 = vector.shape_cast %get3A_298 : vector<1x16xf32> to vector<16xf32>
            %swap3A_300 = arith.index_cast %while3A_261 : i32 to index
            %swap3A_301 = arith.constant 16 : index
            %swap3A_302 = tpu.vector_load %arg14[%swap3A_300, %swap3A_301] {strides = array<i32>} : memref<320x128xf32, #tpu.memory_space<vmem>>, vector<1x16xf32>,
            %swap3A_303 = vector.shape_cast %swap3A_302 : vector<1x16xf32> to vector<16xf32>
            %swap3A_304 = vector.shape_cast %get3A_299 : vector<16xf32> to vector<1x16xf32>
            tpu.vector_store %arg14[%swap3A_300, %swap3A_301], %swap3A_304 {add = true, strides = array<i32>} : memref<320x128xf32, #tpu.memory_space<vmem>>, vector<1x16xf32>,
            %get3A_305 = arith.index_cast %sub3A_287 : i32 to index
            %get3A_306 = arith.constant 32 : index
            %get3A_307 = tpu.vector_load %arg12[%get3A_305, %get3A_306] {strides = array<i32>} : memref<128x128xf32, #tpu.memory_space<vmem>>, vector<1x16xf32>,
            %get3A_308 = vector.shape_cast %get3A_307 : vector<1x16xf32> to vector<16xf32>
            %swap3A_309 = arith.index_cast %while3A_261 : i32 to index
            %swap3A_310 = arith.constant 32 : index
            %swap3A_311 = tpu.vector_load %arg14[%swap3A_309, %swap3A_310] {strides = array<i32>} : memref<320x128xf32, #tpu.memory_space<vmem>>, vector<1x16xf32>,
            %swap3A_312 = vector.shape_cast %swap3A_311 : vector<1x16xf32> to vector<16xf32>
            %swap3A_313 = vector.shape_cast %get3A_308 : vector<16xf32> to vector<1x16xf32>
            tpu.vector_store %arg14[%swap3A_309, %swap3A_310], %swap3A_313 {add = true, strides = array<i32>} : memref<320x128xf32, #tpu.memory_space<vmem>>, vector<1x16xf32>,
            %get3A_314 = arith.index_cast %sub3A_287 : i32 to index
            %get3A_315 = arith.constant 48 : index
            %get3A_316 = tpu.vector_load %arg12[%get3A_314, %get3A_315] {strides = array<i32>} : memref<128x128xf32, #tpu.memory_space<vmem>>, vector<1x16xf32>,
            %get3A_317 = vector.shape_cast %get3A_316 : vector<1x16xf32> to vector<16xf32>
            %swap3A_318 = arith.index_cast %while3A_261 : i32 to index
            %swap3A_319 = arith.constant 48 : index
            %swap3A_320 = tpu.vector_load %arg14[%swap3A_318, %swap3A_319] {strides = array<i32>} : memref<320x128xf32, #tpu.memory_space<vmem>>, vector<1x16xf32>,
            %swap3A_321 = vector.shape_cast %swap3A_320 : vector<1x16xf32> to vector<16xf32>
            %swap3A_322 = vector.shape_cast %get3A_317 : vector<16xf32> to vector<1x16xf32>
            tpu.vector_store %arg14[%swap3A_318, %swap3A_319], %swap3A_322 {add = true, strides = array<i32>} : memref<320x128xf32, #tpu.memory_space<vmem>>, vector<1x16xf32>,
            %get3A_323 = arith.index_cast %sub3A_287 : i32 to index
            %get3A_324 = arith.constant 64 : index
            %get3A_325 = tpu.vector_load %arg12[%get3A_323, %get3A_324] {strides = array<i32>} : memref<128x128xf32, #tpu.memory_space<vmem>>, vector<1x16xf32>,
            %get3A_326 = vector.shape_cast %get3A_325 : vector<1x16xf32> to vector<16xf32>
            %swap3A_327 = arith.index_cast %while3A_261 : i32 to index
            %swap3A_328 = arith.constant 64 : index
            %swap3A_329 = tpu.vector_load %arg14[%swap3A_327, %swap3A_328] {strides = array<i32>} : memref<320x128xf32, #tpu.memory_space<vmem>>, vector<1x16xf32>,
            %swap3A_330 = vector.shape_cast %swap3A_329 : vector<1x16xf32> to vector<16xf32>
            %swap3A_331 = vector.shape_cast %get3A_326 : vector<16xf32> to vector<1x16xf32>
            tpu.vector_store %arg14[%swap3A_327, %swap3A_328], %swap3A_331 {add = true, strides = array<i32>} : memref<320x128xf32, #tpu.memory_space<vmem>>, vector<1x16xf32>,
            %get3A_332 = arith.index_cast %sub3A_287 : i32 to index
            %get3A_333 = arith.constant 80 : index
            %get3A_334 = tpu.vector_load %arg12[%get3A_332, %get3A_333] {strides = array<i32>} : memref<128x128xf32, #tpu.memory_space<vmem>>, vector<1x16xf32>,
            %get3A_335 = vector.shape_cast %get3A_334 : vector<1x16xf32> to vector<16xf32>
            %swap3A_336 = arith.index_cast %while3A_261 : i32 to index
            %swap3A_337 = arith.constant 80 : index
            %swap3A_338 = tpu.vector_load %arg14[%swap3A_336, %swap3A_337] {strides = array<i32>} : memref<320x128xf32, #tpu.memory_space<vmem>>, vector<1x16xf32>,
            %swap3A_339 = vector.shape_cast %swap3A_338 : vector<1x16xf32> to vector<16xf32>
            %swap3A_340 = vector.shape_cast %get3A_335 : vector<16xf32> to vector<1x16xf32>
            tpu.vector_store %arg14[%swap3A_336, %swap3A_337], %swap3A_340 {add = true, strides = array<i32>} : memref<320x128xf32, #tpu.memory_space<vmem>>, vector<1x16xf32>,
            %get3A_341 = arith.index_cast %sub3A_287 : i32 to index
            %get3A_342 = arith.constant 96 : index
            %get3A_343 = tpu.vector_load %arg12[%get3A_341, %get3A_342] {strides = array<i32>} : memref<128x128xf32, #tpu.memory_space<vmem>>, vector<1x16xf32>,
            %get3A_344 = vector.shape_cast %get3A_343 : vector<1x16xf32> to vector<16xf32>
            %swap3A_345 = arith.index_cast %while3A_261 : i32 to index
            %swap3A_346 = arith.constant 96 : index
            %swap3A_347 = tpu.vector_load %arg14[%swap3A_345, %swap3A_346] {strides = array<i32>} : memref<320x128xf32, #tpu.memory_space<vmem>>, vector<1x16xf32>,
            %swap3A_348 = vector.shape_cast %swap3A_347 : vector<1x16xf32> to vector<16xf32>
            %swap3A_349 = vector.shape_cast %get3A_344 : vector<16xf32> to vector<1x16xf32>
            tpu.vector_store %arg14[%swap3A_345, %swap3A_346], %swap3A_349 {add = true, strides = array<i32>} : memref<320x128xf32, #tpu.memory_space<vmem>>, vector<1x16xf32>,
            %get3A_350 = arith.index_cast %sub3A_287 : i32 to index
            %get3A_351 = arith.constant 112 : index
            %get3A_352 = tpu.vector_load %arg12[%get3A_350, %get3A_351] {strides = array<i32>} : memref<128x128xf32, #tpu.memory_space<vmem>>, vector<1x16xf32>,
            %get3A_353 = vector.shape_cast %get3A_352 : vector<1x16xf32> to vector<16xf32>
            %swap3A_354 = arith.index_cast %while3A_261 : i32 to index
            %swap3A_355 = arith.constant 112 : index
            %swap3A_356 = tpu.vector_load %arg14[%swap3A_354, %swap3A_355] {strides = array<i32>} : memref<320x128xf32, #tpu.memory_space<vmem>>, vector<1x16xf32>,
            %swap3A_357 = vector.shape_cast %swap3A_356 : vector<1x16xf32> to vector<16xf32>
            %swap3A_358 = vector.shape_cast %get3A_353 : vector<16xf32> to vector<1x16xf32>
            tpu.vector_store %arg14[%swap3A_354, %swap3A_355], %swap3A_358 {add = true, strides = array<i32>} : memref<320x128xf32, #tpu.memory_space<vmem>>, vector<1x16xf32>,
          }
          %while3A_285 = arith.constant 1 : i32
          scf.for %while3A_286 = %while3A_283 to %while3A_279 step %while3A_285  : i32 {
            %sub3A_287 = arith.subi %while3A_286, %mul3A_173 : i32
            %get3A_288 = arith.index_cast %sub3A_287 : i32 to index
            %get3A_289 = arith.constant 0 : index
            %get3A_290 = tpu.vector_load %arg12[%get3A_288, %get3A_289] {strides = array<i32>} : memref<128x128xf32, #tpu.memory_space<vmem>>, vector<1x16xf32>,
            %get3A_291 = vector.shape_cast %get3A_290 : vector<1x16xf32> to vector<16xf32>
            %swap3A = arith.index_cast %while3A_261 : i32 to index
            %swap3A_292 = arith.constant 0 : index
            %swap3A_293 = tpu.vector_load %arg14[%swap3A, %swap3A_292] {strides = array<i32>} : memref<320x128xf32, #tpu.memory_space<vmem>>, vector<1x16xf32>,
            %swap3A_294 = vector.shape_cast %swap3A_293 : vector<1x16xf32> to vector<16xf32>
            %swap3A_295 = vector.shape_cast %get3A_291 : vector<16xf32> to vector<1x16xf32>
            tpu.vector_store %arg14[%swap3A, %swap3A_292], %swap3A_295 {add = true, strides = array<i32>} : memref<320x128xf32, #tpu.memory_space<vmem>>, vector<1x16xf32>,
            %get3A_296 = arith.index_cast %sub3A_287 : i32 to index
            %get3A_297 = arith.constant 16 : index
            %get3A_298 = tpu.vector_load %arg12[%get3A_296, %get3A_297] {strides = array<i32>} : memref<128x128xf32, #tpu.memory_space<vmem>>, vector<1x16xf32>,
            %get3A_299 = vector.shape_cast %get3A_298 : vector<1x16xf32> to vector<16xf32>
            %swap3A_300 = arith.index_cast %while3A_261 : i32 to index
            %swap3A_301 = arith.constant 16 : index
            %swap3A_302 = tpu.vector_load %arg14[%swap3A_300, %swap3A_301] {strides = array<i32>} : memref<320x128xf32, #tpu.memory_space<vmem>>, vector<1x16xf32>,
            %swap3A_303 = vector.shape_cast %swap3A_302 : vector<1x16xf32> to vector<16xf32>
            %swap3A_304 = vector.shape_cast %get3A_299 : vector<16xf32> to vector<1x16xf32>
            tpu.vector_store %arg14[%swap3A_300, %swap3A_301], %swap3A_304 {add = true, strides = array<i32>} : memref<320x128xf32, #tpu.memory_space<vmem>>, vector<1x16xf32>,
            %get3A_305 = arith.index_cast %sub3A_287 : i32 to index
            %get3A_306 = arith.constant 32 : index
            %get3A_307 = tpu.vector_load %arg12[%get3A_305, %get3A_306] {strides = array<i32>} : memref<128x128xf32, #tpu.memory_space<vmem>>, vector<1x16xf32>,
            %get3A_308 = vector.shape_cast %get3A_307 : vector<1x16xf32> to vector<16xf32>
            %swap3A_309 = arith.index_cast %while3A_261 : i32 to index
            %swap3A_310 = arith.constant 32 : index
            %swap3A_311 = tpu.vector_load %arg14[%swap3A_309, %swap3A_310] {strides = array<i32>} : memref<320x128xf32, #tpu.memory_space<vmem>>, vector<1x16xf32>,
            %swap3A_312 = vector.shape_cast %swap3A_311 : vector<1x16xf32> to vector<16xf32>
            %swap3A_313 = vector.shape_cast %get3A_308 : vector<16xf32> to vector<1x16xf32>
            tpu.vector_store %arg14[%swap3A_309, %swap3A_310], %swap3A_313 {add = true, strides = array<i32>} : memref<320x128xf32, #tpu.memory_space<vmem>>, vector<1x16xf32>,
            %get3A_314 = arith.index_cast %sub3A_287 : i32 to index
            %get3A_315 = arith.constant 48 : index
            %get3A_316 = tpu.vector_load %arg12[%get3A_314, %get3A_315] {strides = array<i32>} : memref<128x128xf32, #tpu.memory_space<vmem>>, vector<1x16xf32>,
            %get3A_317 = vector.shape_cast %get3A_316 : vector<1x16xf32> to vector<16xf32>
            %swap3A_318 = arith.index_cast %while3A_261 : i32 to index
            %swap3A_319 = arith.constant 48 : index
            %swap3A_320 = tpu.vector_load %arg14[%swap3A_318, %swap3A_319] {strides = array<i32>} : memref<320x128xf32, #tpu.memory_space<vmem>>, vector<1x16xf32>,
            %swap3A_321 = vector.shape_cast %swap3A_320 : vector<1x16xf32> to vector<16xf32>
            %swap3A_322 = vector.shape_cast %get3A_317 : vector<16xf32> to vector<1x16xf32>
            tpu.vector_store %arg14[%swap3A_318, %swap3A_319], %swap3A_322 {add = true, strides = array<i32>} : memref<320x128xf32, #tpu.memory_space<vmem>>, vector<1x16xf32>,
            %get3A_323 = arith.index_cast %sub3A_287 : i32 to index
            %get3A_324 = arith.constant 64 : index
            %get3A_325 = tpu.vector_load %arg12[%get3A_323, %get3A_324] {strides = array<i32>} : memref<128x128xf32, #tpu.memory_space<vmem>>, vector<1x16xf32>,
            %get3A_326 = vector.shape_cast %get3A_325 : vector<1x16xf32> to vector<16xf32>
            %swap3A_327 = arith.index_cast %while3A_261 : i32 to index
            %swap3A_328 = arith.constant 64 : index
            %swap3A_329 = tpu.vector_load %arg14[%swap3A_327, %swap3A_328] {strides = array<i32>} : memref<320x128xf32, #tpu.memory_space<vmem>>, vector<1x16xf32>,
            %swap3A_330 = vector.shape_cast %swap3A_329 : vector<1x16xf32> to vector<16xf32>
            %swap3A_331 = vector.shape_cast %get3A_326 : vector<16xf32> to vector<1x16xf32>
            tpu.vector_store %arg14[%swap3A_327, %swap3A_328], %swap3A_331 {add = true, strides = array<i32>} : memref<320x128xf32, #tpu.memory_space<vmem>>, vector<1x16xf32>,
            %get3A_332 = arith.index_cast %sub3A_287 : i32 to index
            %get3A_333 = arith.constant 80 : index
            %get3A_334 = tpu.vector_load %arg12[%get3A_332, %get3A_333] {strides = array<i32>} : memref<128x128xf32, #tpu.memory_space<vmem>>, vector<1x16xf32>,
            %get3A_335 = vector.shape_cast %get3A_334 : vector<1x16xf32> to vector<16xf32>
            %swap3A_336 = arith.index_cast %while3A_261 : i32 to index
            %swap3A_337 = arith.constant 80 : index
            %swap3A_338 = tpu.vector_load %arg14[%swap3A_336, %swap3A_337] {strides = array<i32>} : memref<320x128xf32, #tpu.memory_space<vmem>>, vector<1x16xf32>,
            %swap3A_339 = vector.shape_cast %swap3A_338 : vector<1x16xf32> to vector<16xf32>
            %swap3A_340 = vector.shape_cast %get3A_335 : vector<16xf32> to vector<1x16xf32>
            tpu.vector_store %arg14[%swap3A_336, %swap3A_337], %swap3A_340 {add = true, strides = array<i32>} : memref<320x128xf32, #tpu.memory_space<vmem>>, vector<1x16xf32>,
            %get3A_341 = arith.index_cast %sub3A_287 : i32 to index
            %get3A_342 = arith.constant 96 : index
            %get3A_343 = tpu.vector_load %arg12[%get3A_341, %get3A_342] {strides = array<i32>} : memref<128x128xf32, #tpu.memory_space<vmem>>, vector<1x16xf32>,
            %get3A_344 = vector.shape_cast %get3A_343 : vector<1x16xf32> to vector<16xf32>
            %swap3A_345 = arith.index_cast %while3A_261 : i32 to index
            %swap3A_346 = arith.constant 96 : index
            %swap3A_347 = tpu.vector_load %arg14[%swap3A_345, %swap3A_346] {strides = array<i32>} : memref<320x128xf32, #tpu.memory_space<vmem>>, vector<1x16xf32>,
            %swap3A_348 = vector.shape_cast %swap3A_347 : vector<1x16xf32> to vector<16xf32>
            %swap3A_349 = vector.shape_cast %get3A_344 : vector<16xf32> to vector<1x16xf32>
            tpu.vector_store %arg14[%swap3A_345, %swap3A_346], %swap3A_349 {add = true, strides = array<i32>} : memref<320x128xf32, #tpu.memory_space<vmem>>, vector<1x16xf32>,
            %get3A_350 = arith.index_cast %sub3A_287 : i32 to index
            %get3A_351 = arith.constant 112 : index
            %get3A_352 = tpu.vector_load %arg12[%get3A_350, %get3A_351] {strides = array<i32>} : memref<128x128xf32, #tpu.memory_space<vmem>>, vector<1x16xf32>,
            %get3A_353 = vector.shape_cast %get3A_352 : vector<1x16xf32> to vector<16xf32>
            %swap3A_354 = arith.index_cast %while3A_261 : i32 to index
            %swap3A_355 = arith.constant 112 : index
            %swap3A_356 = tpu.vector_load %arg14[%swap3A_354, %swap3A_355] {strides = array<i32>} : memref<320x128xf32, #tpu.memory_space<vmem>>, vector<1x16xf32>,
            %swap3A_357 = vector.shape_cast %swap3A_356 : vector<1x16xf32> to vector<16xf32>
            %swap3A_358 = vector.shape_cast %get3A_353 : vector<16xf32> to vector<1x16xf32>
            tpu.vector_store %arg14[%swap3A_354, %swap3A_355], %swap3A_358 {add = true, strides = array<i32>} : memref<320x128xf32, #tpu.memory_space<vmem>>, vector<1x16xf32>,
          }
        }
        %add3A_207 = arith.constant 2 : i32
        %add3A_208 = arith.addi %mul3A_154, %add3A_207 : i32
        %sub3A_209 = arith.constant 1 : i32
        %sub3A_210 = arith.subi %min3A_105, %sub3A_209 : i32
        %min3A_211 = arith.minsi %add3A_208, %sub3A_210 : i32
        %mul3A_212 = arith.constant 128 : i32
        %mul3A_213 = arith.muli %min3A_211, %mul3A_212 : i32
        %dma_start3A_214 = tpu.memref_slice %arg11[%mul3A_213] : memref<16384xi32, #tpu.memory_space<vmem>> -> memref<128xi32, #tpu.memory_space<vmem>>
        %dma_start3A_215 = arith.constant 0 : i32
        %dma_start3A_216 = arith.constant 0 : i32
        %dma_start3A_217 = tpu.memref_slice %arg2[%dma_start3A_215, %dma_start3A_216] : memref<10000x128xf32, #tpu.memory_space<hbm>> -> memref<10000x128xf32, #tpu.memory_space<hbm>>
        tpu.enqueue_indirect_dma source(%dma_start3A_217 : memref<10000x128xf32, #tpu.memory_space<hbm>>) target(%arg12 : memref<128x128xf32, #tpu.memory_space<vmem>>) offsets(%dma_start3A_214 : memref<128xi32, #tpu.memory_space<vmem>>) semaphore(%arg15 : memref<!tpu.dma_semaphore, #tpu.memory_space<semaphore_mem>>)
        %dma_wait3A_218 = arith.constant 0 : i32
        %dma_wait3A_219 = tpu.memref_slice %arg11[%dma_wait3A_218] : memref<16384xi32, #tpu.memory_space<vmem>> -> memref<128xi32, #tpu.memory_space<vmem>>
        %dma_wait3A_220 = arith.constant 0 : i32
        %dma_wait3A_221 = arith.constant 0 : i32
        %dma_wait3A_222 = tpu.memref_slice %arg2[%dma_wait3A_220, %dma_wait3A_221] : memref<10000x128xf32, #tpu.memory_space<hbm>> -> memref<10000x128xf32, #tpu.memory_space<hbm>>
        tpu.wait_indirect_dma semaphore(%arg16 : memref<!tpu.dma_semaphore, #tpu.memory_space<semaphore_mem>>) src(%dma_wait3A_222 : memref<10000x128xf32, #tpu.memory_space<hbm>>) dst(%arg13 : memref<128x128xf32, #tpu.memory_space<vmem>>)
        %add3A_223 = arith.addi %add3A_103, %min3A_159 : i32
        %lt3A_224 = arith.cmpi slt, %add3A_156, %min3A_105 : i32
        %mul3A_225 = arith.constant 128 : i32
        %mul3A_226 = arith.muli %add3A_223, %mul3A_225 : i32
        %mul3A_227 = arith.constant 128 : i32
        %mul3A_228 = arith.muli %min3A_159, %mul3A_227 : i32
        %get3A_229 = arith.index_cast %add3A_223 : i32 to index
        %get3A_230 = tpu.vector_load %arg10[%get3A_229] {strides = array<i32>} : memref<2520xi32, #tpu.memory_space<vmem>>, vector<16xi32>,
        %get3A_231 = vector.shape_cast %get3A_230 : vector<16xi32> to vector<16xi32>
        %slice3A_232 = vector.extract_strided_slice %get3A_231 {offsets = [0], sizes = [1], strides = [1]} : vector<16xi32> to vector<1xi32>
        %squeeze3A_233 = vector.extract %slice3A_232[0] : i32 from vector<1xi32>
        %sub3A_234 = arith.subi %squeeze3A_233, %mul3A_2 : i32
        %max3A_235 = arith.constant 0 : i32
        %max3A_236 = arith.maxsi %sub3A_234, %max3A_235 : i32
        %add3A_237 = arith.constant 1 : i32
        %add3A_238 = arith.addi %add3A_223, %add3A_237 : i32
        %get3A_239 = arith.index_cast %add3A_238 : i32 to index
        %get3A_240 = tpu.vector_load %arg10[%get3A_239] {strides = array<i32>} : memref<2520xi32, #tpu.memory_space<vmem>>, vector<16xi32>,
        %get3A_241 = vector.shape_cast %get3A_240 : vector<16xi32> to vector<16xi32>
        %slice3A_242 = vector.extract_strided_slice %get3A_241 {offsets = [0], sizes = [1], strides = [1]} : vector<16xi32> to vector<1xi32>
        %squeeze3A_243 = vector.extract %slice3A_242[0] : i32 from vector<1xi32>
        %sub3A_244 = arith.subi %squeeze3A_243, %mul3A_2 : i32
        %min3A_245 = arith.constant 319 : i32
        %min3A_246 = arith.minsi %sub3A_244, %min3A_245 : i32
        %sub3A_247 = arith.constant 1 : i32
        %sub3A_248 = arith.subi %max3A_236, %sub3A_247 : i32
        %select_n3A_249 = arith.select %lt3A_224, %min3A_246, %sub3A_248 : i32
        %add3A_250 = arith.constant 1 : i32
        %add3A_251 = arith.addi %select_n3A_249, %add3A_250 : i32
        %while3A_252 = arith.constant 0 : i32
        %while3A_253 = arith.subi %add3A_251, %max3A_236 : i32
        %while3A_254 = arith.addi %max3A_236, %while3A_253 : i32
        %while3A_255 = arith.constant 1 : i32
        %while3A_256 = arith.divsi %while3A_253, %while3A_255 : i32
        %while3A_257 = arith.muli %while3A_256, %while3A_255 : i32
        %while3A_258 = arith.addi %max3A_236, %while3A_257 : i32
        %while3A_259 = arith.constant 1 : i32
        scf.for %while3A_261 = %max3A_236 to %while3A_258 step %while3A_259  : i32 {
          %get3A_262 = arith.index_cast %while3A_261 : i32 to index
          %get3A_263 = tpu.vector_load %arg8[%get3A_262] {strides = array<i32>} : memref<344xi32, #tpu.memory_space<vmem>>, vector<16xi32>,
          %get3A_264 = vector.shape_cast %get3A_263 : vector<16xi32> to vector<16xi32>
          %slice3A_265 = vector.extract_strided_slice %get3A_264 {offsets = [0], sizes = [1], strides = [1]} : vector<16xi32> to vector<1xi32>
          %squeeze3A_266 = vector.extract %slice3A_265[0] : i32 from vector<1xi32>
          %max3A_267 = arith.maxsi %squeeze3A_266, %mul3A_226 : i32
          %add3A_268 = arith.constant 1 : i32
          %add3A_269 = arith.addi %while3A_261, %add3A_268 : i32
          %get3A_270 = arith.index_cast %add3A_269 : i32 to index
          %get3A_271 = tpu.vector_load %arg8[%get3A_270] {strides = array<i32>} : memref<344xi32, #tpu.memory_space<vmem>>, vector<16xi32>,
          %get3A_272 = vector.shape_cast %get3A_271 : vector<16xi32> to vector<16xi32>
          %slice3A_273 = vector.extract_strided_slice %get3A_272 {offsets = [0], sizes = [1], strides = [1]} : vector<16xi32> to vector<1xi32>
          %squeeze3A_274 = vector.extract %slice3A_273[0] : i32 from vector<1xi32>
          %add3A_275 = arith.constant 128 : i32
          %add3A_276 = arith.addi %mul3A_226, %add3A_275 : i32
          %min3A_277 = arith.minsi %squeeze3A_274, %add3A_276 : i32
          %while3A_278 = arith.subi %min3A_277, %max3A_267 : i32
          %while3A_279 = arith.addi %max3A_267, %while3A_278 : i32
          %while3A_280 = arith.constant 1 : i32
          %while3A_281 = arith.divsi %while3A_278, %while3A_280 : i32
          %while3A_282 = arith.muli %while3A_281, %while3A_280 : i32
          %while3A_283 = arith.addi %max3A_267, %while3A_282 : i32
          %while3A_284 = arith.constant 1 : i32
          scf.for %while3A_286 = %max3A_267 to %while3A_283 step %while3A_284  : i32 {
            %sub3A_287 = arith.subi %while3A_286, %mul3A_226 : i32
            %get3A_288 = arith.index_cast %sub3A_287 : i32 to index
            %get3A_289 = arith.constant 0 : index
            %get3A_290 = tpu.vector_load %arg13[%get3A_288, %get3A_289] {strides = array<i32>} : memref<128x128xf32, #tpu.memory_space<vmem>>, vector<1x16xf32>,
            %get3A_291 = vector.shape_cast %get3A_290 : vector<1x16xf32> to vector<16xf32>
            %swap3A = arith.index_cast %while3A_261 : i32 to index
            %swap3A_292 = arith.constant 0 : index
            %swap3A_293 = tpu.vector_load %arg14[%swap3A, %swap3A_292] {strides = array<i32>} : memref<320x128xf32, #tpu.memory_space<vmem>>, vector<1x16xf32>,
            %swap3A_294 = vector.shape_cast %swap3A_293 : vector<1x16xf32> to vector<16xf32>
            %swap3A_295 = vector.shape_cast %get3A_291 : vector<16xf32> to vector<1x16xf32>
            tpu.vector_store %arg14[%swap3A, %swap3A_292], %swap3A_295 {add = true, strides = array<i32>} : memref<320x128xf32, #tpu.memory_space<vmem>>, vector<1x16xf32>,
            %get3A_296 = arith.index_cast %sub3A_287 : i32 to index
            %get3A_297 = arith.constant 16 : index
            %get3A_298 = tpu.vector_load %arg13[%get3A_296, %get3A_297] {strides = array<i32>} : memref<128x128xf32, #tpu.memory_space<vmem>>, vector<1x16xf32>,
            %get3A_299 = vector.shape_cast %get3A_298 : vector<1x16xf32> to vector<16xf32>
            %swap3A_300 = arith.index_cast %while3A_261 : i32 to index
            %swap3A_301 = arith.constant 16 : index
            %swap3A_302 = tpu.vector_load %arg14[%swap3A_300, %swap3A_301] {strides = array<i32>} : memref<320x128xf32, #tpu.memory_space<vmem>>, vector<1x16xf32>,
            %swap3A_303 = vector.shape_cast %swap3A_302 : vector<1x16xf32> to vector<16xf32>
            %swap3A_304 = vector.shape_cast %get3A_299 : vector<16xf32> to vector<1x16xf32>
            tpu.vector_store %arg14[%swap3A_300, %swap3A_301], %swap3A_304 {add = true, strides = array<i32>} : memref<320x128xf32, #tpu.memory_space<vmem>>, vector<1x16xf32>,
            %get3A_305 = arith.index_cast %sub3A_287 : i32 to index
            %get3A_306 = arith.constant 32 : index
            %get3A_307 = tpu.vector_load %arg13[%get3A_305, %get3A_306] {strides = array<i32>} : memref<128x128xf32, #tpu.memory_space<vmem>>, vector<1x16xf32>,
            %get3A_308 = vector.shape_cast %get3A_307 : vector<1x16xf32> to vector<16xf32>
            %swap3A_309 = arith.index_cast %while3A_261 : i32 to index
            %swap3A_310 = arith.constant 32 : index
            %swap3A_311 = tpu.vector_load %arg14[%swap3A_309, %swap3A_310] {strides = array<i32>} : memref<320x128xf32, #tpu.memory_space<vmem>>, vector<1x16xf32>,
            %swap3A_312 = vector.shape_cast %swap3A_311 : vector<1x16xf32> to vector<16xf32>
            %swap3A_313 = vector.shape_cast %get3A_308 : vector<16xf32> to vector<1x16xf32>
            tpu.vector_store %arg14[%swap3A_309, %swap3A_310], %swap3A_313 {add = true, strides = array<i32>} : memref<320x128xf32, #tpu.memory_space<vmem>>, vector<1x16xf32>,
            %get3A_314 = arith.index_cast %sub3A_287 : i32 to index
            %get3A_315 = arith.constant 48 : index
            %get3A_316 = tpu.vector_load %arg13[%get3A_314, %get3A_315] {strides = array<i32>} : memref<128x128xf32, #tpu.memory_space<vmem>>, vector<1x16xf32>,
            %get3A_317 = vector.shape_cast %get3A_316 : vector<1x16xf32> to vector<16xf32>
            %swap3A_318 = arith.index_cast %while3A_261 : i32 to index
            %swap3A_319 = arith.constant 48 : index
            %swap3A_320 = tpu.vector_load %arg14[%swap3A_318, %swap3A_319] {strides = array<i32>} : memref<320x128xf32, #tpu.memory_space<vmem>>, vector<1x16xf32>,
            %swap3A_321 = vector.shape_cast %swap3A_320 : vector<1x16xf32> to vector<16xf32>
            %swap3A_322 = vector.shape_cast %get3A_317 : vector<16xf32> to vector<1x16xf32>
            tpu.vector_store %arg14[%swap3A_318, %swap3A_319], %swap3A_322 {add = true, strides = array<i32>} : memref<320x128xf32, #tpu.memory_space<vmem>>, vector<1x16xf32>,
            %get3A_323 = arith.index_cast %sub3A_287 : i32 to index
            %get3A_324 = arith.constant 64 : index
            %get3A_325 = tpu.vector_load %arg13[%get3A_323, %get3A_324] {strides = array<i32>} : memref<128x128xf32, #tpu.memory_space<vmem>>, vector<1x16xf32>,
            %get3A_326 = vector.shape_cast %get3A_325 : vector<1x16xf32> to vector<16xf32>
            %swap3A_327 = arith.index_cast %while3A_261 : i32 to index
            %swap3A_328 = arith.constant 64 : index
            %swap3A_329 = tpu.vector_load %arg14[%swap3A_327, %swap3A_328] {strides = array<i32>} : memref<320x128xf32, #tpu.memory_space<vmem>>, vector<1x16xf32>,
            %swap3A_330 = vector.shape_cast %swap3A_329 : vector<1x16xf32> to vector<16xf32>
            %swap3A_331 = vector.shape_cast %get3A_326 : vector<16xf32> to vector<1x16xf32>
            tpu.vector_store %arg14[%swap3A_327, %swap3A_328], %swap3A_331 {add = true, strides = array<i32>} : memref<320x128xf32, #tpu.memory_space<vmem>>, vector<1x16xf32>,
            %get3A_332 = arith.index_cast %sub3A_287 : i32 to index
            %get3A_333 = arith.constant 80 : index
            %get3A_334 = tpu.vector_load %arg13[%get3A_332, %get3A_333] {strides = array<i32>} : memref<128x128xf32, #tpu.memory_space<vmem>>, vector<1x16xf32>,
            %get3A_335 = vector.shape_cast %get3A_334 : vector<1x16xf32> to vector<16xf32>
            %swap3A_336 = arith.index_cast %while3A_261 : i32 to index
            %swap3A_337 = arith.constant 80 : index
            %swap3A_338 = tpu.vector_load %arg14[%swap3A_336, %swap3A_337] {strides = array<i32>} : memref<320x128xf32, #tpu.memory_space<vmem>>, vector<1x16xf32>,
            %swap3A_339 = vector.shape_cast %swap3A_338 : vector<1x16xf32> to vector<16xf32>
            %swap3A_340 = vector.shape_cast %get3A_335 : vector<16xf32> to vector<1x16xf32>
            tpu.vector_store %arg14[%swap3A_336, %swap3A_337], %swap3A_340 {add = true, strides = array<i32>} : memref<320x128xf32, #tpu.memory_space<vmem>>, vector<1x16xf32>,
            %get3A_341 = arith.index_cast %sub3A_287 : i32 to index
            %get3A_342 = arith.constant 96 : index
            %get3A_343 = tpu.vector_load %arg13[%get3A_341, %get3A_342] {strides = array<i32>} : memref<128x128xf32, #tpu.memory_space<vmem>>, vector<1x16xf32>,
            %get3A_344 = vector.shape_cast %get3A_343 : vector<1x16xf32> to vector<16xf32>
            %swap3A_345 = arith.index_cast %while3A_261 : i32 to index
            %swap3A_346 = arith.constant 96 : index
            %swap3A_347 = tpu.vector_load %arg14[%swap3A_345, %swap3A_346] {strides = array<i32>} : memref<320x128xf32, #tpu.memory_space<vmem>>, vector<1x16xf32>,
            %swap3A_348 = vector.shape_cast %swap3A_347 : vector<1x16xf32> to vector<16xf32>
            %swap3A_349 = vector.shape_cast %get3A_344 : vector<16xf32> to vector<1x16xf32>
            tpu.vector_store %arg14[%swap3A_345, %swap3A_346], %swap3A_349 {add = true, strides = array<i32>} : memref<320x128xf32, #tpu.memory_space<vmem>>, vector<1x16xf32>,
            %get3A_350 = arith.index_cast %sub3A_287 : i32 to index
            %get3A_351 = arith.constant 112 : index
            %get3A_352 = tpu.vector_load %arg13[%get3A_350, %get3A_351] {strides = array<i32>} : memref<128x128xf32, #tpu.memory_space<vmem>>, vector<1x16xf32>,
            %get3A_353 = vector.shape_cast %get3A_352 : vector<1x16xf32> to vector<16xf32>
            %swap3A_354 = arith.index_cast %while3A_261 : i32 to index
            %swap3A_355 = arith.constant 112 : index
            %swap3A_356 = tpu.vector_load %arg14[%swap3A_354, %swap3A_355] {strides = array<i32>} : memref<320x128xf32, #tpu.memory_space<vmem>>, vector<1x16xf32>,
            %swap3A_357 = vector.shape_cast %swap3A_356 : vector<1x16xf32> to vector<16xf32>
            %swap3A_358 = vector.shape_cast %get3A_353 : vector<16xf32> to vector<1x16xf32>
            tpu.vector_store %arg14[%swap3A_354, %swap3A_355], %swap3A_358 {add = true, strides = array<i32>} : memref<320x128xf32, #tpu.memory_space<vmem>>, vector<1x16xf32>,
          }
          %while3A_285 = arith.constant 1 : i32
          scf.for %while3A_286 = %while3A_283 to %while3A_279 step %while3A_285  : i32 {
            %sub3A_287 = arith.subi %while3A_286, %mul3A_226 : i32
            %get3A_288 = arith.index_cast %sub3A_287 : i32 to index
            %get3A_289 = arith.constant 0 : index
            %get3A_290 = tpu.vector_load %arg13[%get3A_288, %get3A_289] {strides = array<i32>} : memref<128x128xf32, #tpu.memory_space<vmem>>, vector<1x16xf32>,
            %get3A_291 = vector.shape_cast %get3A_290 : vector<1x16xf32> to vector<16xf32>
            %swap3A = arith.index_cast %while3A_261 : i32 to index
            %swap3A_292 = arith.constant 0 : index
            %swap3A_293 = tpu.vector_load %arg14[%swap3A, %swap3A_292] {strides = array<i32>} : memref<320x128xf32, #tpu.memory_space<vmem>>, vector<1x16xf32>,
            %swap3A_294 = vector.shape_cast %swap3A_293 : vector<1x16xf32> to vector<16xf32>
            %swap3A_295 = vector.shape_cast %get3A_291 : vector<16xf32> to vector<1x16xf32>
            tpu.vector_store %arg14[%swap3A, %swap3A_292], %swap3A_295 {add = true, strides = array<i32>} : memref<320x128xf32, #tpu.memory_space<vmem>>, vector<1x16xf32>,
            %get3A_296 = arith.index_cast %sub3A_287 : i32 to index
            %get3A_297 = arith.constant 16 : index
            %get3A_298 = tpu.vector_load %arg13[%get3A_296, %get3A_297] {strides = array<i32>} : memref<128x128xf32, #tpu.memory_space<vmem>>, vector<1x16xf32>,
            %get3A_299 = vector.shape_cast %get3A_298 : vector<1x16xf32> to vector<16xf32>
            %swap3A_300 = arith.index_cast %while3A_261 : i32 to index
            %swap3A_301 = arith.constant 16 : index
            %swap3A_302 = tpu.vector_load %arg14[%swap3A_300, %swap3A_301] {strides = array<i32>} : memref<320x128xf32, #tpu.memory_space<vmem>>, vector<1x16xf32>,
            %swap3A_303 = vector.shape_cast %swap3A_302 : vector<1x16xf32> to vector<16xf32>
            %swap3A_304 = vector.shape_cast %get3A_299 : vector<16xf32> to vector<1x16xf32>
            tpu.vector_store %arg14[%swap3A_300, %swap3A_301], %swap3A_304 {add = true, strides = array<i32>} : memref<320x128xf32, #tpu.memory_space<vmem>>, vector<1x16xf32>,
            %get3A_305 = arith.index_cast %sub3A_287 : i32 to index
            %get3A_306 = arith.constant 32 : index
            %get3A_307 = tpu.vector_load %arg13[%get3A_305, %get3A_306] {strides = array<i32>} : memref<128x128xf32, #tpu.memory_space<vmem>>, vector<1x16xf32>,
            %get3A_308 = vector.shape_cast %get3A_307 : vector<1x16xf32> to vector<16xf32>
            %swap3A_309 = arith.index_cast %while3A_261 : i32 to index
            %swap3A_310 = arith.constant 32 : index
            %swap3A_311 = tpu.vector_load %arg14[%swap3A_309, %swap3A_310] {strides = array<i32>} : memref<320x128xf32, #tpu.memory_space<vmem>>, vector<1x16xf32>,
            %swap3A_312 = vector.shape_cast %swap3A_311 : vector<1x16xf32> to vector<16xf32>
            %swap3A_313 = vector.shape_cast %get3A_308 : vector<16xf32> to vector<1x16xf32>
            tpu.vector_store %arg14[%swap3A_309, %swap3A_310], %swap3A_313 {add = true, strides = array<i32>} : memref<320x128xf32, #tpu.memory_space<vmem>>, vector<1x16xf32>,
            %get3A_314 = arith.index_cast %sub3A_287 : i32 to index
            %get3A_315 = arith.constant 48 : index
            %get3A_316 = tpu.vector_load %arg13[%get3A_314, %get3A_315] {strides = array<i32>} : memref<128x128xf32, #tpu.memory_space<vmem>>, vector<1x16xf32>,
            %get3A_317 = vector.shape_cast %get3A_316 : vector<1x16xf32> to vector<16xf32>
            %swap3A_318 = arith.index_cast %while3A_261 : i32 to index
            %swap3A_319 = arith.constant 48 : index
            %swap3A_320 = tpu.vector_load %arg14[%swap3A_318, %swap3A_319] {strides = array<i32>} : memref<320x128xf32, #tpu.memory_space<vmem>>, vector<1x16xf32>,
            %swap3A_321 = vector.shape_cast %swap3A_320 : vector<1x16xf32> to vector<16xf32>
            %swap3A_322 = vector.shape_cast %get3A_317 : vector<16xf32> to vector<1x16xf32>
            tpu.vector_store %arg14[%swap3A_318, %swap3A_319], %swap3A_322 {add = true, strides = array<i32>} : memref<320x128xf32, #tpu.memory_space<vmem>>, vector<1x16xf32>,
            %get3A_323 = arith.index_cast %sub3A_287 : i32 to index
            %get3A_324 = arith.constant 64 : index
            %get3A_325 = tpu.vector_load %arg13[%get3A_323, %get3A_324] {strides = array<i32>} : memref<128x128xf32, #tpu.memory_space<vmem>>, vector<1x16xf32>,
            %get3A_326 = vector.shape_cast %get3A_325 : vector<1x16xf32> to vector<16xf32>
            %swap3A_327 = arith.index_cast %while3A_261 : i32 to index
            %swap3A_328 = arith.constant 64 : index
            %swap3A_329 = tpu.vector_load %arg14[%swap3A_327, %swap3A_328] {strides = array<i32>} : memref<320x128xf32, #tpu.memory_space<vmem>>, vector<1x16xf32>,
            %swap3A_330 = vector.shape_cast %swap3A_329 : vector<1x16xf32> to vector<16xf32>
            %swap3A_331 = vector.shape_cast %get3A_326 : vector<16xf32> to vector<1x16xf32>
            tpu.vector_store %arg14[%swap3A_327, %swap3A_328], %swap3A_331 {add = true, strides = array<i32>} : memref<320x128xf32, #tpu.memory_space<vmem>>, vector<1x16xf32>,
            %get3A_332 = arith.index_cast %sub3A_287 : i32 to index
            %get3A_333 = arith.constant 80 : index
            %get3A_334 = tpu.vector_load %arg13[%get3A_332, %get3A_333] {strides = array<i32>} : memref<128x128xf32, #tpu.memory_space<vmem>>, vector<1x16xf32>,
            %get3A_335 = vector.shape_cast %get3A_334 : vector<1x16xf32> to vector<16xf32>
            %swap3A_336 = arith.index_cast %while3A_261 : i32 to index
            %swap3A_337 = arith.constant 80 : index
            %swap3A_338 = tpu.vector_load %arg14[%swap3A_336, %swap3A_337] {strides = array<i32>} : memref<320x128xf32, #tpu.memory_space<vmem>>, vector<1x16xf32>,
            %swap3A_339 = vector.shape_cast %swap3A_338 : vector<1x16xf32> to vector<16xf32>
            %swap3A_340 = vector.shape_cast %get3A_335 : vector<16xf32> to vector<1x16xf32>
            tpu.vector_store %arg14[%swap3A_336, %swap3A_337], %swap3A_340 {add = true, strides = array<i32>} : memref<320x128xf32, #tpu.memory_space<vmem>>, vector<1x16xf32>,
            %get3A_341 = arith.index_cast %sub3A_287 : i32 to index
            %get3A_342 = arith.constant 96 : index
            %get3A_343 = tpu.vector_load %arg13[%get3A_341, %get3A_342] {strides = array<i32>} : memref<128x128xf32, #tpu.memory_space<vmem>>, vector<1x16xf32>,
            %get3A_344 = vector.shape_cast %get3A_343 : vector<1x16xf32> to vector<16xf32>
            %swap3A_345 = arith.index_cast %while3A_261 : i32 to index
            %swap3A_346 = arith.constant 96 : index
            %swap3A_347 = tpu.vector_load %arg14[%swap3A_345, %swap3A_346] {strides = array<i32>} : memref<320x128xf32, #tpu.memory_space<vmem>>, vector<1x16xf32>,
            %swap3A_348 = vector.shape_cast %swap3A_347 : vector<1x16xf32> to vector<16xf32>
            %swap3A_349 = vector.shape_cast %get3A_344 : vector<16xf32> to vector<1x16xf32>
            tpu.vector_store %arg14[%swap3A_345, %swap3A_346], %swap3A_349 {add = true, strides = array<i32>} : memref<320x128xf32, #tpu.memory_space<vmem>>, vector<1x16xf32>,
            %get3A_350 = arith.index_cast %sub3A_287 : i32 to index
            %get3A_351 = arith.constant 112 : index
            %get3A_352 = tpu.vector_load %arg13[%get3A_350, %get3A_351] {strides = array<i32>} : memref<128x128xf32, #tpu.memory_space<vmem>>, vector<1x16xf32>,
            %get3A_353 = vector.shape_cast %get3A_352 : vector<1x16xf32> to vector<16xf32>
            %swap3A_354 = arith.index_cast %while3A_261 : i32 to index
            %swap3A_355 = arith.constant 112 : index
            %swap3A_356 = tpu.vector_load %arg14[%swap3A_354, %swap3A_355] {strides = array<i32>} : memref<320x128xf32, #tpu.memory_space<vmem>>, vector<1x16xf32>,
            %swap3A_357 = vector.shape_cast %swap3A_356 : vector<1x16xf32> to vector<16xf32>
            %swap3A_358 = vector.shape_cast %get3A_353 : vector<16xf32> to vector<1x16xf32>
            tpu.vector_store %arg14[%swap3A_354, %swap3A_355], %swap3A_358 {add = true, strides = array<i32>} : memref<320x128xf32, #tpu.memory_space<vmem>>, vector<1x16xf32>,
          }
        }
        %while3A_260 = arith.constant 1 : i32
        scf.for %while3A_261 = %while3A_258 to %while3A_254 step %while3A_260  : i32 {
          %get3A_262 = arith.index_cast %while3A_261 : i32 to index
          %get3A_263 = tpu.vector_load %arg8[%get3A_262] {strides = array<i32>} : memref<344xi32, #tpu.memory_space<vmem>>, vector<16xi32>,
          %get3A_264 = vector.shape_cast %get3A_263 : vector<16xi32> to vector<16xi32>
          %slice3A_265 = vector.extract_strided_slice %get3A_264 {offsets = [0], sizes = [1], strides = [1]} : vector<16xi32> to vector<1xi32>
          %squeeze3A_266 = vector.extract %slice3A_265[0] : i32 from vector<1xi32>
          %max3A_267 = arith.maxsi %squeeze3A_266, %mul3A_226 : i32
          %add3A_268 = arith.constant 1 : i32
          %add3A_269 = arith.addi %while3A_261, %add3A_268 : i32
          %get3A_270 = arith.index_cast %add3A_269 : i32 to index
          %get3A_271 = tpu.vector_load %arg8[%get3A_270] {strides = array<i32>} : memref<344xi32, #tpu.memory_space<vmem>>, vector<16xi32>,
          %get3A_272 = vector.shape_cast %get3A_271 : vector<16xi32> to vector<16xi32>
          %slice3A_273 = vector.extract_strided_slice %get3A_272 {offsets = [0], sizes = [1], strides = [1]} : vector<16xi32> to vector<1xi32>
          %squeeze3A_274 = vector.extract %slice3A_273[0] : i32 from vector<1xi32>
          %add3A_275 = arith.constant 128 : i32
          %add3A_276 = arith.addi %mul3A_226, %add3A_275 : i32
          %min3A_277 = arith.minsi %squeeze3A_274, %add3A_276 : i32
          %while3A_278 = arith.subi %min3A_277, %max3A_267 : i32
          %while3A_279 = arith.addi %max3A_267, %while3A_278 : i32
          %while3A_280 = arith.constant 1 : i32
          %while3A_281 = arith.divsi %while3A_278, %while3A_280 : i32
          %while3A_282 = arith.muli %while3A_281, %while3A_280 : i32
          %while3A_283 = arith.addi %max3A_267, %while3A_282 : i32
          %while3A_284 = arith.constant 1 : i32
          scf.for %while3A_286 = %max3A_267 to %while3A_283 step %while3A_284  : i32 {
            %sub3A_287 = arith.subi %while3A_286, %mul3A_226 : i32
            %get3A_288 = arith.index_cast %sub3A_287 : i32 to index
            %get3A_289 = arith.constant 0 : index
            %get3A_290 = tpu.vector_load %arg13[%get3A_288, %get3A_289] {strides = array<i32>} : memref<128x128xf32, #tpu.memory_space<vmem>>, vector<1x16xf32>,
            %get3A_291 = vector.shape_cast %get3A_290 : vector<1x16xf32> to vector<16xf32>
            %swap3A = arith.index_cast %while3A_261 : i32 to index
            %swap3A_292 = arith.constant 0 : index
            %swap3A_293 = tpu.vector_load %arg14[%swap3A, %swap3A_292] {strides = array<i32>} : memref<320x128xf32, #tpu.memory_space<vmem>>, vector<1x16xf32>,
            %swap3A_294 = vector.shape_cast %swap3A_293 : vector<1x16xf32> to vector<16xf32>
            %swap3A_295 = vector.shape_cast %get3A_291 : vector<16xf32> to vector<1x16xf32>
            tpu.vector_store %arg14[%swap3A, %swap3A_292], %swap3A_295 {add = true, strides = array<i32>} : memref<320x128xf32, #tpu.memory_space<vmem>>, vector<1x16xf32>,
            %get3A_296 = arith.index_cast %sub3A_287 : i32 to index
            %get3A_297 = arith.constant 16 : index
            %get3A_298 = tpu.vector_load %arg13[%get3A_296, %get3A_297] {strides = array<i32>} : memref<128x128xf32, #tpu.memory_space<vmem>>, vector<1x16xf32>,
            %get3A_299 = vector.shape_cast %get3A_298 : vector<1x16xf32> to vector<16xf32>
            %swap3A_300 = arith.index_cast %while3A_261 : i32 to index
            %swap3A_301 = arith.constant 16 : index
            %swap3A_302 = tpu.vector_load %arg14[%swap3A_300, %swap3A_301] {strides = array<i32>} : memref<320x128xf32, #tpu.memory_space<vmem>>, vector<1x16xf32>,
            %swap3A_303 = vector.shape_cast %swap3A_302 : vector<1x16xf32> to vector<16xf32>
            %swap3A_304 = vector.shape_cast %get3A_299 : vector<16xf32> to vector<1x16xf32>
            tpu.vector_store %arg14[%swap3A_300, %swap3A_301], %swap3A_304 {add = true, strides = array<i32>} : memref<320x128xf32, #tpu.memory_space<vmem>>, vector<1x16xf32>,
            %get3A_305 = arith.index_cast %sub3A_287 : i32 to index
            %get3A_306 = arith.constant 32 : index
            %get3A_307 = tpu.vector_load %arg13[%get3A_305, %get3A_306] {strides = array<i32>} : memref<128x128xf32, #tpu.memory_space<vmem>>, vector<1x16xf32>,
            %get3A_308 = vector.shape_cast %get3A_307 : vector<1x16xf32> to vector<16xf32>
            %swap3A_309 = arith.index_cast %while3A_261 : i32 to index
            %swap3A_310 = arith.constant 32 : index
            %swap3A_311 = tpu.vector_load %arg14[%swap3A_309, %swap3A_310] {strides = array<i32>} : memref<320x128xf32, #tpu.memory_space<vmem>>, vector<1x16xf32>,
            %swap3A_312 = vector.shape_cast %swap3A_311 : vector<1x16xf32> to vector<16xf32>
            %swap3A_313 = vector.shape_cast %get3A_308 : vector<16xf32> to vector<1x16xf32>
            tpu.vector_store %arg14[%swap3A_309, %swap3A_310], %swap3A_313 {add = true, strides = array<i32>} : memref<320x128xf32, #tpu.memory_space<vmem>>, vector<1x16xf32>,
            %get3A_314 = arith.index_cast %sub3A_287 : i32 to index
            %get3A_315 = arith.constant 48 : index
            %get3A_316 = tpu.vector_load %arg13[%get3A_314, %get3A_315] {strides = array<i32>} : memref<128x128xf32, #tpu.memory_space<vmem>>, vector<1x16xf32>,
            %get3A_317 = vector.shape_cast %get3A_316 : vector<1x16xf32> to vector<16xf32>
            %swap3A_318 = arith.index_cast %while3A_261 : i32 to index
            %swap3A_319 = arith.constant 48 : index
            %swap3A_320 = tpu.vector_load %arg14[%swap3A_318, %swap3A_319] {strides = array<i32>} : memref<320x128xf32, #tpu.memory_space<vmem>>, vector<1x16xf32>,
            %swap3A_321 = vector.shape_cast %swap3A_320 : vector<1x16xf32> to vector<16xf32>
            %swap3A_322 = vector.shape_cast %get3A_317 : vector<16xf32> to vector<1x16xf32>
            tpu.vector_store %arg14[%swap3A_318, %swap3A_319], %swap3A_322 {add = true, strides = array<i32>} : memref<320x128xf32, #tpu.memory_space<vmem>>, vector<1x16xf32>,
            %get3A_323 = arith.index_cast %sub3A_287 : i32 to index
            %get3A_324 = arith.constant 64 : index
            %get3A_325 = tpu.vector_load %arg13[%get3A_323, %get3A_324] {strides = array<i32>} : memref<128x128xf32, #tpu.memory_space<vmem>>, vector<1x16xf32>,
            %get3A_326 = vector.shape_cast %get3A_325 : vector<1x16xf32> to vector<16xf32>
            %swap3A_327 = arith.index_cast %while3A_261 : i32 to index
            %swap3A_328 = arith.constant 64 : index
            %swap3A_329 = tpu.vector_load %arg14[%swap3A_327, %swap3A_328] {strides = array<i32>} : memref<320x128xf32, #tpu.memory_space<vmem>>, vector<1x16xf32>,
            %swap3A_330 = vector.shape_cast %swap3A_329 : vector<1x16xf32> to vector<16xf32>
            %swap3A_331 = vector.shape_cast %get3A_326 : vector<16xf32> to vector<1x16xf32>
            tpu.vector_store %arg14[%swap3A_327, %swap3A_328], %swap3A_331 {add = true, strides = array<i32>} : memref<320x128xf32, #tpu.memory_space<vmem>>, vector<1x16xf32>,
            %get3A_332 = arith.index_cast %sub3A_287 : i32 to index
            %get3A_333 = arith.constant 80 : index
            %get3A_334 = tpu.vector_load %arg13[%get3A_332, %get3A_333] {strides = array<i32>} : memref<128x128xf32, #tpu.memory_space<vmem>>, vector<1x16xf32>,
            %get3A_335 = vector.shape_cast %get3A_334 : vector<1x16xf32> to vector<16xf32>
            %swap3A_336 = arith.index_cast %while3A_261 : i32 to index
            %swap3A_337 = arith.constant 80 : index
            %swap3A_338 = tpu.vector_load %arg14[%swap3A_336, %swap3A_337] {strides = array<i32>} : memref<320x128xf32, #tpu.memory_space<vmem>>, vector<1x16xf32>,
            %swap3A_339 = vector.shape_cast %swap3A_338 : vector<1x16xf32> to vector<16xf32>
            %swap3A_340 = vector.shape_cast %get3A_335 : vector<16xf32> to vector<1x16xf32>
            tpu.vector_store %arg14[%swap3A_336, %swap3A_337], %swap3A_340 {add = true, strides = array<i32>} : memref<320x128xf32, #tpu.memory_space<vmem>>, vector<1x16xf32>,
            %get3A_341 = arith.index_cast %sub3A_287 : i32 to index
            %get3A_342 = arith.constant 96 : index
            %get3A_343 = tpu.vector_load %arg13[%get3A_341, %get3A_342] {strides = array<i32>} : memref<128x128xf32, #tpu.memory_space<vmem>>, vector<1x16xf32>,
            %get3A_344 = vector.shape_cast %get3A_343 : vector<1x16xf32> to vector<16xf32>
            %swap3A_345 = arith.index_cast %while3A_261 : i32 to index
            %swap3A_346 = arith.constant 96 : index
            %swap3A_347 = tpu.vector_load %arg14[%swap3A_345, %swap3A_346] {strides = array<i32>} : memref<320x128xf32, #tpu.memory_space<vmem>>, vector<1x16xf32>,
            %swap3A_348 = vector.shape_cast %swap3A_347 : vector<1x16xf32> to vector<16xf32>
            %swap3A_349 = vector.shape_cast %get3A_344 : vector<16xf32> to vector<1x16xf32>
            tpu.vector_store %arg14[%swap3A_345, %swap3A_346], %swap3A_349 {add = true, strides = array<i32>} : memref<320x128xf32, #tpu.memory_space<vmem>>, vector<1x16xf32>,
            %get3A_350 = arith.index_cast %sub3A_287 : i32 to index
            %get3A_351 = arith.constant 112 : index
            %get3A_352 = tpu.vector_load %arg13[%get3A_350, %get3A_351] {strides = array<i32>} : memref<128x128xf32, #tpu.memory_space<vmem>>, vector<1x16xf32>,
            %get3A_353 = vector.shape_cast %get3A_352 : vector<1x16xf32> to vector<16xf32>
            %swap3A_354 = arith.index_cast %while3A_261 : i32 to index
            %swap3A_355 = arith.constant 112 : index
            %swap3A_356 = tpu.vector_load %arg14[%swap3A_354, %swap3A_355] {strides = array<i32>} : memref<320x128xf32, #tpu.memory_space<vmem>>, vector<1x16xf32>,
            %swap3A_357 = vector.shape_cast %swap3A_356 : vector<1x16xf32> to vector<16xf32>
            %swap3A_358 = vector.shape_cast %get3A_353 : vector<16xf32> to vector<1x16xf32>
            tpu.vector_store %arg14[%swap3A_354, %swap3A_355], %swap3A_358 {add = true, strides = array<i32>} : memref<320x128xf32, #tpu.memory_space<vmem>>, vector<1x16xf32>,
          }
          %while3A_285 = arith.constant 1 : i32
          scf.for %while3A_286 = %while3A_283 to %while3A_279 step %while3A_285  : i32 {
            %sub3A_287 = arith.subi %while3A_286, %mul3A_226 : i32
            %get3A_288 = arith.index_cast %sub3A_287 : i32 to index
            %get3A_289 = arith.constant 0 : index
            %get3A_290 = tpu.vector_load %arg13[%get3A_288, %get3A_289] {strides = array<i32>} : memref<128x128xf32, #tpu.memory_space<vmem>>, vector<1x16xf32>,
            %get3A_291 = vector.shape_cast %get3A_290 : vector<1x16xf32> to vector<16xf32>
            %swap3A = arith.index_cast %while3A_261 : i32 to index
            %swap3A_292 = arith.constant 0 : index
            %swap3A_293 = tpu.vector_load %arg14[%swap3A, %swap3A_292] {strides = array<i32>} : memref<320x128xf32, #tpu.memory_space<vmem>>, vector<1x16xf32>,
            %swap3A_294 = vector.shape_cast %swap3A_293 : vector<1x16xf32> to vector<16xf32>
            %swap3A_295 = vector.shape_cast %get3A_291 : vector<16xf32> to vector<1x16xf32>
            tpu.vector_store %arg14[%swap3A, %swap3A_292], %swap3A_295 {add = true, strides = array<i32>} : memref<320x128xf32, #tpu.memory_space<vmem>>, vector<1x16xf32>,
            %get3A_296 = arith.index_cast %sub3A_287 : i32 to index
            %get3A_297 = arith.constant 16 : index
            %get3A_298 = tpu.vector_load %arg13[%get3A_296, %get3A_297] {strides = array<i32>} : memref<128x128xf32, #tpu.memory_space<vmem>>, vector<1x16xf32>,
            %get3A_299 = vector.shape_cast %get3A_298 : vector<1x16xf32> to vector<16xf32>
            %swap3A_300 = arith.index_cast %while3A_261 : i32 to index
            %swap3A_301 = arith.constant 16 : index
            %swap3A_302 = tpu.vector_load %arg14[%swap3A_300, %swap3A_301] {strides = array<i32>} : memref<320x128xf32, #tpu.memory_space<vmem>>, vector<1x16xf32>,
            %swap3A_303 = vector.shape_cast %swap3A_302 : vector<1x16xf32> to vector<16xf32>
            %swap3A_304 = vector.shape_cast %get3A_299 : vector<16xf32> to vector<1x16xf32>
            tpu.vector_store %arg14[%swap3A_300, %swap3A_301], %swap3A_304 {add = true, strides = array<i32>} : memref<320x128xf32, #tpu.memory_space<vmem>>, vector<1x16xf32>,
            %get3A_305 = arith.index_cast %sub3A_287 : i32 to index
            %get3A_306 = arith.constant 32 : index
            %get3A_307 = tpu.vector_load %arg13[%get3A_305, %get3A_306] {strides = array<i32>} : memref<128x128xf32, #tpu.memory_space<vmem>>, vector<1x16xf32>,
            %get3A_308 = vector.shape_cast %get3A_307 : vector<1x16xf32> to vector<16xf32>
            %swap3A_309 = arith.index_cast %while3A_261 : i32 to index
            %swap3A_310 = arith.constant 32 : index
            %swap3A_311 = tpu.vector_load %arg14[%swap3A_309, %swap3A_310] {strides = array<i32>} : memref<320x128xf32, #tpu.memory_space<vmem>>, vector<1x16xf32>,
            %swap3A_312 = vector.shape_cast %swap3A_311 : vector<1x16xf32> to vector<16xf32>
            %swap3A_313 = vector.shape_cast %get3A_308 : vector<16xf32> to vector<1x16xf32>
            tpu.vector_store %arg14[%swap3A_309, %swap3A_310], %swap3A_313 {add = true, strides = array<i32>} : memref<320x128xf32, #tpu.memory_space<vmem>>, vector<1x16xf32>,
            %get3A_314 = arith.index_cast %sub3A_287 : i32 to index
            %get3A_315 = arith.constant 48 : index
            %get3A_316 = tpu.vector_load %arg13[%get3A_314, %get3A_315] {strides = array<i32>} : memref<128x128xf32, #tpu.memory_space<vmem>>, vector<1x16xf32>,
            %get3A_317 = vector.shape_cast %get3A_316 : vector<1x16xf32> to vector<16xf32>
            %swap3A_318 = arith.index_cast %while3A_261 : i32 to index
            %swap3A_319 = arith.constant 48 : index
            %swap3A_320 = tpu.vector_load %arg14[%swap3A_318, %swap3A_319] {strides = array<i32>} : memref<320x128xf32, #tpu.memory_space<vmem>>, vector<1x16xf32>,
            %swap3A_321 = vector.shape_cast %swap3A_320 : vector<1x16xf32> to vector<16xf32>
            %swap3A_322 = vector.shape_cast %get3A_317 : vector<16xf32> to vector<1x16xf32>
            tpu.vector_store %arg14[%swap3A_318, %swap3A_319], %swap3A_322 {add = true, strides = array<i32>} : memref<320x128xf32, #tpu.memory_space<vmem>>, vector<1x16xf32>,
            %get3A_323 = arith.index_cast %sub3A_287 : i32 to index
            %get3A_324 = arith.constant 64 : index
            %get3A_325 = tpu.vector_load %arg13[%get3A_323, %get3A_324] {strides = array<i32>} : memref<128x128xf32, #tpu.memory_space<vmem>>, vector<1x16xf32>,
            %get3A_326 = vector.shape_cast %get3A_325 : vector<1x16xf32> to vector<16xf32>
            %swap3A_327 = arith.index_cast %while3A_261 : i32 to index
            %swap3A_328 = arith.constant 64 : index
            %swap3A_329 = tpu.vector_load %arg14[%swap3A_327, %swap3A_328] {strides = array<i32>} : memref<320x128xf32, #tpu.memory_space<vmem>>, vector<1x16xf32>,
            %swap3A_330 = vector.shape_cast %swap3A_329 : vector<1x16xf32> to vector<16xf32>
            %swap3A_331 = vector.shape_cast %get3A_326 : vector<16xf32> to vector<1x16xf32>
            tpu.vector_store %arg14[%swap3A_327, %swap3A_328], %swap3A_331 {add = true, strides = array<i32>} : memref<320x128xf32, #tpu.memory_space<vmem>>, vector<1x16xf32>,
            %get3A_332 = arith.index_cast %sub3A_287 : i32 to index
            %get3A_333 = arith.constant 80 : index
            %get3A_334 = tpu.vector_load %arg13[%get3A_332, %get3A_333] {strides = array<i32>} : memref<128x128xf32, #tpu.memory_space<vmem>>, vector<1x16xf32>,
            %get3A_335 = vector.shape_cast %get3A_334 : vector<1x16xf32> to vector<16xf32>
            %swap3A_336 = arith.index_cast %while3A_261 : i32 to index
            %swap3A_337 = arith.constant 80 : index
            %swap3A_338 = tpu.vector_load %arg14[%swap3A_336, %swap3A_337] {strides = array<i32>} : memref<320x128xf32, #tpu.memory_space<vmem>>, vector<1x16xf32>,
            %swap3A_339 = vector.shape_cast %swap3A_338 : vector<1x16xf32> to vector<16xf32>
            %swap3A_340 = vector.shape_cast %get3A_335 : vector<16xf32> to vector<1x16xf32>
            tpu.vector_store %arg14[%swap3A_336, %swap3A_337], %swap3A_340 {add = true, strides = array<i32>} : memref<320x128xf32, #tpu.memory_space<vmem>>, vector<1x16xf32>,
            %get3A_341 = arith.index_cast %sub3A_287 : i32 to index
            %get3A_342 = arith.constant 96 : index
            %get3A_343 = tpu.vector_load %arg13[%get3A_341, %get3A_342] {strides = array<i32>} : memref<128x128xf32, #tpu.memory_space<vmem>>, vector<1x16xf32>,
            %get3A_344 = vector.shape_cast %get3A_343 : vector<1x16xf32> to vector<16xf32>
            %swap3A_345 = arith.index_cast %while3A_261 : i32 to index
            %swap3A_346 = arith.constant 96 : index
            %swap3A_347 = tpu.vector_load %arg14[%swap3A_345, %swap3A_346] {strides = array<i32>} : memref<320x128xf32, #tpu.memory_space<vmem>>, vector<1x16xf32>,
            %swap3A_348 = vector.shape_cast %swap3A_347 : vector<1x16xf32> to vector<16xf32>
            %swap3A_349 = vector.shape_cast %get3A_344 : vector<16xf32> to vector<1x16xf32>
            tpu.vector_store %arg14[%swap3A_345, %swap3A_346], %swap3A_349 {add = true, strides = array<i32>} : memref<320x128xf32, #tpu.memory_space<vmem>>, vector<1x16xf32>,
            %get3A_350 = arith.index_cast %sub3A_287 : i32 to index
            %get3A_351 = arith.constant 112 : index
            %get3A_352 = tpu.vector_load %arg13[%get3A_350, %get3A_351] {strides = array<i32>} : memref<128x128xf32, #tpu.memory_space<vmem>>, vector<1x16xf32>,
            %get3A_353 = vector.shape_cast %get3A_352 : vector<1x16xf32> to vector<16xf32>
            %swap3A_354 = arith.index_cast %while3A_261 : i32 to index
            %swap3A_355 = arith.constant 112 : index
            %swap3A_356 = tpu.vector_load %arg14[%swap3A_354, %swap3A_355] {strides = array<i32>} : memref<320x128xf32, #tpu.memory_space<vmem>>, vector<1x16xf32>,
            %swap3A_357 = vector.shape_cast %swap3A_356 : vector<1x16xf32> to vector<16xf32>
            %swap3A_358 = vector.shape_cast %get3A_353 : vector<16xf32> to vector<1x16xf32>
            tpu.vector_store %arg14[%swap3A_354, %swap3A_355], %swap3A_358 {add = true, strides = array<i32>} : memref<320x128xf32, #tpu.memory_space<vmem>>, vector<1x16xf32>,
          }
        }
      }
      %dma_wait3A = arith.constant 0 : i32
      %dma_wait3A_148 = tpu.memref_slice %arg11[%dma_wait3A] : memref<16384xi32, #tpu.memory_space<vmem>> -> memref<128xi32, #tpu.memory_space<vmem>>
      %dma_wait3A_149 = arith.constant 0 : i32
      %dma_wait3A_150 = arith.constant 0 : i32
      %dma_wait3A_151 = tpu.memref_slice %arg2[%dma_wait3A_149, %dma_wait3A_150] : memref<10000x128xf32, #tpu.memory_space<hbm>> -> memref<10000x128xf32, #tpu.memory_space<hbm>>
      tpu.wait_indirect_dma semaphore(%arg15 : memref<!tpu.dma_semaphore, #tpu.memory_space<semaphore_mem>>) src(%dma_wait3A_151 : memref<10000x128xf32, #tpu.memory_space<hbm>>) dst(%arg12 : memref<128x128xf32, #tpu.memory_space<vmem>>)
    }
    %scan3A_94 = arith.constant 0 : i32
    %scan3A_95 = arith.constant 0 : i32
    %scan3A_96 = arith.constant 320 : i32
    %scan3A_97 = arith.addi %scan3A_95, %scan3A_96 : i32
    %scan3A_98 = arith.constant 1 : i32
    scf.for %scan3A_100 = %scan3A_95 to %scan3A_97 step %scan3A_98  : i32 {
      %get3A_101 = arith.index_cast %scan3A_100 : i32 to index
      %get3A_102 = tpu.vector_load %arg9[%get3A_101] {strides = array<i32>} : memref<336xf32, #tpu.memory_space<vmem>>, vector<16xf32>,
      %get3A_103 = vector.shape_cast %get3A_102 : vector<16xf32> to vector<16xf32>
      %slice3A_104 = vector.extract_strided_slice %get3A_103 {offsets = [0], sizes = [1], strides = [1]} : vector<16xf32> to vector<1xf32>
      %squeeze3A_105 = vector.extract %slice3A_104[0] : f32 from vector<1xf32>
      %get3A_106 = arith.index_cast %scan3A_100 : i32 to index
      %get3A_107 = arith.constant 0 : index
      %get3A_108 = tpu.vector_load %arg14[%get3A_106, %get3A_107] {strides = array<i32>} : memref<320x128xf32, #tpu.memory_space<vmem>>, vector<1x16xf32>,
      %get3A_109 = vector.shape_cast %get3A_108 : vector<1x16xf32> to vector<16xf32>
      %mul3A_110 = vector.broadcast %squeeze3A_105 : f32 to vector<16xf32>
      %mul3A_111 = arith.mulf %get3A_109, %mul3A_110 : vector<16xf32>
      %swap3A = arith.index_cast %scan3A_100 : i32 to index
      %swap3A_112 = arith.constant 0 : index
      %swap3A_113 = tpu.vector_load %arg14[%swap3A, %swap3A_112] {strides = array<i32>} : memref<320x128xf32, #tpu.memory_space<vmem>>, vector<1x16xf32>,
      %swap3A_114 = vector.shape_cast %swap3A_113 : vector<1x16xf32> to vector<16xf32>
      %swap3A_115 = vector.shape_cast %mul3A_111 : vector<16xf32> to vector<1x16xf32>
      tpu.vector_store %arg14[%swap3A, %swap3A_112], %swap3A_115 {strides = array<i32>} : memref<320x128xf32, #tpu.memory_space<vmem>>, vector<1x16xf32>,
      %get3A_116 = arith.index_cast %scan3A_100 : i32 to index
      %get3A_117 = arith.constant 16 : index
      %get3A_118 = tpu.vector_load %arg14[%get3A_116, %get3A_117] {strides = array<i32>} : memref<320x128xf32, #tpu.memory_space<vmem>>, vector<1x16xf32>,
      %get3A_119 = vector.shape_cast %get3A_118 : vector<1x16xf32> to vector<16xf32>
      %mul3A_120 = vector.broadcast %squeeze3A_105 : f32 to vector<16xf32>
      %mul3A_121 = arith.mulf %get3A_119, %mul3A_120 : vector<16xf32>
      %swap3A_122 = arith.index_cast %scan3A_100 : i32 to index
      %swap3A_123 = arith.constant 16 : index
      %swap3A_124 = tpu.vector_load %arg14[%swap3A_122, %swap3A_123] {strides = array<i32>} : memref<320x128xf32, #tpu.memory_space<vmem>>, vector<1x16xf32>,
      %swap3A_125 = vector.shape_cast %swap3A_124 : vector<1x16xf32> to vector<16xf32>
      %swap3A_126 = vector.shape_cast %mul3A_121 : vector<16xf32> to vector<1x16xf32>
      tpu.vector_store %arg14[%swap3A_122, %swap3A_123], %swap3A_126 {strides = array<i32>} : memref<320x128xf32, #tpu.memory_space<vmem>>, vector<1x16xf32>,
      %get3A_127 = arith.index_cast %scan3A_100 : i32 to index
      %get3A_128 = arith.constant 32 : index
      %get3A_129 = tpu.vector_load %arg14[%get3A_127, %get3A_128] {strides = array<i32>} : memref<320x128xf32, #tpu.memory_space<vmem>>, vector<1x16xf32>,
      %get3A_130 = vector.shape_cast %get3A_129 : vector<1x16xf32> to vector<16xf32>
      %mul3A_131 = vector.broadcast %squeeze3A_105 : f32 to vector<16xf32>
      %mul3A_132 = arith.mulf %get3A_130, %mul3A_131 : vector<16xf32>
      %swap3A_133 = arith.index_cast %scan3A_100 : i32 to index
      %swap3A_134 = arith.constant 32 : index
      %swap3A_135 = tpu.vector_load %arg14[%swap3A_133, %swap3A_134] {strides = array<i32>} : memref<320x128xf32, #tpu.memory_space<vmem>>, vector<1x16xf32>,
      %swap3A_136 = vector.shape_cast %swap3A_135 : vector<1x16xf32> to vector<16xf32>
      %swap3A_137 = vector.shape_cast %mul3A_132 : vector<16xf32> to vector<1x16xf32>
      tpu.vector_store %arg14[%swap3A_133, %swap3A_134], %swap3A_137 {strides = array<i32>} : memref<320x128xf32, #tpu.memory_space<vmem>>, vector<1x16xf32>,
      %get3A_138 = arith.index_cast %scan3A_100 : i32 to index
      %get3A_139 = arith.constant 48 : index
      %get3A_140 = tpu.vector_load %arg14[%get3A_138, %get3A_139] {strides = array<i32>} : memref<320x128xf32, #tpu.memory_space<vmem>>, vector<1x16xf32>,
      %get3A_141 = vector.shape_cast %get3A_140 : vector<1x16xf32> to vector<16xf32>
      %mul3A_142 = vector.broadcast %squeeze3A_105 : f32 to vector<16xf32>
      %mul3A_143 = arith.mulf %get3A_141, %mul3A_142 : vector<16xf32>
      %swap3A_144 = arith.index_cast %scan3A_100 : i32 to index
      %swap3A_145 = arith.constant 48 : index
      %swap3A_146 = tpu.vector_load %arg14[%swap3A_144, %swap3A_145] {strides = array<i32>} : memref<320x128xf32, #tpu.memory_space<vmem>>, vector<1x16xf32>,
      %swap3A_147 = vector.shape_cast %swap3A_146 : vector<1x16xf32> to vector<16xf32>
      %swap3A_148 = vector.shape_cast %mul3A_143 : vector<16xf32> to vector<1x16xf32>
      tpu.vector_store %arg14[%swap3A_144, %swap3A_145], %swap3A_148 {strides = array<i32>} : memref<320x128xf32, #tpu.memory_space<vmem>>, vector<1x16xf32>,
      %get3A_149 = arith.index_cast %scan3A_100 : i32 to index
      %get3A_150 = arith.constant 64 : index
      %get3A_151 = tpu.vector_load %arg14[%get3A_149, %get3A_150] {strides = array<i32>} : memref<320x128xf32, #tpu.memory_space<vmem>>, vector<1x16xf32>,
      %get3A_152 = vector.shape_cast %get3A_151 : vector<1x16xf32> to vector<16xf32>
      %mul3A_153 = vector.broadcast %squeeze3A_105 : f32 to vector<16xf32>
      %mul3A_154 = arith.mulf %get3A_152, %mul3A_153 : vector<16xf32>
      %swap3A_155 = arith.index_cast %scan3A_100 : i32 to index
      %swap3A_156 = arith.constant 64 : index
      %swap3A_157 = tpu.vector_load %arg14[%swap3A_155, %swap3A_156] {strides = array<i32>} : memref<320x128xf32, #tpu.memory_space<vmem>>, vector<1x16xf32>,
      %swap3A_158 = vector.shape_cast %swap3A_157 : vector<1x16xf32> to vector<16xf32>
      %swap3A_159 = vector.shape_cast %mul3A_154 : vector<16xf32> to vector<1x16xf32>
      tpu.vector_store %arg14[%swap3A_155, %swap3A_156], %swap3A_159 {strides = array<i32>} : memref<320x128xf32, #tpu.memory_space<vmem>>, vector<1x16xf32>,
      %get3A_160 = arith.index_cast %scan3A_100 : i32 to index
      %get3A_161 = arith.constant 80 : index
      %get3A_162 = tpu.vector_load %arg14[%get3A_160, %get3A_161] {strides = array<i32>} : memref<320x128xf32, #tpu.memory_space<vmem>>, vector<1x16xf32>,
      %get3A_163 = vector.shape_cast %get3A_162 : vector<1x16xf32> to vector<16xf32>
      %mul3A_164 = vector.broadcast %squeeze3A_105 : f32 to vector<16xf32>
      %mul3A_165 = arith.mulf %get3A_163, %mul3A_164 : vector<16xf32>
      %swap3A_166 = arith.index_cast %scan3A_100 : i32 to index
      %swap3A_167 = arith.constant 80 : index
      %swap3A_168 = tpu.vector_load %arg14[%swap3A_166, %swap3A_167] {strides = array<i32>} : memref<320x128xf32, #tpu.memory_space<vmem>>, vector<1x16xf32>,
      %swap3A_169 = vector.shape_cast %swap3A_168 : vector<1x16xf32> to vector<16xf32>
      %swap3A_170 = vector.shape_cast %mul3A_165 : vector<16xf32> to vector<1x16xf32>
      tpu.vector_store %arg14[%swap3A_166, %swap3A_167], %swap3A_170 {strides = array<i32>} : memref<320x128xf32, #tpu.memory_space<vmem>>, vector<1x16xf32>,
      %get3A_171 = arith.index_cast %scan3A_100 : i32 to index
      %get3A_172 = arith.constant 96 : index
      %get3A_173 = tpu.vector_load %arg14[%get3A_171, %get3A_172] {strides = array<i32>} : memref<320x128xf32, #tpu.memory_space<vmem>>, vector<1x16xf32>,
      %get3A_174 = vector.shape_cast %get3A_173 : vector<1x16xf32> to vector<16xf32>
      %mul3A_175 = vector.broadcast %squeeze3A_105 : f32 to vector<16xf32>
      %mul3A_176 = arith.mulf %get3A_174, %mul3A_175 : vector<16xf32>
      %swap3A_177 = arith.index_cast %scan3A_100 : i32 to index
      %swap3A_178 = arith.constant 96 : index
      %swap3A_179 = tpu.vector_load %arg14[%swap3A_177, %swap3A_178] {strides = array<i32>} : memref<320x128xf32, #tpu.memory_space<vmem>>, vector<1x16xf32>,
      %swap3A_180 = vector.shape_cast %swap3A_179 : vector<1x16xf32> to vector<16xf32>
      %swap3A_181 = vector.shape_cast %mul3A_176 : vector<16xf32> to vector<1x16xf32>
      tpu.vector_store %arg14[%swap3A_177, %swap3A_178], %swap3A_181 {strides = array<i32>} : memref<320x128xf32, #tpu.memory_space<vmem>>, vector<1x16xf32>,
      %get3A_182 = arith.index_cast %scan3A_100 : i32 to index
      %get3A_183 = arith.constant 112 : index
      %get3A_184 = tpu.vector_load %arg14[%get3A_182, %get3A_183] {strides = array<i32>} : memref<320x128xf32, #tpu.memory_space<vmem>>, vector<1x16xf32>,
      %get3A_185 = vector.shape_cast %get3A_184 : vector<1x16xf32> to vector<16xf32>
      %mul3A_186 = vector.broadcast %squeeze3A_105 : f32 to vector<16xf32>
      %mul3A_187 = arith.mulf %get3A_185, %mul3A_186 : vector<16xf32>
      %swap3A_188 = arith.index_cast %scan3A_100 : i32 to index
      %swap3A_189 = arith.constant 112 : index
      %swap3A_190 = tpu.vector_load %arg14[%swap3A_188, %swap3A_189] {strides = array<i32>} : memref<320x128xf32, #tpu.memory_space<vmem>>, vector<1x16xf32>,
      %swap3A_191 = vector.shape_cast %swap3A_190 : vector<1x16xf32> to vector<16xf32>
      %swap3A_192 = vector.shape_cast %mul3A_187 : vector<16xf32> to vector<1x16xf32>
      tpu.vector_store %arg14[%swap3A_188, %swap3A_189], %swap3A_192 {strides = array<i32>} : memref<320x128xf32, #tpu.memory_space<vmem>>, vector<1x16xf32>,
    }
    %scan3A_99 = arith.constant 320 : i32
    "tpu.region"() ({
      %run_scoped3A = tpu.sem_alloc : memref<!tpu.dma_semaphore, #tpu.memory_space<semaphore_mem>>
      %dma_start3A = arith.constant 0 : i32
      %dma_start3A_100 = tpu.memref_slice %arg7[%mul3A_2, %dma_start3A] : memref<10240x128xf32, #tpu.memory_space<hbm>> -> memref<320x128xf32, #tpu.memory_space<hbm>>
      %dma_start3A_101 = arith.constant 0 : i32
      %dma_start3A_102 = tpu.memref_slice %arg7[%mul3A_2, %dma_start3A_101] : memref<10240x128xf32, #tpu.memory_space<hbm>> -> memref<320x128xf32, #tpu.memory_space<hbm>>
      tpu.enqueue_dma source(%arg14 : memref<320x128xf32, #tpu.memory_space<vmem>>) target(%dma_start3A_102 : memref<320x128xf32, #tpu.memory_space<hbm>>) target_semaphore(%run_scoped3A : memref<!tpu.dma_semaphore, #tpu.memory_space<semaphore_mem>>)
      %dma_wait3A = arith.constant 0 : i32
      %dma_wait3A_103 = tpu.memref_slice %arg7[%mul3A_2, %dma_wait3A] : memref<10240x128xf32, #tpu.memory_space<hbm>> -> memref<320x128xf32, #tpu.memory_space<hbm>>
      %dma_wait3A_104 = arith.constant 0 : i32
      %dma_wait3A_105 = tpu.memref_slice %arg7[%mul3A_2, %dma_wait3A_104] : memref<10240x128xf32, #tpu.memory_space<hbm>> -> memref<320x128xf32, #tpu.memory_space<hbm>>
      tpu.wait_dma2 semaphore(%run_scoped3A : memref<!tpu.dma_semaphore, #tpu.memory_space<semaphore_mem>>) src(%arg14 : memref<320x128xf32, #tpu.memory_space<vmem>>) dst(%dma_wait3A_105 : memref<320x128xf32, #tpu.memory_space<hbm>>)
      tpu.yield
    }) : () -> ()
    return
  }
}

module attributes {stable_mosaic.version = 14 : i64} {
  func.func @_mm_body(%arg0: i32, %arg1: memref<1000x128xf32, #tpu.memory_space<vmem>>, %arg2: memref<128x128xf32, #tpu.memory_space<vmem>>, %arg3: memref<1000x1xf32, #tpu.memory_space<vmem>>, %arg4: memref<1000x128xf32, #tpu.memory_space<vmem>>) attributes {dimension_semantics = [#tpu.dimension_semantics<arbitrary>], iteration_bounds = array<i64: 10>, scalar_prefetch = 0 : i64, scratch_operands = 0 : i64, tpu.core_type = #tpu.core_type<tc>, window_params = [{transform_indices = @transform_0, window_bounds = array<i64: 1000, 128>}, {pipeline_mode = #tpu.pipeline_mode<synchronous>, transform_indices = @transform_1, window_bounds = array<i64: 128, 128>}, {transform_indices = @transform_2, window_bounds = array<i64: 1000, 1>}, {transform_indices = @transform_3, window_bounds = array<i64: 1000, 128>}]} {
    %get3A = arith.constant 0 : index
    %get3A_0 = arith.constant 0 : index
    %get3A_1 = vector.load %arg1[%get3A, %get3A_0] : memref<1000x128xf32, #tpu.memory_space<vmem>>, vector<1000x128xf32>
    %get3A_2 = arith.constant 0 : index
    %get3A_3 = arith.constant 0 : index
    %get3A_4 = vector.load %arg2[%get3A_2, %get3A_3] : memref<128x128xf32, #tpu.memory_space<vmem>>, vector<128x128xf32>
    %dot_general3A = arith.constant dense<0.000000e+00> : vector<1000x128xf32>
    %dot_general3A_5 = tpu.matmul %get3A_1, %get3A_4, %dot_general3A {dimension_numbers = #tpu.dot_dimension_numbers<[1], [0], [0], [1], [0, 0, 1, 1], [], []>, transpose_lhs_hint = false} : vector<1000x128xf32>, vector<128x128xf32>, vector<1000x128xf32> -> vector<1000x128xf32>
    %get3A_6 = arith.constant 0 : index
    %get3A_7 = arith.constant 0 : index
    %get3A_8 = vector.load %arg3[%get3A_6, %get3A_7] : memref<1000x1xf32, #tpu.memory_space<vmem>>, vector<1000x1xf32>
    %mul3A = vector.broadcast %get3A_8 : vector<1000x1xf32> to vector<1000x128xf32>
    %mul3A_9 = arith.mulf %dot_general3A_5, %mul3A : vector<1000x128xf32>
    %swap3A = arith.constant 0 : index
    %swap3A_10 = arith.constant 0 : index
    %swap3A_11 = vector.load %arg4[%swap3A, %swap3A_10] : memref<1000x128xf32, #tpu.memory_space<vmem>>, vector<1000x128xf32>
    tpu.vector_store %arg4[%swap3A, %swap3A_10], %mul3A_9 {strides = array<i32>} : memref<1000x128xf32, #tpu.memory_space<vmem>>, vector<1000x128xf32>,
    return
  }
  func.func @transform_0(%arg0: i32) -> (i32, i32) {
    %c0_i32 = arith.constant 0 : i32
    %c0_i32_0 = arith.constant 0 : i32
    return %arg0, %c0_i32 : i32, i32
  }
  func.func @transform_1(%arg0: i32) -> (i32, i32) {
    %c0_i32 = arith.constant 0 : i32
    %c0_i32_0 = arith.constant 0 : i32
    %c0_i32_1 = arith.constant 0 : i32
    return %c0_i32, %c0_i32_0 : i32, i32
  }
  func.func @transform_2(%arg0: i32) -> (i32, i32) {
    %c0_i32 = arith.constant 0 : i32
    %c0_i32_0 = arith.constant 0 : i32
    return %arg0, %c0_i32 : i32, i32
  }
  func.func @transform_3(%arg0: i32) -> (i32, i32) {
    %c0_i32 = arith.constant 0 : i32
    %c0_i32_0 = arith.constant 0 : i32
    return %arg0, %c0_i32 : i32, i32
  }
}

</mosaic_0001>

<sc_bundles>
// kernel: kernel.4.cloned.1.call-start
scs
__scs_entry_jumppad:
0x0: {  	(pc) =	sbr.rel $0x88, $3  }
0x1: {  	(tag) =	ssettag $0x0;
	lr =	simm.s32 $0x1  }
0x2: {  	[smem:$0x3F9C] =	sst lr;
	_ =	strace $0xD0000000  }
0x3: {  	_ = 	snop  }
0x4: {  	_ = 	snop  }
0x5: {  	_ = 	snop  }
0x6: {  	_ = 	snop  }
0x7: {  	_ = 	snop  }
__scs_overlays_trampoline_lowered:
0x8: {  	[smem:$0x3FAB] =	sst s0  }
0x9: {  	[smem:$0x3FAC] =	sst s1  }
0xa: {  	[smem:$0x3FAD] =	sst s2  }
0xb: {  	[smem:$0x3FAE] =	sst s3  }
0xc: {  	[smem:$0x3FAF] =	sst s4  }
0xd: {  	[smem:$0x3FB0] =	sst s5  }
0xe: {  	[smem:$0x3FB1] =	sst s6  }
0xf: {  	[smem:$0x3FB2] =	sst s7  }
0x10: {  	[smem:$0x3FB3] =	sst s8  }
0x11: {  	[smem:$0x3FB4] =	sst s9;
	s0 =	simm.s32 @!p0 $0x0  }
0x12: {  	s1 =	sld [smem:$0x3F9A];
	s0 =	simm.s32 @p0 $0x1  }
0x13: {  	[smem:$0x3FB5] =	sst s0;
	s0 =	simm.s32 @!p1 $0x0  }
0x14: {  	s2 =	sld [smem:$0x3F99];
	s0 =	simm.s32 @p1 $0x1  }
0x15: {  	[smem:$0x3FB6] =	sst s0;
	s0 =	simm.s32 @!p2 $0x0  }
0x16: {  	s3 =	sld [smem:$0x3FDB];
	s0 =	simm.s32 @p2 $0x1  }
0x17: {  	s4 =	simm.s32 $0x1BF5;
	[smem:$0x3FB8] =	sst s0  }
0x18: {  	s0 =	sld [smem:$0x3F9B];
	_ =	swait.ge [sflag:s4], $0x0  }
0x19: {  	s7 =	sld [smem:$0x3F9C]  }
0x1a: {  	s8 =	sadd.s32 $0xFFFFE003, lr  }
0x1b: {  	s9 =	sadd.s32 $0xFFFFFEF7, lr;
	s5 =	simm.s32 $0xFFFFFFFF;
	p2 =	slt.u32 s8, $0xFFFFF086  }
0x1c: {  	p1 =	slt.u32 s9, $0xF7A;
	s5 =	simm.s32 @!p2 $0x0  }
0x1d: {  	s5 =	simm.s32 @p1 $0x1;
	p0 =	seq.s32 s7, s2  }
0x1e: {  	s7 =	smul.u32 @!p0 $0xF7A, s2;
	p2 =	seq.s32 @!p0 s5, $0x0  }
0x1f: {  	s9 =	smul.u32 $0xF7A, s1;
	s8 =	simm.s32 @!p0 $0x1BF5;
	p2 =	por !p2, p0  }
0x20: {  	[sflag:s8] =	ssyncset.s32 @!p0 $0xFFFFF086;
	s6 =	sadd.s32 @!p0 s3, s7;
	s7 =	simm.s32 @!p0 $0x108  }
0x21: {  	s3 =	sadd.s32 s3, s9;
	s6 =	sadd.s32 @!p0 $0x88, s6;
	s7 =	simm.s32 @p2 $0x1082  }
0x22: {  	[simem:s7], [sflag:s8] =	dma.local @!p0 [hbm:s6], $0xF7A  }
0x23: {  	s9 =	sor.u32 $0xD0000000, s2;
	s6 =	simm.s32 $0x108;
	_ =	swait.ge @!p0 [sflag:s8], $0x0  }
0x24: {  	s3 =	sadd.s32 $0x88, s3;
	s6 =	simm.s32 @!p1 $0x1082;
	[sflag:s4] =	ssyncset.s32 $0xFFFFF086  }
0x25: {  	[simem:s6], [sflag:s4] =	dma.local [hbm:s3], $0xF7A  }
0x26: {  	[smem:$0x3F9C] =	sst s1;
	(tag) =	ssettag s2;
	_ =	strace s9  }
0x27: {  	s1 =	sld [smem:$0x3FAC]  }
0x28: {  	s2 =	sld [smem:$0x3FAD]  }
0x29: {  	s4 =	sld [smem:$0x3FAF]  }
0x2a: {  	p0 =	seq.s32 s5, $0x0;
	s5 =	sld [smem:$0x3FB0]  }
0x2b: {  	s6 =	sld [smem:$0x3FB1]  }
0x2c: {  	s7 =	sld [smem:$0x3FB2]  }
0x2d: {  	s3 =	simm.s32 $0x108;
	s8 =	sld [smem:$0x3FB3]  }
0x2e: {  	s3 =	simm.s32 @!p0 $0x1082;
	s9 =	sld [smem:$0x3FB4]  }
0x2f: {  	lr =	sadd.s32 s0, s3;
	s0 =	sld [smem:$0x3FAB]  }
0x30: {  	s3 =	sld [smem:$0x3FAE]  }
0x31: {  	[smem:$0x3FB7] =	sst s10  }
0x32: {  	s10 =	sld [smem:$0x3FB5];
	_ =	sdelay $0x3  }
0x33: {  	p0 =	seq.s32 s10, $0x1;
	s10 =	sld [smem:$0x3FB7];
	_ =	sdelay $0x3  }
0x34: {  	[smem:$0x3FB7] =	sst s10  }
0x35: {  	s10 =	sld [smem:$0x3FB6];
	_ =	sdelay $0x3  }
0x36: {  	p1 =	seq.s32 s10, $0x1;
	s10 =	sld [smem:$0x3FB7];
	_ =	sdelay $0x3  }
0x37: {  	[smem:$0x3FB7] =	sst s10  }
0x38: {  	s10 =	sld [smem:$0x3FB8]  }
0x39: {  	_ = 	snop;
	(pc) =	sbr.ind lr, $3  }
0x3a: {  	_ = 	snop  }
0x3b: {  	_ = 	snop  }
0x3c: {  	p2 =	seq.s32 s10, $0x1;
	s10 =	sld [smem:$0x3FB7]  }
0x3d: {  	_ =	shalt  }
0x3e: {  	_ =	shalt  }
0x3f: {  	_ =	shalt  }
0x40: {  	_ =	shalt  }
0x41: {  	_ =	shalt  }
0x42: {  	_ =	shalt  }
0x43: {  	_ =	shalt  }
0x44: {  	_ =	shalt  }
0x45: {  	_ =	shalt  }
0x46: {  	_ =	shalt  }
0x47: {  	_ =	shalt  }
0x48: {  	_ =	shalt  }
0x49: {  	_ =	shalt  }
0x4a: {  	_ =	shalt  }
0x4b: {  	_ =	shalt  }
0x4c: {  	_ =	shalt  }
0x4d: {  	_ =	shalt  }
0x4e: {  	_ =	shalt  }
0x4f: {  	_ =	shalt  }
0x50: {  	_ =	shalt  }
0x51: {  	_ =	shalt  }
0x52: {  	_ =	shalt  }
0x53: {  	_ =	shalt  }
0x54: {  	_ =	shalt  }
0x55: {  	_ =	shalt  }
0x56: {  	_ =	shalt  }
0x57: {  	_ =	shalt  }
0x58: {  	_ =	shalt  }
0x59: {  	_ =	shalt  }
0x5a: {  	_ =	shalt  }
0x5b: {  	_ =	shalt  }
0x5c: {  	_ =	shalt  }
0x5d: {  	_ =	shalt  }
0x5e: {  	_ =	shalt  }
0x5f: {  	_ =	shalt  }
0x60: {  	_ =	shalt  }
0x61: {  	_ =	shalt  }
0x62: {  	_ =	shalt  }
0x63: {  	_ =	shalt  }
0x64: {  	_ =	shalt  }
0x65: {  	_ =	shalt  }
0x66: {  	_ =	shalt  }
0x67: {  	_ =	shalt  }
0x68: {  	_ =	shalt  }
0x69: {  	_ =	shalt  }
0x6a: {  	_ =	shalt  }
0x6b: {  	_ =	shalt  }
0x6c: {  	_ =	shalt  }
0x6d: {  	_ =	shalt  }
0x6e: {  	_ =	shalt  }
0x6f: {  	_ =	shalt  }
0x70: {  	_ =	shalt  }
0x71: {  	_ =	shalt  }
0x72: {  	_ =	shalt  }
0x73: {  	_ =	shalt  }
0x74: {  	_ =	shalt  }
0x75: {  	_ =	shalt  }
0x76: {  	_ =	shalt  }
0x77: {  	_ =	shalt  }
0x78: {  	_ =	shalt  }
0x79: {  	_ =	shalt  }
0x7a: {  	_ =	shalt  }
0x7b: {  	_ =	shalt  }
0x7c: {  	_ =	shalt  }
0x7d: {  	_ =	shalt  }
0x7e: {  	_ =	shalt  }
0x7f: {  	_ =	shalt  }
0x80: {  	_ =	shalt  }
0x81: {  	_ =	shalt  }
0x82: {  	_ =	shalt  }
0x83: {  	_ =	shalt  }
0x84: {  	_ =	shalt  }
0x85: {  	_ =	shalt  }
0x86: {  	_ =	shalt  }
0x87: {  	_ =	shalt  }
.Lfunc_end0:
.L_simem_size_0:
called_computation_lowered:
.L_overlay_start_0:
0x88: {  	s2 =	sld [smem:$0x3FD9]  }
0x89: {  	s3 =	sld [smem:$0x3FFE];
	_ =	sdelay $0x1  }
0x8a: {  	s1 =	srdreg.scid  }
0x8b: {  	s0 =	sand.u32 $0x1, s1  }
0x8c: {  	s17 =	sshll.u32 s0, $0xA;
	s2 =	sadd.s32 s3, s2  }
0x8d: {  	s2 =	sadd.s32 s2, s17  }
0x8e: {  	[smem:$0x3FC3] =	sst s2  }
0x8f: {  	_ = 	snop  }
0x90: {  	s2 =	sld [smem:$0x3FD0];
	(tm) =	ssettm $0x1  }
0x91: {  	s18 =	sld [smem:$0x3FFB];
	_ =	sdelay $0x3  }
0x92: {  	_ =	strace s18  }
0x93: {  	s3 =	sld [smem:$0x3FFC];
	_ =	sdelay $0x3  }
0x94: {  	_ =	strace s3  }
0x95: {  	s3 =	sld [smem:$0x3FFD];
	_ =	sdelay $0x3  }
0x96: {  	_ =	strace s3  }
0x97: {  	_ =	strace $0x8FFFFFFF  }
0x98: {  	s19 =	sld [smem:$0x3FDB];
	_ =	sdelay $0x1  }
0x99: {  	s4 =	simm.s32 $_scs_section_size  }
0x9a: {  	s5 =	simm.s32 $_size__tile_overlayer_lowered;
	s6 =	simm.s32 $_tile_overlayer_lowered  }
0x9b: {  	s22 =	simm.s32 $0x1BFF;
	s21 =	sshll.u32 s6, $0x1;
	s3 =	sadd.s32 s4, s19  }
0x9c: {  	s7 =	simm.s32 $0x0;
	s20 =	sshll.u32 s5, $0x1;
	s5 =	sadd.s32 s21, s3  }
0x9d: {  	[timem:s7], [sflag:s22] =	dma.local [hbm:s5], s20  }
0x9e: {  	_ =	swait.ge [sflag:s22], s20  }
0x9f: {  	s4 =	ssub.s32 $0x0, s20;
	[sflag:s22] =	ssyncset.done $0x0  }
0xa0: {  	[sflag:s22] =	ssyncadd.s32 s4;
	_ =	sdelay $0x1  }
0xa1: {  	s23 =	simm.s32 $0x1B8B  }
0xa2: {  	_ =	swait.ge [sflag:s23], $0x1  }
0xa3: {  	[sflag:s23] =	ssyncset.done $0x0  }
0xa4: {  	s25 =	simm.s32 $0x1B8E;
	s24 =	sld [smem:$0x3FFE];
	[sflag:s23] =	ssyncadd.s32 $0xFFFFFFFF  }
0xa5: {  	s26 =	simm.s32 $execute0_lowered;
	[smem:$0x3FD2] =	sst s25  }
0xa6: {  	s5 =	sshll.u32 s26, $0x1;
	_ =	strace $0x80000046;
	[dreg:$0x1] =	wrdreg $0xFFFFFFFF  }
0xa7: {  	s28 =	simm.s32 $_size_execute0_lowered;
	s3 =	sadd.s32 s3, s5;
	[dreg:$0x0] =	wrdreg $0x0  }
0xa8: {  	s5 =	sshll.u32 s28, $0x1;
	[dreg:$0x2] =	wrdreg s3  }
0xa9: {  	[dreg:$0x3] =	wrdreg s5  }
0xaa: {  	[dreg:$0x4] =	wrdreg $0xC0  }
0xab: {  	_ =	task [dreg:s7], $0x5FFFF  }
0xac: {  	[dreg:$0x1] =	wrdreg $0xFFFFFFFF  }
0xad: {  	[dreg:$0x0] =	wrdreg $0x60  }
0xae: {  	[dreg:$0x2] =	wrdreg s2  }
0xaf: {  	[dreg:$0x3] =	wrdreg s24  }
0xb0: {  	[dreg:$0x4] =	wrdreg $0x9  }
0xb1: {  	_ =	task.clear_ibuf [dreg:s7], $0x5FFFF;
	_ =	strace $0x90000046  }
0xb2: {  	s29 =	simm.s32 $0x9;
	_ =	strace $0x80000048  }
0xb3: {  	_ =	swait.ge [sflag:s29], $0x1  }
0xb4: {  	[sflag:s29] =	ssyncadd.s32 $0xFFFFFFFF  }
0xb5: {  	_ =	strace $0x90000048  }
0xb6: {  	_ =	sfence  }
0xb7: {  	s30 =	sld [smem:$0x0];
	_ =	sdelay $0x2  }
0xb8: {  	s31 =	sshll.u32 s1, $0xD;
	s1 =	sshrl.u32 s1, $0x2  }
0xb9: {  	s3 =	sand.u32 $0x4000, s31;
	s1 =	sadd.s32 s1, s30  }
0xba: {  	s0 =	sor.u32 s3, s0;
	s1 =	sshll.u32 s1, $0x11  }
0xbb: {  	s0 =	sor.u32 s1, s0  }
0xbc: {  	s0 =	sadd.s32 $0x8F2B, s0  }
0xbd: {  	[sflag:s0] =	ssyncadd.remote.s32 $0x1  }
0xbe: {  	_ =	sfence.sel $0xFFFF  }
0xbf: {  	[dreg:$0x0] =	wrdreg $0xFFFFFFFF;
	(pc) =	sbr.abs _section_cstart, $3  }
0xc0: {  	[dreg:$0x1] =	wrdreg $0xFFFFFFFF  }
0xc1: {  	_ =	task.clear_ibuf [dreg:s7], $0x2FFFF;
	_ =	strace $0x9FFFFFFF  }
0xc2: {  	(tm) =	ssettm $0x7FFFFFFF  }
0xc3: {  	_ =	shalt  }
tec
execute0_lowered:
.L_overlay_start_1:
0x0: {  	(tag) =	ssettag $0x1  }
0x1: {  	s2 =	rddreg [dreg:$0x0];
	s0 =	srdreg.scid  }
0x2: {  	s3 =	stileid.u32;
	s1 =	rddreg [dreg:$0x1]  }
0x3: {  	s8 =	simm.s32 $0x0;
	s14 =	simm.s32 $0x1;
	s16 =	simm.s32 $0x80  }
0x4: {  	s17 =	simm.s32 $0x4D00;
	s0 =	sand.u32 $0x1, s0;
	s3 =	sshll.u32 s3, $0x1  }
0x5: {  	[smem:$0x7FF] =	sst s8;
	s6 =	sadd.s32 $0x2600, s1;
	s3 =	sor.u32 s0, s3  }
0x6: {  	s7 =	sadd.s32 $0xCC00, s1;
	s0 =	ssub.s32 $0x2, s0;
	s4 =	smul.u32 $0x140, s3  }
0x7: {  	_ =	strace $0x80000047;
	[dreg:$0x3] =	wrdreg s6;
	s29 =	sshrl.u32 s0, $0x1  }
0x8: {  	[dreg:$0x4] =	wrdreg s7;
	s0 =	ssub.s32 s0, s29;
	s5 =	sshrl.u32 s4, $0x3  }
0x9: {  	s3 =	smul.u32 $0x1400, s3;
	s0 =	smax.u32 s0, $0x1;
	s5 =	sadd.s32 s5, s1  }
0xa: {  	s18 =	simm.s32 $0x8D00;
	[dreg:$0x8] =	wrdreg s0;
	s30 =	sadd.s32 $0x2000, s5  }
0xb: {  	s1 =	sadd.s32 s3, s1;
	s31 =	sadd.s32 $0x1A00, s5;
	[dreg:$0x5] =	wrdreg s30  }
0xc: {  	s19 =	simm.s32 $0x2;
	s1 =	sadd.s32 $0xCE00, s1;
	[dreg:$0x6] =	wrdreg s31  }
0xd: {  	v0 =	vimm.f32 $0.0e+00;
	s6 =	simm.s32 $0x3;
	[dreg:$0x7] =	wrdreg s1;
	s1 =	simm.s32 $0x0  }
.LBB2_1:
0xe: {  	[dreg:$0x9] =	wrdreg s1  }
0xf: {  	s0 =	rddreg [dreg:$0x5]  }
0x10: {  	[tilespmem:s8], [sflag:$0x3] =	stream.linear.gather [hbm4b:s0+s8], $0x158, $0x38;
	[tilespmem:$0x16D00] =	vst v63  }
0x11: {  	_ =	swait.ge [sflag:s6], $0x158  }
0x12: {  	[sflag:s6] =	ssyncset.done $0x0  }
0x13: {  	s29 =	simm.s32 $0x180;
	s28 =	rddreg [dreg:$0x6];
	[sflag:s6] =	ssyncadd.s32 $0xFFFFFEA8  }
0x14: {  	[tilespmem:s29], [sflag:$0x3] =	stream.linear.gather [hbm4b:s28+s8], $0x150, $0x38;
	[tilespmem:$0x16D00] =	vst v63  }
0x15: {  	_ =	swait.ge [sflag:s6], $0x150  }
0x16: {  	[sflag:s6] =	ssyncset.done $0x0  }
0x17: {  	s31 =	simm.s32 $0x300;
	s30 =	rddreg [dreg:$0x4];
	[sflag:s6] =	ssyncadd.s32 $0xFFFFFEB0  }
0x18: {  	[tilespmem:s31], [sflag:$0x3] =	stream.linear.gather [hbm4b:s30+s8], $0xA00, $0x38;
	[tilespmem:$0x16D00] =	vst v63  }
0x19: {  	_ =	swait.ge [sflag:s6], $0xA00  }
0x1a: {  	[sflag:s6] =	ssyncset.done $0x0  }
0x1b: {  	s1 =	simm.s32 $0x200;
	s0 =	simm.s32 $0x0;
	[sflag:s6] =	ssyncadd.s32 $0xFFFFF600  }
.LBB2_2:
0x1c: {  	p0 =	sne.s32 s1, $0x27E00;
	[tilespmem:s0+$0xCD70] =	vst v0  }
0x1d: {  	[tilespmem:s0+$0xCD00] =	vst v0  }
0x1e: {  	[tilespmem:s0+$0xCD10] =	vst v0  }
.Ltmp0:
0x1f: {  	[tilespmem:s0+$0xCD20] =	vst v0;
	(pc) =	sbr.rel @p0 .LBB2_2-.Ltmp0, $4  }
0x20: {  	[tilespmem:s0+$0xCD30] =	vst v0  }
0x21: {  	[tilespmem:s0+$0xCD40] =	vst v0  }
0x22: {  	[tilespmem:s0+$0xCD50] =	vst v0  }
0x23: {  	[tilespmem:s0+$0xCD60] =	vst v0;
	s0 =	sshra.s32 s1, $0x2;
	s1 =	sadd.s32 $0x200, s1  }
0x24: {  	[tilespmem:s0+$0xCD70] =	vst v0  }
0x25: {  	[tilespmem:s0+$0xCD00] =	vst v0  }
0x26: {  	[tilespmem:s0+$0xCD10] =	vst v0  }
0x27: {  	[tilespmem:s0+$0xCD20] =	vst v0  }
0x28: {  	[tilespmem:s0+$0xCD30] =	vst v0  }
0x29: {  	[tilespmem:s0+$0xCD40] =	vst v0  }
0x2a: {  	[tilespmem:s0+$0xCD50] =	vst v0  }
0x2b: {  	[tilespmem:s0+$0xCD60] =	vst v0  }
0x2c: {  	v1 =	vld [tilespmem:$0x0]  }
0x2d: {  	v2 =	vld [tilespmem:$0x140];
	_ =	sdelay $0x3  }
0x2e: {  	(v2sf) =	vpush v1, $0x0  }
0x2f: {  	(v2sf) =	vpush v2, $0x0;
	_ =	sdelay $0xd  }
0x30: {  	s25 =	spop (v2sf)  }
0x31: {  	s1 =	sshra.s32 s25, $0x1F;
	s3 =	spop (v2sf);
	s5 =	sand.u32 $0x7F, s25  }
0x32: {  	p0 =	slt.s32 s25, $0x1;
	s1 =	sshrl.u32 s1, $0x19;
	s3 =	sadd.s32 $0x7F, s3  }
0x33: {  	p1 =	sne.s32 s5, $0x0;
	s5 =	simm.s32 $0x1;
	s1 =	sadd.s32 s1, s25  }
0x34: {  	s26 =	sand.u32 $0x7F, s3;
	p0 =	por !p0, !p1;
	p4 =	slt.s32 s3, $0x1  }
0x35: {  	s29 =	sshra.s32 s3, $0x1F;
	p2 =	sne.s32 s26, $0x0;
	s28 =	sshra.s32 s1, $0x7  }
0x36: {  	p0 =	por !p0, !p0;
	s1 =	sshrl.u32 s29, $0x19;
	p1 =	por !p4, !p2  }
0x37: {  	s1 =	sadd.s32 s1, s3;
	s3 =	simm.s32 $0x1;
	p1 =	por !p1, !p1  }
0x38: {  	s5 =	simm.s32 @!p0 $0x0;
	s1 =	sshra.s32 s1, $0x7;
	s3 =	simm.s32 @!p1 $0x0  }
0x39: {  	s0 =	ssub.s32 s28, s5;
	s1 =	ssub.s32 s1, s3  }
0x3a: {  	s24 =	ssub.s32 s1, s0  }
0x3b: {  	[dreg:$0xa] =	wrdreg s0;
	s0 =	sadd.s32 $0x7F, s24  }
0x3c: {  	s30 =	sand.u32 $0x7F, s0  }
0x3d: {  	p6 =	slt.s32 s24, $0xFFFFFF82;
	s31 =	sshra.s32 s0, $0x1F;
	p5 =	sne.s32 s30, $0x0  }
0x3e: {  	[dreg:$0xb] =	wrdreg s1;
	s1 =	sshrl.u32 s31, $0x19;
	p0 =	por !p6, !p5  }
0x3f: {  	s0 =	sadd.s32 s1, s0;
	s1 =	simm.s32 $0x1;
	p0 =	por !p0, !p0  }
0x40: {  	s0 =	sshra.s32 s0, $0x7;
	s1 =	simm.s32 @!p0 $0x0  }
0x41: {  	s0 =	ssub.s32 s0, s1  }
0x42: {  	p0 =	slt.s32 s0, $0x1  }
.Ltmp1:
0x43: {  	_ = 	snop;
	(pc) =	sbr.rel @p0 .LBB2_23-.Ltmp1, $2  }
0x44: {  	_ =	sdelay $0x2  }
0x45: {  	[dreg:$0xc] =	wrdreg s0  }
.Ltmp2:
0x46: {  	(pc) =	sbr.rel .LBB2_5-.Ltmp2, $4  }
0x47: {  	s30 =	rddreg [dreg:$0xa]  }
0x48: {  	s7 =	sshll.u32 s30, $0x7  }
0x49: {  	s0 =	ssub.s32 $0x0, s7  }
0x4a: {  	s29 =	simm.s32 $0x0;
	[dreg:$0xd] =	wrdreg s0  }
.LBB2_22:
0x4b: {  	_ =	swait.ge [sflag:s14], $0x4000  }
0x4c: {  	s29 =	sadd.s32 $0x1, s29;
	s31 =	rddreg [dreg:$0xc]  }
0x4d: {  	p0 =	sne.s32 s29, s31  }
.Ltmp3:
0x4e: {  	_ = 	snop;
	(pc) =	sbr.rel @!p0 .LBB2_23-.Ltmp3, $4  }
0x4f: {  	s7 =	sadd.s32 $0x4000, s7  }
0x50: {  	s30 =	sadd.s32 $0x80, s30;
	s24 =	sadd.s32 $0xFFFFFF80, s24;
	s0 =	rddreg [dreg:$0xd]  }
0x51: {  	s8 =	simm.s32 $0x0;
	[sflag:s14] =	ssyncset.done $0x0;
	s0 =	sadd.s32 $0xFFFFC000, s0  }
0x52: {  	s6 =	simm.s32 $0x3;
	[sflag:s14] =	ssyncadd.s32 $0xFFFFC000;
	[dreg:$0xd] =	wrdreg s0  }
.LBB2_5:
0x53: {  	s0 =	sshll.u32 s29, $0x7;
	s1 =	rddreg [dreg:$0xa]  }
0x54: {  	s31 =	sadd.s32 s1, s0  }
0x55: {  	s0 =	sshll.u32 s31, $0x4  }
0x56: {  	s23 =	rddreg [dreg:$0x3];
	s0 =	sand.u32 $0x1FFFFFF0, s0  }
0x57: {  	s3 =	simm.s32 $0xD00;
	s25 =	rddreg [dreg:$0xb];
	s0 =	sadd.s32 s23, s0  }
0x58: {  	[tilespmem:s3], [sflag:$0x3] =	stream.linear.gather [hbm4b:s0+s8], $0x4000, $0x38;
	[tilespmem:$0x16D00] =	vst v63  }
0x59: {  	s0 =	ssub.s32 s25, s31  }
0x5a: {  	_ =	swait.ge [sflag:s6], $0x4000;
	p0 =	slt.s32 s0, $0x80;
	s1 =	smov.u32 s0  }
0x5b: {  	[sflag:s6] =	ssyncset.done $0x0;
	s1 =	simm.s32 @!p0 $0x80  }
0x5c: {  	[sflag:s6] =	ssyncadd.s32 $0xFFFFC000;
	s26 =	sadd.s32 $0x1, s1  }
0x5d: {  	[tilespmem:s17], [sflag:$0x1] =	stream.indirect.gather [hbm4b:s2+s16], $0x80, s3, s16, $0xb8;
	[tilespmem:$0x16D00] =	vst v63  }
0x5e: {  	s5 =	sand.u32 $0x1, s26  }
0x5f: {  	p6 =	slt.s32 s0, $0x0;
	p1 =	seq.s32 s5, $0x1  }
0x60: {  	s28 =	sshrl.u32 s26, $0x1F;
	p0 =	por !p6, !p1  }
0x61: {  	s3 =	simm.s32 $0x1;
	s0 =	sadd.s32 s28, s26;
	p0 =	por !p0, !p0  }
0x62: {  	s0 =	sshra.s32 s0, $0x1;
	s3 =	simm.s32 @!p0 $0x0  }
0x63: {  	s0 =	ssub.s32 s0, s3  }
0x64: {  	p0 =	slt.s32 s0, $0x1  }
.Ltmp4:
0x65: {  	_ = 	snop;
	(pc) =	sbr.rel @p0 .LBB2_22-.Ltmp4, $1  }
0x66: {  	_ =	sdelay $0x3  }
.Ltmp5:
0x67: {  	(pc) =	sbr.rel .LBB2_7-.Ltmp5, $4  }
0x68: {  	_ = 	snop  }
0x69: {  	p0 =	slt.s32 s24, $0x80;
	s3 =	smov.u32 s24;
	s9 =	sadd.s32 $0xFFFFFFFF, s1  }
0x6a: {  	s20 =	simm.s32 $0x0;
	s6 =	simm.s32 $0x1;
	s3 =	simm.s32 @!p0 $0x80  }
0x6b: {  	v1 =	vmov s31;
	s26 =	smov.u32 s7;
	s28 =	rddreg [dreg:$0xd];
	s12 =	sadd.s32 $0xFFFFFFFF, s3  }
.LBB2_21:
0x6c: {  	s20 =	sadd.s32 $0x1, s20  }
0x6d: {  	p0 =	slt.s32 s20, s0  }
.Ltmp6:
0x6e: {  	_ = 	snop;
	(pc) =	sbr.rel @!p0 .LBB2_22-.Ltmp6, $2  }
0x6f: {  	_ =	sdelay $0x2  }
0x70: {  	s28 =	sadd.s32 $0xFFFFFF00, s28;
	s26 =	sadd.s32 $0x100, s26;
	s6 =	sadd.s32 $0x2, s6  }
.LBB2_7:
0x71: {  	s10 =	sshllo.u32 s20, $0x1  }
0x72: {  	s13 =	smov.u32 s9;
	p0 =	slt.s32 s10, s9  }
0x73: {  	s13 =	smov.u32 @p0 s10  }
0x74: {  	s3 =	sshll.u32 s13, $0x9  }
0x75: {  	s3 =	sshra.s32 s3, $0x2  }
0x76: {  	s3 =	sadd.s32 $0xD00, s3  }
0x77: {  	[tilespmem:s18], [sflag:$0x2] =	stream.indirect.gather [hbm4b:s2+s16], $0x80, s3, s16, $0xb8;
	[tilespmem:$0x16D00] =	vst v63  }
0x78: {  	_ =	swait.ge [sflag:s14], $0x4000  }
0x79: {  	[sflag:s14] =	ssyncset.done $0x0  }
0x7a: {  	s21 =	sshll.u32 s20, $0x1;
	[sflag:s14] =	ssyncadd.s32 $0xFFFFC000  }
0x7b: {  	v2 =	vld.idx.msk [tilespmem:v1+s21+$0x300 ss:$0x1], $0xffff  }
0x7c: {  	v3 =	vld.idx.msk [tilespmem:v1+s21+$0x301 ss:$0x1], $0xffff;
	_ =	sdelay $0x3  }
0x7d: {  	(v2sf) =	vpush v2, $0x0  }
0x7e: {  	(v2sf) =	vpush v3, $0x0;
	_ =	sdelay $0xd  }
0x7f: {  	s25 =	spop (v2sf)  }
0x80: {  	s5 =	spop (v2sf)  }
0x81: {  	s3 =	ssub.s32 s25, s4;
	s5 =	ssub.s32 s5, s4  }
0x82: {  	p0 =	sgt.s32 s3, $0x0;
	p1 =	slt.s32 s5, $0x13F  }
0x83: {  	s3 =	simm.s32 @!p0 $0x0;
	s5 =	simm.s32 @!p1 $0x13F  }
0x84: {  	p0 =	slt.s32 s21, s1;
	s8 =	sadd.s32 $0x1, s5;
	s5 =	smov.u32 s3  }
0x85: {  	s5 =	smov.u32 @p0 s8  }
0x86: {  	p0 =	sge.s32 s3, s5  }
.Ltmp7:
0x87: {  	_ = 	snop;
	(pc) =	sbr.rel @p0 .LBB2_14-.Ltmp7, $2  }
0x88: {  	_ =	sdelay $0x2  }
0x89: {  	s8 =	sadd.s32 s31, s21  }
.Ltmp8:
0x8a: {  	(pc) =	sbr.rel .LBB2_10-.Ltmp8, $3  }
0x8b: {  	_ =	sdelay $0x1  }
0x8c: {  	s15 =	sshll.u32 s8, $0x7  }
0x8d: {  	s25 =	sadd.s32 $0x80, s15  }
.LBB2_13:
0x8e: {  	[tilespmem:s11+$0xCD70] =	vst.add.f32.msk $0xffff, v2  }
.LBB2_9:
0x8f: {  	s3 =	sadd.s32 $0x1, s3  }
0x90: {  	p0 =	seq.s32 s3, s5  }
.Ltmp9:
0x91: {  	_ = 	snop;
	(pc) =	sbr.rel @p0 .LBB2_14-.Ltmp9, $1  }
0x92: {  	_ =	sdelay $0x3  }
.LBB2_10:
0x93: {  	v2 =	vld [tilespmem:s3+$0x0]  }
0x94: {  	v3 =	vld [tilespmem:s3+$0x1];
	_ =	sdelay $0x3  }
0x95: {  	(v2sf) =	vpush v2, $0x0  }
0x96: {  	(v2sf) =	vpush v3, $0x0;
	_ =	sdelay $0xd  }
0x97: {  	s11 =	spop (v2sf)  }
0x98: {  	s8 =	smov.u32 s15;
	s22 =	spop (v2sf)  }
0x99: {  	s23 =	smov.u32 s25;
	p0 =	sgt.s32 s11, s15;
	p1 =	slt.s32 s22, s25  }
0x9a: {  	s8 =	smov.u32 @p0 s11;
	s23 =	smov.u32 @p1 s22  }
0x9b: {  	p0 =	sge.s32 s8, s23  }
.Ltmp10:
0x9c: {  	_ = 	snop;
	(pc) =	sbr.rel @p0 .LBB2_9-.Ltmp10, $1  }
0x9d: {  	_ =	sdelay $0x3  }
0x9e: {  	p0 =	sgt.s32 s11, s26;
	s22 =	smov.u32 s26  }
0x9f: {  	s22 =	smov.u32 @p0 s11  }
0xa0: {  	s11 =	sadd.s32 s22, s28  }
0xa1: {  	s11 =	sshll.u32 s11, $0x9  }
0xa2: {  	s11 =	sshra.s32 s11, $0x2  }
0xa3: {  	s22 =	sadd.s32 $0x4D40, s11  }
0xa4: {  	v2 =	vld [tilespmem:s22+$0xFFFFFFC0];
	_ =	sdelay $0x2  }
0xa5: {  	s11 =	sshll.u32 s3, $0x9  }
0xa6: {  	s11 =	sshra.s32 s11, $0x2  }
0xa7: {  	[tilespmem:s11+$0xCD00] =	vst.add.f32.msk $0xffff, v2  }
0xa8: {  	v2 =	vld [tilespmem:s22+$0xFFFFFFD0];
	_ =	sdelay $0x4  }
0xa9: {  	[tilespmem:s11+$0xCD10] =	vst.add.f32.msk $0xffff, v2  }
0xaa: {  	v2 =	vld [tilespmem:s22+$0xFFFFFFE0];
	_ =	sdelay $0x4  }
0xab: {  	[tilespmem:s11+$0xCD20] =	vst.add.f32.msk $0xffff, v2  }
0xac: {  	v2 =	vld [tilespmem:s22+$0xFFFFFFF0];
	_ =	sdelay $0x4  }
0xad: {  	[tilespmem:s11+$0xCD30] =	vst.add.f32.msk $0xffff, v2  }
0xae: {  	v2 =	vld [tilespmem:s22+$0x0];
	_ =	sdelay $0x4  }
0xaf: {  	[tilespmem:s11+$0xCD40] =	vst.add.f32.msk $0xffff, v2  }
0xb0: {  	v2 =	vld [tilespmem:s22+$0x10];
	_ =	sdelay $0x4  }
0xb1: {  	[tilespmem:s11+$0xCD50] =	vst.add.f32.msk $0xffff, v2  }
0xb2: {  	v2 =	vld [tilespmem:s22+$0x20];
	_ =	sdelay $0x3  }
0xb3: {  	s8 =	sadd.s32 $0x1, s8  }
0xb4: {  	p0 =	slt.s32 s8, s23;
	[tilespmem:s11+$0xCD60] =	vst.add.f32.msk $0xffff, v2  }
.Ltmp11:
0xb5: {  	v2 =	vld [tilespmem:s22+$0x30];
	(pc) =	sbr.rel @!p0 .LBB2_13-.Ltmp11, $1  }
0xb6: {  	_ =	sdelay $0x3  }
.LBB2_12:
0xb7: {  	s8 =	sadd.s32 $0x1, s8;
	[tilespmem:s11+$0xCD70] =	vst.add.f32.msk $0xffff, v2;
	s22 =	sadd.s32 $0x80, s22  }
0xb8: {  	v2 =	vld [tilespmem:s22+$0xFFFFFFC0];
	p0 =	slt.s32 s8, s23;
	_ =	sdelay $0x4  }
0xb9: {  	[tilespmem:s11+$0xCD00] =	vst.add.f32.msk $0xffff, v2  }
0xba: {  	v2 =	vld [tilespmem:s22+$0xFFFFFFD0];
	_ =	sdelay $0x4  }
0xbb: {  	[tilespmem:s11+$0xCD10] =	vst.add.f32.msk $0xffff, v2  }
0xbc: {  	v2 =	vld [tilespmem:s22+$0xFFFFFFE0];
	_ =	sdelay $0x4  }
0xbd: {  	[tilespmem:s11+$0xCD20] =	vst.add.f32.msk $0xffff, v2  }
0xbe: {  	v2 =	vld [tilespmem:s22+$0xFFFFFFF0];
	_ =	sdelay $0x4  }
0xbf: {  	[tilespmem:s11+$0xCD30] =	vst.add.f32.msk $0xffff, v2  }
0xc0: {  	v2 =	vld [tilespmem:s22+$0x0];
	_ =	sdelay $0x4  }
0xc1: {  	[tilespmem:s11+$0xCD40] =	vst.add.f32.msk $0xffff, v2  }
0xc2: {  	v2 =	vld [tilespmem:s22+$0x10];
	_ =	sdelay $0x4  }
0xc3: {  	[tilespmem:s11+$0xCD50] =	vst.add.f32.msk $0xffff, v2  }
0xc4: {  	v2 =	vld [tilespmem:s22+$0x20];
	_ =	sdelay $0x1  }
.Ltmp12:
0xc5: {  	(pc) =	sbr.rel @p0 .LBB2_12-.Ltmp12, $3  }
0xc6: {  	_ =	sdelay $0x1  }
0xc7: {  	[tilespmem:s11+$0xCD60] =	vst.add.f32.msk $0xffff, v2  }
0xc8: {  	v2 =	vld [tilespmem:s22+$0x30]  }
.Ltmp13:
0xc9: {  	_ = 	snop;
	(pc) =	sbr.rel .LBB2_13-.Ltmp13, $1  }
0xca: {  	_ =	sdelay $0x3  }
.LBB2_14:
0xcb: {  	s3 =	sadd.s32 $0x2, s21  }
0xcc: {  	s5 =	smov.u32 s9;
	p0 =	slt.s32 s3, s9  }
0xcd: {  	s5 =	smov.u32 @p0 s3  }
0xce: {  	s3 =	sshll.u32 s5, $0x9  }
0xcf: {  	s3 =	sshra.s32 s3, $0x2  }
0xd0: {  	s3 =	sadd.s32 $0xD00, s3  }
0xd1: {  	[tilespmem:s17], [sflag:$0x1] =	stream.indirect.gather [hbm4b:s2+s16], $0x80, s3, s16, $0xb8;
	[tilespmem:$0x16D00] =	vst v63  }
0xd2: {  	_ =	swait.ge [sflag:s19], $0x4000  }
0xd3: {  	[sflag:s19] =	ssyncset.done $0x0  }
0xd4: {  	[sflag:s19] =	ssyncadd.s32 $0xFFFFC000  }
0xd5: {  	v2 =	vld.idx.msk [tilespmem:v1+s13+$0x300 ss:$0x1], $0xffff  }
0xd6: {  	v3 =	vld.idx.msk [tilespmem:v1+s13+$0x301 ss:$0x1], $0xffff;
	_ =	sdelay $0x3  }
0xd7: {  	(v2sf) =	vpush v2, $0x0  }
0xd8: {  	(v2sf) =	vpush v3, $0x0;
	_ =	sdelay $0xd  }
0xd9: {  	s23 =	spop (v2sf)  }
0xda: {  	s25 =	spop (v2sf)  }
0xdb: {  	s21 =	ssub.s32 s23, s4;
	s3 =	ssub.s32 s25, s4  }
0xdc: {  	p0 =	sgt.s32 s21, $0x0;
	p1 =	slt.s32 s3, $0x13F  }
0xdd: {  	s21 =	simm.s32 @!p0 $0x0;
	s3 =	simm.s32 @!p1 $0x13F  }
0xde: {  	p0 =	slt.s32 s10, s1;
	s10 =	smov.u32 s21;
	s3 =	sadd.s32 $0x1, s3  }
0xdf: {  	s10 =	smov.u32 @p0 s3  }
0xe0: {  	p0 =	sge.s32 s21, s10  }
.Ltmp14:
0xe1: {  	_ = 	snop;
	(pc) =	sbr.rel @p0 .LBB2_21-.Ltmp14, $2  }
0xe2: {  	_ =	sdelay $0x2  }
0xe3: {  	s3 =	sadd.s32 s31, s13  }
0xe4: {  	p0 =	slt.s32 s6, s12;
	s5 =	smov.u32 s12  }
0xe5: {  	s5 =	smov.u32 @p0 s6  }
.Ltmp15:
0xe6: {  	s5 =	sadd.s32 s5, s30;
	(pc) =	sbr.rel .LBB2_17-.Ltmp15, $4  }
0xe7: {  	s8 =	sshll.u32 s5, $0x10  }
0xe8: {  	s8 =	ssub.s32 $0x0, s8  }
0xe9: {  	s3 =	sshll.u32 s3, $0x7;
	s8 =	sshra.s32 s8, $0x2  }
0xea: {  	s13 =	sadd.s32 $0x80, s3;
	s5 =	sshll.u32 s5, $0x7;
	s15 =	sadd.s32 $0x8D40, s8  }
.LBB2_20:
0xeb: {  	[tilespmem:s11+$0xCD70] =	vst.add.f32.msk $0xffff, v2  }
.LBB2_16:
0xec: {  	s21 =	sadd.s32 $0x1, s21  }
0xed: {  	p0 =	seq.s32 s21, s10  }
.Ltmp16:
0xee: {  	_ = 	snop;
	(pc) =	sbr.rel @p0 .LBB2_21-.Ltmp16, $1  }
0xef: {  	_ =	sdelay $0x3  }
.LBB2_17:
0xf0: {  	v2 =	vld [tilespmem:s21+$0x0]  }
0xf1: {  	v3 =	vld [tilespmem:s21+$0x1];
	_ =	sdelay $0x3  }
0xf2: {  	(v2sf) =	vpush v2, $0x0  }
0xf3: {  	(v2sf) =	vpush v3, $0x0;
	_ =	sdelay $0xd  }
0xf4: {  	s11 =	spop (v2sf)  }
0xf5: {  	s8 =	smov.u32 s3;
	s22 =	spop (v2sf)  }
0xf6: {  	s23 =	smov.u32 s13;
	p0 =	sgt.s32 s11, s3;
	p1 =	slt.s32 s22, s13  }
0xf7: {  	s8 =	smov.u32 @p0 s11;
	s23 =	smov.u32 @p1 s22  }
0xf8: {  	p0 =	sge.s32 s8, s23  }
.Ltmp17:
0xf9: {  	_ = 	snop;
	(pc) =	sbr.rel @p0 .LBB2_16-.Ltmp17, $1  }
0xfa: {  	_ =	sdelay $0x3  }
0xfb: {  	p0 =	sgt.s32 s11, s5;
	s22 =	smov.u32 s5  }
0xfc: {  	s22 =	smov.u32 @p0 s11  }
0xfd: {  	s11 =	sshll.u32 s22, $0x9  }
0xfe: {  	s11 =	sshra.s32 s11, $0x2  }
0xff: {  	s22 =	sadd.s32 s11, s15  }
0x100: {  	v2 =	vld [tilespmem:s22+$0xFFFFFFC0];
	_ =	sdelay $0x2  }
0x101: {  	s25 =	sshll.u32 s21, $0x9  }
0x102: {  	s11 =	sshra.s32 s25, $0x2  }
0x103: {  	[tilespmem:s11+$0xCD00] =	vst.add.f32.msk $0xffff, v2  }
0x104: {  	v2 =	vld [tilespmem:s22+$0xFFFFFFD0];
	_ =	sdelay $0x4  }
0x105: {  	[tilespmem:s11+$0xCD10] =	vst.add.f32.msk $0xffff, v2  }
0x106: {  	v2 =	vld [tilespmem:s22+$0xFFFFFFE0];
	_ =	sdelay $0x4  }
0x107: {  	[tilespmem:s11+$0xCD20] =	vst.add.f32.msk $0xffff, v2  }
0x108: {  	v2 =	vld [tilespmem:s22+$0xFFFFFFF0];
	_ =	sdelay $0x4  }
0x109: {  	[tilespmem:s11+$0xCD30] =	vst.add.f32.msk $0xffff, v2  }
0x10a: {  	v2 =	vld [tilespmem:s22+$0x0];
	_ =	sdelay $0x4  }
0x10b: {  	[tilespmem:s11+$0xCD40] =	vst.add.f32.msk $0xffff, v2  }
0x10c: {  	v2 =	vld [tilespmem:s22+$0x10];
	_ =	sdelay $0x4  }
0x10d: {  	[tilespmem:s11+$0xCD50] =	vst.add.f32.msk $0xffff, v2  }
0x10e: {  	v2 =	vld [tilespmem:s22+$0x20];
	_ =	sdelay $0x3  }
0x10f: {  	s8 =	sadd.s32 $0x1, s8  }
0x110: {  	p0 =	slt.s32 s8, s23;
	[tilespmem:s11+$0xCD60] =	vst.add.f32.msk $0xffff, v2  }
.Ltmp18:
0x111: {  	v2 =	vld [tilespmem:s22+$0x30];
	(pc) =	sbr.rel @!p0 .LBB2_20-.Ltmp18, $1  }
0x112: {  	_ =	sdelay $0x3  }
.LBB2_19:
0x113: {  	s8 =	sadd.s32 $0x1, s8;
	[tilespmem:s11+$0xCD70] =	vst.add.f32.msk $0xffff, v2;
	s22 =	sadd.s32 $0x80, s22  }
0x114: {  	v2 =	vld [tilespmem:s22+$0xFFFFFFC0];
	p0 =	slt.s32 s8, s23;
	_ =	sdelay $0x4  }
0x115: {  	[tilespmem:s11+$0xCD00] =	vst.add.f32.msk $0xffff, v2  }
0x116: {  	v2 =	vld [tilespmem:s22+$0xFFFFFFD0];
	_ =	sdelay $0x4  }
0x117: {  	[tilespmem:s11+$0xCD10] =	vst.add.f32.msk $0xffff, v2  }
0x118: {  	v2 =	vld [tilespmem:s22+$0xFFFFFFE0];
	_ =	sdelay $0x4  }
0x119: {  	[tilespmem:s11+$0xCD20] =	vst.add.f32.msk $0xffff, v2  }
0x11a: {  	v2 =	vld [tilespmem:s22+$0xFFFFFFF0];
	_ =	sdelay $0x4  }
0x11b: {  	[tilespmem:s11+$0xCD30] =	vst.add.f32.msk $0xffff, v2  }
0x11c: {  	v2 =	vld [tilespmem:s22+$0x0];
	_ =	sdelay $0x4  }
0x11d: {  	[tilespmem:s11+$0xCD40] =	vst.add.f32.msk $0xffff, v2  }
0x11e: {  	v2 =	vld [tilespmem:s22+$0x10];
	_ =	sdelay $0x4  }
0x11f: {  	[tilespmem:s11+$0xCD50] =	vst.add.f32.msk $0xffff, v2  }
0x120: {  	v2 =	vld [tilespmem:s22+$0x20];
	_ =	sdelay $0x1  }
.Ltmp19:
0x121: {  	(pc) =	sbr.rel @p0 .LBB2_19-.Ltmp19, $3  }
0x122: {  	_ =	sdelay $0x1  }
0x123: {  	[tilespmem:s11+$0xCD60] =	vst.add.f32.msk $0xffff, v2  }
0x124: {  	v2 =	vld [tilespmem:s22+$0x30]  }
.Ltmp20:
0x125: {  	_ = 	snop;
	(pc) =	sbr.rel .LBB2_20-.Ltmp20, $1  }
0x126: {  	_ =	sdelay $0x3  }
.LBB2_23:
0x127: {  	s0 =	simm.s32 $0xCD40  }
0x128: {  	v5 =	vld [tilespmem:s0+$0x30]  }
0x129: {  	v8 =	vld [tilespmem:s0+$0x10]  }
0x12a: {  	s1 =	simm.s32 $0x0;
	v6 =	vld [tilespmem:s0+$0xFFFFFFC0]  }
0x12b: {  	v2 =	vld.msk [tilespmem:s1+$0x180 ss:$0x0], $0xffff  }
0x12c: {  	v10 =	vld [tilespmem:s0+$0xFFFFFFE0]  }
0x12d: {  	v1 =	vld [tilespmem:s0+$0xFFFFFFF0]  }
0x12e: {  	v3 =	vld [tilespmem:s0+$0x20]  }
0x12f: {  	v4 =	vld [tilespmem:s0+$0xFFFFFFD0]  }
0x130: {  	v9 =	vmul.f32 v5, v2;
	v5 =	vld [tilespmem:s0+$0x0]  }
0x131: {  	v7 =	vmul.f32 v2, v6  }
0x132: {  	s3 =	simm.s32 $0xCD40;
	s1 =	simm.s32 $0x4;
	v6 =	vmul.f32 v10, v2;
	v8 =	vmul.f32 v8, v2  }
.LBB2_24:
0x133: {  	p0 =	sne.s32 s1, $0x4FC  }
0x134: {  	v4 =	vmul.f32 v4, v2;
	v3 =	vmul.f32 v3, v2;
	[tilespmem:s0+$0x30] =	vst v9;
	s3 =	sadd.s32 $0x80, s3;
	s5 =	smov.u32 s1;
	s1 =	sadd.s32 $0x4, s1  }
0x135: {  	[tilespmem:s0+$0xFFFFFFC0] =	vst v7;
	v7 =	vmul.f32 v1, v2;
	v2 =	vmul.f32 v5, v2  }
0x136: {  	[tilespmem:s0+$0x10] =	vst v8  }
0x137: {  	[tilespmem:s0+$0xFFFFFFE0] =	vst v6  }
0x138: {  	v1 =	vld [tilespmem:s3+$0xFFFFFFF0];
	[tilespmem:s0+$0xFFFFFFF0] =	vst v7  }
0x139: {  	v6 =	vld [tilespmem:s3+$0x30];
	[tilespmem:s0+$0x0] =	vst v2  }
0x13a: {  	v8 =	vld [tilespmem:s3+$0x10];
	[tilespmem:s0+$0x20] =	vst v3  }
0x13b: {  	s5 =	sshra.s32 s5, $0x2;
	v7 =	vld [tilespmem:s3+$0xFFFFFFC0];
	[tilespmem:s0+$0xFFFFFFD0] =	vst v4;
	s0 =	smov.u32 s3  }
0x13c: {  	v2 =	vld.msk [tilespmem:s5+$0x180 ss:$0x0], $0xffff  }
0x13d: {  	v10 =	vld [tilespmem:s3+$0xFFFFFFE0]  }
0x13e: {  	v3 =	vld [tilespmem:s3+$0x20]  }
.Ltmp21:
0x13f: {  	v4 =	vld [tilespmem:s3+$0xFFFFFFD0];
	(pc) =	sbr.rel @p0 .LBB2_24-.Ltmp21, $3  }
0x140: {  	v5 =	vld [tilespmem:s3+$0x0];
	_ =	sdelay $0x1  }
0x141: {  	v7 =	vmul.f32 v2, v7;
	v9 =	vmul.f32 v6, v2  }
0x142: {  	v8 =	vmul.f32 v8, v2;
	v6 =	vmul.f32 v10, v2  }
0x143: {  	[tilespmem:s0+$0x30] =	vst v9  }
0x144: {  	[tilespmem:s0+$0xFFFFFFC0] =	vst v7  }
0x145: {  	v1 =	vmul.f32 v1, v2;
	[tilespmem:s0+$0x10] =	vst v8  }
0x146: {  	v3 =	vmul.f32 v3, v2;
	[tilespmem:s0+$0xFFFFFFE0] =	vst v6  }
0x147: {  	v5 =	vmul.f32 v5, v2;
	[tilespmem:s0+$0xFFFFFFF0] =	vst v1  }
0x148: {  	v1 =	vmul.f32 v4, v2;
	[tilespmem:s0+$0x20] =	vst v3  }
0x149: {  	[tilespmem:s0+$0x0] =	vst v5  }
0x14a: {  	s29 =	rddreg [dreg:$0x7];
	s1 =	simm.s32 $0xCD00;
	[tilespmem:s0+$0xFFFFFFD0] =	vst v1  }
0x14b: {  	[hbm4b:s29+s8] =	stream.linear.scatter [tilespmem:s1], [sflag:$0x3], $0xA000, $0x38;
	[tilespmem:$0x16D00] =	vst v63  }
0x14c: {  	_ =	swait.ge [sflag:s6], $0xA000  }
0x14d: {  	s30 =	rddreg [dreg:$0x9]  }
0x14e: {  	s31 =	rddreg [dreg:$0x8];
	s1 =	sadd.s32 $0x1, s30  }
0x14f: {  	p0 =	sne.s32 s1, s31  }
.Ltmp22:
0x150: {  	_ = 	snop;
	(pc) =	sbr.rel @p0 .LBB2_1-.Ltmp22, $3  }
0x151: {  	_ =	sdelay $0x1  }
0x152: {  	[sflag:s6] =	ssyncset.done $0x0  }
0x153: {  	[sflag:s6] =	ssyncadd.s32 $0xFFFF6000  }
0x154: {  	_ =	sfence.sel $0x180000  }
0x155: {  	[bflag:$0x0] =	sbarrier.arrive $0xFFFF  }
0x156: {  	_ =	strace $0x90000047  }
0x157: {  	s0 =	stileid.u32;
	[bflag:$0x2] =	sbarrier.arrive $0xFFFF  }
0x158: {  	p0 =	sne.s32 s0, $0x0;
	s0 =	rddreg [dreg:$0x2]  }
0x159: {  	s0 =	sadd.s32 @!p0 $0x100000, s0  }
0x15a: {  	[sflag:s0] =	ssyncadd.tile.s32 @!p0 $0x1;
	_ =	shalt  }
.Lfunc_end2:
_tile_overlayer_lowered:
.L_overlay_start_2:
0x15b: {  	(tag) =	ssettag $0x2  }
0x15c: {  	s0 =	rddreg [dreg:$0x0];
	s2 =	stileid.u32  }
0x15d: {  	s1 =	rddreg [dreg:$0x1];
	p0 =	sne.s32 s2, $0x0  }
0x15e: {  	s3 =	rddreg [dreg:$0x2];
	[bflag:$0x3] =	sbarrier.arrive $0xFFFF;
	s2 =	simm.s32 @!p0 $0x1C03  }
0x15f: {  	[timem:s3], [sflag:s2] =	dma.local @!p0 [hbm:s0], s1  }
0x160: {  	s0 =	simm.s32 @!p0 $0x3  }
0x161: {  	_ =	swait.ge @!p0 [sflag:s0], s1  }
0x162: {  	s1 =	ssub.s32 @!p0 $0x0, s1;
	[sflag:s0] =	ssyncset.done @!p0 $0x0  }
0x163: {  	[sflag:s0] =	ssyncadd.s32 @!p0 s1  }
0x164: {  	[bflag:$0x3] =	sbarrier.arrive $0xFFFF  }
0x165: {  	_ =	shalt  }

</sc_bundles>
